<compile_context>
chip_gen: v7x
topology: tpu7x:2x2x1
jax: 0.10.2.dev20260603
libtpu: 0.0.44.dev20260713+nightly
codegen_flags: <defaults>
</compile_context>

<pallas_src>
import functools

import jax
import jax.numpy as jnp
from jax import lax
from jax.experimental import pallas as pl
from jax.experimental.pallas import tpu as pltpu
from jax.experimental.pallas import tpu_sc as plsc

N = 10000
NP = 10240
E = 320000
H = 128
HD = 64
ED = 16
G = 64

NC = 2
NS = 16
NW = NC * NS
EPT = E // NW
CE = 40
NCHUNK = EPT // CE
RPT = NP // NS

BN = 1024
BE8 = 2000


def _embed_body(xr_ref, xs_ref, rt_ref, st_ref, wp_ref, bp_ref, out_ref):
    r = xr_ref[0, 0, :]
    s = xs_ref[0, 0, :]
    cols = lax.broadcasted_iota(jnp.int32, (BN, 128), 1)
    oh_r = (r[:, None] == cols).astype(jnp.float32)
    oh_s = (s[:, None] == cols).astype(jnp.float32)
    rank_emb = jnp.dot(oh_r, rt_ref[...], preferred_element_type=jnp.float32)
    suit_emb = jnp.dot(oh_s, st_ref[...], preferred_element_type=jnp.float32)
    h = (jnp.dot(rank_emb, wp_ref[0:64, :], preferred_element_type=jnp.float32)
         + jnp.dot(suit_emb, wp_ref[64:128, :], preferred_element_type=jnp.float32)
         + bp_ref[...])
    out_ref[...] = h


def _embed_call(xr, xs, rt_pad, st_pad, Wp, bp2):
    return pl.pallas_call(
        _embed_body,
        grid=(NP // BN,),
        in_specs=[
            pl.BlockSpec((1, 1, BN), lambda i: (i, 0, 0)),
            pl.BlockSpec((1, 1, BN), lambda i: (i, 0, 0)),
            pl.BlockSpec((128, 64), lambda i: (0, 0)),
            pl.BlockSpec((128, 64), lambda i: (0, 0)),
            pl.BlockSpec((128, H), lambda i: (0, 0)),
            pl.BlockSpec((1, H), lambda i: (0, 0)),
        ],
        out_specs=pl.BlockSpec((BN, H), lambda i: (i, 0)),
        out_shape=jax.ShapeDtypeStruct((NP, H), jnp.float32),
    )(xr, xs, rt_pad, st_pad, Wp, bp2)


def _eemb_body(ea_ref, w_ref, b_ref, e_ref):
    e_ref[...] = (jnp.dot(ea_ref[...], w_ref[...],
                          preferred_element_type=jnp.float32)
                  + b_ref[...]).astype(jnp.bfloat16)


def _eemb_call(ea8, Wbig, bbig):
    e8 = pl.pallas_call(
        _eemb_body,
        grid=(E // 8 // BE8,),
        in_specs=[
            pl.BlockSpec((BE8, 128), lambda i: (i, 0)),
            pl.BlockSpec((128, 1024), lambda i: (0, 0)),
            pl.BlockSpec((1, 1024), lambda i: (0, 0)),
        ],
        out_specs=pl.BlockSpec((BE8, 1024), lambda i: (i, 0)),
        out_shape=jax.ShapeDtypeStruct((E // 8, 1024), jnp.bfloat16),
    )(ea8, Wbig, bbig)
    return e8.reshape(E // 2, 2, H)


def _sc_layer_body(h_hbm, e_hbm, src_hbm, dst_hbm, out_hbm,
                   src_v0, dst_v0, src_v1, dst_v1,
                   hs_v0, e_v0, m_v0, hs_v1, e_v1, m_v1, agg_sh,
                   sem_g0, sem_e0, sem_i0, sem_g1, sem_e1, sem_i1):
    c = lax.axis_index("c")
    s = lax.axis_index("s")
    w = c * NS + s
    bufs = ((src_v0, dst_v0, hs_v0, e_v0, m_v0, sem_g0, sem_e0, sem_i0),
            (src_v1, dst_v1, hs_v1, e_v1, m_v1, sem_g1, sem_e1, sem_i1))

    zero16 = jnp.zeros((16,), jnp.float32)

    @pl.loop(0, CE)
    def _zrow(i):
        for j in range(H // 16):
            m_v0[i, pl.ds(j * 16, 16)] = zero16

    for t in range(RPT // CE):
        pltpu.sync_copy(m_v0, agg_sh.at[pl.ds(s * RPT + t * CE, CE)])
    plsc.subcore_barrier()

    pltpu.sync_copy(src_hbm.at[w, 0], src_v0)
    pltpu.sync_copy(dst_hbm.at[w, 0], dst_v0)
    pltpu.async_copy(h_hbm.at[src_v0], hs_v0, sem_g0)
    pltpu.async_copy(e_hbm.at[pl.ds(w * EPT // 2, CE // 2)], e_v0, sem_e0)
    pltpu.async_copy(src_hbm.at[w, 1], src_v1, sem_i1)
    pltpu.async_copy(dst_hbm.at[w, 1], dst_v1, sem_i1)

    @pl.loop(0, NCHUNK // 2)
    def _pair(t2):
        for half in (0, 1):
            sv, dv, hv, ev, mv, sg, se, si = bufs[half]
            nsv, ndv, nhv, nev, nmv, nsg, nse, nsi = bufs[1 - half]
            k = 2 * t2 + half
            pltpu.make_async_copy(h_hbm.at[sv], hv, sg).wait()
            pltpu.make_async_copy(e_hbm.at[pl.ds(0, CE // 2)], ev, se).wait()

            @pl.when(k + 1 < NCHUNK)
            def _issue_next():
                pltpu.make_async_copy(src_hbm.at[w, 0], nsv, nsi).wait()
                pltpu.make_async_copy(dst_hbm.at[w, 0], ndv, nsi).wait()
                pltpu.async_copy(h_hbm.at[nsv], nhv, nsg)
                pltpu.async_copy(
                    e_hbm.at[pl.ds((w * EPT + (k + 1) * CE) // 2, CE // 2)],
                    nev, nse)

            @pl.loop(0, CE // 2)
            def _row(i2):
                for q in range(2):
                    for j in range(H // 32):
                        ef = ev[i2, q, pl.ds(j * 32, 32)].astype(jnp.float32)
                        i = 2 * i2 + q
                        sa = pl.ds(j * 32, 16)
                        sb = pl.ds(j * 32 + 16, 16)
                        mv[i, sa] = jnp.maximum(hv[i, sa] + ef[0:16], 0.0)
                        mv[i, sb] = jnp.maximum(hv[i, sb] + ef[16:32], 0.0)

            pltpu.sync_copy(mv, agg_sh.at[dv], add=True)

            @pl.when(k + 2 < NCHUNK)
            def _issue_idx():
                pltpu.async_copy(src_hbm.at[w, k + 2], sv, si)
                pltpu.async_copy(dst_hbm.at[w, k + 2], dv, si)

    plsc.subcore_barrier()
    pltpu.sync_copy(agg_sh.at[pl.ds(s * RPT, RPT)],
                    out_hbm.at[c, pl.ds(s * RPT, RPT)])


@functools.cache
def _sc_layer_fn():
  return pl.kernel(
    _sc_layer_body,
    out_type=jax.ShapeDtypeStruct((NC, NP, H), jnp.float32),
    mesh=plsc.VectorSubcoreMesh(core_axis_name="c", subcore_axis_name="s",
                                num_cores=NC, num_subcores=NS),
    scratch_types=[
        pltpu.VMEM((CE,), jnp.int32),
        pltpu.VMEM((CE,), jnp.int32),
        pltpu.VMEM((CE,), jnp.int32),
        pltpu.VMEM((CE,), jnp.int32),
        pltpu.VMEM((CE, H), jnp.float32),
        pltpu.VMEM((CE // 2, 2, H), jnp.bfloat16),
        pltpu.VMEM((CE, H), jnp.float32),
        pltpu.VMEM((CE, H), jnp.float32),
        pltpu.VMEM((CE // 2, 2, H), jnp.bfloat16),
        pltpu.VMEM((CE, H), jnp.float32),
        pltpu.VMEM_SHARED((NP, H), jnp.float32),
        pltpu.SemaphoreType.DMA,
        pltpu.SemaphoreType.DMA,
        pltpu.SemaphoreType.DMA,
        pltpu.SemaphoreType.DMA,
        pltpu.SemaphoreType.DMA,
        pltpu.SemaphoreType.DMA,
    ],
  )


def _mlp_body(h_ref, al_ref, ah_ref, w1_ref, b1_ref, w2_ref, b2_ref, out_ref):
    z = h_ref[...] + al_ref[0] + ah_ref[0]
    t = jnp.maximum(jnp.dot(z, w1_ref[...], preferred_element_type=jnp.float32)
                    + b1_ref[...], 0.0)
    o = jnp.dot(t, w2_ref[...], preferred_element_type=jnp.float32) + b2_ref[...]
    out_ref[...] = jnp.maximum(o, 0.0)


def _mlp_call(h, aggx, W1, b1_2, W2, b2_2):
    return pl.pallas_call(
        _mlp_body,
        grid=(NP // BN,),
        in_specs=[
            pl.BlockSpec((BN, H), lambda i: (i, 0)),
            pl.BlockSpec((1, BN, H), lambda i: (0, i, 0)),
            pl.BlockSpec((1, BN, H), lambda i: (1, i, 0)),
            pl.BlockSpec((H, H), lambda i: (0, 0)),
            pl.BlockSpec((1, H), lambda i: (0, 0)),
            pl.BlockSpec((H, H), lambda i: (0, 0)),
            pl.BlockSpec((1, H), lambda i: (0, 0)),
        ],
        out_specs=pl.BlockSpec((BN, H), lambda i: (i, 0)),
        out_shape=jax.ShapeDtypeStruct((NP, H), jnp.float32),
    )(h, aggx, aggx, W1, b1_2, W2, b2_2)


def _pool_body(h_ref, b_ref, out_ref, sum_acc, cnt_acc):
    i = pl.program_id(0)

    @pl.when(i == 0)
    def _init():
        sum_acc[...] = jnp.zeros((G, H), jnp.float32)
        cnt_acc[...] = jnp.zeros((G, H), jnp.float32)

    b = b_ref[0, 0, :]
    gids = lax.broadcasted_iota(jnp.int32, (G, BN), 0)
    m = (b[None, :] == gids).astype(jnp.float32)
    sum_acc[...] += jnp.dot(m, h_ref[...], preferred_element_type=jnp.float32)
    cnt_acc[...] += jnp.broadcast_to(jnp.sum(m, axis=1, keepdims=True), (G, H))

    @pl.when(i == NP // BN - 1)
    def _fin():
        out_ref[...] = sum_acc[...] / jnp.maximum(cnt_acc[...], 1.0)


def _pool_call(h, batch3):
    return pl.pallas_call(
        _pool_body,
        grid=(NP // BN,),
        in_specs=[
            pl.BlockSpec((BN, H), lambda i: (i, 0)),
            pl.BlockSpec((1, 1, BN), lambda i: (i, 0, 0)),
        ],
        out_specs=pl.BlockSpec((G, H), lambda i: (0, 0)),
        out_shape=jax.ShapeDtypeStruct((G, H), jnp.float32),
        scratch_shapes=[
            pltpu.VMEM((G, H), jnp.float32),
            pltpu.VMEM((G, H), jnp.float32),
        ],
    )(h, batch3)


def kernel(x, edge_index, edge_attr, batch, rank_table, suit_table, Wp, bp,
           W1, b1, W2, b2, We1, be1, We2, be2):
    xr = jnp.pad(x[:, 0].astype(jnp.int32), (0, NP - N)).reshape(NP // BN, 1, BN)
    xs = jnp.pad(x[:, 1].astype(jnp.int32), (0, NP - N)).reshape(NP // BN, 1, BN)
    rt_pad = jnp.pad(rank_table, ((0, 128 - 13), (0, 0)))
    st_pad = jnp.pad(suit_table, ((0, 128 - 4), (0, 0)))
    bp2 = bp.reshape(1, H)
    b1_2 = b1.reshape(1, H)
    b2_2 = b2.reshape(1, H)
    eye8 = jnp.eye(8, dtype=jnp.float32)
    Wb1 = jnp.kron(eye8, We1)
    Wb2 = jnp.kron(eye8, We2)
    bb1 = jnp.tile(be1, 8).reshape(1, 1024)
    bb2 = jnp.tile(be2, 8).reshape(1, 1024)
    ea8 = edge_attr.reshape(E // 8, 128)

    src3 = edge_index[0].astype(jnp.int32).reshape(NW, NCHUNK, CE)
    dst3 = edge_index[1].astype(jnp.int32).reshape(NW, NCHUNK, CE)
    batch3 = jnp.pad(batch.astype(jnp.int32), (0, NP - N),
                     constant_values=G).reshape(NP // BN, 1, BN)

    h0 = _embed_call(xr, xs, rt_pad, st_pad, Wp, bp2)
    e1 = _eemb_call(ea8, Wb1, bb1)
    e2 = _eemb_call(ea8, Wb2, bb2)

    sc_layer = _sc_layer_fn()
    agg1 = sc_layer(h0, e1, src3, dst3)
    h1 = _mlp_call(h0, agg1, W1, b1_2, W2, b2_2)
    agg2 = sc_layer(h1, e2, src3, dst3)
    h2 = _mlp_call(h1, agg2, W1, b1_2, W2, b2_2)

    return _pool_call(h2, batch3)

# --- scband reference (transcript-rebuilt; emitter-appended) ---
"""Pipeline reference for scband-hand-gnn-6940667150950 (READ-ONLY COPY).

The authoritative reference and input builder live on the scoring server;
editing this copy changes nothing except your own understanding.
"""

import jax, jax.numpy as jnp
import numpy as np

N = 10000
E = 320000
H = 128
RD = 64
SD = 64
ED = 16
G = 64


def setup_inputs(seed: int = 0) -> dict:
    key = jax.random.key(seed)
    ks = jax.random.split(key, 12)
    x = jax.random.randint(ks[0], (N, 2), 0, 4)
    edge_index = jax.random.randint(ks[1], (2, E), 0, N)
    edge_attr = jax.random.normal(ks[2], (E, ED), dtype=jnp.float32)
    batch = jnp.sort(jax.random.randint(ks[3], (N,), 0, G))
    rank_table = jax.random.normal(ks[4], (13, RD), dtype=jnp.float32) * 0.1
    suit_table = jax.random.normal(ks[5], (4, SD), dtype=jnp.float32) * 0.1
    Wp = jax.random.normal(ks[6], (RD + SD, H), dtype=jnp.float32) * 0.05
    bp = jnp.zeros((H,), dtype=jnp.float32)
    W1 = jax.random.normal(ks[7], (H, H), dtype=jnp.float32) * 0.05
    b1 = jnp.zeros((H,), dtype=jnp.float32)
    W2 = jax.random.normal(ks[8], (H, H), dtype=jnp.float32) * 0.05
    b2 = jnp.zeros((H,), dtype=jnp.float32)
    We1 = jax.random.normal(ks[9], (ED, H), dtype=jnp.float32) * 0.05
    be1 = jnp.zeros((H,), dtype=jnp.float32)
    We2 = jax.random.normal(ks[10], (ED, H), dtype=jnp.float32) * 0.05
    be2 = jnp.zeros((H,), dtype=jnp.float32)
    return {"x": x, "edge_index": edge_index, "edge_attr": edge_attr, "batch": batch,
            "rank_table": rank_table, "suit_table": suit_table, "Wp": Wp, "bp": bp,
            "W1": W1, "b1": b1, "W2": W2, "b2": b2,
            "We1": We1, "be1": be1, "We2": We2, "be2": be2}


def _node_mlp(h, W1, b1, W2, b2):
    # nn.Sequential(Linear, ReLU, Linear) with node_mlp_layers=2
    return jax.nn.relu(h @ W1 + b1) @ W2 + b2


def reference(x, edge_index, edge_attr, batch, rank_table, suit_table, Wp, bp,
              W1, b1, W2, b2, We1, be1, We2, be2):
    # embedding lookups (SparseCore gather)
    rank_emb = jnp.take(rank_table, x[:, 0], axis=0)
    suit_emb = jnp.take(suit_table, x[:, 1], axis=0)
    card_emb = jnp.concatenate([rank_emb, suit_emb], axis=1)
    h = card_emb @ Wp + bp
    src = edge_index[0]
    dst = edge_index[1]
    # two GINEConv layers; node_mlp is SHARED between both convs (same module object)
    for We, be in ((We1, be1), (We2, be2)):
        e = edge_attr @ We + be
        m = jax.nn.relu(h[src] + e)  # gather x_j + edge embedding
        agg = jnp.zeros_like(h).at[dst].add(m)  # scatter-add aggregation
        h = _node_mlp(h + agg, W1, b1, W2, b2)  # (1+eps)*x + aggr, eps=0
        h = jax.nn.relu(h)
    # scatter mean over graph ids
    sums = jax.ops.segment_sum(h, batch, num_segments=G)
    counts = jax.ops.segment_sum(jnp.ones((h.shape[0], 1), dtype=h.dtype), batch, num_segments=G)
    return sums / jnp.maximum(counts, 1.0)

if __name__ == "__main__":
    import jax
    _d = setup_inputs()
    print(jax.jit(kernel)(*tuple(_d.values())))

</pallas_src>

<mosaic_0001>
#map = affine_map<(d0, d1) -> (0, 0)>
#map1 = affine_map<(d0, d1) -> (0, 0, 0)>
module attributes {stable_mosaic.version = 14 : i64} {
  func.func @_sc_layer_body(%arg0: i32, %arg1: i32, %arg2: memref<10240x128xf32, #tpu.memory_space<hbm>>, %arg3: memref<160000x2x128xbf16, #tpu.memory_space<hbm>>, %arg4: memref<32x250x40xi32, #tpu.memory_space<hbm>>, %arg5: memref<32x250x40xi32, #tpu.memory_space<hbm>>, %arg6: memref<2x10240x128xf32, #tpu.memory_space<hbm>>, %arg7: memref<40xi32, #tpu.memory_space<vmem>>, %arg8: memref<40xi32, #tpu.memory_space<vmem>>, %arg9: memref<40xi32, #tpu.memory_space<vmem>>, %arg10: memref<40xi32, #tpu.memory_space<vmem>>, %arg11: memref<40x128xf32, #tpu.memory_space<vmem>>, %arg12: memref<20x2x128xbf16, #tpu.memory_space<vmem>>, %arg13: memref<40x128xf32, #tpu.memory_space<vmem>>, %arg14: memref<40x128xf32, #tpu.memory_space<vmem>>, %arg15: memref<20x2x128xbf16, #tpu.memory_space<vmem>>, %arg16: memref<40x128xf32, #tpu.memory_space<vmem>>, %arg17: memref<10240x128xf32, #tpu.memory_space<vmem_shared>>, %arg18: memref<!tpu.dma_semaphore, #tpu.memory_space<semaphore_mem>>, %arg19: memref<!tpu.dma_semaphore, #tpu.memory_space<semaphore_mem>>, %arg20: memref<!tpu.dma_semaphore, #tpu.memory_space<semaphore_mem>>, %arg21: memref<!tpu.dma_semaphore, #tpu.memory_space<semaphore_mem>>, %arg22: memref<!tpu.dma_semaphore, #tpu.memory_space<semaphore_mem>>, %arg23: memref<!tpu.dma_semaphore, #tpu.memory_space<semaphore_mem>>) attributes {dimension_semantics = [#tpu.dimension_semantics<core_parallel>, #tpu.dimension_semantics<subcore_parallel>], iteration_bounds = array<i64: 2, 16>, scalar_prefetch = 0 : i64, scratch_operands = 17 : i64, tpu.core_type = #tpu.core_type<sc_vector_subcore>, window_params = [{transform_indices = #map}, {transform_indices = #map1}, {transform_indices = #map1}, {transform_indices = #map1}, {transform_indices = #map1}]} {
    %mul3A = arith.constant 16 : i32
    %mul3A_0 = arith.muli %arg0, %mul3A : i32
    %add3A = arith.addi %mul3A_0, %arg1 : i32
    %broadcast_in_dim3A = arith.constant 0.000000e+00 : f32
    %broadcast_in_dim3A_1 = vector.broadcast %broadcast_in_dim3A : f32 to vector<16xf32>
    %scan3A = arith.constant 0 : i32
    %scan3A_2 = arith.constant 40 : i32
    %scan3A_3 = arith.addi %scan3A, %scan3A_2 : i32
    %scan3A_4 = arith.constant 1 : i32
    scf.for %scan3A_121 = %scan3A to %scan3A_3 step %scan3A_4  : i32 {
      %mul3A_122 = arith.constant 1 : i32
      %mul3A_123 = arith.muli %scan3A_121, %mul3A_122 : i32
      %add3A_124 = arith.constant 0 : i32
      %add3A_125 = arith.addi %add3A_124, %mul3A_123 : i32
      %swap3A = arith.index_cast %add3A_125 : i32 to index
      %swap3A_126 = arith.constant 0 : index
      %swap3A_127 = tpu.vector_load %arg13[%swap3A, %swap3A_126] {strides = array<i32>} : memref<40x128xf32, #tpu.memory_space<vmem>>, vector<1x16xf32>,
      %swap3A_128 = vector.shape_cast %swap3A_127 : vector<1x16xf32> to vector<16xf32>
      %swap3A_129 = vector.shape_cast %broadcast_in_dim3A_1 : vector<16xf32> to vector<1x16xf32>
      tpu.vector_store %arg13[%swap3A, %swap3A_126], %swap3A_129 {strides = array<i32>} : memref<40x128xf32, #tpu.memory_space<vmem>>, vector<1x16xf32>,
      %swap3A_130 = arith.index_cast %add3A_125 : i32 to index
      %swap3A_131 = arith.constant 16 : index
      %swap3A_132 = tpu.vector_load %arg13[%swap3A_130, %swap3A_131] {strides = array<i32>} : memref<40x128xf32, #tpu.memory_space<vmem>>, vector<1x16xf32>,
      %swap3A_133 = vector.shape_cast %swap3A_132 : vector<1x16xf32> to vector<16xf32>
      %swap3A_134 = vector.shape_cast %broadcast_in_dim3A_1 : vector<16xf32> to vector<1x16xf32>
      tpu.vector_store %arg13[%swap3A_130, %swap3A_131], %swap3A_134 {strides = array<i32>} : memref<40x128xf32, #tpu.memory_space<vmem>>, vector<1x16xf32>,
      %swap3A_135 = arith.index_cast %add3A_125 : i32 to index
      %swap3A_136 = arith.constant 32 : index
      %swap3A_137 = tpu.vector_load %arg13[%swap3A_135, %swap3A_136] {strides = array<i32>} : memref<40x128xf32, #tpu.memory_space<vmem>>, vector<1x16xf32>,
      %swap3A_138 = vector.shape_cast %swap3A_137 : vector<1x16xf32> to vector<16xf32>
      %swap3A_139 = vector.shape_cast %broadcast_in_dim3A_1 : vector<16xf32> to vector<1x16xf32>
      tpu.vector_store %arg13[%swap3A_135, %swap3A_136], %swap3A_139 {strides = array<i32>} : memref<40x128xf32, #tpu.memory_space<vmem>>, vector<1x16xf32>,
      %swap3A_140 = arith.index_cast %add3A_125 : i32 to index
      %swap3A_141 = arith.constant 48 : index
      %swap3A_142 = tpu.vector_load %arg13[%swap3A_140, %swap3A_141] {strides = array<i32>} : memref<40x128xf32, #tpu.memory_space<vmem>>, vector<1x16xf32>,
      %swap3A_143 = vector.shape_cast %swap3A_142 : vector<1x16xf32> to vector<16xf32>
      %swap3A_144 = vector.shape_cast %broadcast_in_dim3A_1 : vector<16xf32> to vector<1x16xf32>
      tpu.vector_store %arg13[%swap3A_140, %swap3A_141], %swap3A_144 {strides = array<i32>} : memref<40x128xf32, #tpu.memory_space<vmem>>, vector<1x16xf32>,
      %swap3A_145 = arith.index_cast %add3A_125 : i32 to index
      %swap3A_146 = arith.constant 64 : index
      %swap3A_147 = tpu.vector_load %arg13[%swap3A_145, %swap3A_146] {strides = array<i32>} : memref<40x128xf32, #tpu.memory_space<vmem>>, vector<1x16xf32>,
      %swap3A_148 = vector.shape_cast %swap3A_147 : vector<1x16xf32> to vector<16xf32>
      %swap3A_149 = vector.shape_cast %broadcast_in_dim3A_1 : vector<16xf32> to vector<1x16xf32>
      tpu.vector_store %arg13[%swap3A_145, %swap3A_146], %swap3A_149 {strides = array<i32>} : memref<40x128xf32, #tpu.memory_space<vmem>>, vector<1x16xf32>,
      %swap3A_150 = arith.index_cast %add3A_125 : i32 to index
      %swap3A_151 = arith.constant 80 : index
      %swap3A_152 = tpu.vector_load %arg13[%swap3A_150, %swap3A_151] {strides = array<i32>} : memref<40x128xf32, #tpu.memory_space<vmem>>, vector<1x16xf32>,
      %swap3A_153 = vector.shape_cast %swap3A_152 : vector<1x16xf32> to vector<16xf32>
      %swap3A_154 = vector.shape_cast %broadcast_in_dim3A_1 : vector<16xf32> to vector<1x16xf32>
      tpu.vector_store %arg13[%swap3A_150, %swap3A_151], %swap3A_154 {strides = array<i32>} : memref<40x128xf32, #tpu.memory_space<vmem>>, vector<1x16xf32>,
      %swap3A_155 = arith.index_cast %add3A_125 : i32 to index
      %swap3A_156 = arith.constant 96 : index
      %swap3A_157 = tpu.vector_load %arg13[%swap3A_155, %swap3A_156] {strides = array<i32>} : memref<40x128xf32, #tpu.memory_space<vmem>>, vector<1x16xf32>,
      %swap3A_158 = vector.shape_cast %swap3A_157 : vector<1x16xf32> to vector<16xf32>
      %swap3A_159 = vector.shape_cast %broadcast_in_dim3A_1 : vector<16xf32> to vector<1x16xf32>
      tpu.vector_store %arg13[%swap3A_155, %swap3A_156], %swap3A_159 {strides = array<i32>} : memref<40x128xf32, #tpu.memory_space<vmem>>, vector<1x16xf32>,
      %swap3A_160 = arith.index_cast %add3A_125 : i32 to index
      %swap3A_161 = arith.constant 112 : index
      %swap3A_162 = tpu.vector_load %arg13[%swap3A_160, %swap3A_161] {strides = array<i32>} : memref<40x128xf32, #tpu.memory_space<vmem>>, vector<1x16xf32>,
      %swap3A_163 = vector.shape_cast %swap3A_162 : vector<1x16xf32> to vector<16xf32>
      %swap3A_164 = vector.shape_cast %broadcast_in_dim3A_1 : vector<16xf32> to vector<1x16xf32>
      tpu.vector_store %arg13[%swap3A_160, %swap3A_161], %swap3A_164 {strides = array<i32>} : memref<40x128xf32, #tpu.memory_space<vmem>>, vector<1x16xf32>,
    }
    %scan3A_5 = arith.constant 40 : i32
    %mul3A_6 = arith.constant 640 : i32
    %mul3A_7 = arith.muli %arg1, %mul3A_6 : i32
    %add3A_8 = arith.constant 0 : i32
    %add3A_9 = arith.addi %mul3A_7, %add3A_8 : i32
    "tpu.region"() ({
      %run_scoped3A_121 = tpu.sem_alloc : memref<!tpu.dma_semaphore, #tpu.memory_space<semaphore_mem>>
      %dma_start3A_122 = arith.constant 0 : i32
      %dma_start3A_123 = tpu.memref_slice %arg17[%add3A_9, %dma_start3A_122] : memref<10240x128xf32, #tpu.memory_space<vmem_shared>> -> memref<40x128xf32, #tpu.memory_space<vmem_shared>>
      %dma_start3A_124 = arith.constant 0 : i32
      %dma_start3A_125 = tpu.memref_slice %arg17[%add3A_9, %dma_start3A_124] : memref<10240x128xf32, #tpu.memory_space<vmem_shared>> -> memref<40x128xf32, #tpu.memory_space<vmem_shared>>
      tpu.enqueue_dma source(%arg13 : memref<40x128xf32, #tpu.memory_space<vmem>>) target(%dma_start3A_125 : memref<40x128xf32, #tpu.memory_space<vmem_shared>>) target_semaphore(%run_scoped3A_121 : memref<!tpu.dma_semaphore, #tpu.memory_space<semaphore_mem>>)
      %dma_wait3A = arith.constant 0 : i32
      %dma_wait3A_126 = tpu.memref_slice %arg17[%add3A_9, %dma_wait3A] : memref<10240x128xf32, #tpu.memory_space<vmem_shared>> -> memref<40x128xf32, #tpu.memory_space<vmem_shared>>
      %dma_wait3A_127 = arith.constant 0 : i32
      %dma_wait3A_128 = tpu.memref_slice %arg17[%add3A_9, %dma_wait3A_127] : memref<10240x128xf32, #tpu.memory_space<vmem_shared>> -> memref<40x128xf32, #tpu.memory_space<vmem_shared>>
      tpu.wait_dma2 semaphore(%run_scoped3A_121 : memref<!tpu.dma_semaphore, #tpu.memory_space<semaphore_mem>>) src(%arg13 : memref<40x128xf32, #tpu.memory_space<vmem>>) dst(%dma_wait3A_128 : memref<40x128xf32, #tpu.memory_space<vmem_shared>>)
      tpu.yield
    }) : () -> ()
    %mul3A_10 = arith.constant 640 : i32
    %mul3A_11 = arith.muli %arg1, %mul3A_10 : i32
    %add3A_12 = arith.constant 40 : i32
    %add3A_13 = arith.addi %mul3A_11, %add3A_12 : i32
    "tpu.region"() ({
      %run_scoped3A_121 = tpu.sem_alloc : memref<!tpu.dma_semaphore, #tpu.memory_space<semaphore_mem>>
      %dma_start3A_122 = arith.constant 0 : i32
      %dma_start3A_123 = tpu.memref_slice %arg17[%add3A_13, %dma_start3A_122] : memref<10240x128xf32, #tpu.memory_space<vmem_shared>> -> memref<40x128xf32, #tpu.memory_space<vmem_shared>>
      %dma_start3A_124 = arith.constant 0 : i32
      %dma_start3A_125 = tpu.memref_slice %arg17[%add3A_13, %dma_start3A_124] : memref<10240x128xf32, #tpu.memory_space<vmem_shared>> -> memref<40x128xf32, #tpu.memory_space<vmem_shared>>
      tpu.enqueue_dma source(%arg13 : memref<40x128xf32, #tpu.memory_space<vmem>>) target(%dma_start3A_125 : memref<40x128xf32, #tpu.memory_space<vmem_shared>>) target_semaphore(%run_scoped3A_121 : memref<!tpu.dma_semaphore, #tpu.memory_space<semaphore_mem>>)
      %dma_wait3A = arith.constant 0 : i32
      %dma_wait3A_126 = tpu.memref_slice %arg17[%add3A_13, %dma_wait3A] : memref<10240x128xf32, #tpu.memory_space<vmem_shared>> -> memref<40x128xf32, #tpu.memory_space<vmem_shared>>
      %dma_wait3A_127 = arith.constant 0 : i32
      %dma_wait3A_128 = tpu.memref_slice %arg17[%add3A_13, %dma_wait3A_127] : memref<10240x128xf32, #tpu.memory_space<vmem_shared>> -> memref<40x128xf32, #tpu.memory_space<vmem_shared>>
      tpu.wait_dma2 semaphore(%run_scoped3A_121 : memref<!tpu.dma_semaphore, #tpu.memory_space<semaphore_mem>>) src(%arg13 : memref<40x128xf32, #tpu.memory_space<vmem>>) dst(%dma_wait3A_128 : memref<40x128xf32, #tpu.memory_space<vmem_shared>>)
      tpu.yield
    }) : () -> ()
    %mul3A_14 = arith.constant 640 : i32
    %mul3A_15 = arith.muli %arg1, %mul3A_14 : i32
    %add3A_16 = arith.constant 80 : i32
    %add3A_17 = arith.addi %mul3A_15, %add3A_16 : i32
    "tpu.region"() ({
      %run_scoped3A_121 = tpu.sem_alloc : memref<!tpu.dma_semaphore, #tpu.memory_space<semaphore_mem>>
      %dma_start3A_122 = arith.constant 0 : i32
      %dma_start3A_123 = tpu.memref_slice %arg17[%add3A_17, %dma_start3A_122] : memref<10240x128xf32, #tpu.memory_space<vmem_shared>> -> memref<40x128xf32, #tpu.memory_space<vmem_shared>>
      %dma_start3A_124 = arith.constant 0 : i32
      %dma_start3A_125 = tpu.memref_slice %arg17[%add3A_17, %dma_start3A_124] : memref<10240x128xf32, #tpu.memory_space<vmem_shared>> -> memref<40x128xf32, #tpu.memory_space<vmem_shared>>
      tpu.enqueue_dma source(%arg13 : memref<40x128xf32, #tpu.memory_space<vmem>>) target(%dma_start3A_125 : memref<40x128xf32, #tpu.memory_space<vmem_shared>>) target_semaphore(%run_scoped3A_121 : memref<!tpu.dma_semaphore, #tpu.memory_space<semaphore_mem>>)
      %dma_wait3A = arith.constant 0 : i32
      %dma_wait3A_126 = tpu.memref_slice %arg17[%add3A_17, %dma_wait3A] : memref<10240x128xf32, #tpu.memory_space<vmem_shared>> -> memref<40x128xf32, #tpu.memory_space<vmem_shared>>
      %dma_wait3A_127 = arith.constant 0 : i32
      %dma_wait3A_128 = tpu.memref_slice %arg17[%add3A_17, %dma_wait3A_127] : memref<10240x128xf32, #tpu.memory_space<vmem_shared>> -> memref<40x128xf32, #tpu.memory_space<vmem_shared>>
      tpu.wait_dma2 semaphore(%run_scoped3A_121 : memref<!tpu.dma_semaphore, #tpu.memory_space<semaphore_mem>>) src(%arg13 : memref<40x128xf32, #tpu.memory_space<vmem>>) dst(%dma_wait3A_128 : memref<40x128xf32, #tpu.memory_space<vmem_shared>>)
      tpu.yield
    }) : () -> ()
    %mul3A_18 = arith.constant 640 : i32
    %mul3A_19 = arith.muli %arg1, %mul3A_18 : i32
    %add3A_20 = arith.constant 120 : i32
    %add3A_21 = arith.addi %mul3A_19, %add3A_20 : i32
    "tpu.region"() ({
      %run_scoped3A_121 = tpu.sem_alloc : memref<!tpu.dma_semaphore, #tpu.memory_space<semaphore_mem>>
      %dma_start3A_122 = arith.constant 0 : i32
      %dma_start3A_123 = tpu.memref_slice %arg17[%add3A_21, %dma_start3A_122] : memref<10240x128xf32, #tpu.memory_space<vmem_shared>> -> memref<40x128xf32, #tpu.memory_space<vmem_shared>>
      %dma_start3A_124 = arith.constant 0 : i32
      %dma_start3A_125 = tpu.memref_slice %arg17[%add3A_21, %dma_start3A_124] : memref<10240x128xf32, #tpu.memory_space<vmem_shared>> -> memref<40x128xf32, #tpu.memory_space<vmem_shared>>
      tpu.enqueue_dma source(%arg13 : memref<40x128xf32, #tpu.memory_space<vmem>>) target(%dma_start3A_125 : memref<40x128xf32, #tpu.memory_space<vmem_shared>>) target_semaphore(%run_scoped3A_121 : memref<!tpu.dma_semaphore, #tpu.memory_space<semaphore_mem>>)
      %dma_wait3A = arith.constant 0 : i32
      %dma_wait3A_126 = tpu.memref_slice %arg17[%add3A_21, %dma_wait3A] : memref<10240x128xf32, #tpu.memory_space<vmem_shared>> -> memref<40x128xf32, #tpu.memory_space<vmem_shared>>
      %dma_wait3A_127 = arith.constant 0 : i32
      %dma_wait3A_128 = tpu.memref_slice %arg17[%add3A_21, %dma_wait3A_127] : memref<10240x128xf32, #tpu.memory_space<vmem_shared>> -> memref<40x128xf32, #tpu.memory_space<vmem_shared>>
      tpu.wait_dma2 semaphore(%run_scoped3A_121 : memref<!tpu.dma_semaphore, #tpu.memory_space<semaphore_mem>>) src(%arg13 : memref<40x128xf32, #tpu.memory_space<vmem>>) dst(%dma_wait3A_128 : memref<40x128xf32, #tpu.memory_space<vmem_shared>>)
      tpu.yield
    }) : () -> ()
    %mul3A_22 = arith.constant 640 : i32
    %mul3A_23 = arith.muli %arg1, %mul3A_22 : i32
    %add3A_24 = arith.constant 160 : i32
    %add3A_25 = arith.addi %mul3A_23, %add3A_24 : i32
    "tpu.region"() ({
      %run_scoped3A_121 = tpu.sem_alloc : memref<!tpu.dma_semaphore, #tpu.memory_space<semaphore_mem>>
      %dma_start3A_122 = arith.constant 0 : i32
      %dma_start3A_123 = tpu.memref_slice %arg17[%add3A_25, %dma_start3A_122] : memref<10240x128xf32, #tpu.memory_space<vmem_shared>> -> memref<40x128xf32, #tpu.memory_space<vmem_shared>>
      %dma_start3A_124 = arith.constant 0 : i32
      %dma_start3A_125 = tpu.memref_slice %arg17[%add3A_25, %dma_start3A_124] : memref<10240x128xf32, #tpu.memory_space<vmem_shared>> -> memref<40x128xf32, #tpu.memory_space<vmem_shared>>
      tpu.enqueue_dma source(%arg13 : memref<40x128xf32, #tpu.memory_space<vmem>>) target(%dma_start3A_125 : memref<40x128xf32, #tpu.memory_space<vmem_shared>>) target_semaphore(%run_scoped3A_121 : memref<!tpu.dma_semaphore, #tpu.memory_space<semaphore_mem>>)
      %dma_wait3A = arith.constant 0 : i32
      %dma_wait3A_126 = tpu.memref_slice %arg17[%add3A_25, %dma_wait3A] : memref<10240x128xf32, #tpu.memory_space<vmem_shared>> -> memref<40x128xf32, #tpu.memory_space<vmem_shared>>
      %dma_wait3A_127 = arith.constant 0 : i32
      %dma_wait3A_128 = tpu.memref_slice %arg17[%add3A_25, %dma_wait3A_127] : memref<10240x128xf32, #tpu.memory_space<vmem_shared>> -> memref<40x128xf32, #tpu.memory_space<vmem_shared>>
      tpu.wait_dma2 semaphore(%run_scoped3A_121 : memref<!tpu.dma_semaphore, #tpu.memory_space<semaphore_mem>>) src(%arg13 : memref<40x128xf32, #tpu.memory_space<vmem>>) dst(%dma_wait3A_128 : memref<40x128xf32, #tpu.memory_space<vmem_shared>>)
      tpu.yield
    }) : () -> ()
    %mul3A_26 = arith.constant 640 : i32
    %mul3A_27 = arith.muli %arg1, %mul3A_26 : i32
    %add3A_28 = arith.constant 200 : i32
    %add3A_29 = arith.addi %mul3A_27, %add3A_28 : i32
    "tpu.region"() ({
      %run_scoped3A_121 = tpu.sem_alloc : memref<!tpu.dma_semaphore, #tpu.memory_space<semaphore_mem>>
      %dma_start3A_122 = arith.constant 0 : i32
      %dma_start3A_123 = tpu.memref_slice %arg17[%add3A_29, %dma_start3A_122] : memref<10240x128xf32, #tpu.memory_space<vmem_shared>> -> memref<40x128xf32, #tpu.memory_space<vmem_shared>>
      %dma_start3A_124 = arith.constant 0 : i32
      %dma_start3A_125 = tpu.memref_slice %arg17[%add3A_29, %dma_start3A_124] : memref<10240x128xf32, #tpu.memory_space<vmem_shared>> -> memref<40x128xf32, #tpu.memory_space<vmem_shared>>
      tpu.enqueue_dma source(%arg13 : memref<40x128xf32, #tpu.memory_space<vmem>>) target(%dma_start3A_125 : memref<40x128xf32, #tpu.memory_space<vmem_shared>>) target_semaphore(%run_scoped3A_121 : memref<!tpu.dma_semaphore, #tpu.memory_space<semaphore_mem>>)
      %dma_wait3A = arith.constant 0 : i32
      %dma_wait3A_126 = tpu.memref_slice %arg17[%add3A_29, %dma_wait3A] : memref<10240x128xf32, #tpu.memory_space<vmem_shared>> -> memref<40x128xf32, #tpu.memory_space<vmem_shared>>
      %dma_wait3A_127 = arith.constant 0 : i32
      %dma_wait3A_128 = tpu.memref_slice %arg17[%add3A_29, %dma_wait3A_127] : memref<10240x128xf32, #tpu.memory_space<vmem_shared>> -> memref<40x128xf32, #tpu.memory_space<vmem_shared>>
      tpu.wait_dma2 semaphore(%run_scoped3A_121 : memref<!tpu.dma_semaphore, #tpu.memory_space<semaphore_mem>>) src(%arg13 : memref<40x128xf32, #tpu.memory_space<vmem>>) dst(%dma_wait3A_128 : memref<40x128xf32, #tpu.memory_space<vmem_shared>>)
      tpu.yield
    }) : () -> ()
    %mul3A_30 = arith.constant 640 : i32
    %mul3A_31 = arith.muli %arg1, %mul3A_30 : i32
    %add3A_32 = arith.constant 240 : i32
    %add3A_33 = arith.addi %mul3A_31, %add3A_32 : i32
    "tpu.region"() ({
      %run_scoped3A_121 = tpu.sem_alloc : memref<!tpu.dma_semaphore, #tpu.memory_space<semaphore_mem>>
      %dma_start3A_122 = arith.constant 0 : i32
      %dma_start3A_123 = tpu.memref_slice %arg17[%add3A_33, %dma_start3A_122] : memref<10240x128xf32, #tpu.memory_space<vmem_shared>> -> memref<40x128xf32, #tpu.memory_space<vmem_shared>>
      %dma_start3A_124 = arith.constant 0 : i32
      %dma_start3A_125 = tpu.memref_slice %arg17[%add3A_33, %dma_start3A_124] : memref<10240x128xf32, #tpu.memory_space<vmem_shared>> -> memref<40x128xf32, #tpu.memory_space<vmem_shared>>
      tpu.enqueue_dma source(%arg13 : memref<40x128xf32, #tpu.memory_space<vmem>>) target(%dma_start3A_125 : memref<40x128xf32, #tpu.memory_space<vmem_shared>>) target_semaphore(%run_scoped3A_121 : memref<!tpu.dma_semaphore, #tpu.memory_space<semaphore_mem>>)
      %dma_wait3A = arith.constant 0 : i32
      %dma_wait3A_126 = tpu.memref_slice %arg17[%add3A_33, %dma_wait3A] : memref<10240x128xf32, #tpu.memory_space<vmem_shared>> -> memref<40x128xf32, #tpu.memory_space<vmem_shared>>
      %dma_wait3A_127 = arith.constant 0 : i32
      %dma_wait3A_128 = tpu.memref_slice %arg17[%add3A_33, %dma_wait3A_127] : memref<10240x128xf32, #tpu.memory_space<vmem_shared>> -> memref<40x128xf32, #tpu.memory_space<vmem_shared>>
      tpu.wait_dma2 semaphore(%run_scoped3A_121 : memref<!tpu.dma_semaphore, #tpu.memory_space<semaphore_mem>>) src(%arg13 : memref<40x128xf32, #tpu.memory_space<vmem>>) dst(%dma_wait3A_128 : memref<40x128xf32, #tpu.memory_space<vmem_shared>>)
      tpu.yield
    }) : () -> ()
    %mul3A_34 = arith.constant 640 : i32
    %mul3A_35 = arith.muli %arg1, %mul3A_34 : i32
    %add3A_36 = arith.constant 280 : i32
    %add3A_37 = arith.addi %mul3A_35, %add3A_36 : i32
    "tpu.region"() ({
      %run_scoped3A_121 = tpu.sem_alloc : memref<!tpu.dma_semaphore, #tpu.memory_space<semaphore_mem>>
      %dma_start3A_122 = arith.constant 0 : i32
      %dma_start3A_123 = tpu.memref_slice %arg17[%add3A_37, %dma_start3A_122] : memref<10240x128xf32, #tpu.memory_space<vmem_shared>> -> memref<40x128xf32, #tpu.memory_space<vmem_shared>>
      %dma_start3A_124 = arith.constant 0 : i32
      %dma_start3A_125 = tpu.memref_slice %arg17[%add3A_37, %dma_start3A_124] : memref<10240x128xf32, #tpu.memory_space<vmem_shared>> -> memref<40x128xf32, #tpu.memory_space<vmem_shared>>
      tpu.enqueue_dma source(%arg13 : memref<40x128xf32, #tpu.memory_space<vmem>>) target(%dma_start3A_125 : memref<40x128xf32, #tpu.memory_space<vmem_shared>>) target_semaphore(%run_scoped3A_121 : memref<!tpu.dma_semaphore, #tpu.memory_space<semaphore_mem>>)
      %dma_wait3A = arith.constant 0 : i32
      %dma_wait3A_126 = tpu.memref_slice %arg17[%add3A_37, %dma_wait3A] : memref<10240x128xf32, #tpu.memory_space<vmem_shared>> -> memref<40x128xf32, #tpu.memory_space<vmem_shared>>
      %dma_wait3A_127 = arith.constant 0 : i32
      %dma_wait3A_128 = tpu.memref_slice %arg17[%add3A_37, %dma_wait3A_127] : memref<10240x128xf32, #tpu.memory_space<vmem_shared>> -> memref<40x128xf32, #tpu.memory_space<vmem_shared>>
      tpu.wait_dma2 semaphore(%run_scoped3A_121 : memref<!tpu.dma_semaphore, #tpu.memory_space<semaphore_mem>>) src(%arg13 : memref<40x128xf32, #tpu.memory_space<vmem>>) dst(%dma_wait3A_128 : memref<40x128xf32, #tpu.memory_space<vmem_shared>>)
      tpu.yield
    }) : () -> ()
    %mul3A_38 = arith.constant 640 : i32
    %mul3A_39 = arith.muli %arg1, %mul3A_38 : i32
    %add3A_40 = arith.constant 320 : i32
    %add3A_41 = arith.addi %mul3A_39, %add3A_40 : i32
    "tpu.region"() ({
      %run_scoped3A_121 = tpu.sem_alloc : memref<!tpu.dma_semaphore, #tpu.memory_space<semaphore_mem>>
      %dma_start3A_122 = arith.constant 0 : i32
      %dma_start3A_123 = tpu.memref_slice %arg17[%add3A_41, %dma_start3A_122] : memref<10240x128xf32, #tpu.memory_space<vmem_shared>> -> memref<40x128xf32, #tpu.memory_space<vmem_shared>>
      %dma_start3A_124 = arith.constant 0 : i32
      %dma_start3A_125 = tpu.memref_slice %arg17[%add3A_41, %dma_start3A_124] : memref<10240x128xf32, #tpu.memory_space<vmem_shared>> -> memref<40x128xf32, #tpu.memory_space<vmem_shared>>
      tpu.enqueue_dma source(%arg13 : memref<40x128xf32, #tpu.memory_space<vmem>>) target(%dma_start3A_125 : memref<40x128xf32, #tpu.memory_space<vmem_shared>>) target_semaphore(%run_scoped3A_121 : memref<!tpu.dma_semaphore, #tpu.memory_space<semaphore_mem>>)
      %dma_wait3A = arith.constant 0 : i32
      %dma_wait3A_126 = tpu.memref_slice %arg17[%add3A_41, %dma_wait3A] : memref<10240x128xf32, #tpu.memory_space<vmem_shared>> -> memref<40x128xf32, #tpu.memory_space<vmem_shared>>
      %dma_wait3A_127 = arith.constant 0 : i32
      %dma_wait3A_128 = tpu.memref_slice %arg17[%add3A_41, %dma_wait3A_127] : memref<10240x128xf32, #tpu.memory_space<vmem_shared>> -> memref<40x128xf32, #tpu.memory_space<vmem_shared>>
      tpu.wait_dma2 semaphore(%run_scoped3A_121 : memref<!tpu.dma_semaphore, #tpu.memory_space<semaphore_mem>>) src(%arg13 : memref<40x128xf32, #tpu.memory_space<vmem>>) dst(%dma_wait3A_128 : memref<40x128xf32, #tpu.memory_space<vmem_shared>>)
      tpu.yield
    }) : () -> ()
    %mul3A_42 = arith.constant 640 : i32
    %mul3A_43 = arith.muli %arg1, %mul3A_42 : i32
    %add3A_44 = arith.constant 360 : i32
    %add3A_45 = arith.addi %mul3A_43, %add3A_44 : i32
    "tpu.region"() ({
      %run_scoped3A_121 = tpu.sem_alloc : memref<!tpu.dma_semaphore, #tpu.memory_space<semaphore_mem>>
      %dma_start3A_122 = arith.constant 0 : i32
      %dma_start3A_123 = tpu.memref_slice %arg17[%add3A_45, %dma_start3A_122] : memref<10240x128xf32, #tpu.memory_space<vmem_shared>> -> memref<40x128xf32, #tpu.memory_space<vmem_shared>>
      %dma_start3A_124 = arith.constant 0 : i32
      %dma_start3A_125 = tpu.memref_slice %arg17[%add3A_45, %dma_start3A_124] : memref<10240x128xf32, #tpu.memory_space<vmem_shared>> -> memref<40x128xf32, #tpu.memory_space<vmem_shared>>
      tpu.enqueue_dma source(%arg13 : memref<40x128xf32, #tpu.memory_space<vmem>>) target(%dma_start3A_125 : memref<40x128xf32, #tpu.memory_space<vmem_shared>>) target_semaphore(%run_scoped3A_121 : memref<!tpu.dma_semaphore, #tpu.memory_space<semaphore_mem>>)
      %dma_wait3A = arith.constant 0 : i32
      %dma_wait3A_126 = tpu.memref_slice %arg17[%add3A_45, %dma_wait3A] : memref<10240x128xf32, #tpu.memory_space<vmem_shared>> -> memref<40x128xf32, #tpu.memory_space<vmem_shared>>
      %dma_wait3A_127 = arith.constant 0 : i32
      %dma_wait3A_128 = tpu.memref_slice %arg17[%add3A_45, %dma_wait3A_127] : memref<10240x128xf32, #tpu.memory_space<vmem_shared>> -> memref<40x128xf32, #tpu.memory_space<vmem_shared>>
      tpu.wait_dma2 semaphore(%run_scoped3A_121 : memref<!tpu.dma_semaphore, #tpu.memory_space<semaphore_mem>>) src(%arg13 : memref<40x128xf32, #tpu.memory_space<vmem>>) dst(%dma_wait3A_128 : memref<40x128xf32, #tpu.memory_space<vmem_shared>>)
      tpu.yield
    }) : () -> ()
    %mul3A_46 = arith.constant 640 : i32
    %mul3A_47 = arith.muli %arg1, %mul3A_46 : i32
    %add3A_48 = arith.constant 400 : i32
    %add3A_49 = arith.addi %mul3A_47, %add3A_48 : i32
    "tpu.region"() ({
      %run_scoped3A_121 = tpu.sem_alloc : memref<!tpu.dma_semaphore, #tpu.memory_space<semaphore_mem>>
      %dma_start3A_122 = arith.constant 0 : i32
      %dma_start3A_123 = tpu.memref_slice %arg17[%add3A_49, %dma_start3A_122] : memref<10240x128xf32, #tpu.memory_space<vmem_shared>> -> memref<40x128xf32, #tpu.memory_space<vmem_shared>>
      %dma_start3A_124 = arith.constant 0 : i32
      %dma_start3A_125 = tpu.memref_slice %arg17[%add3A_49, %dma_start3A_124] : memref<10240x128xf32, #tpu.memory_space<vmem_shared>> -> memref<40x128xf32, #tpu.memory_space<vmem_shared>>
      tpu.enqueue_dma source(%arg13 : memref<40x128xf32, #tpu.memory_space<vmem>>) target(%dma_start3A_125 : memref<40x128xf32, #tpu.memory_space<vmem_shared>>) target_semaphore(%run_scoped3A_121 : memref<!tpu.dma_semaphore, #tpu.memory_space<semaphore_mem>>)
      %dma_wait3A = arith.constant 0 : i32
      %dma_wait3A_126 = tpu.memref_slice %arg17[%add3A_49, %dma_wait3A] : memref<10240x128xf32, #tpu.memory_space<vmem_shared>> -> memref<40x128xf32, #tpu.memory_space<vmem_shared>>
      %dma_wait3A_127 = arith.constant 0 : i32
      %dma_wait3A_128 = tpu.memref_slice %arg17[%add3A_49, %dma_wait3A_127] : memref<10240x128xf32, #tpu.memory_space<vmem_shared>> -> memref<40x128xf32, #tpu.memory_space<vmem_shared>>
      tpu.wait_dma2 semaphore(%run_scoped3A_121 : memref<!tpu.dma_semaphore, #tpu.memory_space<semaphore_mem>>) src(%arg13 : memref<40x128xf32, #tpu.memory_space<vmem>>) dst(%dma_wait3A_128 : memref<40x128xf32, #tpu.memory_space<vmem_shared>>)
      tpu.yield
    }) : () -> ()
    %mul3A_50 = arith.constant 640 : i32
    %mul3A_51 = arith.muli %arg1, %mul3A_50 : i32
    %add3A_52 = arith.constant 440 : i32
    %add3A_53 = arith.addi %mul3A_51, %add3A_52 : i32
    "tpu.region"() ({
      %run_scoped3A_121 = tpu.sem_alloc : memref<!tpu.dma_semaphore, #tpu.memory_space<semaphore_mem>>
      %dma_start3A_122 = arith.constant 0 : i32
      %dma_start3A_123 = tpu.memref_slice %arg17[%add3A_53, %dma_start3A_122] : memref<10240x128xf32, #tpu.memory_space<vmem_shared>> -> memref<40x128xf32, #tpu.memory_space<vmem_shared>>
      %dma_start3A_124 = arith.constant 0 : i32
      %dma_start3A_125 = tpu.memref_slice %arg17[%add3A_53, %dma_start3A_124] : memref<10240x128xf32, #tpu.memory_space<vmem_shared>> -> memref<40x128xf32, #tpu.memory_space<vmem_shared>>
      tpu.enqueue_dma source(%arg13 : memref<40x128xf32, #tpu.memory_space<vmem>>) target(%dma_start3A_125 : memref<40x128xf32, #tpu.memory_space<vmem_shared>>) target_semaphore(%run_scoped3A_121 : memref<!tpu.dma_semaphore, #tpu.memory_space<semaphore_mem>>)
      %dma_wait3A = arith.constant 0 : i32
      %dma_wait3A_126 = tpu.memref_slice %arg17[%add3A_53, %dma_wait3A] : memref<10240x128xf32, #tpu.memory_space<vmem_shared>> -> memref<40x128xf32, #tpu.memory_space<vmem_shared>>
      %dma_wait3A_127 = arith.constant 0 : i32
      %dma_wait3A_128 = tpu.memref_slice %arg17[%add3A_53, %dma_wait3A_127] : memref<10240x128xf32, #tpu.memory_space<vmem_shared>> -> memref<40x128xf32, #tpu.memory_space<vmem_shared>>
      tpu.wait_dma2 semaphore(%run_scoped3A_121 : memref<!tpu.dma_semaphore, #tpu.memory_space<semaphore_mem>>) src(%arg13 : memref<40x128xf32, #tpu.memory_space<vmem>>) dst(%dma_wait3A_128 : memref<40x128xf32, #tpu.memory_space<vmem_shared>>)
      tpu.yield
    }) : () -> ()
    %mul3A_54 = arith.constant 640 : i32
    %mul3A_55 = arith.muli %arg1, %mul3A_54 : i32
    %add3A_56 = arith.constant 480 : i32
    %add3A_57 = arith.addi %mul3A_55, %add3A_56 : i32
    "tpu.region"() ({
      %run_scoped3A_121 = tpu.sem_alloc : memref<!tpu.dma_semaphore, #tpu.memory_space<semaphore_mem>>
      %dma_start3A_122 = arith.constant 0 : i32
      %dma_start3A_123 = tpu.memref_slice %arg17[%add3A_57, %dma_start3A_122] : memref<10240x128xf32, #tpu.memory_space<vmem_shared>> -> memref<40x128xf32, #tpu.memory_space<vmem_shared>>
      %dma_start3A_124 = arith.constant 0 : i32
      %dma_start3A_125 = tpu.memref_slice %arg17[%add3A_57, %dma_start3A_124] : memref<10240x128xf32, #tpu.memory_space<vmem_shared>> -> memref<40x128xf32, #tpu.memory_space<vmem_shared>>
      tpu.enqueue_dma source(%arg13 : memref<40x128xf32, #tpu.memory_space<vmem>>) target(%dma_start3A_125 : memref<40x128xf32, #tpu.memory_space<vmem_shared>>) target_semaphore(%run_scoped3A_121 : memref<!tpu.dma_semaphore, #tpu.memory_space<semaphore_mem>>)
      %dma_wait3A = arith.constant 0 : i32
      %dma_wait3A_126 = tpu.memref_slice %arg17[%add3A_57, %dma_wait3A] : memref<10240x128xf32, #tpu.memory_space<vmem_shared>> -> memref<40x128xf32, #tpu.memory_space<vmem_shared>>
      %dma_wait3A_127 = arith.constant 0 : i32
      %dma_wait3A_128 = tpu.memref_slice %arg17[%add3A_57, %dma_wait3A_127] : memref<10240x128xf32, #tpu.memory_space<vmem_shared>> -> memref<40x128xf32, #tpu.memory_space<vmem_shared>>
      tpu.wait_dma2 semaphore(%run_scoped3A_121 : memref<!tpu.dma_semaphore, #tpu.memory_space<semaphore_mem>>) src(%arg13 : memref<40x128xf32, #tpu.memory_space<vmem>>) dst(%dma_wait3A_128 : memref<40x128xf32, #tpu.memory_space<vmem_shared>>)
      tpu.yield
    }) : () -> ()
    %mul3A_58 = arith.constant 640 : i32
    %mul3A_59 = arith.muli %arg1, %mul3A_58 : i32
    %add3A_60 = arith.constant 520 : i32
    %add3A_61 = arith.addi %mul3A_59, %add3A_60 : i32
    "tpu.region"() ({
      %run_scoped3A_121 = tpu.sem_alloc : memref<!tpu.dma_semaphore, #tpu.memory_space<semaphore_mem>>
      %dma_start3A_122 = arith.constant 0 : i32
      %dma_start3A_123 = tpu.memref_slice %arg17[%add3A_61, %dma_start3A_122] : memref<10240x128xf32, #tpu.memory_space<vmem_shared>> -> memref<40x128xf32, #tpu.memory_space<vmem_shared>>
      %dma_start3A_124 = arith.constant 0 : i32
      %dma_start3A_125 = tpu.memref_slice %arg17[%add3A_61, %dma_start3A_124] : memref<10240x128xf32, #tpu.memory_space<vmem_shared>> -> memref<40x128xf32, #tpu.memory_space<vmem_shared>>
      tpu.enqueue_dma source(%arg13 : memref<40x128xf32, #tpu.memory_space<vmem>>) target(%dma_start3A_125 : memref<40x128xf32, #tpu.memory_space<vmem_shared>>) target_semaphore(%run_scoped3A_121 : memref<!tpu.dma_semaphore, #tpu.memory_space<semaphore_mem>>)
      %dma_wait3A = arith.constant 0 : i32
      %dma_wait3A_126 = tpu.memref_slice %arg17[%add3A_61, %dma_wait3A] : memref<10240x128xf32, #tpu.memory_space<vmem_shared>> -> memref<40x128xf32, #tpu.memory_space<vmem_shared>>
      %dma_wait3A_127 = arith.constant 0 : i32
      %dma_wait3A_128 = tpu.memref_slice %arg17[%add3A_61, %dma_wait3A_127] : memref<10240x128xf32, #tpu.memory_space<vmem_shared>> -> memref<40x128xf32, #tpu.memory_space<vmem_shared>>
      tpu.wait_dma2 semaphore(%run_scoped3A_121 : memref<!tpu.dma_semaphore, #tpu.memory_space<semaphore_mem>>) src(%arg13 : memref<40x128xf32, #tpu.memory_space<vmem>>) dst(%dma_wait3A_128 : memref<40x128xf32, #tpu.memory_space<vmem_shared>>)
      tpu.yield
    }) : () -> ()
    %mul3A_62 = arith.constant 640 : i32
    %mul3A_63 = arith.muli %arg1, %mul3A_62 : i32
    %add3A_64 = arith.constant 560 : i32
    %add3A_65 = arith.addi %mul3A_63, %add3A_64 : i32
    "tpu.region"() ({
      %run_scoped3A_121 = tpu.sem_alloc : memref<!tpu.dma_semaphore, #tpu.memory_space<semaphore_mem>>
      %dma_start3A_122 = arith.constant 0 : i32
      %dma_start3A_123 = tpu.memref_slice %arg17[%add3A_65, %dma_start3A_122] : memref<10240x128xf32, #tpu.memory_space<vmem_shared>> -> memref<40x128xf32, #tpu.memory_space<vmem_shared>>
      %dma_start3A_124 = arith.constant 0 : i32
      %dma_start3A_125 = tpu.memref_slice %arg17[%add3A_65, %dma_start3A_124] : memref<10240x128xf32, #tpu.memory_space<vmem_shared>> -> memref<40x128xf32, #tpu.memory_space<vmem_shared>>
      tpu.enqueue_dma source(%arg13 : memref<40x128xf32, #tpu.memory_space<vmem>>) target(%dma_start3A_125 : memref<40x128xf32, #tpu.memory_space<vmem_shared>>) target_semaphore(%run_scoped3A_121 : memref<!tpu.dma_semaphore, #tpu.memory_space<semaphore_mem>>)
      %dma_wait3A = arith.constant 0 : i32
      %dma_wait3A_126 = tpu.memref_slice %arg17[%add3A_65, %dma_wait3A] : memref<10240x128xf32, #tpu.memory_space<vmem_shared>> -> memref<40x128xf32, #tpu.memory_space<vmem_shared>>
      %dma_wait3A_127 = arith.constant 0 : i32
      %dma_wait3A_128 = tpu.memref_slice %arg17[%add3A_65, %dma_wait3A_127] : memref<10240x128xf32, #tpu.memory_space<vmem_shared>> -> memref<40x128xf32, #tpu.memory_space<vmem_shared>>
      tpu.wait_dma2 semaphore(%run_scoped3A_121 : memref<!tpu.dma_semaphore, #tpu.memory_space<semaphore_mem>>) src(%arg13 : memref<40x128xf32, #tpu.memory_space<vmem>>) dst(%dma_wait3A_128 : memref<40x128xf32, #tpu.memory_space<vmem_shared>>)
      tpu.yield
    }) : () -> ()
    %mul3A_66 = arith.constant 640 : i32
    %mul3A_67 = arith.muli %arg1, %mul3A_66 : i32
    %add3A_68 = arith.constant 600 : i32
    %add3A_69 = arith.addi %mul3A_67, %add3A_68 : i32
    "tpu.region"() ({
      %run_scoped3A_121 = tpu.sem_alloc : memref<!tpu.dma_semaphore, #tpu.memory_space<semaphore_mem>>
      %dma_start3A_122 = arith.constant 0 : i32
      %dma_start3A_123 = tpu.memref_slice %arg17[%add3A_69, %dma_start3A_122] : memref<10240x128xf32, #tpu.memory_space<vmem_shared>> -> memref<40x128xf32, #tpu.memory_space<vmem_shared>>
      %dma_start3A_124 = arith.constant 0 : i32
      %dma_start3A_125 = tpu.memref_slice %arg17[%add3A_69, %dma_start3A_124] : memref<10240x128xf32, #tpu.memory_space<vmem_shared>> -> memref<40x128xf32, #tpu.memory_space<vmem_shared>>
      tpu.enqueue_dma source(%arg13 : memref<40x128xf32, #tpu.memory_space<vmem>>) target(%dma_start3A_125 : memref<40x128xf32, #tpu.memory_space<vmem_shared>>) target_semaphore(%run_scoped3A_121 : memref<!tpu.dma_semaphore, #tpu.memory_space<semaphore_mem>>)
      %dma_wait3A = arith.constant 0 : i32
      %dma_wait3A_126 = tpu.memref_slice %arg17[%add3A_69, %dma_wait3A] : memref<10240x128xf32, #tpu.memory_space<vmem_shared>> -> memref<40x128xf32, #tpu.memory_space<vmem_shared>>
      %dma_wait3A_127 = arith.constant 0 : i32
      %dma_wait3A_128 = tpu.memref_slice %arg17[%add3A_69, %dma_wait3A_127] : memref<10240x128xf32, #tpu.memory_space<vmem_shared>> -> memref<40x128xf32, #tpu.memory_space<vmem_shared>>
      tpu.wait_dma2 semaphore(%run_scoped3A_121 : memref<!tpu.dma_semaphore, #tpu.memory_space<semaphore_mem>>) src(%arg13 : memref<40x128xf32, #tpu.memory_space<vmem>>) dst(%dma_wait3A_128 : memref<40x128xf32, #tpu.memory_space<vmem_shared>>)
      tpu.yield
    }) : () -> ()
    %barrier3A = arith.constant 0 : index
    tpu.barrier barrier_id(%barrier3A)
    %run_scoped3A = arith.constant 0 : i32
    "tpu.region"() ({
      %run_scoped3A_121 = tpu.sem_alloc : memref<!tpu.dma_semaphore, #tpu.memory_space<semaphore_mem>>
      %dma_start3A_122 = arith.constant 0 : i32
      %dma_start3A_123 = tpu.memref_slice %arg4[%add3A, %run_scoped3A, %dma_start3A_122] : memref<32x250x40xi32, #tpu.memory_space<hbm>> -> memref<1x1x40xi32, #tpu.memory_space<hbm>>
      %dma_start3A_124 = tpu.memref_squeeze %dma_start3A_123 : memref<1x1x40xi32, #tpu.memory_space<hbm>> -> memref<40xi32, #tpu.memory_space<hbm>>
      %dma_start3A_125 = arith.constant 0 : i32
      %dma_start3A_126 = tpu.memref_slice %arg4[%add3A, %run_scoped3A, %dma_start3A_125] : memref<32x250x40xi32, #tpu.memory_space<hbm>> -> memref<1x1x40xi32, #tpu.memory_space<hbm>>
      %dma_start3A_127 = tpu.memref_squeeze %dma_start3A_126 : memref<1x1x40xi32, #tpu.memory_space<hbm>> -> memref<40xi32, #tpu.memory_space<hbm>>
      tpu.enqueue_dma source(%dma_start3A_127 : memref<40xi32, #tpu.memory_space<hbm>>) target(%arg7 : memref<40xi32, #tpu.memory_space<vmem>>) target_semaphore(%run_scoped3A_121 : memref<!tpu.dma_semaphore, #tpu.memory_space<semaphore_mem>>)
      %dma_wait3A = arith.constant 0 : i32
      %dma_wait3A_128 = tpu.memref_slice %arg4[%add3A, %run_scoped3A, %dma_wait3A] : memref<32x250x40xi32, #tpu.memory_space<hbm>> -> memref<1x1x40xi32, #tpu.memory_space<hbm>>
      %dma_wait3A_129 = tpu.memref_squeeze %dma_wait3A_128 : memref<1x1x40xi32, #tpu.memory_space<hbm>> -> memref<40xi32, #tpu.memory_space<hbm>>
      %dma_wait3A_130 = arith.constant 0 : i32
      %dma_wait3A_131 = tpu.memref_slice %arg4[%add3A, %run_scoped3A, %dma_wait3A_130] : memref<32x250x40xi32, #tpu.memory_space<hbm>> -> memref<1x1x40xi32, #tpu.memory_space<hbm>>
      %dma_wait3A_132 = tpu.memref_squeeze %dma_wait3A_131 : memref<1x1x40xi32, #tpu.memory_space<hbm>> -> memref<40xi32, #tpu.memory_space<hbm>>
      tpu.wait_dma2 semaphore(%run_scoped3A_121 : memref<!tpu.dma_semaphore, #tpu.memory_space<semaphore_mem>>) src(%dma_wait3A_132 : memref<40xi32, #tpu.memory_space<hbm>>) dst(%arg7 : memref<40xi32, #tpu.memory_space<vmem>>)
      tpu.yield
    }) : () -> ()
    %run_scoped3A_70 = arith.constant 0 : i32
    "tpu.region"() ({
      %run_scoped3A_121 = tpu.sem_alloc : memref<!tpu.dma_semaphore, #tpu.memory_space<semaphore_mem>>
      %dma_start3A_122 = arith.constant 0 : i32
      %dma_start3A_123 = tpu.memref_slice %arg5[%add3A, %run_scoped3A_70, %dma_start3A_122] : memref<32x250x40xi32, #tpu.memory_space<hbm>> -> memref<1x1x40xi32, #tpu.memory_space<hbm>>
      %dma_start3A_124 = tpu.memref_squeeze %dma_start3A_123 : memref<1x1x40xi32, #tpu.memory_space<hbm>> -> memref<40xi32, #tpu.memory_space<hbm>>
      %dma_start3A_125 = arith.constant 0 : i32
      %dma_start3A_126 = tpu.memref_slice %arg5[%add3A, %run_scoped3A_70, %dma_start3A_125] : memref<32x250x40xi32, #tpu.memory_space<hbm>> -> memref<1x1x40xi32, #tpu.memory_space<hbm>>
      %dma_start3A_127 = tpu.memref_squeeze %dma_start3A_126 : memref<1x1x40xi32, #tpu.memory_space<hbm>> -> memref<40xi32, #tpu.memory_space<hbm>>
      tpu.enqueue_dma source(%dma_start3A_127 : memref<40xi32, #tpu.memory_space<hbm>>) target(%arg8 : memref<40xi32, #tpu.memory_space<vmem>>) target_semaphore(%run_scoped3A_121 : memref<!tpu.dma_semaphore, #tpu.memory_space<semaphore_mem>>)
      %dma_wait3A = arith.constant 0 : i32
      %dma_wait3A_128 = tpu.memref_slice %arg5[%add3A, %run_scoped3A_70, %dma_wait3A] : memref<32x250x40xi32, #tpu.memory_space<hbm>> -> memref<1x1x40xi32, #tpu.memory_space<hbm>>
      %dma_wait3A_129 = tpu.memref_squeeze %dma_wait3A_128 : memref<1x1x40xi32, #tpu.memory_space<hbm>> -> memref<40xi32, #tpu.memory_space<hbm>>
      %dma_wait3A_130 = arith.constant 0 : i32
      %dma_wait3A_131 = tpu.memref_slice %arg5[%add3A, %run_scoped3A_70, %dma_wait3A_130] : memref<32x250x40xi32, #tpu.memory_space<hbm>> -> memref<1x1x40xi32, #tpu.memory_space<hbm>>
      %dma_wait3A_132 = tpu.memref_squeeze %dma_wait3A_131 : memref<1x1x40xi32, #tpu.memory_space<hbm>> -> memref<40xi32, #tpu.memory_space<hbm>>
      tpu.wait_dma2 semaphore(%run_scoped3A_121 : memref<!tpu.dma_semaphore, #tpu.memory_space<semaphore_mem>>) src(%dma_wait3A_132 : memref<40xi32, #tpu.memory_space<hbm>>) dst(%arg8 : memref<40xi32, #tpu.memory_space<vmem>>)
      tpu.yield
    }) : () -> ()
    %dma_start3A = arith.constant 0 : i32
    %dma_start3A_71 = arith.constant 0 : i32
    %dma_start3A_72 = tpu.memref_slice %arg2[%dma_start3A, %dma_start3A_71] : memref<10240x128xf32, #tpu.memory_space<hbm>> -> memref<10240x128xf32, #tpu.memory_space<hbm>>
    tpu.enqueue_indirect_dma source(%dma_start3A_72 : memref<10240x128xf32, #tpu.memory_space<hbm>>) target(%arg11 : memref<40x128xf32, #tpu.memory_space<vmem>>) offsets(%arg7 : memref<40xi32, #tpu.memory_space<vmem>>) semaphore(%arg18 : memref<!tpu.dma_semaphore, #tpu.memory_space<semaphore_mem>>)
    %mul3A_73 = arith.constant 10000 : i32
    %mul3A_74 = arith.muli %add3A, %mul3A_73 : i32
    %jit3A = arith.constant 2 : i32
    %div3A = arith.divsi %mul3A_74, %jit3A : i32
    %sign3A = arith.constant 0 : i32
    %sign3A_75 = arith.cmpi sgt, %mul3A_74, %sign3A : i32
    %sign3A_76 = arith.extui %sign3A_75 : i1 to i32
    %sign3A_77 = arith.constant 0 : i32
    %sign3A_78 = arith.cmpi slt, %mul3A_74, %sign3A_77 : i32
    %sign3A_79 = arith.extui %sign3A_78 : i1 to i32
    %sign3A_80 = arith.subi %sign3A_76, %sign3A_79 : i32
    %sign3A_81 = arith.constant 0 : i32
    %sign3A_82 = arith.cmpi sgt, %jit3A, %sign3A_81 : i32
    %sign3A_83 = arith.extui %sign3A_82 : i1 to i32
    %sign3A_84 = arith.constant 0 : i32
    %sign3A_85 = arith.cmpi slt, %jit3A, %sign3A_84 : i32
    %sign3A_86 = arith.extui %sign3A_85 : i1 to i32
    %sign3A_87 = arith.subi %sign3A_83, %sign3A_86 : i32
    %ne3A = arith.cmpi ne, %sign3A_80, %sign3A_87 : i32
    %rem3A = arith.remsi %mul3A_74, %jit3A : i32
    %ne3A_88 = arith.constant 0 : i32
    %ne3A_89 = arith.cmpi ne, %rem3A, %ne3A_88 : i32
    %and3A = arith.andi %ne3A, %ne3A_89 : i1
    %sub3A = arith.constant 1 : i32
    %sub3A_90 = arith.subi %div3A, %sub3A : i32
    %select_n3A = arith.select %and3A, %sub3A_90, %div3A : i32
    %dma_start3A_91 = arith.constant 0 : i32
    %dma_start3A_92 = arith.constant 0 : i32
    %dma_start3A_93 = tpu.memref_slice %arg3[%select_n3A, %dma_start3A_91, %dma_start3A_92] : memref<160000x2x128xbf16, #tpu.memory_space<hbm>> -> memref<20x2x128xbf16, #tpu.memory_space<hbm>>
    %dma_start3A_94 = arith.constant 0 : i32
    %dma_start3A_95 = arith.constant 0 : i32
    %dma_start3A_96 = tpu.memref_slice %arg3[%select_n3A, %dma_start3A_94, %dma_start3A_95] : memref<160000x2x128xbf16, #tpu.memory_space<hbm>> -> memref<20x2x128xbf16, #tpu.memory_space<hbm>>
    tpu.enqueue_dma source(%dma_start3A_96 : memref<20x2x128xbf16, #tpu.memory_space<hbm>>) target(%arg12 : memref<20x2x128xbf16, #tpu.memory_space<vmem>>) target_semaphore(%arg19 : memref<!tpu.dma_semaphore, #tpu.memory_space<semaphore_mem>>)
    %dma_start3A_97 = arith.constant 1 : i32
    %dma_start3A_98 = arith.constant 0 : i32
    %dma_start3A_99 = tpu.memref_slice %arg4[%add3A, %dma_start3A_97, %dma_start3A_98] : memref<32x250x40xi32, #tpu.memory_space<hbm>> -> memref<1x1x40xi32, #tpu.memory_space<hbm>>
    %dma_start3A_100 = tpu.memref_squeeze %dma_start3A_99 : memref<1x1x40xi32, #tpu.memory_space<hbm>> -> memref<40xi32, #tpu.memory_space<hbm>>
    %dma_start3A_101 = arith.constant 0 : i32
    %dma_start3A_102 = tpu.memref_slice %arg4[%add3A, %dma_start3A_97, %dma_start3A_101] : memref<32x250x40xi32, #tpu.memory_space<hbm>> -> memref<1x1x40xi32, #tpu.memory_space<hbm>>
    %dma_start3A_103 = tpu.memref_squeeze %dma_start3A_102 : memref<1x1x40xi32, #tpu.memory_space<hbm>> -> memref<40xi32, #tpu.memory_space<hbm>>
    tpu.enqueue_dma source(%dma_start3A_103 : memref<40xi32, #tpu.memory_space<hbm>>) target(%arg9 : memref<40xi32, #tpu.memory_space<vmem>>) target_semaphore(%arg23 : memref<!tpu.dma_semaphore, #tpu.memory_space<semaphore_mem>>)
    %dma_start3A_104 = arith.constant 1 : i32
    %dma_start3A_105 = arith.constant 0 : i32
    %dma_start3A_106 = tpu.memref_slice %arg5[%add3A, %dma_start3A_104, %dma_start3A_105] : memref<32x250x40xi32, #tpu.memory_space<hbm>> -> memref<1x1x40xi32, #tpu.memory_space<hbm>>
    %dma_start3A_107 = tpu.memref_squeeze %dma_start3A_106 : memref<1x1x40xi32, #tpu.memory_space<hbm>> -> memref<40xi32, #tpu.memory_space<hbm>>
    %dma_start3A_108 = arith.constant 0 : i32
    %dma_start3A_109 = tpu.memref_slice %arg5[%add3A, %dma_start3A_104, %dma_start3A_108] : memref<32x250x40xi32, #tpu.memory_space<hbm>> -> memref<1x1x40xi32, #tpu.memory_space<hbm>>
    %dma_start3A_110 = tpu.memref_squeeze %dma_start3A_109 : memref<1x1x40xi32, #tpu.memory_space<hbm>> -> memref<40xi32, #tpu.memory_space<hbm>>
    tpu.enqueue_dma source(%dma_start3A_110 : memref<40xi32, #tpu.memory_space<hbm>>) target(%arg10 : memref<40xi32, #tpu.memory_space<vmem>>) target_semaphore(%arg23 : memref<!tpu.dma_semaphore, #tpu.memory_space<semaphore_mem>>)
    %scan3A_111 = arith.constant 0 : i32
    %scan3A_112 = arith.constant 125 : i32
    %scan3A_113 = arith.addi %scan3A_111, %scan3A_112 : i32
    %scan3A_114 = arith.constant 1 : i32
    scf.for %scan3A_121 = %scan3A_111 to %scan3A_113 step %scan3A_114  : i32 {
      %mul3A_122 = arith.constant 1 : i32
      %mul3A_123 = arith.muli %scan3A_121, %mul3A_122 : i32
      %add3A_124 = arith.constant 0 : i32
      %add3A_125 = arith.addi %add3A_124, %mul3A_123 : i32
      %mul3A_126 = arith.constant 2 : i32
      %mul3A_127 = arith.muli %mul3A_126, %add3A_125 : i32
      %add3A_128 = arith.constant 0 : i32
      %add3A_129 = arith.addi %mul3A_127, %add3A_128 : i32
      %dma_wait3A = arith.constant 0 : i32
      %dma_wait3A_130 = arith.constant 0 : i32
      %dma_wait3A_131 = tpu.memref_slice %arg2[%dma_wait3A, %dma_wait3A_130] : memref<10240x128xf32, #tpu.memory_space<hbm>> -> memref<10240x128xf32, #tpu.memory_space<hbm>>
      tpu.wait_indirect_dma semaphore(%arg18 : memref<!tpu.dma_semaphore, #tpu.memory_space<semaphore_mem>>) src(%dma_wait3A_131 : memref<10240x128xf32, #tpu.memory_space<hbm>>) dst(%arg11 : memref<40x128xf32, #tpu.memory_space<vmem>>)
      %dma_wait3A_132 = arith.constant 0 : i32
      %dma_wait3A_133 = arith.constant 0 : i32
      %dma_wait3A_134 = arith.constant 0 : i32
      %dma_wait3A_135 = tpu.memref_slice %arg3[%dma_wait3A_132, %dma_wait3A_133, %dma_wait3A_134] : memref<160000x2x128xbf16, #tpu.memory_space<hbm>> -> memref<20x2x128xbf16, #tpu.memory_space<hbm>>
      %dma_wait3A_136 = arith.constant 0 : i32
      %dma_wait3A_137 = arith.constant 0 : i32
      %dma_wait3A_138 = arith.constant 0 : i32
      %dma_wait3A_139 = tpu.memref_slice %arg3[%dma_wait3A_136, %dma_wait3A_137, %dma_wait3A_138] : memref<160000x2x128xbf16, #tpu.memory_space<hbm>> -> memref<20x2x128xbf16, #tpu.memory_space<hbm>>
      tpu.wait_dma2 semaphore(%arg19 : memref<!tpu.dma_semaphore, #tpu.memory_space<semaphore_mem>>) src(%dma_wait3A_139 : memref<20x2x128xbf16, #tpu.memory_space<hbm>>) dst(%arg12 : memref<20x2x128xbf16, #tpu.memory_space<vmem>>)
      %add3A_140 = arith.constant 1 : i32
      %add3A_141 = arith.addi %add3A_129, %add3A_140 : i32
      %lt3A = arith.constant 250 : i32
      %lt3A_142 = arith.cmpi slt, %add3A_141, %lt3A : i32
      %convert_element_type3A = arith.extui %lt3A_142 : i1 to i32
      %cond3A = arith.constant 0 : i32
      %cond3A_143 = arith.cmpi ne, %convert_element_type3A, %cond3A : i32
      scf.if %cond3A_143 {
        %dma_wait3A_190 = arith.constant 0 : i32
        %dma_wait3A_191 = arith.constant 0 : i32
        %dma_wait3A_192 = tpu.memref_slice %arg4[%add3A, %dma_wait3A_190, %dma_wait3A_191] : memref<32x250x40xi32, #tpu.memory_space<hbm>> -> memref<1x1x40xi32, #tpu.memory_space<hbm>>
        %dma_wait3A_193 = tpu.memref_squeeze %dma_wait3A_192 : memref<1x1x40xi32, #tpu.memory_space<hbm>> -> memref<40xi32, #tpu.memory_space<hbm>>
        %dma_wait3A_194 = arith.constant 0 : i32
        %dma_wait3A_195 = tpu.memref_slice %arg4[%add3A, %dma_wait3A_190, %dma_wait3A_194] : memref<32x250x40xi32, #tpu.memory_space<hbm>> -> memref<1x1x40xi32, #tpu.memory_space<hbm>>
        %dma_wait3A_196 = tpu.memref_squeeze %dma_wait3A_195 : memref<1x1x40xi32, #tpu.memory_space<hbm>> -> memref<40xi32, #tpu.memory_space<hbm>>
        tpu.wait_dma2 semaphore(%arg23 : memref<!tpu.dma_semaphore, #tpu.memory_space<semaphore_mem>>) src(%dma_wait3A_196 : memref<40xi32, #tpu.memory_space<hbm>>) dst(%arg9 : memref<40xi32, #tpu.memory_space<vmem>>)
        %dma_wait3A_197 = arith.constant 0 : i32
        %dma_wait3A_198 = arith.constant 0 : i32
        %dma_wait3A_199 = tpu.memref_slice %arg5[%add3A, %dma_wait3A_197, %dma_wait3A_198] : memref<32x250x40xi32, #tpu.memory_space<hbm>> -> memref<1x1x40xi32, #tpu.memory_space<hbm>>
        %dma_wait3A_200 = tpu.memref_squeeze %dma_wait3A_199 : memref<1x1x40xi32, #tpu.memory_space<hbm>> -> memref<40xi32, #tpu.memory_space<hbm>>
        %dma_wait3A_201 = arith.constant 0 : i32
        %dma_wait3A_202 = tpu.memref_slice %arg5[%add3A, %dma_wait3A_197, %dma_wait3A_201] : memref<32x250x40xi32, #tpu.memory_space<hbm>> -> memref<1x1x40xi32, #tpu.memory_space<hbm>>
        %dma_wait3A_203 = tpu.memref_squeeze %dma_wait3A_202 : memref<1x1x40xi32, #tpu.memory_space<hbm>> -> memref<40xi32, #tpu.memory_space<hbm>>
        tpu.wait_dma2 semaphore(%arg23 : memref<!tpu.dma_semaphore, #tpu.memory_space<semaphore_mem>>) src(%dma_wait3A_203 : memref<40xi32, #tpu.memory_space<hbm>>) dst(%arg10 : memref<40xi32, #tpu.memory_space<vmem>>)
        %dma_start3A_204 = arith.constant 0 : i32
        %dma_start3A_205 = arith.constant 0 : i32
        %dma_start3A_206 = tpu.memref_slice %arg2[%dma_start3A_204, %dma_start3A_205] : memref<10240x128xf32, #tpu.memory_space<hbm>> -> memref<10240x128xf32, #tpu.memory_space<hbm>>
        tpu.enqueue_indirect_dma source(%dma_start3A_206 : memref<10240x128xf32, #tpu.memory_space<hbm>>) target(%arg14 : memref<40x128xf32, #tpu.memory_space<vmem>>) offsets(%arg9 : memref<40xi32, #tpu.memory_space<vmem>>) semaphore(%arg21 : memref<!tpu.dma_semaphore, #tpu.memory_space<semaphore_mem>>)
        %mul3A_207 = arith.constant 10000 : i32
        %mul3A_208 = arith.muli %add3A, %mul3A_207 : i32
        %add3A_209 = arith.constant 1 : i32
        %add3A_210 = arith.addi %add3A_129, %add3A_209 : i32
        %mul3A_211 = arith.constant 40 : i32
        %mul3A_212 = arith.muli %add3A_210, %mul3A_211 : i32
        %add3A_213 = arith.addi %mul3A_208, %mul3A_212 : i32
        %jit3A_214 = arith.constant 2 : i32
        %div3A_215 = arith.divsi %add3A_213, %jit3A_214 : i32
        %sign3A_216 = arith.constant 0 : i32
        %sign3A_217 = arith.cmpi sgt, %add3A_213, %sign3A_216 : i32
        %sign3A_218 = arith.extui %sign3A_217 : i1 to i32
        %sign3A_219 = arith.constant 0 : i32
        %sign3A_220 = arith.cmpi slt, %add3A_213, %sign3A_219 : i32
        %sign3A_221 = arith.extui %sign3A_220 : i1 to i32
        %sign3A_222 = arith.subi %sign3A_218, %sign3A_221 : i32
        %sign3A_223 = arith.constant 0 : i32
        %sign3A_224 = arith.cmpi sgt, %jit3A_214, %sign3A_223 : i32
        %sign3A_225 = arith.extui %sign3A_224 : i1 to i32
        %sign3A_226 = arith.constant 0 : i32
        %sign3A_227 = arith.cmpi slt, %jit3A_214, %sign3A_226 : i32
        %sign3A_228 = arith.extui %sign3A_227 : i1 to i32
        %sign3A_229 = arith.subi %sign3A_225, %sign3A_228 : i32
        %ne3A_230 = arith.cmpi ne, %sign3A_222, %sign3A_229 : i32
        %rem3A_231 = arith.remsi %add3A_213, %jit3A_214 : i32
        %ne3A_232 = arith.constant 0 : i32
        %ne3A_233 = arith.cmpi ne, %rem3A_231, %ne3A_232 : i32
        %and3A_234 = arith.andi %ne3A_230, %ne3A_233 : i1
        %sub3A_235 = arith.constant 1 : i32
        %sub3A_236 = arith.subi %div3A_215, %sub3A_235 : i32
        %select_n3A_237 = arith.select %and3A_234, %sub3A_236, %div3A_215 : i32
        %dma_start3A_238 = arith.constant 0 : i32
        %dma_start3A_239 = arith.constant 0 : i32
        %dma_start3A_240 = tpu.memref_slice %arg3[%select_n3A_237, %dma_start3A_238, %dma_start3A_239] : memref<160000x2x128xbf16, #tpu.memory_space<hbm>> -> memref<20x2x128xbf16, #tpu.memory_space<hbm>>
        %dma_start3A_241 = arith.constant 0 : i32
        %dma_start3A_242 = arith.constant 0 : i32
        %dma_start3A_243 = tpu.memref_slice %arg3[%select_n3A_237, %dma_start3A_241, %dma_start3A_242] : memref<160000x2x128xbf16, #tpu.memory_space<hbm>> -> memref<20x2x128xbf16, #tpu.memory_space<hbm>>
        tpu.enqueue_dma source(%dma_start3A_243 : memref<20x2x128xbf16, #tpu.memory_space<hbm>>) target(%arg15 : memref<20x2x128xbf16, #tpu.memory_space<vmem>>) target_semaphore(%arg22 : memref<!tpu.dma_semaphore, #tpu.memory_space<semaphore_mem>>)
      } else {
      }
      %scan3A_144 = arith.constant 0 : i32
      %scan3A_145 = arith.constant 20 : i32
      %scan3A_146 = arith.addi %scan3A_144, %scan3A_145 : i32
      %scan3A_147 = arith.constant 1 : i32
      scf.for %scan3A_190 = %scan3A_144 to %scan3A_146 step %scan3A_147  : i32 {
        %mul3A_191 = arith.constant 1 : i32
        %mul3A_192 = arith.muli %scan3A_190, %mul3A_191 : i32
        %add3A_193 = arith.constant 0 : i32
        %add3A_194 = arith.addi %add3A_193, %mul3A_192 : i32
        %get3A = arith.constant 0 : i32
        %get3A_195 = arith.index_cast %add3A_194 : i32 to index
        %get3A_196 = arith.index_cast %get3A : i32 to index
        %get3A_197 = arith.constant 0 : index
        %get3A_198 = tpu.vector_load %arg12[%get3A_195, %get3A_196, %get3A_197] {strides = array<i32>} : memref<20x2x128xbf16, #tpu.memory_space<vmem>>, vector<1x1x32xbf16>,
        %get3A_199 = vector.shape_cast %get3A_198 : vector<1x1x32xbf16> to vector<32xbf16>
        %convert_element_type3A_200 = arith.extf %get3A_199 : vector<32xbf16> to vector<32xf32>
        %mul3A_201 = arith.constant 2 : i32
        %mul3A_202 = arith.muli %mul3A_201, %add3A_194 : i32
        %add3A_203 = arith.constant 0 : i32
        %add3A_204 = arith.addi %mul3A_202, %add3A_203 : i32
        %get3A_205 = arith.index_cast %add3A_204 : i32 to index
        %get3A_206 = arith.constant 0 : index
        %get3A_207 = tpu.vector_load %arg11[%get3A_205, %get3A_206] {strides = array<i32>} : memref<40x128xf32, #tpu.memory_space<vmem>>, vector<1x16xf32>,
        %get3A_208 = vector.shape_cast %get3A_207 : vector<1x16xf32> to vector<16xf32>
        %slice3A = vector.extract_strided_slice %convert_element_type3A_200 {offsets = [0], sizes = [16], strides = [1]} : vector<32xf32> to vector<16xf32>
        %add3A_209 = arith.addf %get3A_208, %slice3A : vector<16xf32>
        %max3A = arith.constant 0.000000e+00 : f32
        %max3A_210 = vector.broadcast %max3A : f32 to vector<16xf32>
        %max3A_211 = arith.maximumf %add3A_209, %max3A_210 : vector<16xf32>
        %swap3A = arith.index_cast %add3A_204 : i32 to index
        %swap3A_212 = arith.constant 0 : index
        %swap3A_213 = tpu.vector_load %arg13[%swap3A, %swap3A_212] {strides = array<i32>} : memref<40x128xf32, #tpu.memory_space<vmem>>, vector<1x16xf32>,
        %swap3A_214 = vector.shape_cast %swap3A_213 : vector<1x16xf32> to vector<16xf32>
        %swap3A_215 = vector.shape_cast %max3A_211 : vector<16xf32> to vector<1x16xf32>
        tpu.vector_store %arg13[%swap3A, %swap3A_212], %swap3A_215 {strides = array<i32>} : memref<40x128xf32, #tpu.memory_space<vmem>>, vector<1x16xf32>,
        %get3A_216 = arith.index_cast %add3A_204 : i32 to index
        %get3A_217 = arith.constant 16 : index
        %get3A_218 = tpu.vector_load %arg11[%get3A_216, %get3A_217] {strides = array<i32>} : memref<40x128xf32, #tpu.memory_space<vmem>>, vector<1x16xf32>,
        %get3A_219 = vector.shape_cast %get3A_218 : vector<1x16xf32> to vector<16xf32>
        %slice3A_220 = vector.extract_strided_slice %convert_element_type3A_200 {offsets = [16], sizes = [16], strides = [1]} : vector<32xf32> to vector<16xf32>
        %add3A_221 = arith.addf %get3A_219, %slice3A_220 : vector<16xf32>
        %max3A_222 = arith.constant 0.000000e+00 : f32
        %max3A_223 = vector.broadcast %max3A_222 : f32 to vector<16xf32>
        %max3A_224 = arith.maximumf %add3A_221, %max3A_223 : vector<16xf32>
        %swap3A_225 = arith.index_cast %add3A_204 : i32 to index
        %swap3A_226 = arith.constant 16 : index
        %swap3A_227 = tpu.vector_load %arg13[%swap3A_225, %swap3A_226] {strides = array<i32>} : memref<40x128xf32, #tpu.memory_space<vmem>>, vector<1x16xf32>,
        %swap3A_228 = vector.shape_cast %swap3A_227 : vector<1x16xf32> to vector<16xf32>
        %swap3A_229 = vector.shape_cast %max3A_224 : vector<16xf32> to vector<1x16xf32>
        tpu.vector_store %arg13[%swap3A_225, %swap3A_226], %swap3A_229 {strides = array<i32>} : memref<40x128xf32, #tpu.memory_space<vmem>>, vector<1x16xf32>,
        %get3A_230 = arith.constant 0 : i32
        %get3A_231 = arith.index_cast %add3A_194 : i32 to index
        %get3A_232 = arith.index_cast %get3A_230 : i32 to index
        %get3A_233 = arith.constant 32 : index
        %get3A_234 = tpu.vector_load %arg12[%get3A_231, %get3A_232, %get3A_233] {strides = array<i32>} : memref<20x2x128xbf16, #tpu.memory_space<vmem>>, vector<1x1x32xbf16>,
        %get3A_235 = vector.shape_cast %get3A_234 : vector<1x1x32xbf16> to vector<32xbf16>
        %convert_element_type3A_236 = arith.extf %get3A_235 : vector<32xbf16> to vector<32xf32>
        %mul3A_237 = arith.constant 2 : i32
        %mul3A_238 = arith.muli %mul3A_237, %add3A_194 : i32
        %add3A_239 = arith.constant 0 : i32
        %add3A_240 = arith.addi %mul3A_238, %add3A_239 : i32
        %get3A_241 = arith.index_cast %add3A_240 : i32 to index
        %get3A_242 = arith.constant 32 : index
        %get3A_243 = tpu.vector_load %arg11[%get3A_241, %get3A_242] {strides = array<i32>} : memref<40x128xf32, #tpu.memory_space<vmem>>, vector<1x16xf32>,
        %get3A_244 = vector.shape_cast %get3A_243 : vector<1x16xf32> to vector<16xf32>
        %slice3A_245 = vector.extract_strided_slice %convert_element_type3A_236 {offsets = [0], sizes = [16], strides = [1]} : vector<32xf32> to vector<16xf32>
        %add3A_246 = arith.addf %get3A_244, %slice3A_245 : vector<16xf32>
        %max3A_247 = arith.constant 0.000000e+00 : f32
        %max3A_248 = vector.broadcast %max3A_247 : f32 to vector<16xf32>
        %max3A_249 = arith.maximumf %add3A_246, %max3A_248 : vector<16xf32>
        %swap3A_250 = arith.index_cast %add3A_240 : i32 to index
        %swap3A_251 = arith.constant 32 : index
        %swap3A_252 = tpu.vector_load %arg13[%swap3A_250, %swap3A_251] {strides = array<i32>} : memref<40x128xf32, #tpu.memory_space<vmem>>, vector<1x16xf32>,
        %swap3A_253 = vector.shape_cast %swap3A_252 : vector<1x16xf32> to vector<16xf32>
        %swap3A_254 = vector.shape_cast %max3A_249 : vector<16xf32> to vector<1x16xf32>
        tpu.vector_store %arg13[%swap3A_250, %swap3A_251], %swap3A_254 {strides = array<i32>} : memref<40x128xf32, #tpu.memory_space<vmem>>, vector<1x16xf32>,
        %get3A_255 = arith.index_cast %add3A_240 : i32 to index
        %get3A_256 = arith.constant 48 : index
        %get3A_257 = tpu.vector_load %arg11[%get3A_255, %get3A_256] {strides = array<i32>} : memref<40x128xf32, #tpu.memory_space<vmem>>, vector<1x16xf32>,
        %get3A_258 = vector.shape_cast %get3A_257 : vector<1x16xf32> to vector<16xf32>
        %slice3A_259 = vector.extract_strided_slice %convert_element_type3A_236 {offsets = [16], sizes = [16], strides = [1]} : vector<32xf32> to vector<16xf32>
        %add3A_260 = arith.addf %get3A_258, %slice3A_259 : vector<16xf32>
        %max3A_261 = arith.constant 0.000000e+00 : f32
        %max3A_262 = vector.broadcast %max3A_261 : f32 to vector<16xf32>
        %max3A_263 = arith.maximumf %add3A_260, %max3A_262 : vector<16xf32>
        %swap3A_264 = arith.index_cast %add3A_240 : i32 to index
        %swap3A_265 = arith.constant 48 : index
        %swap3A_266 = tpu.vector_load %arg13[%swap3A_264, %swap3A_265] {strides = array<i32>} : memref<40x128xf32, #tpu.memory_space<vmem>>, vector<1x16xf32>,
        %swap3A_267 = vector.shape_cast %swap3A_266 : vector<1x16xf32> to vector<16xf32>
        %swap3A_268 = vector.shape_cast %max3A_263 : vector<16xf32> to vector<1x16xf32>
        tpu.vector_store %arg13[%swap3A_264, %swap3A_265], %swap3A_268 {strides = array<i32>} : memref<40x128xf32, #tpu.memory_space<vmem>>, vector<1x16xf32>,
        %get3A_269 = arith.constant 0 : i32
        %get3A_270 = arith.index_cast %add3A_194 : i32 to index
        %get3A_271 = arith.index_cast %get3A_269 : i32 to index
        %get3A_272 = arith.constant 64 : index
        %get3A_273 = tpu.vector_load %arg12[%get3A_270, %get3A_271, %get3A_272] {strides = array<i32>} : memref<20x2x128xbf16, #tpu.memory_space<vmem>>, vector<1x1x32xbf16>,
        %get3A_274 = vector.shape_cast %get3A_273 : vector<1x1x32xbf16> to vector<32xbf16>
        %convert_element_type3A_275 = arith.extf %get3A_274 : vector<32xbf16> to vector<32xf32>
        %mul3A_276 = arith.constant 2 : i32
        %mul3A_277 = arith.muli %mul3A_276, %add3A_194 : i32
        %add3A_278 = arith.constant 0 : i32
        %add3A_279 = arith.addi %mul3A_277, %add3A_278 : i32
        %get3A_280 = arith.index_cast %add3A_279 : i32 to index
        %get3A_281 = arith.constant 64 : index
        %get3A_282 = tpu.vector_load %arg11[%get3A_280, %get3A_281] {strides = array<i32>} : memref<40x128xf32, #tpu.memory_space<vmem>>, vector<1x16xf32>,
        %get3A_283 = vector.shape_cast %get3A_282 : vector<1x16xf32> to vector<16xf32>
        %slice3A_284 = vector.extract_strided_slice %convert_element_type3A_275 {offsets = [0], sizes = [16], strides = [1]} : vector<32xf32> to vector<16xf32>
        %add3A_285 = arith.addf %get3A_283, %slice3A_284 : vector<16xf32>
        %max3A_286 = arith.constant 0.000000e+00 : f32
        %max3A_287 = vector.broadcast %max3A_286 : f32 to vector<16xf32>
        %max3A_288 = arith.maximumf %add3A_285, %max3A_287 : vector<16xf32>
        %swap3A_289 = arith.index_cast %add3A_279 : i32 to index
        %swap3A_290 = arith.constant 64 : index
        %swap3A_291 = tpu.vector_load %arg13[%swap3A_289, %swap3A_290] {strides = array<i32>} : memref<40x128xf32, #tpu.memory_space<vmem>>, vector<1x16xf32>,
        %swap3A_292 = vector.shape_cast %swap3A_291 : vector<1x16xf32> to vector<16xf32>
        %swap3A_293 = vector.shape_cast %max3A_288 : vector<16xf32> to vector<1x16xf32>
        tpu.vector_store %arg13[%swap3A_289, %swap3A_290], %swap3A_293 {strides = array<i32>} : memref<40x128xf32, #tpu.memory_space<vmem>>, vector<1x16xf32>,
        %get3A_294 = arith.index_cast %add3A_279 : i32 to index
        %get3A_295 = arith.constant 80 : index
        %get3A_296 = tpu.vector_load %arg11[%get3A_294, %get3A_295] {strides = array<i32>} : memref<40x128xf32, #tpu.memory_space<vmem>>, vector<1x16xf32>,
        %get3A_297 = vector.shape_cast %get3A_296 : vector<1x16xf32> to vector<16xf32>
        %slice3A_298 = vector.extract_strided_slice %convert_element_type3A_275 {offsets = [16], sizes = [16], strides = [1]} : vector<32xf32> to vector<16xf32>
        %add3A_299 = arith.addf %get3A_297, %slice3A_298 : vector<16xf32>
        %max3A_300 = arith.constant 0.000000e+00 : f32
        %max3A_301 = vector.broadcast %max3A_300 : f32 to vector<16xf32>
        %max3A_302 = arith.maximumf %add3A_299, %max3A_301 : vector<16xf32>
        %swap3A_303 = arith.index_cast %add3A_279 : i32 to index
        %swap3A_304 = arith.constant 80 : index
        %swap3A_305 = tpu.vector_load %arg13[%swap3A_303, %swap3A_304] {strides = array<i32>} : memref<40x128xf32, #tpu.memory_space<vmem>>, vector<1x16xf32>,
        %swap3A_306 = vector.shape_cast %swap3A_305 : vector<1x16xf32> to vector<16xf32>
        %swap3A_307 = vector.shape_cast %max3A_302 : vector<16xf32> to vector<1x16xf32>
        tpu.vector_store %arg13[%swap3A_303, %swap3A_304], %swap3A_307 {strides = array<i32>} : memref<40x128xf32, #tpu.memory_space<vmem>>, vector<1x16xf32>,
        %get3A_308 = arith.constant 0 : i32
        %get3A_309 = arith.index_cast %add3A_194 : i32 to index
        %get3A_310 = arith.index_cast %get3A_308 : i32 to index
        %get3A_311 = arith.constant 96 : index
        %get3A_312 = tpu.vector_load %arg12[%get3A_309, %get3A_310, %get3A_311] {strides = array<i32>} : memref<20x2x128xbf16, #tpu.memory_space<vmem>>, vector<1x1x32xbf16>,
        %get3A_313 = vector.shape_cast %get3A_312 : vector<1x1x32xbf16> to vector<32xbf16>
        %convert_element_type3A_314 = arith.extf %get3A_313 : vector<32xbf16> to vector<32xf32>
        %mul3A_315 = arith.constant 2 : i32
        %mul3A_316 = arith.muli %mul3A_315, %add3A_194 : i32
        %add3A_317 = arith.constant 0 : i32
        %add3A_318 = arith.addi %mul3A_316, %add3A_317 : i32
        %get3A_319 = arith.index_cast %add3A_318 : i32 to index
        %get3A_320 = arith.constant 96 : index
        %get3A_321 = tpu.vector_load %arg11[%get3A_319, %get3A_320] {strides = array<i32>} : memref<40x128xf32, #tpu.memory_space<vmem>>, vector<1x16xf32>,
        %get3A_322 = vector.shape_cast %get3A_321 : vector<1x16xf32> to vector<16xf32>
        %slice3A_323 = vector.extract_strided_slice %convert_element_type3A_314 {offsets = [0], sizes = [16], strides = [1]} : vector<32xf32> to vector<16xf32>
        %add3A_324 = arith.addf %get3A_322, %slice3A_323 : vector<16xf32>
        %max3A_325 = arith.constant 0.000000e+00 : f32
        %max3A_326 = vector.broadcast %max3A_325 : f32 to vector<16xf32>
        %max3A_327 = arith.maximumf %add3A_324, %max3A_326 : vector<16xf32>
        %swap3A_328 = arith.index_cast %add3A_318 : i32 to index
        %swap3A_329 = arith.constant 96 : index
        %swap3A_330 = tpu.vector_load %arg13[%swap3A_328, %swap3A_329] {strides = array<i32>} : memref<40x128xf32, #tpu.memory_space<vmem>>, vector<1x16xf32>,
        %swap3A_331 = vector.shape_cast %swap3A_330 : vector<1x16xf32> to vector<16xf32>
        %swap3A_332 = vector.shape_cast %max3A_327 : vector<16xf32> to vector<1x16xf32>
        tpu.vector_store %arg13[%swap3A_328, %swap3A_329], %swap3A_332 {strides = array<i32>} : memref<40x128xf32, #tpu.memory_space<vmem>>, vector<1x16xf32>,
        %get3A_333 = arith.index_cast %add3A_318 : i32 to index
        %get3A_334 = arith.constant 112 : index
        %get3A_335 = tpu.vector_load %arg11[%get3A_333, %get3A_334] {strides = array<i32>} : memref<40x128xf32, #tpu.memory_space<vmem>>, vector<1x16xf32>,
        %get3A_336 = vector.shape_cast %get3A_335 : vector<1x16xf32> to vector<16xf32>
        %slice3A_337 = vector.extract_strided_slice %convert_element_type3A_314 {offsets = [16], sizes = [16], strides = [1]} : vector<32xf32> to vector<16xf32>
        %add3A_338 = arith.addf %get3A_336, %slice3A_337 : vector<16xf32>
        %max3A_339 = arith.constant 0.000000e+00 : f32
        %max3A_340 = vector.broadcast %max3A_339 : f32 to vector<16xf32>
        %max3A_341 = arith.maximumf %add3A_338, %max3A_340 : vector<16xf32>
        %swap3A_342 = arith.index_cast %add3A_318 : i32 to index
        %swap3A_343 = arith.constant 112 : index
        %swap3A_344 = tpu.vector_load %arg13[%swap3A_342, %swap3A_343] {strides = array<i32>} : memref<40x128xf32, #tpu.memory_space<vmem>>, vector<1x16xf32>,
        %swap3A_345 = vector.shape_cast %swap3A_344 : vector<1x16xf32> to vector<16xf32>
        %swap3A_346 = vector.shape_cast %max3A_341 : vector<16xf32> to vector<1x16xf32>
        tpu.vector_store %arg13[%swap3A_342, %swap3A_343], %swap3A_346 {strides = array<i32>} : memref<40x128xf32, #tpu.memory_space<vmem>>, vector<1x16xf32>,
        %get3A_347 = arith.constant 1 : i32
        %get3A_348 = arith.index_cast %add3A_194 : i32 to index
        %get3A_349 = arith.index_cast %get3A_347 : i32 to index
        %get3A_350 = arith.constant 0 : index
        %get3A_351 = tpu.vector_load %arg12[%get3A_348, %get3A_349, %get3A_350] {strides = array<i32>} : memref<20x2x128xbf16, #tpu.memory_space<vmem>>, vector<1x1x32xbf16>,
        %get3A_352 = vector.shape_cast %get3A_351 : vector<1x1x32xbf16> to vector<32xbf16>
        %convert_element_type3A_353 = arith.extf %get3A_352 : vector<32xbf16> to vector<32xf32>
        %mul3A_354 = arith.constant 2 : i32
        %mul3A_355 = arith.muli %mul3A_354, %add3A_194 : i32
        %add3A_356 = arith.constant 1 : i32
        %add3A_357 = arith.addi %mul3A_355, %add3A_356 : i32
        %get3A_358 = arith.index_cast %add3A_357 : i32 to index
        %get3A_359 = arith.constant 0 : index
        %get3A_360 = tpu.vector_load %arg11[%get3A_358, %get3A_359] {strides = array<i32>} : memref<40x128xf32, #tpu.memory_space<vmem>>, vector<1x16xf32>,
        %get3A_361 = vector.shape_cast %get3A_360 : vector<1x16xf32> to vector<16xf32>
        %slice3A_362 = vector.extract_strided_slice %convert_element_type3A_353 {offsets = [0], sizes = [16], strides = [1]} : vector<32xf32> to vector<16xf32>
        %add3A_363 = arith.addf %get3A_361, %slice3A_362 : vector<16xf32>
        %max3A_364 = arith.constant 0.000000e+00 : f32
        %max3A_365 = vector.broadcast %max3A_364 : f32 to vector<16xf32>
        %max3A_366 = arith.maximumf %add3A_363, %max3A_365 : vector<16xf32>
        %swap3A_367 = arith.index_cast %add3A_357 : i32 to index
        %swap3A_368 = arith.constant 0 : index
        %swap3A_369 = tpu.vector_load %arg13[%swap3A_367, %swap3A_368] {strides = array<i32>} : memref<40x128xf32, #tpu.memory_space<vmem>>, vector<1x16xf32>,
        %swap3A_370 = vector.shape_cast %swap3A_369 : vector<1x16xf32> to vector<16xf32>
        %swap3A_371 = vector.shape_cast %max3A_366 : vector<16xf32> to vector<1x16xf32>
        tpu.vector_store %arg13[%swap3A_367, %swap3A_368], %swap3A_371 {strides = array<i32>} : memref<40x128xf32, #tpu.memory_space<vmem>>, vector<1x16xf32>,
        %get3A_372 = arith.index_cast %add3A_357 : i32 to index
        %get3A_373 = arith.constant 16 : index
        %get3A_374 = tpu.vector_load %arg11[%get3A_372, %get3A_373] {strides = array<i32>} : memref<40x128xf32, #tpu.memory_space<vmem>>, vector<1x16xf32>,
        %get3A_375 = vector.shape_cast %get3A_374 : vector<1x16xf32> to vector<16xf32>
        %slice3A_376 = vector.extract_strided_slice %convert_element_type3A_353 {offsets = [16], sizes = [16], strides = [1]} : vector<32xf32> to vector<16xf32>
        %add3A_377 = arith.addf %get3A_375, %slice3A_376 : vector<16xf32>
        %max3A_378 = arith.constant 0.000000e+00 : f32
        %max3A_379 = vector.broadcast %max3A_378 : f32 to vector<16xf32>
        %max3A_380 = arith.maximumf %add3A_377, %max3A_379 : vector<16xf32>
        %swap3A_381 = arith.index_cast %add3A_357 : i32 to index
        %swap3A_382 = arith.constant 16 : index
        %swap3A_383 = tpu.vector_load %arg13[%swap3A_381, %swap3A_382] {strides = array<i32>} : memref<40x128xf32, #tpu.memory_space<vmem>>, vector<1x16xf32>,
        %swap3A_384 = vector.shape_cast %swap3A_383 : vector<1x16xf32> to vector<16xf32>
        %swap3A_385 = vector.shape_cast %max3A_380 : vector<16xf32> to vector<1x16xf32>
        tpu.vector_store %arg13[%swap3A_381, %swap3A_382], %swap3A_385 {strides = array<i32>} : memref<40x128xf32, #tpu.memory_space<vmem>>, vector<1x16xf32>,
        %get3A_386 = arith.constant 1 : i32
        %get3A_387 = arith.index_cast %add3A_194 : i32 to index
        %get3A_388 = arith.index_cast %get3A_386 : i32 to index
        %get3A_389 = arith.constant 32 : index
        %get3A_390 = tpu.vector_load %arg12[%get3A_387, %get3A_388, %get3A_389] {strides = array<i32>} : memref<20x2x128xbf16, #tpu.memory_space<vmem>>, vector<1x1x32xbf16>,
        %get3A_391 = vector.shape_cast %get3A_390 : vector<1x1x32xbf16> to vector<32xbf16>
        %convert_element_type3A_392 = arith.extf %get3A_391 : vector<32xbf16> to vector<32xf32>
        %mul3A_393 = arith.constant 2 : i32
        %mul3A_394 = arith.muli %mul3A_393, %add3A_194 : i32
        %add3A_395 = arith.constant 1 : i32
        %add3A_396 = arith.addi %mul3A_394, %add3A_395 : i32
        %get3A_397 = arith.index_cast %add3A_396 : i32 to index
        %get3A_398 = arith.constant 32 : index
        %get3A_399 = tpu.vector_load %arg11[%get3A_397, %get3A_398] {strides = array<i32>} : memref<40x128xf32, #tpu.memory_space<vmem>>, vector<1x16xf32>,
        %get3A_400 = vector.shape_cast %get3A_399 : vector<1x16xf32> to vector<16xf32>
        %slice3A_401 = vector.extract_strided_slice %convert_element_type3A_392 {offsets = [0], sizes = [16], strides = [1]} : vector<32xf32> to vector<16xf32>
        %add3A_402 = arith.addf %get3A_400, %slice3A_401 : vector<16xf32>
        %max3A_403 = arith.constant 0.000000e+00 : f32
        %max3A_404 = vector.broadcast %max3A_403 : f32 to vector<16xf32>
        %max3A_405 = arith.maximumf %add3A_402, %max3A_404 : vector<16xf32>
        %swap3A_406 = arith.index_cast %add3A_396 : i32 to index
        %swap3A_407 = arith.constant 32 : index
        %swap3A_408 = tpu.vector_load %arg13[%swap3A_406, %swap3A_407] {strides = array<i32>} : memref<40x128xf32, #tpu.memory_space<vmem>>, vector<1x16xf32>,
        %swap3A_409 = vector.shape_cast %swap3A_408 : vector<1x16xf32> to vector<16xf32>
        %swap3A_410 = vector.shape_cast %max3A_405 : vector<16xf32> to vector<1x16xf32>
        tpu.vector_store %arg13[%swap3A_406, %swap3A_407], %swap3A_410 {strides = array<i32>} : memref<40x128xf32, #tpu.memory_space<vmem>>, vector<1x16xf32>,
        %get3A_411 = arith.index_cast %add3A_396 : i32 to index
        %get3A_412 = arith.constant 48 : index
        %get3A_413 = tpu.vector_load %arg11[%get3A_411, %get3A_412] {strides = array<i32>} : memref<40x128xf32, #tpu.memory_space<vmem>>, vector<1x16xf32>,
        %get3A_414 = vector.shape_cast %get3A_413 : vector<1x16xf32> to vector<16xf32>
        %slice3A_415 = vector.extract_strided_slice %convert_element_type3A_392 {offsets = [16], sizes = [16], strides = [1]} : vector<32xf32> to vector<16xf32>
        %add3A_416 = arith.addf %get3A_414, %slice3A_415 : vector<16xf32>
        %max3A_417 = arith.constant 0.000000e+00 : f32
        %max3A_418 = vector.broadcast %max3A_417 : f32 to vector<16xf32>
        %max3A_419 = arith.maximumf %add3A_416, %max3A_418 : vector<16xf32>
        %swap3A_420 = arith.index_cast %add3A_396 : i32 to index
        %swap3A_421 = arith.constant 48 : index
        %swap3A_422 = tpu.vector_load %arg13[%swap3A_420, %swap3A_421] {strides = array<i32>} : memref<40x128xf32, #tpu.memory_space<vmem>>, vector<1x16xf32>,
        %swap3A_423 = vector.shape_cast %swap3A_422 : vector<1x16xf32> to vector<16xf32>
        %swap3A_424 = vector.shape_cast %max3A_419 : vector<16xf32> to vector<1x16xf32>
        tpu.vector_store %arg13[%swap3A_420, %swap3A_421], %swap3A_424 {strides = array<i32>} : memref<40x128xf32, #tpu.memory_space<vmem>>, vector<1x16xf32>,
        %get3A_425 = arith.constant 1 : i32
        %get3A_426 = arith.index_cast %add3A_194 : i32 to index
        %get3A_427 = arith.index_cast %get3A_425 : i32 to index
        %get3A_428 = arith.constant 64 : index
        %get3A_429 = tpu.vector_load %arg12[%get3A_426, %get3A_427, %get3A_428] {strides = array<i32>} : memref<20x2x128xbf16, #tpu.memory_space<vmem>>, vector<1x1x32xbf16>,
        %get3A_430 = vector.shape_cast %get3A_429 : vector<1x1x32xbf16> to vector<32xbf16>
        %convert_element_type3A_431 = arith.extf %get3A_430 : vector<32xbf16> to vector<32xf32>
        %mul3A_432 = arith.constant 2 : i32
        %mul3A_433 = arith.muli %mul3A_432, %add3A_194 : i32
        %add3A_434 = arith.constant 1 : i32
        %add3A_435 = arith.addi %mul3A_433, %add3A_434 : i32
        %get3A_436 = arith.index_cast %add3A_435 : i32 to index
        %get3A_437 = arith.constant 64 : index
        %get3A_438 = tpu.vector_load %arg11[%get3A_436, %get3A_437] {strides = array<i32>} : memref<40x128xf32, #tpu.memory_space<vmem>>, vector<1x16xf32>,
        %get3A_439 = vector.shape_cast %get3A_438 : vector<1x16xf32> to vector<16xf32>
        %slice3A_440 = vector.extract_strided_slice %convert_element_type3A_431 {offsets = [0], sizes = [16], strides = [1]} : vector<32xf32> to vector<16xf32>
        %add3A_441 = arith.addf %get3A_439, %slice3A_440 : vector<16xf32>
        %max3A_442 = arith.constant 0.000000e+00 : f32
        %max3A_443 = vector.broadcast %max3A_442 : f32 to vector<16xf32>
        %max3A_444 = arith.maximumf %add3A_441, %max3A_443 : vector<16xf32>
        %swap3A_445 = arith.index_cast %add3A_435 : i32 to index
        %swap3A_446 = arith.constant 64 : index
        %swap3A_447 = tpu.vector_load %arg13[%swap3A_445, %swap3A_446] {strides = array<i32>} : memref<40x128xf32, #tpu.memory_space<vmem>>, vector<1x16xf32>,
        %swap3A_448 = vector.shape_cast %swap3A_447 : vector<1x16xf32> to vector<16xf32>
        %swap3A_449 = vector.shape_cast %max3A_444 : vector<16xf32> to vector<1x16xf32>
        tpu.vector_store %arg13[%swap3A_445, %swap3A_446], %swap3A_449 {strides = array<i32>} : memref<40x128xf32, #tpu.memory_space<vmem>>, vector<1x16xf32>,
        %get3A_450 = arith.index_cast %add3A_435 : i32 to index
        %get3A_451 = arith.constant 80 : index
        %get3A_452 = tpu.vector_load %arg11[%get3A_450, %get3A_451] {strides = array<i32>} : memref<40x128xf32, #tpu.memory_space<vmem>>, vector<1x16xf32>,
        %get3A_453 = vector.shape_cast %get3A_452 : vector<1x16xf32> to vector<16xf32>
        %slice3A_454 = vector.extract_strided_slice %convert_element_type3A_431 {offsets = [16], sizes = [16], strides = [1]} : vector<32xf32> to vector<16xf32>
        %add3A_455 = arith.addf %get3A_453, %slice3A_454 : vector<16xf32>
        %max3A_456 = arith.constant 0.000000e+00 : f32
        %max3A_457 = vector.broadcast %max3A_456 : f32 to vector<16xf32>
        %max3A_458 = arith.maximumf %add3A_455, %max3A_457 : vector<16xf32>
        %swap3A_459 = arith.index_cast %add3A_435 : i32 to index
        %swap3A_460 = arith.constant 80 : index
        %swap3A_461 = tpu.vector_load %arg13[%swap3A_459, %swap3A_460] {strides = array<i32>} : memref<40x128xf32, #tpu.memory_space<vmem>>, vector<1x16xf32>,
        %swap3A_462 = vector.shape_cast %swap3A_461 : vector<1x16xf32> to vector<16xf32>
        %swap3A_463 = vector.shape_cast %max3A_458 : vector<16xf32> to vector<1x16xf32>
        tpu.vector_store %arg13[%swap3A_459, %swap3A_460], %swap3A_463 {strides = array<i32>} : memref<40x128xf32, #tpu.memory_space<vmem>>, vector<1x16xf32>,
        %get3A_464 = arith.constant 1 : i32
        %get3A_465 = arith.index_cast %add3A_194 : i32 to index
        %get3A_466 = arith.index_cast %get3A_464 : i32 to index
        %get3A_467 = arith.constant 96 : index
        %get3A_468 = tpu.vector_load %arg12[%get3A_465, %get3A_466, %get3A_467] {strides = array<i32>} : memref<20x2x128xbf16, #tpu.memory_space<vmem>>, vector<1x1x32xbf16>,
        %get3A_469 = vector.shape_cast %get3A_468 : vector<1x1x32xbf16> to vector<32xbf16>
        %convert_element_type3A_470 = arith.extf %get3A_469 : vector<32xbf16> to vector<32xf32>
        %mul3A_471 = arith.constant 2 : i32
        %mul3A_472 = arith.muli %mul3A_471, %add3A_194 : i32
        %add3A_473 = arith.constant 1 : i32
        %add3A_474 = arith.addi %mul3A_472, %add3A_473 : i32
        %get3A_475 = arith.index_cast %add3A_474 : i32 to index
        %get3A_476 = arith.constant 96 : index
        %get3A_477 = tpu.vector_load %arg11[%get3A_475, %get3A_476] {strides = array<i32>} : memref<40x128xf32, #tpu.memory_space<vmem>>, vector<1x16xf32>,
        %get3A_478 = vector.shape_cast %get3A_477 : vector<1x16xf32> to vector<16xf32>
        %slice3A_479 = vector.extract_strided_slice %convert_element_type3A_470 {offsets = [0], sizes = [16], strides = [1]} : vector<32xf32> to vector<16xf32>
        %add3A_480 = arith.addf %get3A_478, %slice3A_479 : vector<16xf32>
        %max3A_481 = arith.constant 0.000000e+00 : f32
        %max3A_482 = vector.broadcast %max3A_481 : f32 to vector<16xf32>
        %max3A_483 = arith.maximumf %add3A_480, %max3A_482 : vector<16xf32>
        %swap3A_484 = arith.index_cast %add3A_474 : i32 to index
        %swap3A_485 = arith.constant 96 : index
        %swap3A_486 = tpu.vector_load %arg13[%swap3A_484, %swap3A_485] {strides = array<i32>} : memref<40x128xf32, #tpu.memory_space<vmem>>, vector<1x16xf32>,
        %swap3A_487 = vector.shape_cast %swap3A_486 : vector<1x16xf32> to vector<16xf32>
        %swap3A_488 = vector.shape_cast %max3A_483 : vector<16xf32> to vector<1x16xf32>
        tpu.vector_store %arg13[%swap3A_484, %swap3A_485], %swap3A_488 {strides = array<i32>} : memref<40x128xf32, #tpu.memory_space<vmem>>, vector<1x16xf32>,
        %get3A_489 = arith.index_cast %add3A_474 : i32 to index
        %get3A_490 = arith.constant 112 : index
        %get3A_491 = tpu.vector_load %arg11[%get3A_489, %get3A_490] {strides = array<i32>} : memref<40x128xf32, #tpu.memory_space<vmem>>, vector<1x16xf32>,
        %get3A_492 = vector.shape_cast %get3A_491 : vector<1x16xf32> to vector<16xf32>
        %slice3A_493 = vector.extract_strided_slice %convert_element_type3A_470 {offsets = [16], sizes = [16], strides = [1]} : vector<32xf32> to vector<16xf32>
        %add3A_494 = arith.addf %get3A_492, %slice3A_493 : vector<16xf32>
        %max3A_495 = arith.constant 0.000000e+00 : f32
        %max3A_496 = vector.broadcast %max3A_495 : f32 to vector<16xf32>
        %max3A_497 = arith.maximumf %add3A_494, %max3A_496 : vector<16xf32>
        %swap3A_498 = arith.index_cast %add3A_474 : i32 to index
        %swap3A_499 = arith.constant 112 : index
        %swap3A_500 = tpu.vector_load %arg13[%swap3A_498, %swap3A_499] {strides = array<i32>} : memref<40x128xf32, #tpu.memory_space<vmem>>, vector<1x16xf32>,
        %swap3A_501 = vector.shape_cast %swap3A_500 : vector<1x16xf32> to vector<16xf32>
        %swap3A_502 = vector.shape_cast %max3A_497 : vector<16xf32> to vector<1x16xf32>
        tpu.vector_store %arg13[%swap3A_498, %swap3A_499], %swap3A_502 {strides = array<i32>} : memref<40x128xf32, #tpu.memory_space<vmem>>, vector<1x16xf32>,
      }
      %scan3A_148 = arith.constant 20 : i32
      "tpu.region"() ({
        %run_scoped3A_190 = tpu.sem_alloc : memref<!tpu.dma_semaphore, #tpu.memory_space<semaphore_mem>>
        %dma_start3A_191 = arith.constant 0 : i32
        %dma_start3A_192 = arith.constant 0 : i32
        %dma_start3A_193 = tpu.memref_slice %arg17[%dma_start3A_191, %dma_start3A_192] : memref<10240x128xf32, #tpu.memory_space<vmem_shared>> -> memref<10240x128xf32, #tpu.memory_space<vmem_shared>>
        tpu.enqueue_indirect_dma source(%arg13 : memref<40x128xf32, #tpu.memory_space<vmem>>) target(%dma_start3A_193 : memref<10240x128xf32, #tpu.memory_space<vmem_shared>>) offsets(%arg8 : memref<40xi32, #tpu.memory_space<vmem>>) semaphore(%run_scoped3A_190 : memref<!tpu.dma_semaphore, #tpu.memory_space<semaphore_mem>>) {add = true}
        %dma_wait3A_194 = arith.constant 0 : i32
        %dma_wait3A_195 = arith.constant 0 : i32
        %dma_wait3A_196 = tpu.memref_slice %arg17[%dma_wait3A_194, %dma_wait3A_195] : memref<10240x128xf32, #tpu.memory_space<vmem_shared>> -> memref<10240x128xf32, #tpu.memory_space<vmem_shared>>
        tpu.wait_indirect_dma semaphore(%run_scoped3A_190 : memref<!tpu.dma_semaphore, #tpu.memory_space<semaphore_mem>>) src(%arg13 : memref<40x128xf32, #tpu.memory_space<vmem>>) dst(%dma_wait3A_196 : memref<10240x128xf32, #tpu.memory_space<vmem_shared>>)
        tpu.yield
      }) : () -> ()
      %add3A_149 = arith.constant 2 : i32
      %add3A_150 = arith.addi %add3A_129, %add3A_149 : i32
      %lt3A_151 = arith.constant 250 : i32
      %lt3A_152 = arith.cmpi slt, %add3A_150, %lt3A_151 : i32
      %convert_element_type3A_153 = arith.extui %lt3A_152 : i1 to i32
      %cond3A_154 = arith.constant 0 : i32
      %cond3A_155 = arith.cmpi ne, %convert_element_type3A_153, %cond3A_154 : i32
      scf.if %cond3A_155 {
        %add3A_190 = arith.constant 2 : i32
        %add3A_191 = arith.addi %add3A_129, %add3A_190 : i32
        %dma_start3A_192 = arith.constant 0 : i32
        %dma_start3A_193 = tpu.memref_slice %arg4[%add3A, %add3A_191, %dma_start3A_192] : memref<32x250x40xi32, #tpu.memory_space<hbm>> -> memref<1x1x40xi32, #tpu.memory_space<hbm>>
        %dma_start3A_194 = tpu.memref_squeeze %dma_start3A_193 : memref<1x1x40xi32, #tpu.memory_space<hbm>> -> memref<40xi32, #tpu.memory_space<hbm>>
        %dma_start3A_195 = arith.constant 0 : i32
        %dma_start3A_196 = tpu.memref_slice %arg4[%add3A, %add3A_191, %dma_start3A_195] : memref<32x250x40xi32, #tpu.memory_space<hbm>> -> memref<1x1x40xi32, #tpu.memory_space<hbm>>
        %dma_start3A_197 = tpu.memref_squeeze %dma_start3A_196 : memref<1x1x40xi32, #tpu.memory_space<hbm>> -> memref<40xi32, #tpu.memory_space<hbm>>
        tpu.enqueue_dma source(%dma_start3A_197 : memref<40xi32, #tpu.memory_space<hbm>>) target(%arg7 : memref<40xi32, #tpu.memory_space<vmem>>) target_semaphore(%arg20 : memref<!tpu.dma_semaphore, #tpu.memory_space<semaphore_mem>>)
        %add3A_198 = arith.constant 2 : i32
        %add3A_199 = arith.addi %add3A_129, %add3A_198 : i32
        %dma_start3A_200 = arith.constant 0 : i32
        %dma_start3A_201 = tpu.memref_slice %arg5[%add3A, %add3A_199, %dma_start3A_200] : memref<32x250x40xi32, #tpu.memory_space<hbm>> -> memref<1x1x40xi32, #tpu.memory_space<hbm>>
        %dma_start3A_202 = tpu.memref_squeeze %dma_start3A_201 : memref<1x1x40xi32, #tpu.memory_space<hbm>> -> memref<40xi32, #tpu.memory_space<hbm>>
        %dma_start3A_203 = arith.constant 0 : i32
        %dma_start3A_204 = tpu.memref_slice %arg5[%add3A, %add3A_199, %dma_start3A_203] : memref<32x250x40xi32, #tpu.memory_space<hbm>> -> memref<1x1x40xi32, #tpu.memory_space<hbm>>
        %dma_start3A_205 = tpu.memref_squeeze %dma_start3A_204 : memref<1x1x40xi32, #tpu.memory_space<hbm>> -> memref<40xi32, #tpu.memory_space<hbm>>
        tpu.enqueue_dma source(%dma_start3A_205 : memref<40xi32, #tpu.memory_space<hbm>>) target(%arg8 : memref<40xi32, #tpu.memory_space<vmem>>) target_semaphore(%arg20 : memref<!tpu.dma_semaphore, #tpu.memory_space<semaphore_mem>>)
      } else {
      }
      %mul3A_156 = arith.constant 2 : i32
      %mul3A_157 = arith.muli %mul3A_156, %add3A_125 : i32
      %add3A_158 = arith.constant 1 : i32
      %add3A_159 = arith.addi %mul3A_157, %add3A_158 : i32
      %dma_wait3A_160 = arith.constant 0 : i32
      %dma_wait3A_161 = arith.constant 0 : i32
      %dma_wait3A_162 = tpu.memref_slice %arg2[%dma_wait3A_160, %dma_wait3A_161] : memref<10240x128xf32, #tpu.memory_space<hbm>> -> memref<10240x128xf32, #tpu.memory_space<hbm>>
      tpu.wait_indirect_dma semaphore(%arg21 : memref<!tpu.dma_semaphore, #tpu.memory_space<semaphore_mem>>) src(%dma_wait3A_162 : memref<10240x128xf32, #tpu.memory_space<hbm>>) dst(%arg14 : memref<40x128xf32, #tpu.memory_space<vmem>>)
      %dma_wait3A_163 = arith.constant 0 : i32
      %dma_wait3A_164 = arith.constant 0 : i32
      %dma_wait3A_165 = arith.constant 0 : i32
      %dma_wait3A_166 = tpu.memref_slice %arg3[%dma_wait3A_163, %dma_wait3A_164, %dma_wait3A_165] : memref<160000x2x128xbf16, #tpu.memory_space<hbm>> -> memref<20x2x128xbf16, #tpu.memory_space<hbm>>
      %dma_wait3A_167 = arith.constant 0 : i32
      %dma_wait3A_168 = arith.constant 0 : i32
      %dma_wait3A_169 = arith.constant 0 : i32
      %dma_wait3A_170 = tpu.memref_slice %arg3[%dma_wait3A_167, %dma_wait3A_168, %dma_wait3A_169] : memref<160000x2x128xbf16, #tpu.memory_space<hbm>> -> memref<20x2x128xbf16, #tpu.memory_space<hbm>>
      tpu.wait_dma2 semaphore(%arg22 : memref<!tpu.dma_semaphore, #tpu.memory_space<semaphore_mem>>) src(%dma_wait3A_170 : memref<20x2x128xbf16, #tpu.memory_space<hbm>>) dst(%arg15 : memref<20x2x128xbf16, #tpu.memory_space<vmem>>)
      %add3A_171 = arith.constant 1 : i32
      %add3A_172 = arith.addi %add3A_159, %add3A_171 : i32
      %lt3A_173 = arith.constant 250 : i32
      %lt3A_174 = arith.cmpi slt, %add3A_172, %lt3A_173 : i32
      %convert_element_type3A_175 = arith.extui %lt3A_174 : i1 to i32
      %cond3A_176 = arith.constant 0 : i32
      %cond3A_177 = arith.cmpi ne, %convert_element_type3A_175, %cond3A_176 : i32
      scf.if %cond3A_177 {
        %dma_wait3A_190 = arith.constant 0 : i32
        %dma_wait3A_191 = arith.constant 0 : i32
        %dma_wait3A_192 = tpu.memref_slice %arg4[%add3A, %dma_wait3A_190, %dma_wait3A_191] : memref<32x250x40xi32, #tpu.memory_space<hbm>> -> memref<1x1x40xi32, #tpu.memory_space<hbm>>
        %dma_wait3A_193 = tpu.memref_squeeze %dma_wait3A_192 : memref<1x1x40xi32, #tpu.memory_space<hbm>> -> memref<40xi32, #tpu.memory_space<hbm>>
        %dma_wait3A_194 = arith.constant 0 : i32
        %dma_wait3A_195 = tpu.memref_slice %arg4[%add3A, %dma_wait3A_190, %dma_wait3A_194] : memref<32x250x40xi32, #tpu.memory_space<hbm>> -> memref<1x1x40xi32, #tpu.memory_space<hbm>>
        %dma_wait3A_196 = tpu.memref_squeeze %dma_wait3A_195 : memref<1x1x40xi32, #tpu.memory_space<hbm>> -> memref<40xi32, #tpu.memory_space<hbm>>
        tpu.wait_dma2 semaphore(%arg20 : memref<!tpu.dma_semaphore, #tpu.memory_space<semaphore_mem>>) src(%dma_wait3A_196 : memref<40xi32, #tpu.memory_space<hbm>>) dst(%arg7 : memref<40xi32, #tpu.memory_space<vmem>>)
        %dma_wait3A_197 = arith.constant 0 : i32
        %dma_wait3A_198 = arith.constant 0 : i32
        %dma_wait3A_199 = tpu.memref_slice %arg5[%add3A, %dma_wait3A_197, %dma_wait3A_198] : memref<32x250x40xi32, #tpu.memory_space<hbm>> -> memref<1x1x40xi32, #tpu.memory_space<hbm>>
        %dma_wait3A_200 = tpu.memref_squeeze %dma_wait3A_199 : memref<1x1x40xi32, #tpu.memory_space<hbm>> -> memref<40xi32, #tpu.memory_space<hbm>>
        %dma_wait3A_201 = arith.constant 0 : i32
        %dma_wait3A_202 = tpu.memref_slice %arg5[%add3A, %dma_wait3A_197, %dma_wait3A_201] : memref<32x250x40xi32, #tpu.memory_space<hbm>> -> memref<1x1x40xi32, #tpu.memory_space<hbm>>
        %dma_wait3A_203 = tpu.memref_squeeze %dma_wait3A_202 : memref<1x1x40xi32, #tpu.memory_space<hbm>> -> memref<40xi32, #tpu.memory_space<hbm>>
        tpu.wait_dma2 semaphore(%arg20 : memref<!tpu.dma_semaphore, #tpu.memory_space<semaphore_mem>>) src(%dma_wait3A_203 : memref<40xi32, #tpu.memory_space<hbm>>) dst(%arg8 : memref<40xi32, #tpu.memory_space<vmem>>)
        %dma_start3A_204 = arith.constant 0 : i32
        %dma_start3A_205 = arith.constant 0 : i32
        %dma_start3A_206 = tpu.memref_slice %arg2[%dma_start3A_204, %dma_start3A_205] : memref<10240x128xf32, #tpu.memory_space<hbm>> -> memref<10240x128xf32, #tpu.memory_space<hbm>>
        tpu.enqueue_indirect_dma source(%dma_start3A_206 : memref<10240x128xf32, #tpu.memory_space<hbm>>) target(%arg11 : memref<40x128xf32, #tpu.memory_space<vmem>>) offsets(%arg7 : memref<40xi32, #tpu.memory_space<vmem>>) semaphore(%arg18 : memref<!tpu.dma_semaphore, #tpu.memory_space<semaphore_mem>>)
        %mul3A_207 = arith.constant 10000 : i32
        %mul3A_208 = arith.muli %add3A, %mul3A_207 : i32
        %add3A_209 = arith.constant 1 : i32
        %add3A_210 = arith.addi %add3A_159, %add3A_209 : i32
        %mul3A_211 = arith.constant 40 : i32
        %mul3A_212 = arith.muli %add3A_210, %mul3A_211 : i32
        %add3A_213 = arith.addi %mul3A_208, %mul3A_212 : i32
        %jit3A_214 = arith.constant 2 : i32
        %div3A_215 = arith.divsi %add3A_213, %jit3A_214 : i32
        %sign3A_216 = arith.constant 0 : i32
        %sign3A_217 = arith.cmpi sgt, %add3A_213, %sign3A_216 : i32
        %sign3A_218 = arith.extui %sign3A_217 : i1 to i32
        %sign3A_219 = arith.constant 0 : i32
        %sign3A_220 = arith.cmpi slt, %add3A_213, %sign3A_219 : i32
        %sign3A_221 = arith.extui %sign3A_220 : i1 to i32
        %sign3A_222 = arith.subi %sign3A_218, %sign3A_221 : i32
        %sign3A_223 = arith.constant 0 : i32
        %sign3A_224 = arith.cmpi sgt, %jit3A_214, %sign3A_223 : i32
        %sign3A_225 = arith.extui %sign3A_224 : i1 to i32
        %sign3A_226 = arith.constant 0 : i32
        %sign3A_227 = arith.cmpi slt, %jit3A_214, %sign3A_226 : i32
        %sign3A_228 = arith.extui %sign3A_227 : i1 to i32
        %sign3A_229 = arith.subi %sign3A_225, %sign3A_228 : i32
        %ne3A_230 = arith.cmpi ne, %sign3A_222, %sign3A_229 : i32
        %rem3A_231 = arith.remsi %add3A_213, %jit3A_214 : i32
        %ne3A_232 = arith.constant 0 : i32
        %ne3A_233 = arith.cmpi ne, %rem3A_231, %ne3A_232 : i32
        %and3A_234 = arith.andi %ne3A_230, %ne3A_233 : i1
        %sub3A_235 = arith.constant 1 : i32
        %sub3A_236 = arith.subi %div3A_215, %sub3A_235 : i32
        %select_n3A_237 = arith.select %and3A_234, %sub3A_236, %div3A_215 : i32
        %dma_start3A_238 = arith.constant 0 : i32
        %dma_start3A_239 = arith.constant 0 : i32
        %dma_start3A_240 = tpu.memref_slice %arg3[%select_n3A_237, %dma_start3A_238, %dma_start3A_239] : memref<160000x2x128xbf16, #tpu.memory_space<hbm>> -> memref<20x2x128xbf16, #tpu.memory_space<hbm>>
        %dma_start3A_241 = arith.constant 0 : i32
        %dma_start3A_242 = arith.constant 0 : i32
        %dma_start3A_243 = tpu.memref_slice %arg3[%select_n3A_237, %dma_start3A_241, %dma_start3A_242] : memref<160000x2x128xbf16, #tpu.memory_space<hbm>> -> memref<20x2x128xbf16, #tpu.memory_space<hbm>>
        tpu.enqueue_dma source(%dma_start3A_243 : memref<20x2x128xbf16, #tpu.memory_space<hbm>>) target(%arg12 : memref<20x2x128xbf16, #tpu.memory_space<vmem>>) target_semaphore(%arg19 : memref<!tpu.dma_semaphore, #tpu.memory_space<semaphore_mem>>)
      } else {
      }
      %scan3A_178 = arith.constant 0 : i32
      %scan3A_179 = arith.constant 20 : i32
      %scan3A_180 = arith.addi %scan3A_178, %scan3A_179 : i32
      %scan3A_181 = arith.constant 1 : i32
      scf.for %scan3A_190 = %scan3A_178 to %scan3A_180 step %scan3A_181  : i32 {
        %mul3A_191 = arith.constant 1 : i32
        %mul3A_192 = arith.muli %scan3A_190, %mul3A_191 : i32
        %add3A_193 = arith.constant 0 : i32
        %add3A_194 = arith.addi %add3A_193, %mul3A_192 : i32
        %get3A = arith.constant 0 : i32
        %get3A_195 = arith.index_cast %add3A_194 : i32 to index
        %get3A_196 = arith.index_cast %get3A : i32 to index
        %get3A_197 = arith.constant 0 : index
        %get3A_198 = tpu.vector_load %arg15[%get3A_195, %get3A_196, %get3A_197] {strides = array<i32>} : memref<20x2x128xbf16, #tpu.memory_space<vmem>>, vector<1x1x32xbf16>,
        %get3A_199 = vector.shape_cast %get3A_198 : vector<1x1x32xbf16> to vector<32xbf16>
        %convert_element_type3A_200 = arith.extf %get3A_199 : vector<32xbf16> to vector<32xf32>
        %mul3A_201 = arith.constant 2 : i32
        %mul3A_202 = arith.muli %mul3A_201, %add3A_194 : i32
        %add3A_203 = arith.constant 0 : i32
        %add3A_204 = arith.addi %mul3A_202, %add3A_203 : i32
        %get3A_205 = arith.index_cast %add3A_204 : i32 to index
        %get3A_206 = arith.constant 0 : index
        %get3A_207 = tpu.vector_load %arg14[%get3A_205, %get3A_206] {strides = array<i32>} : memref<40x128xf32, #tpu.memory_space<vmem>>, vector<1x16xf32>,
        %get3A_208 = vector.shape_cast %get3A_207 : vector<1x16xf32> to vector<16xf32>
        %slice3A = vector.extract_strided_slice %convert_element_type3A_200 {offsets = [0], sizes = [16], strides = [1]} : vector<32xf32> to vector<16xf32>
        %add3A_209 = arith.addf %get3A_208, %slice3A : vector<16xf32>
        %max3A = arith.constant 0.000000e+00 : f32
        %max3A_210 = vector.broadcast %max3A : f32 to vector<16xf32>
        %max3A_211 = arith.maximumf %add3A_209, %max3A_210 : vector<16xf32>
        %swap3A = arith.index_cast %add3A_204 : i32 to index
        %swap3A_212 = arith.constant 0 : index
        %swap3A_213 = tpu.vector_load %arg16[%swap3A, %swap3A_212] {strides = array<i32>} : memref<40x128xf32, #tpu.memory_space<vmem>>, vector<1x16xf32>,
        %swap3A_214 = vector.shape_cast %swap3A_213 : vector<1x16xf32> to vector<16xf32>
        %swap3A_215 = vector.shape_cast %max3A_211 : vector<16xf32> to vector<1x16xf32>
        tpu.vector_store %arg16[%swap3A, %swap3A_212], %swap3A_215 {strides = array<i32>} : memref<40x128xf32, #tpu.memory_space<vmem>>, vector<1x16xf32>,
        %get3A_216 = arith.index_cast %add3A_204 : i32 to index
        %get3A_217 = arith.constant 16 : index
        %get3A_218 = tpu.vector_load %arg14[%get3A_216, %get3A_217] {strides = array<i32>} : memref<40x128xf32, #tpu.memory_space<vmem>>, vector<1x16xf32>,
        %get3A_219 = vector.shape_cast %get3A_218 : vector<1x16xf32> to vector<16xf32>
        %slice3A_220 = vector.extract_strided_slice %convert_element_type3A_200 {offsets = [16], sizes = [16], strides = [1]} : vector<32xf32> to vector<16xf32>
        %add3A_221 = arith.addf %get3A_219, %slice3A_220 : vector<16xf32>
        %max3A_222 = arith.constant 0.000000e+00 : f32
        %max3A_223 = vector.broadcast %max3A_222 : f32 to vector<16xf32>
        %max3A_224 = arith.maximumf %add3A_221, %max3A_223 : vector<16xf32>
        %swap3A_225 = arith.index_cast %add3A_204 : i32 to index
        %swap3A_226 = arith.constant 16 : index
        %swap3A_227 = tpu.vector_load %arg16[%swap3A_225, %swap3A_226] {strides = array<i32>} : memref<40x128xf32, #tpu.memory_space<vmem>>, vector<1x16xf32>,
        %swap3A_228 = vector.shape_cast %swap3A_227 : vector<1x16xf32> to vector<16xf32>
        %swap3A_229 = vector.shape_cast %max3A_224 : vector<16xf32> to vector<1x16xf32>
        tpu.vector_store %arg16[%swap3A_225, %swap3A_226], %swap3A_229 {strides = array<i32>} : memref<40x128xf32, #tpu.memory_space<vmem>>, vector<1x16xf32>,
        %get3A_230 = arith.constant 0 : i32
        %get3A_231 = arith.index_cast %add3A_194 : i32 to index
        %get3A_232 = arith.index_cast %get3A_230 : i32 to index
        %get3A_233 = arith.constant 32 : index
        %get3A_234 = tpu.vector_load %arg15[%get3A_231, %get3A_232, %get3A_233] {strides = array<i32>} : memref<20x2x128xbf16, #tpu.memory_space<vmem>>, vector<1x1x32xbf16>,
        %get3A_235 = vector.shape_cast %get3A_234 : vector<1x1x32xbf16> to vector<32xbf16>
        %convert_element_type3A_236 = arith.extf %get3A_235 : vector<32xbf16> to vector<32xf32>
        %mul3A_237 = arith.constant 2 : i32
        %mul3A_238 = arith.muli %mul3A_237, %add3A_194 : i32
        %add3A_239 = arith.constant 0 : i32
        %add3A_240 = arith.addi %mul3A_238, %add3A_239 : i32
        %get3A_241 = arith.index_cast %add3A_240 : i32 to index
        %get3A_242 = arith.constant 32 : index
        %get3A_243 = tpu.vector_load %arg14[%get3A_241, %get3A_242] {strides = array<i32>} : memref<40x128xf32, #tpu.memory_space<vmem>>, vector<1x16xf32>,
        %get3A_244 = vector.shape_cast %get3A_243 : vector<1x16xf32> to vector<16xf32>
        %slice3A_245 = vector.extract_strided_slice %convert_element_type3A_236 {offsets = [0], sizes = [16], strides = [1]} : vector<32xf32> to vector<16xf32>
        %add3A_246 = arith.addf %get3A_244, %slice3A_245 : vector<16xf32>
        %max3A_247 = arith.constant 0.000000e+00 : f32
        %max3A_248 = vector.broadcast %max3A_247 : f32 to vector<16xf32>
        %max3A_249 = arith.maximumf %add3A_246, %max3A_248 : vector<16xf32>
        %swap3A_250 = arith.index_cast %add3A_240 : i32 to index
        %swap3A_251 = arith.constant 32 : index
        %swap3A_252 = tpu.vector_load %arg16[%swap3A_250, %swap3A_251] {strides = array<i32>} : memref<40x128xf32, #tpu.memory_space<vmem>>, vector<1x16xf32>,
        %swap3A_253 = vector.shape_cast %swap3A_252 : vector<1x16xf32> to vector<16xf32>
        %swap3A_254 = vector.shape_cast %max3A_249 : vector<16xf32> to vector<1x16xf32>
        tpu.vector_store %arg16[%swap3A_250, %swap3A_251], %swap3A_254 {strides = array<i32>} : memref<40x128xf32, #tpu.memory_space<vmem>>, vector<1x16xf32>,
        %get3A_255 = arith.index_cast %add3A_240 : i32 to index
        %get3A_256 = arith.constant 48 : index
        %get3A_257 = tpu.vector_load %arg14[%get3A_255, %get3A_256] {strides = array<i32>} : memref<40x128xf32, #tpu.memory_space<vmem>>, vector<1x16xf32>,
        %get3A_258 = vector.shape_cast %get3A_257 : vector<1x16xf32> to vector<16xf32>
        %slice3A_259 = vector.extract_strided_slice %convert_element_type3A_236 {offsets = [16], sizes = [16], strides = [1]} : vector<32xf32> to vector<16xf32>
        %add3A_260 = arith.addf %get3A_258, %slice3A_259 : vector<16xf32>
        %max3A_261 = arith.constant 0.000000e+00 : f32
        %max3A_262 = vector.broadcast %max3A_261 : f32 to vector<16xf32>
        %max3A_263 = arith.maximumf %add3A_260, %max3A_262 : vector<16xf32>
        %swap3A_264 = arith.index_cast %add3A_240 : i32 to index
        %swap3A_265 = arith.constant 48 : index
        %swap3A_266 = tpu.vector_load %arg16[%swap3A_264, %swap3A_265] {strides = array<i32>} : memref<40x128xf32, #tpu.memory_space<vmem>>, vector<1x16xf32>,
        %swap3A_267 = vector.shape_cast %swap3A_266 : vector<1x16xf32> to vector<16xf32>
        %swap3A_268 = vector.shape_cast %max3A_263 : vector<16xf32> to vector<1x16xf32>
        tpu.vector_store %arg16[%swap3A_264, %swap3A_265], %swap3A_268 {strides = array<i32>} : memref<40x128xf32, #tpu.memory_space<vmem>>, vector<1x16xf32>,
        %get3A_269 = arith.constant 0 : i32
        %get3A_270 = arith.index_cast %add3A_194 : i32 to index
        %get3A_271 = arith.index_cast %get3A_269 : i32 to index
        %get3A_272 = arith.constant 64 : index
        %get3A_273 = tpu.vector_load %arg15[%get3A_270, %get3A_271, %get3A_272] {strides = array<i32>} : memref<20x2x128xbf16, #tpu.memory_space<vmem>>, vector<1x1x32xbf16>,
        %get3A_274 = vector.shape_cast %get3A_273 : vector<1x1x32xbf16> to vector<32xbf16>
        %convert_element_type3A_275 = arith.extf %get3A_274 : vector<32xbf16> to vector<32xf32>
        %mul3A_276 = arith.constant 2 : i32
        %mul3A_277 = arith.muli %mul3A_276, %add3A_194 : i32
        %add3A_278 = arith.constant 0 : i32
        %add3A_279 = arith.addi %mul3A_277, %add3A_278 : i32
        %get3A_280 = arith.index_cast %add3A_279 : i32 to index
        %get3A_281 = arith.constant 64 : index
        %get3A_282 = tpu.vector_load %arg14[%get3A_280, %get3A_281] {strides = array<i32>} : memref<40x128xf32, #tpu.memory_space<vmem>>, vector<1x16xf32>,
        %get3A_283 = vector.shape_cast %get3A_282 : vector<1x16xf32> to vector<16xf32>
        %slice3A_284 = vector.extract_strided_slice %convert_element_type3A_275 {offsets = [0], sizes = [16], strides = [1]} : vector<32xf32> to vector<16xf32>
        %add3A_285 = arith.addf %get3A_283, %slice3A_284 : vector<16xf32>
        %max3A_286 = arith.constant 0.000000e+00 : f32
        %max3A_287 = vector.broadcast %max3A_286 : f32 to vector<16xf32>
        %max3A_288 = arith.maximumf %add3A_285, %max3A_287 : vector<16xf32>
        %swap3A_289 = arith.index_cast %add3A_279 : i32 to index
        %swap3A_290 = arith.constant 64 : index
        %swap3A_291 = tpu.vector_load %arg16[%swap3A_289, %swap3A_290] {strides = array<i32>} : memref<40x128xf32, #tpu.memory_space<vmem>>, vector<1x16xf32>,
        %swap3A_292 = vector.shape_cast %swap3A_291 : vector<1x16xf32> to vector<16xf32>
        %swap3A_293 = vector.shape_cast %max3A_288 : vector<16xf32> to vector<1x16xf32>
        tpu.vector_store %arg16[%swap3A_289, %swap3A_290], %swap3A_293 {strides = array<i32>} : memref<40x128xf32, #tpu.memory_space<vmem>>, vector<1x16xf32>,
        %get3A_294 = arith.index_cast %add3A_279 : i32 to index
        %get3A_295 = arith.constant 80 : index
        %get3A_296 = tpu.vector_load %arg14[%get3A_294, %get3A_295] {strides = array<i32>} : memref<40x128xf32, #tpu.memory_space<vmem>>, vector<1x16xf32>,
        %get3A_297 = vector.shape_cast %get3A_296 : vector<1x16xf32> to vector<16xf32>
        %slice3A_298 = vector.extract_strided_slice %convert_element_type3A_275 {offsets = [16], sizes = [16], strides = [1]} : vector<32xf32> to vector<16xf32>
        %add3A_299 = arith.addf %get3A_297, %slice3A_298 : vector<16xf32>
        %max3A_300 = arith.constant 0.000000e+00 : f32
        %max3A_301 = vector.broadcast %max3A_300 : f32 to vector<16xf32>
        %max3A_302 = arith.maximumf %add3A_299, %max3A_301 : vector<16xf32>
        %swap3A_303 = arith.index_cast %add3A_279 : i32 to index
        %swap3A_304 = arith.constant 80 : index
        %swap3A_305 = tpu.vector_load %arg16[%swap3A_303, %swap3A_304] {strides = array<i32>} : memref<40x128xf32, #tpu.memory_space<vmem>>, vector<1x16xf32>,
        %swap3A_306 = vector.shape_cast %swap3A_305 : vector<1x16xf32> to vector<16xf32>
        %swap3A_307 = vector.shape_cast %max3A_302 : vector<16xf32> to vector<1x16xf32>
        tpu.vector_store %arg16[%swap3A_303, %swap3A_304], %swap3A_307 {strides = array<i32>} : memref<40x128xf32, #tpu.memory_space<vmem>>, vector<1x16xf32>,
        %get3A_308 = arith.constant 0 : i32
        %get3A_309 = arith.index_cast %add3A_194 : i32 to index
        %get3A_310 = arith.index_cast %get3A_308 : i32 to index
        %get3A_311 = arith.constant 96 : index
        %get3A_312 = tpu.vector_load %arg15[%get3A_309, %get3A_310, %get3A_311] {strides = array<i32>} : memref<20x2x128xbf16, #tpu.memory_space<vmem>>, vector<1x1x32xbf16>,
        %get3A_313 = vector.shape_cast %get3A_312 : vector<1x1x32xbf16> to vector<32xbf16>
        %convert_element_type3A_314 = arith.extf %get3A_313 : vector<32xbf16> to vector<32xf32>
        %mul3A_315 = arith.constant 2 : i32
        %mul3A_316 = arith.muli %mul3A_315, %add3A_194 : i32
        %add3A_317 = arith.constant 0 : i32
        %add3A_318 = arith.addi %mul3A_316, %add3A_317 : i32
        %get3A_319 = arith.index_cast %add3A_318 : i32 to index
        %get3A_320 = arith.constant 96 : index
        %get3A_321 = tpu.vector_load %arg14[%get3A_319, %get3A_320] {strides = array<i32>} : memref<40x128xf32, #tpu.memory_space<vmem>>, vector<1x16xf32>,
        %get3A_322 = vector.shape_cast %get3A_321 : vector<1x16xf32> to vector<16xf32>
        %slice3A_323 = vector.extract_strided_slice %convert_element_type3A_314 {offsets = [0], sizes = [16], strides = [1]} : vector<32xf32> to vector<16xf32>
        %add3A_324 = arith.addf %get3A_322, %slice3A_323 : vector<16xf32>
        %max3A_325 = arith.constant 0.000000e+00 : f32
        %max3A_326 = vector.broadcast %max3A_325 : f32 to vector<16xf32>
        %max3A_327 = arith.maximumf %add3A_324, %max3A_326 : vector<16xf32>
        %swap3A_328 = arith.index_cast %add3A_318 : i32 to index
        %swap3A_329 = arith.constant 96 : index
        %swap3A_330 = tpu.vector_load %arg16[%swap3A_328, %swap3A_329] {strides = array<i32>} : memref<40x128xf32, #tpu.memory_space<vmem>>, vector<1x16xf32>,
        %swap3A_331 = vector.shape_cast %swap3A_330 : vector<1x16xf32> to vector<16xf32>
        %swap3A_332 = vector.shape_cast %max3A_327 : vector<16xf32> to vector<1x16xf32>
        tpu.vector_store %arg16[%swap3A_328, %swap3A_329], %swap3A_332 {strides = array<i32>} : memref<40x128xf32, #tpu.memory_space<vmem>>, vector<1x16xf32>,
        %get3A_333 = arith.index_cast %add3A_318 : i32 to index
        %get3A_334 = arith.constant 112 : index
        %get3A_335 = tpu.vector_load %arg14[%get3A_333, %get3A_334] {strides = array<i32>} : memref<40x128xf32, #tpu.memory_space<vmem>>, vector<1x16xf32>,
        %get3A_336 = vector.shape_cast %get3A_335 : vector<1x16xf32> to vector<16xf32>
        %slice3A_337 = vector.extract_strided_slice %convert_element_type3A_314 {offsets = [16], sizes = [16], strides = [1]} : vector<32xf32> to vector<16xf32>
        %add3A_338 = arith.addf %get3A_336, %slice3A_337 : vector<16xf32>
        %max3A_339 = arith.constant 0.000000e+00 : f32
        %max3A_340 = vector.broadcast %max3A_339 : f32 to vector<16xf32>
        %max3A_341 = arith.maximumf %add3A_338, %max3A_340 : vector<16xf32>
        %swap3A_342 = arith.index_cast %add3A_318 : i32 to index
        %swap3A_343 = arith.constant 112 : index
        %swap3A_344 = tpu.vector_load %arg16[%swap3A_342, %swap3A_343] {strides = array<i32>} : memref<40x128xf32, #tpu.memory_space<vmem>>, vector<1x16xf32>,
        %swap3A_345 = vector.shape_cast %swap3A_344 : vector<1x16xf32> to vector<16xf32>
        %swap3A_346 = vector.shape_cast %max3A_341 : vector<16xf32> to vector<1x16xf32>
        tpu.vector_store %arg16[%swap3A_342, %swap3A_343], %swap3A_346 {strides = array<i32>} : memref<40x128xf32, #tpu.memory_space<vmem>>, vector<1x16xf32>,
        %get3A_347 = arith.constant 1 : i32
        %get3A_348 = arith.index_cast %add3A_194 : i32 to index
        %get3A_349 = arith.index_cast %get3A_347 : i32 to index
        %get3A_350 = arith.constant 0 : index
        %get3A_351 = tpu.vector_load %arg15[%get3A_348, %get3A_349, %get3A_350] {strides = array<i32>} : memref<20x2x128xbf16, #tpu.memory_space<vmem>>, vector<1x1x32xbf16>,
        %get3A_352 = vector.shape_cast %get3A_351 : vector<1x1x32xbf16> to vector<32xbf16>
        %convert_element_type3A_353 = arith.extf %get3A_352 : vector<32xbf16> to vector<32xf32>
        %mul3A_354 = arith.constant 2 : i32
        %mul3A_355 = arith.muli %mul3A_354, %add3A_194 : i32
        %add3A_356 = arith.constant 1 : i32
        %add3A_357 = arith.addi %mul3A_355, %add3A_356 : i32
        %get3A_358 = arith.index_cast %add3A_357 : i32 to index
        %get3A_359 = arith.constant 0 : index
        %get3A_360 = tpu.vector_load %arg14[%get3A_358, %get3A_359] {strides = array<i32>} : memref<40x128xf32, #tpu.memory_space<vmem>>, vector<1x16xf32>,
        %get3A_361 = vector.shape_cast %get3A_360 : vector<1x16xf32> to vector<16xf32>
        %slice3A_362 = vector.extract_strided_slice %convert_element_type3A_353 {offsets = [0], sizes = [16], strides = [1]} : vector<32xf32> to vector<16xf32>
        %add3A_363 = arith.addf %get3A_361, %slice3A_362 : vector<16xf32>
        %max3A_364 = arith.constant 0.000000e+00 : f32
        %max3A_365 = vector.broadcast %max3A_364 : f32 to vector<16xf32>
        %max3A_366 = arith.maximumf %add3A_363, %max3A_365 : vector<16xf32>
        %swap3A_367 = arith.index_cast %add3A_357 : i32 to index
        %swap3A_368 = arith.constant 0 : index
        %swap3A_369 = tpu.vector_load %arg16[%swap3A_367, %swap3A_368] {strides = array<i32>} : memref<40x128xf32, #tpu.memory_space<vmem>>, vector<1x16xf32>,
        %swap3A_370 = vector.shape_cast %swap3A_369 : vector<1x16xf32> to vector<16xf32>
        %swap3A_371 = vector.shape_cast %max3A_366 : vector<16xf32> to vector<1x16xf32>
        tpu.vector_store %arg16[%swap3A_367, %swap3A_368], %swap3A_371 {strides = array<i32>} : memref<40x128xf32, #tpu.memory_space<vmem>>, vector<1x16xf32>,
        %get3A_372 = arith.index_cast %add3A_357 : i32 to index
        %get3A_373 = arith.constant 16 : index
        %get3A_374 = tpu.vector_load %arg14[%get3A_372, %get3A_373] {strides = array<i32>} : memref<40x128xf32, #tpu.memory_space<vmem>>, vector<1x16xf32>,
        %get3A_375 = vector.shape_cast %get3A_374 : vector<1x16xf32> to vector<16xf32>
        %slice3A_376 = vector.extract_strided_slice %convert_element_type3A_353 {offsets = [16], sizes = [16], strides = [1]} : vector<32xf32> to vector<16xf32>
        %add3A_377 = arith.addf %get3A_375, %slice3A_376 : vector<16xf32>
        %max3A_378 = arith.constant 0.000000e+00 : f32
        %max3A_379 = vector.broadcast %max3A_378 : f32 to vector<16xf32>
        %max3A_380 = arith.maximumf %add3A_377, %max3A_379 : vector<16xf32>
        %swap3A_381 = arith.index_cast %add3A_357 : i32 to index
        %swap3A_382 = arith.constant 16 : index
        %swap3A_383 = tpu.vector_load %arg16[%swap3A_381, %swap3A_382] {strides = array<i32>} : memref<40x128xf32, #tpu.memory_space<vmem>>, vector<1x16xf32>,
        %swap3A_384 = vector.shape_cast %swap3A_383 : vector<1x16xf32> to vector<16xf32>
        %swap3A_385 = vector.shape_cast %max3A_380 : vector<16xf32> to vector<1x16xf32>
        tpu.vector_store %arg16[%swap3A_381, %swap3A_382], %swap3A_385 {strides = array<i32>} : memref<40x128xf32, #tpu.memory_space<vmem>>, vector<1x16xf32>,
        %get3A_386 = arith.constant 1 : i32
        %get3A_387 = arith.index_cast %add3A_194 : i32 to index
        %get3A_388 = arith.index_cast %get3A_386 : i32 to index
        %get3A_389 = arith.constant 32 : index
        %get3A_390 = tpu.vector_load %arg15[%get3A_387, %get3A_388, %get3A_389] {strides = array<i32>} : memref<20x2x128xbf16, #tpu.memory_space<vmem>>, vector<1x1x32xbf16>,
        %get3A_391 = vector.shape_cast %get3A_390 : vector<1x1x32xbf16> to vector<32xbf16>
        %convert_element_type3A_392 = arith.extf %get3A_391 : vector<32xbf16> to vector<32xf32>
        %mul3A_393 = arith.constant 2 : i32
        %mul3A_394 = arith.muli %mul3A_393, %add3A_194 : i32
        %add3A_395 = arith.constant 1 : i32
        %add3A_396 = arith.addi %mul3A_394, %add3A_395 : i32
        %get3A_397 = arith.index_cast %add3A_396 : i32 to index
        %get3A_398 = arith.constant 32 : index
        %get3A_399 = tpu.vector_load %arg14[%get3A_397, %get3A_398] {strides = array<i32>} : memref<40x128xf32, #tpu.memory_space<vmem>>, vector<1x16xf32>,
        %get3A_400 = vector.shape_cast %get3A_399 : vector<1x16xf32> to vector<16xf32>
        %slice3A_401 = vector.extract_strided_slice %convert_element_type3A_392 {offsets = [0], sizes = [16], strides = [1]} : vector<32xf32> to vector<16xf32>
        %add3A_402 = arith.addf %get3A_400, %slice3A_401 : vector<16xf32>
        %max3A_403 = arith.constant 0.000000e+00 : f32
        %max3A_404 = vector.broadcast %max3A_403 : f32 to vector<16xf32>
        %max3A_405 = arith.maximumf %add3A_402, %max3A_404 : vector<16xf32>
        %swap3A_406 = arith.index_cast %add3A_396 : i32 to index
        %swap3A_407 = arith.constant 32 : index
        %swap3A_408 = tpu.vector_load %arg16[%swap3A_406, %swap3A_407] {strides = array<i32>} : memref<40x128xf32, #tpu.memory_space<vmem>>, vector<1x16xf32>,
        %swap3A_409 = vector.shape_cast %swap3A_408 : vector<1x16xf32> to vector<16xf32>
        %swap3A_410 = vector.shape_cast %max3A_405 : vector<16xf32> to vector<1x16xf32>
        tpu.vector_store %arg16[%swap3A_406, %swap3A_407], %swap3A_410 {strides = array<i32>} : memref<40x128xf32, #tpu.memory_space<vmem>>, vector<1x16xf32>,
        %get3A_411 = arith.index_cast %add3A_396 : i32 to index
        %get3A_412 = arith.constant 48 : index
        %get3A_413 = tpu.vector_load %arg14[%get3A_411, %get3A_412] {strides = array<i32>} : memref<40x128xf32, #tpu.memory_space<vmem>>, vector<1x16xf32>,
        %get3A_414 = vector.shape_cast %get3A_413 : vector<1x16xf32> to vector<16xf32>
        %slice3A_415 = vector.extract_strided_slice %convert_element_type3A_392 {offsets = [16], sizes = [16], strides = [1]} : vector<32xf32> to vector<16xf32>
        %add3A_416 = arith.addf %get3A_414, %slice3A_415 : vector<16xf32>
        %max3A_417 = arith.constant 0.000000e+00 : f32
        %max3A_418 = vector.broadcast %max3A_417 : f32 to vector<16xf32>
        %max3A_419 = arith.maximumf %add3A_416, %max3A_418 : vector<16xf32>
        %swap3A_420 = arith.index_cast %add3A_396 : i32 to index
        %swap3A_421 = arith.constant 48 : index
        %swap3A_422 = tpu.vector_load %arg16[%swap3A_420, %swap3A_421] {strides = array<i32>} : memref<40x128xf32, #tpu.memory_space<vmem>>, vector<1x16xf32>,
        %swap3A_423 = vector.shape_cast %swap3A_422 : vector<1x16xf32> to vector<16xf32>
        %swap3A_424 = vector.shape_cast %max3A_419 : vector<16xf32> to vector<1x16xf32>
        tpu.vector_store %arg16[%swap3A_420, %swap3A_421], %swap3A_424 {strides = array<i32>} : memref<40x128xf32, #tpu.memory_space<vmem>>, vector<1x16xf32>,
        %get3A_425 = arith.constant 1 : i32
        %get3A_426 = arith.index_cast %add3A_194 : i32 to index
        %get3A_427 = arith.index_cast %get3A_425 : i32 to index
        %get3A_428 = arith.constant 64 : index
        %get3A_429 = tpu.vector_load %arg15[%get3A_426, %get3A_427, %get3A_428] {strides = array<i32>} : memref<20x2x128xbf16, #tpu.memory_space<vmem>>, vector<1x1x32xbf16>,
        %get3A_430 = vector.shape_cast %get3A_429 : vector<1x1x32xbf16> to vector<32xbf16>
        %convert_element_type3A_431 = arith.extf %get3A_430 : vector<32xbf16> to vector<32xf32>
        %mul3A_432 = arith.constant 2 : i32
        %mul3A_433 = arith.muli %mul3A_432, %add3A_194 : i32
        %add3A_434 = arith.constant 1 : i32
        %add3A_435 = arith.addi %mul3A_433, %add3A_434 : i32
        %get3A_436 = arith.index_cast %add3A_435 : i32 to index
        %get3A_437 = arith.constant 64 : index
        %get3A_438 = tpu.vector_load %arg14[%get3A_436, %get3A_437] {strides = array<i32>} : memref<40x128xf32, #tpu.memory_space<vmem>>, vector<1x16xf32>,
        %get3A_439 = vector.shape_cast %get3A_438 : vector<1x16xf32> to vector<16xf32>
        %slice3A_440 = vector.extract_strided_slice %convert_element_type3A_431 {offsets = [0], sizes = [16], strides = [1]} : vector<32xf32> to vector<16xf32>
        %add3A_441 = arith.addf %get3A_439, %slice3A_440 : vector<16xf32>
        %max3A_442 = arith.constant 0.000000e+00 : f32
        %max3A_443 = vector.broadcast %max3A_442 : f32 to vector<16xf32>
        %max3A_444 = arith.maximumf %add3A_441, %max3A_443 : vector<16xf32>
        %swap3A_445 = arith.index_cast %add3A_435 : i32 to index
        %swap3A_446 = arith.constant 64 : index
        %swap3A_447 = tpu.vector_load %arg16[%swap3A_445, %swap3A_446] {strides = array<i32>} : memref<40x128xf32, #tpu.memory_space<vmem>>, vector<1x16xf32>,
        %swap3A_448 = vector.shape_cast %swap3A_447 : vector<1x16xf32> to vector<16xf32>
        %swap3A_449 = vector.shape_cast %max3A_444 : vector<16xf32> to vector<1x16xf32>
        tpu.vector_store %arg16[%swap3A_445, %swap3A_446], %swap3A_449 {strides = array<i32>} : memref<40x128xf32, #tpu.memory_space<vmem>>, vector<1x16xf32>,
        %get3A_450 = arith.index_cast %add3A_435 : i32 to index
        %get3A_451 = arith.constant 80 : index
        %get3A_452 = tpu.vector_load %arg14[%get3A_450, %get3A_451] {strides = array<i32>} : memref<40x128xf32, #tpu.memory_space<vmem>>, vector<1x16xf32>,
        %get3A_453 = vector.shape_cast %get3A_452 : vector<1x16xf32> to vector<16xf32>
        %slice3A_454 = vector.extract_strided_slice %convert_element_type3A_431 {offsets = [16], sizes = [16], strides = [1]} : vector<32xf32> to vector<16xf32>
        %add3A_455 = arith.addf %get3A_453, %slice3A_454 : vector<16xf32>
        %max3A_456 = arith.constant 0.000000e+00 : f32
        %max3A_457 = vector.broadcast %max3A_456 : f32 to vector<16xf32>
        %max3A_458 = arith.maximumf %add3A_455, %max3A_457 : vector<16xf32>
        %swap3A_459 = arith.index_cast %add3A_435 : i32 to index
        %swap3A_460 = arith.constant 80 : index
        %swap3A_461 = tpu.vector_load %arg16[%swap3A_459, %swap3A_460] {strides = array<i32>} : memref<40x128xf32, #tpu.memory_space<vmem>>, vector<1x16xf32>,
        %swap3A_462 = vector.shape_cast %swap3A_461 : vector<1x16xf32> to vector<16xf32>
        %swap3A_463 = vector.shape_cast %max3A_458 : vector<16xf32> to vector<1x16xf32>
        tpu.vector_store %arg16[%swap3A_459, %swap3A_460], %swap3A_463 {strides = array<i32>} : memref<40x128xf32, #tpu.memory_space<vmem>>, vector<1x16xf32>,
        %get3A_464 = arith.constant 1 : i32
        %get3A_465 = arith.index_cast %add3A_194 : i32 to index
        %get3A_466 = arith.index_cast %get3A_464 : i32 to index
        %get3A_467 = arith.constant 96 : index
        %get3A_468 = tpu.vector_load %arg15[%get3A_465, %get3A_466, %get3A_467] {strides = array<i32>} : memref<20x2x128xbf16, #tpu.memory_space<vmem>>, vector<1x1x32xbf16>,
        %get3A_469 = vector.shape_cast %get3A_468 : vector<1x1x32xbf16> to vector<32xbf16>
        %convert_element_type3A_470 = arith.extf %get3A_469 : vector<32xbf16> to vector<32xf32>
        %mul3A_471 = arith.constant 2 : i32
        %mul3A_472 = arith.muli %mul3A_471, %add3A_194 : i32
        %add3A_473 = arith.constant 1 : i32
        %add3A_474 = arith.addi %mul3A_472, %add3A_473 : i32
        %get3A_475 = arith.index_cast %add3A_474 : i32 to index
        %get3A_476 = arith.constant 96 : index
        %get3A_477 = tpu.vector_load %arg14[%get3A_475, %get3A_476] {strides = array<i32>} : memref<40x128xf32, #tpu.memory_space<vmem>>, vector<1x16xf32>,
        %get3A_478 = vector.shape_cast %get3A_477 : vector<1x16xf32> to vector<16xf32>
        %slice3A_479 = vector.extract_strided_slice %convert_element_type3A_470 {offsets = [0], sizes = [16], strides = [1]} : vector<32xf32> to vector<16xf32>
        %add3A_480 = arith.addf %get3A_478, %slice3A_479 : vector<16xf32>
        %max3A_481 = arith.constant 0.000000e+00 : f32
        %max3A_482 = vector.broadcast %max3A_481 : f32 to vector<16xf32>
        %max3A_483 = arith.maximumf %add3A_480, %max3A_482 : vector<16xf32>
        %swap3A_484 = arith.index_cast %add3A_474 : i32 to index
        %swap3A_485 = arith.constant 96 : index
        %swap3A_486 = tpu.vector_load %arg16[%swap3A_484, %swap3A_485] {strides = array<i32>} : memref<40x128xf32, #tpu.memory_space<vmem>>, vector<1x16xf32>,
        %swap3A_487 = vector.shape_cast %swap3A_486 : vector<1x16xf32> to vector<16xf32>
        %swap3A_488 = vector.shape_cast %max3A_483 : vector<16xf32> to vector<1x16xf32>
        tpu.vector_store %arg16[%swap3A_484, %swap3A_485], %swap3A_488 {strides = array<i32>} : memref<40x128xf32, #tpu.memory_space<vmem>>, vector<1x16xf32>,
        %get3A_489 = arith.index_cast %add3A_474 : i32 to index
        %get3A_490 = arith.constant 112 : index
        %get3A_491 = tpu.vector_load %arg14[%get3A_489, %get3A_490] {strides = array<i32>} : memref<40x128xf32, #tpu.memory_space<vmem>>, vector<1x16xf32>,
        %get3A_492 = vector.shape_cast %get3A_491 : vector<1x16xf32> to vector<16xf32>
        %slice3A_493 = vector.extract_strided_slice %convert_element_type3A_470 {offsets = [16], sizes = [16], strides = [1]} : vector<32xf32> to vector<16xf32>
        %add3A_494 = arith.addf %get3A_492, %slice3A_493 : vector<16xf32>
        %max3A_495 = arith.constant 0.000000e+00 : f32
        %max3A_496 = vector.broadcast %max3A_495 : f32 to vector<16xf32>
        %max3A_497 = arith.maximumf %add3A_494, %max3A_496 : vector<16xf32>
        %swap3A_498 = arith.index_cast %add3A_474 : i32 to index
        %swap3A_499 = arith.constant 112 : index
        %swap3A_500 = tpu.vector_load %arg16[%swap3A_498, %swap3A_499] {strides = array<i32>} : memref<40x128xf32, #tpu.memory_space<vmem>>, vector<1x16xf32>,
        %swap3A_501 = vector.shape_cast %swap3A_500 : vector<1x16xf32> to vector<16xf32>
        %swap3A_502 = vector.shape_cast %max3A_497 : vector<16xf32> to vector<1x16xf32>
        tpu.vector_store %arg16[%swap3A_498, %swap3A_499], %swap3A_502 {strides = array<i32>} : memref<40x128xf32, #tpu.memory_space<vmem>>, vector<1x16xf32>,
      }
      %scan3A_182 = arith.constant 20 : i32
      "tpu.region"() ({
        %run_scoped3A_190 = tpu.sem_alloc : memref<!tpu.dma_semaphore, #tpu.memory_space<semaphore_mem>>
        %dma_start3A_191 = arith.constant 0 : i32
        %dma_start3A_192 = arith.constant 0 : i32
        %dma_start3A_193 = tpu.memref_slice %arg17[%dma_start3A_191, %dma_start3A_192] : memref<10240x128xf32, #tpu.memory_space<vmem_shared>> -> memref<10240x128xf32, #tpu.memory_space<vmem_shared>>
        tpu.enqueue_indirect_dma source(%arg16 : memref<40x128xf32, #tpu.memory_space<vmem>>) target(%dma_start3A_193 : memref<10240x128xf32, #tpu.memory_space<vmem_shared>>) offsets(%arg10 : memref<40xi32, #tpu.memory_space<vmem>>) semaphore(%run_scoped3A_190 : memref<!tpu.dma_semaphore, #tpu.memory_space<semaphore_mem>>) {add = true}
        %dma_wait3A_194 = arith.constant 0 : i32
        %dma_wait3A_195 = arith.constant 0 : i32
        %dma_wait3A_196 = tpu.memref_slice %arg17[%dma_wait3A_194, %dma_wait3A_195] : memref<10240x128xf32, #tpu.memory_space<vmem_shared>> -> memref<10240x128xf32, #tpu.memory_space<vmem_shared>>
        tpu.wait_indirect_dma semaphore(%run_scoped3A_190 : memref<!tpu.dma_semaphore, #tpu.memory_space<semaphore_mem>>) src(%arg16 : memref<40x128xf32, #tpu.memory_space<vmem>>) dst(%dma_wait3A_196 : memref<10240x128xf32, #tpu.memory_space<vmem_shared>>)
        tpu.yield
      }) : () -> ()
      %add3A_183 = arith.constant 2 : i32
      %add3A_184 = arith.addi %add3A_159, %add3A_183 : i32
      %lt3A_185 = arith.constant 250 : i32
      %lt3A_186 = arith.cmpi slt, %add3A_184, %lt3A_185 : i32
      %convert_element_type3A_187 = arith.extui %lt3A_186 : i1 to i32
      %cond3A_188 = arith.constant 0 : i32
      %cond3A_189 = arith.cmpi ne, %convert_element_type3A_187, %cond3A_188 : i32
      scf.if %cond3A_189 {
        %add3A_190 = arith.constant 2 : i32
        %add3A_191 = arith.addi %add3A_159, %add3A_190 : i32
        %dma_start3A_192 = arith.constant 0 : i32
        %dma_start3A_193 = tpu.memref_slice %arg4[%add3A, %add3A_191, %dma_start3A_192] : memref<32x250x40xi32, #tpu.memory_space<hbm>> -> memref<1x1x40xi32, #tpu.memory_space<hbm>>
        %dma_start3A_194 = tpu.memref_squeeze %dma_start3A_193 : memref<1x1x40xi32, #tpu.memory_space<hbm>> -> memref<40xi32, #tpu.memory_space<hbm>>
        %dma_start3A_195 = arith.constant 0 : i32
        %dma_start3A_196 = tpu.memref_slice %arg4[%add3A, %add3A_191, %dma_start3A_195] : memref<32x250x40xi32, #tpu.memory_space<hbm>> -> memref<1x1x40xi32, #tpu.memory_space<hbm>>
        %dma_start3A_197 = tpu.memref_squeeze %dma_start3A_196 : memref<1x1x40xi32, #tpu.memory_space<hbm>> -> memref<40xi32, #tpu.memory_space<hbm>>
        tpu.enqueue_dma source(%dma_start3A_197 : memref<40xi32, #tpu.memory_space<hbm>>) target(%arg9 : memref<40xi32, #tpu.memory_space<vmem>>) target_semaphore(%arg23 : memref<!tpu.dma_semaphore, #tpu.memory_space<semaphore_mem>>)
        %add3A_198 = arith.constant 2 : i32
        %add3A_199 = arith.addi %add3A_159, %add3A_198 : i32
        %dma_start3A_200 = arith.constant 0 : i32
        %dma_start3A_201 = tpu.memref_slice %arg5[%add3A, %add3A_199, %dma_start3A_200] : memref<32x250x40xi32, #tpu.memory_space<hbm>> -> memref<1x1x40xi32, #tpu.memory_space<hbm>>
        %dma_start3A_202 = tpu.memref_squeeze %dma_start3A_201 : memref<1x1x40xi32, #tpu.memory_space<hbm>> -> memref<40xi32, #tpu.memory_space<hbm>>
        %dma_start3A_203 = arith.constant 0 : i32
        %dma_start3A_204 = tpu.memref_slice %arg5[%add3A, %add3A_199, %dma_start3A_203] : memref<32x250x40xi32, #tpu.memory_space<hbm>> -> memref<1x1x40xi32, #tpu.memory_space<hbm>>
        %dma_start3A_205 = tpu.memref_squeeze %dma_start3A_204 : memref<1x1x40xi32, #tpu.memory_space<hbm>> -> memref<40xi32, #tpu.memory_space<hbm>>
        tpu.enqueue_dma source(%dma_start3A_205 : memref<40xi32, #tpu.memory_space<hbm>>) target(%arg10 : memref<40xi32, #tpu.memory_space<vmem>>) target_semaphore(%arg23 : memref<!tpu.dma_semaphore, #tpu.memory_space<semaphore_mem>>)
      } else {
      }
    }
    %scan3A_115 = arith.constant 125 : i32
    %barrier3A_116 = arith.constant 0 : index
    tpu.barrier barrier_id(%barrier3A_116)
    %mul3A_117 = arith.constant 640 : i32
    %mul3A_118 = arith.muli %arg1, %mul3A_117 : i32
    %mul3A_119 = arith.constant 640 : i32
    %mul3A_120 = arith.muli %arg1, %mul3A_119 : i32
    "tpu.region"() ({
      %run_scoped3A_121 = tpu.sem_alloc : memref<!tpu.dma_semaphore, #tpu.memory_space<semaphore_mem>>
      %dma_start3A_122 = arith.constant 0 : i32
      %dma_start3A_123 = tpu.memref_slice %arg6[%arg0, %mul3A_120, %dma_start3A_122] : memref<2x10240x128xf32, #tpu.memory_space<hbm>> -> memref<1x640x128xf32, #tpu.memory_space<hbm>>
      %dma_start3A_124 = tpu.memref_squeeze %dma_start3A_123 : memref<1x640x128xf32, #tpu.memory_space<hbm>> -> memref<640x128xf32, #tpu.memory_space<hbm>>
      %dma_start3A_125 = arith.constant 0 : i32
      %dma_start3A_126 = tpu.memref_slice %arg17[%mul3A_118, %dma_start3A_125] : memref<10240x128xf32, #tpu.memory_space<vmem_shared>> -> memref<640x128xf32, #tpu.memory_space<vmem_shared>>
      tpu.enqueue_dma source(%dma_start3A_126 : memref<640x128xf32, #tpu.memory_space<vmem_shared>>) target(%dma_start3A_124 : memref<640x128xf32, #tpu.memory_space<hbm>>) target_semaphore(%run_scoped3A_121 : memref<!tpu.dma_semaphore, #tpu.memory_space<semaphore_mem>>)
      %dma_wait3A = arith.constant 0 : i32
      %dma_wait3A_127 = tpu.memref_slice %arg6[%arg0, %mul3A_120, %dma_wait3A] : memref<2x10240x128xf32, #tpu.memory_space<hbm>> -> memref<1x640x128xf32, #tpu.memory_space<hbm>>
      %dma_wait3A_128 = tpu.memref_squeeze %dma_wait3A_127 : memref<1x640x128xf32, #tpu.memory_space<hbm>> -> memref<640x128xf32, #tpu.memory_space<hbm>>
      %dma_wait3A_129 = arith.constant 0 : i32
      %dma_wait3A_130 = tpu.memref_slice %arg17[%mul3A_118, %dma_wait3A_129] : memref<10240x128xf32, #tpu.memory_space<vmem_shared>> -> memref<640x128xf32, #tpu.memory_space<vmem_shared>>
      tpu.wait_dma2 semaphore(%run_scoped3A_121 : memref<!tpu.dma_semaphore, #tpu.memory_space<semaphore_mem>>) src(%dma_wait3A_130 : memref<640x128xf32, #tpu.memory_space<vmem_shared>>) dst(%dma_wait3A_128 : memref<640x128xf32, #tpu.memory_space<hbm>>)
      tpu.yield
    }) : () -> ()
    return
  }
}

#map = affine_map<(d0, d1) -> (0, 0)>
#map1 = affine_map<(d0, d1) -> (0, 0, 0)>
module attributes {stable_mosaic.version = 14 : i64} {
  func.func @_sc_layer_body(%arg0: i32, %arg1: i32, %arg2: memref<10240x128xf32, #tpu.memory_space<hbm>>, %arg3: memref<160000x2x128xbf16, #tpu.memory_space<hbm>>, %arg4: memref<32x250x40xi32, #tpu.memory_space<hbm>>, %arg5: memref<32x250x40xi32, #tpu.memory_space<hbm>>, %arg6: memref<2x10240x128xf32, #tpu.memory_space<hbm>>, %arg7: memref<40xi32, #tpu.memory_space<vmem>>, %arg8: memref<40xi32, #tpu.memory_space<vmem>>, %arg9: memref<40xi32, #tpu.memory_space<vmem>>, %arg10: memref<40xi32, #tpu.memory_space<vmem>>, %arg11: memref<40x128xf32, #tpu.memory_space<vmem>>, %arg12: memref<20x2x128xbf16, #tpu.memory_space<vmem>>, %arg13: memref<40x128xf32, #tpu.memory_space<vmem>>, %arg14: memref<40x128xf32, #tpu.memory_space<vmem>>, %arg15: memref<20x2x128xbf16, #tpu.memory_space<vmem>>, %arg16: memref<40x128xf32, #tpu.memory_space<vmem>>, %arg17: memref<10240x128xf32, #tpu.memory_space<vmem_shared>>, %arg18: memref<!tpu.dma_semaphore, #tpu.memory_space<semaphore_mem>>, %arg19: memref<!tpu.dma_semaphore, #tpu.memory_space<semaphore_mem>>, %arg20: memref<!tpu.dma_semaphore, #tpu.memory_space<semaphore_mem>>, %arg21: memref<!tpu.dma_semaphore, #tpu.memory_space<semaphore_mem>>, %arg22: memref<!tpu.dma_semaphore, #tpu.memory_space<semaphore_mem>>, %arg23: memref<!tpu.dma_semaphore, #tpu.memory_space<semaphore_mem>>) attributes {dimension_semantics = [#tpu.dimension_semantics<core_parallel>, #tpu.dimension_semantics<subcore_parallel>], iteration_bounds = array<i64: 2, 16>, scalar_prefetch = 0 : i64, scratch_operands = 17 : i64, tpu.core_type = #tpu.core_type<sc_vector_subcore>, window_params = [{transform_indices = #map}, {transform_indices = #map1}, {transform_indices = #map1}, {transform_indices = #map1}, {transform_indices = #map1}]} {
    %mul3A = arith.constant 16 : i32
    %mul3A_0 = arith.muli %arg0, %mul3A : i32
    %add3A = arith.addi %mul3A_0, %arg1 : i32
    %broadcast_in_dim3A = arith.constant 0.000000e+00 : f32
    %broadcast_in_dim3A_1 = vector.broadcast %broadcast_in_dim3A : f32 to vector<16xf32>
    %scan3A = arith.constant 0 : i32
    %scan3A_2 = arith.constant 40 : i32
    %scan3A_3 = arith.addi %scan3A, %scan3A_2 : i32
    %scan3A_4 = arith.constant 1 : i32
    scf.for %scan3A_121 = %scan3A to %scan3A_3 step %scan3A_4  : i32 {
      %mul3A_122 = arith.constant 1 : i32
      %mul3A_123 = arith.muli %scan3A_121, %mul3A_122 : i32
      %add3A_124 = arith.constant 0 : i32
      %add3A_125 = arith.addi %add3A_124, %mul3A_123 : i32
      %swap3A = arith.index_cast %add3A_125 : i32 to index
      %swap3A_126 = arith.constant 0 : index
      %swap3A_127 = tpu.vector_load %arg13[%swap3A, %swap3A_126] {strides = array<i32>} : memref<40x128xf32, #tpu.memory_space<vmem>>, vector<1x16xf32>,
      %swap3A_128 = vector.shape_cast %swap3A_127 : vector<1x16xf32> to vector<16xf32>
      %swap3A_129 = vector.shape_cast %broadcast_in_dim3A_1 : vector<16xf32> to vector<1x16xf32>
      tpu.vector_store %arg13[%swap3A, %swap3A_126], %swap3A_129 {strides = array<i32>} : memref<40x128xf32, #tpu.memory_space<vmem>>, vector<1x16xf32>,
      %swap3A_130 = arith.index_cast %add3A_125 : i32 to index
      %swap3A_131 = arith.constant 16 : index
      %swap3A_132 = tpu.vector_load %arg13[%swap3A_130, %swap3A_131] {strides = array<i32>} : memref<40x128xf32, #tpu.memory_space<vmem>>, vector<1x16xf32>,
      %swap3A_133 = vector.shape_cast %swap3A_132 : vector<1x16xf32> to vector<16xf32>
      %swap3A_134 = vector.shape_cast %broadcast_in_dim3A_1 : vector<16xf32> to vector<1x16xf32>
      tpu.vector_store %arg13[%swap3A_130, %swap3A_131], %swap3A_134 {strides = array<i32>} : memref<40x128xf32, #tpu.memory_space<vmem>>, vector<1x16xf32>,
      %swap3A_135 = arith.index_cast %add3A_125 : i32 to index
      %swap3A_136 = arith.constant 32 : index
      %swap3A_137 = tpu.vector_load %arg13[%swap3A_135, %swap3A_136] {strides = array<i32>} : memref<40x128xf32, #tpu.memory_space<vmem>>, vector<1x16xf32>,
      %swap3A_138 = vector.shape_cast %swap3A_137 : vector<1x16xf32> to vector<16xf32>
      %swap3A_139 = vector.shape_cast %broadcast_in_dim3A_1 : vector<16xf32> to vector<1x16xf32>
      tpu.vector_store %arg13[%swap3A_135, %swap3A_136], %swap3A_139 {strides = array<i32>} : memref<40x128xf32, #tpu.memory_space<vmem>>, vector<1x16xf32>,
      %swap3A_140 = arith.index_cast %add3A_125 : i32 to index
      %swap3A_141 = arith.constant 48 : index
      %swap3A_142 = tpu.vector_load %arg13[%swap3A_140, %swap3A_141] {strides = array<i32>} : memref<40x128xf32, #tpu.memory_space<vmem>>, vector<1x16xf32>,
      %swap3A_143 = vector.shape_cast %swap3A_142 : vector<1x16xf32> to vector<16xf32>
      %swap3A_144 = vector.shape_cast %broadcast_in_dim3A_1 : vector<16xf32> to vector<1x16xf32>
      tpu.vector_store %arg13[%swap3A_140, %swap3A_141], %swap3A_144 {strides = array<i32>} : memref<40x128xf32, #tpu.memory_space<vmem>>, vector<1x16xf32>,
      %swap3A_145 = arith.index_cast %add3A_125 : i32 to index
      %swap3A_146 = arith.constant 64 : index
      %swap3A_147 = tpu.vector_load %arg13[%swap3A_145, %swap3A_146] {strides = array<i32>} : memref<40x128xf32, #tpu.memory_space<vmem>>, vector<1x16xf32>,
      %swap3A_148 = vector.shape_cast %swap3A_147 : vector<1x16xf32> to vector<16xf32>
      %swap3A_149 = vector.shape_cast %broadcast_in_dim3A_1 : vector<16xf32> to vector<1x16xf32>
      tpu.vector_store %arg13[%swap3A_145, %swap3A_146], %swap3A_149 {strides = array<i32>} : memref<40x128xf32, #tpu.memory_space<vmem>>, vector<1x16xf32>,
      %swap3A_150 = arith.index_cast %add3A_125 : i32 to index
      %swap3A_151 = arith.constant 80 : index
      %swap3A_152 = tpu.vector_load %arg13[%swap3A_150, %swap3A_151] {strides = array<i32>} : memref<40x128xf32, #tpu.memory_space<vmem>>, vector<1x16xf32>,
      %swap3A_153 = vector.shape_cast %swap3A_152 : vector<1x16xf32> to vector<16xf32>
      %swap3A_154 = vector.shape_cast %broadcast_in_dim3A_1 : vector<16xf32> to vector<1x16xf32>
      tpu.vector_store %arg13[%swap3A_150, %swap3A_151], %swap3A_154 {strides = array<i32>} : memref<40x128xf32, #tpu.memory_space<vmem>>, vector<1x16xf32>,
      %swap3A_155 = arith.index_cast %add3A_125 : i32 to index
      %swap3A_156 = arith.constant 96 : index
      %swap3A_157 = tpu.vector_load %arg13[%swap3A_155, %swap3A_156] {strides = array<i32>} : memref<40x128xf32, #tpu.memory_space<vmem>>, vector<1x16xf32>,
      %swap3A_158 = vector.shape_cast %swap3A_157 : vector<1x16xf32> to vector<16xf32>
      %swap3A_159 = vector.shape_cast %broadcast_in_dim3A_1 : vector<16xf32> to vector<1x16xf32>
      tpu.vector_store %arg13[%swap3A_155, %swap3A_156], %swap3A_159 {strides = array<i32>} : memref<40x128xf32, #tpu.memory_space<vmem>>, vector<1x16xf32>,
      %swap3A_160 = arith.index_cast %add3A_125 : i32 to index
      %swap3A_161 = arith.constant 112 : index
      %swap3A_162 = tpu.vector_load %arg13[%swap3A_160, %swap3A_161] {strides = array<i32>} : memref<40x128xf32, #tpu.memory_space<vmem>>, vector<1x16xf32>,
      %swap3A_163 = vector.shape_cast %swap3A_162 : vector<1x16xf32> to vector<16xf32>
      %swap3A_164 = vector.shape_cast %broadcast_in_dim3A_1 : vector<16xf32> to vector<1x16xf32>
      tpu.vector_store %arg13[%swap3A_160, %swap3A_161], %swap3A_164 {strides = array<i32>} : memref<40x128xf32, #tpu.memory_space<vmem>>, vector<1x16xf32>,
    }
    %scan3A_5 = arith.constant 40 : i32
    %mul3A_6 = arith.constant 640 : i32
    %mul3A_7 = arith.muli %arg1, %mul3A_6 : i32
    %add3A_8 = arith.constant 0 : i32
    %add3A_9 = arith.addi %mul3A_7, %add3A_8 : i32
    "tpu.region"() ({
      %run_scoped3A_121 = tpu.sem_alloc : memref<!tpu.dma_semaphore, #tpu.memory_space<semaphore_mem>>
      %dma_start3A_122 = arith.constant 0 : i32
      %dma_start3A_123 = tpu.memref_slice %arg17[%add3A_9, %dma_start3A_122] : memref<10240x128xf32, #tpu.memory_space<vmem_shared>> -> memref<40x128xf32, #tpu.memory_space<vmem_shared>>
      %dma_start3A_124 = arith.constant 0 : i32
      %dma_start3A_125 = tpu.memref_slice %arg17[%add3A_9, %dma_start3A_124] : memref<10240x128xf32, #tpu.memory_space<vmem_shared>> -> memref<40x128xf32, #tpu.memory_space<vmem_shared>>
      tpu.enqueue_dma source(%arg13 : memref<40x128xf32, #tpu.memory_space<vmem>>) target(%dma_start3A_125 : memref<40x128xf32, #tpu.memory_space<vmem_shared>>) target_semaphore(%run_scoped3A_121 : memref<!tpu.dma_semaphore, #tpu.memory_space<semaphore_mem>>)
      %dma_wait3A = arith.constant 0 : i32
      %dma_wait3A_126 = tpu.memref_slice %arg17[%add3A_9, %dma_wait3A] : memref<10240x128xf32, #tpu.memory_space<vmem_shared>> -> memref<40x128xf32, #tpu.memory_space<vmem_shared>>
      %dma_wait3A_127 = arith.constant 0 : i32
      %dma_wait3A_128 = tpu.memref_slice %arg17[%add3A_9, %dma_wait3A_127] : memref<10240x128xf32, #tpu.memory_space<vmem_shared>> -> memref<40x128xf32, #tpu.memory_space<vmem_shared>>
      tpu.wait_dma2 semaphore(%run_scoped3A_121 : memref<!tpu.dma_semaphore, #tpu.memory_space<semaphore_mem>>) src(%arg13 : memref<40x128xf32, #tpu.memory_space<vmem>>) dst(%dma_wait3A_128 : memref<40x128xf32, #tpu.memory_space<vmem_shared>>)
      tpu.yield
    }) : () -> ()
    %mul3A_10 = arith.constant 640 : i32
    %mul3A_11 = arith.muli %arg1, %mul3A_10 : i32
    %add3A_12 = arith.constant 40 : i32
    %add3A_13 = arith.addi %mul3A_11, %add3A_12 : i32
    "tpu.region"() ({
      %run_scoped3A_121 = tpu.sem_alloc : memref<!tpu.dma_semaphore, #tpu.memory_space<semaphore_mem>>
      %dma_start3A_122 = arith.constant 0 : i32
      %dma_start3A_123 = tpu.memref_slice %arg17[%add3A_13, %dma_start3A_122] : memref<10240x128xf32, #tpu.memory_space<vmem_shared>> -> memref<40x128xf32, #tpu.memory_space<vmem_shared>>
      %dma_start3A_124 = arith.constant 0 : i32
      %dma_start3A_125 = tpu.memref_slice %arg17[%add3A_13, %dma_start3A_124] : memref<10240x128xf32, #tpu.memory_space<vmem_shared>> -> memref<40x128xf32, #tpu.memory_space<vmem_shared>>
      tpu.enqueue_dma source(%arg13 : memref<40x128xf32, #tpu.memory_space<vmem>>) target(%dma_start3A_125 : memref<40x128xf32, #tpu.memory_space<vmem_shared>>) target_semaphore(%run_scoped3A_121 : memref<!tpu.dma_semaphore, #tpu.memory_space<semaphore_mem>>)
      %dma_wait3A = arith.constant 0 : i32
      %dma_wait3A_126 = tpu.memref_slice %arg17[%add3A_13, %dma_wait3A] : memref<10240x128xf32, #tpu.memory_space<vmem_shared>> -> memref<40x128xf32, #tpu.memory_space<vmem_shared>>
      %dma_wait3A_127 = arith.constant 0 : i32
      %dma_wait3A_128 = tpu.memref_slice %arg17[%add3A_13, %dma_wait3A_127] : memref<10240x128xf32, #tpu.memory_space<vmem_shared>> -> memref<40x128xf32, #tpu.memory_space<vmem_shared>>
      tpu.wait_dma2 semaphore(%run_scoped3A_121 : memref<!tpu.dma_semaphore, #tpu.memory_space<semaphore_mem>>) src(%arg13 : memref<40x128xf32, #tpu.memory_space<vmem>>) dst(%dma_wait3A_128 : memref<40x128xf32, #tpu.memory_space<vmem_shared>>)
      tpu.yield
    }) : () -> ()
    %mul3A_14 = arith.constant 640 : i32
    %mul3A_15 = arith.muli %arg1, %mul3A_14 : i32
    %add3A_16 = arith.constant 80 : i32
    %add3A_17 = arith.addi %mul3A_15, %add3A_16 : i32
    "tpu.region"() ({
      %run_scoped3A_121 = tpu.sem_alloc : memref<!tpu.dma_semaphore, #tpu.memory_space<semaphore_mem>>
      %dma_start3A_122 = arith.constant 0 : i32
      %dma_start3A_123 = tpu.memref_slice %arg17[%add3A_17, %dma_start3A_122] : memref<10240x128xf32, #tpu.memory_space<vmem_shared>> -> memref<40x128xf32, #tpu.memory_space<vmem_shared>>
      %dma_start3A_124 = arith.constant 0 : i32
      %dma_start3A_125 = tpu.memref_slice %arg17[%add3A_17, %dma_start3A_124] : memref<10240x128xf32, #tpu.memory_space<vmem_shared>> -> memref<40x128xf32, #tpu.memory_space<vmem_shared>>
      tpu.enqueue_dma source(%arg13 : memref<40x128xf32, #tpu.memory_space<vmem>>) target(%dma_start3A_125 : memref<40x128xf32, #tpu.memory_space<vmem_shared>>) target_semaphore(%run_scoped3A_121 : memref<!tpu.dma_semaphore, #tpu.memory_space<semaphore_mem>>)
      %dma_wait3A = arith.constant 0 : i32
      %dma_wait3A_126 = tpu.memref_slice %arg17[%add3A_17, %dma_wait3A] : memref<10240x128xf32, #tpu.memory_space<vmem_shared>> -> memref<40x128xf32, #tpu.memory_space<vmem_shared>>
      %dma_wait3A_127 = arith.constant 0 : i32
      %dma_wait3A_128 = tpu.memref_slice %arg17[%add3A_17, %dma_wait3A_127] : memref<10240x128xf32, #tpu.memory_space<vmem_shared>> -> memref<40x128xf32, #tpu.memory_space<vmem_shared>>
      tpu.wait_dma2 semaphore(%run_scoped3A_121 : memref<!tpu.dma_semaphore, #tpu.memory_space<semaphore_mem>>) src(%arg13 : memref<40x128xf32, #tpu.memory_space<vmem>>) dst(%dma_wait3A_128 : memref<40x128xf32, #tpu.memory_space<vmem_shared>>)
      tpu.yield
    }) : () -> ()
    %mul3A_18 = arith.constant 640 : i32
    %mul3A_19 = arith.muli %arg1, %mul3A_18 : i32
    %add3A_20 = arith.constant 120 : i32
    %add3A_21 = arith.addi %mul3A_19, %add3A_20 : i32
    "tpu.region"() ({
      %run_scoped3A_121 = tpu.sem_alloc : memref<!tpu.dma_semaphore, #tpu.memory_space<semaphore_mem>>
      %dma_start3A_122 = arith.constant 0 : i32
      %dma_start3A_123 = tpu.memref_slice %arg17[%add3A_21, %dma_start3A_122] : memref<10240x128xf32, #tpu.memory_space<vmem_shared>> -> memref<40x128xf32, #tpu.memory_space<vmem_shared>>
      %dma_start3A_124 = arith.constant 0 : i32
      %dma_start3A_125 = tpu.memref_slice %arg17[%add3A_21, %dma_start3A_124] : memref<10240x128xf32, #tpu.memory_space<vmem_shared>> -> memref<40x128xf32, #tpu.memory_space<vmem_shared>>
      tpu.enqueue_dma source(%arg13 : memref<40x128xf32, #tpu.memory_space<vmem>>) target(%dma_start3A_125 : memref<40x128xf32, #tpu.memory_space<vmem_shared>>) target_semaphore(%run_scoped3A_121 : memref<!tpu.dma_semaphore, #tpu.memory_space<semaphore_mem>>)
      %dma_wait3A = arith.constant 0 : i32
      %dma_wait3A_126 = tpu.memref_slice %arg17[%add3A_21, %dma_wait3A] : memref<10240x128xf32, #tpu.memory_space<vmem_shared>> -> memref<40x128xf32, #tpu.memory_space<vmem_shared>>
      %dma_wait3A_127 = arith.constant 0 : i32
      %dma_wait3A_128 = tpu.memref_slice %arg17[%add3A_21, %dma_wait3A_127] : memref<10240x128xf32, #tpu.memory_space<vmem_shared>> -> memref<40x128xf32, #tpu.memory_space<vmem_shared>>
      tpu.wait_dma2 semaphore(%run_scoped3A_121 : memref<!tpu.dma_semaphore, #tpu.memory_space<semaphore_mem>>) src(%arg13 : memref<40x128xf32, #tpu.memory_space<vmem>>) dst(%dma_wait3A_128 : memref<40x128xf32, #tpu.memory_space<vmem_shared>>)
      tpu.yield
    }) : () -> ()
    %mul3A_22 = arith.constant 640 : i32
    %mul3A_23 = arith.muli %arg1, %mul3A_22 : i32
    %add3A_24 = arith.constant 160 : i32
    %add3A_25 = arith.addi %mul3A_23, %add3A_24 : i32
    "tpu.region"() ({
      %run_scoped3A_121 = tpu.sem_alloc : memref<!tpu.dma_semaphore, #tpu.memory_space<semaphore_mem>>
      %dma_start3A_122 = arith.constant 0 : i32
      %dma_start3A_123 = tpu.memref_slice %arg17[%add3A_25, %dma_start3A_122] : memref<10240x128xf32, #tpu.memory_space<vmem_shared>> -> memref<40x128xf32, #tpu.memory_space<vmem_shared>>
      %dma_start3A_124 = arith.constant 0 : i32
      %dma_start3A_125 = tpu.memref_slice %arg17[%add3A_25, %dma_start3A_124] : memref<10240x128xf32, #tpu.memory_space<vmem_shared>> -> memref<40x128xf32, #tpu.memory_space<vmem_shared>>
      tpu.enqueue_dma source(%arg13 : memref<40x128xf32, #tpu.memory_space<vmem>>) target(%dma_start3A_125 : memref<40x128xf32, #tpu.memory_space<vmem_shared>>) target_semaphore(%run_scoped3A_121 : memref<!tpu.dma_semaphore, #tpu.memory_space<semaphore_mem>>)
      %dma_wait3A = arith.constant 0 : i32
      %dma_wait3A_126 = tpu.memref_slice %arg17[%add3A_25, %dma_wait3A] : memref<10240x128xf32, #tpu.memory_space<vmem_shared>> -> memref<40x128xf32, #tpu.memory_space<vmem_shared>>
      %dma_wait3A_127 = arith.constant 0 : i32
      %dma_wait3A_128 = tpu.memref_slice %arg17[%add3A_25, %dma_wait3A_127] : memref<10240x128xf32, #tpu.memory_space<vmem_shared>> -> memref<40x128xf32, #tpu.memory_space<vmem_shared>>
      tpu.wait_dma2 semaphore(%run_scoped3A_121 : memref<!tpu.dma_semaphore, #tpu.memory_space<semaphore_mem>>) src(%arg13 : memref<40x128xf32, #tpu.memory_space<vmem>>) dst(%dma_wait3A_128 : memref<40x128xf32, #tpu.memory_space<vmem_shared>>)
      tpu.yield
    }) : () -> ()
    %mul3A_26 = arith.constant 640 : i32
    %mul3A_27 = arith.muli %arg1, %mul3A_26 : i32
    %add3A_28 = arith.constant 200 : i32
    %add3A_29 = arith.addi %mul3A_27, %add3A_28 : i32
    "tpu.region"() ({
      %run_scoped3A_121 = tpu.sem_alloc : memref<!tpu.dma_semaphore, #tpu.memory_space<semaphore_mem>>
      %dma_start3A_122 = arith.constant 0 : i32
      %dma_start3A_123 = tpu.memref_slice %arg17[%add3A_29, %dma_start3A_122] : memref<10240x128xf32, #tpu.memory_space<vmem_shared>> -> memref<40x128xf32, #tpu.memory_space<vmem_shared>>
      %dma_start3A_124 = arith.constant 0 : i32
      %dma_start3A_125 = tpu.memref_slice %arg17[%add3A_29, %dma_start3A_124] : memref<10240x128xf32, #tpu.memory_space<vmem_shared>> -> memref<40x128xf32, #tpu.memory_space<vmem_shared>>
      tpu.enqueue_dma source(%arg13 : memref<40x128xf32, #tpu.memory_space<vmem>>) target(%dma_start3A_125 : memref<40x128xf32, #tpu.memory_space<vmem_shared>>) target_semaphore(%run_scoped3A_121 : memref<!tpu.dma_semaphore, #tpu.memory_space<semaphore_mem>>)
      %dma_wait3A = arith.constant 0 : i32
      %dma_wait3A_126 = tpu.memref_slice %arg17[%add3A_29, %dma_wait3A] : memref<10240x128xf32, #tpu.memory_space<vmem_shared>> -> memref<40x128xf32, #tpu.memory_space<vmem_shared>>
      %dma_wait3A_127 = arith.constant 0 : i32
      %dma_wait3A_128 = tpu.memref_slice %arg17[%add3A_29, %dma_wait3A_127] : memref<10240x128xf32, #tpu.memory_space<vmem_shared>> -> memref<40x128xf32, #tpu.memory_space<vmem_shared>>
      tpu.wait_dma2 semaphore(%run_scoped3A_121 : memref<!tpu.dma_semaphore, #tpu.memory_space<semaphore_mem>>) src(%arg13 : memref<40x128xf32, #tpu.memory_space<vmem>>) dst(%dma_wait3A_128 : memref<40x128xf32, #tpu.memory_space<vmem_shared>>)
      tpu.yield
    }) : () -> ()
    %mul3A_30 = arith.constant 640 : i32
    %mul3A_31 = arith.muli %arg1, %mul3A_30 : i32
    %add3A_32 = arith.constant 240 : i32
    %add3A_33 = arith.addi %mul3A_31, %add3A_32 : i32
    "tpu.region"() ({
      %run_scoped3A_121 = tpu.sem_alloc : memref<!tpu.dma_semaphore, #tpu.memory_space<semaphore_mem>>
      %dma_start3A_122 = arith.constant 0 : i32
      %dma_start3A_123 = tpu.memref_slice %arg17[%add3A_33, %dma_start3A_122] : memref<10240x128xf32, #tpu.memory_space<vmem_shared>> -> memref<40x128xf32, #tpu.memory_space<vmem_shared>>
      %dma_start3A_124 = arith.constant 0 : i32
      %dma_start3A_125 = tpu.memref_slice %arg17[%add3A_33, %dma_start3A_124] : memref<10240x128xf32, #tpu.memory_space<vmem_shared>> -> memref<40x128xf32, #tpu.memory_space<vmem_shared>>
      tpu.enqueue_dma source(%arg13 : memref<40x128xf32, #tpu.memory_space<vmem>>) target(%dma_start3A_125 : memref<40x128xf32, #tpu.memory_space<vmem_shared>>) target_semaphore(%run_scoped3A_121 : memref<!tpu.dma_semaphore, #tpu.memory_space<semaphore_mem>>)
      %dma_wait3A = arith.constant 0 : i32
      %dma_wait3A_126 = tpu.memref_slice %arg17[%add3A_33, %dma_wait3A] : memref<10240x128xf32, #tpu.memory_space<vmem_shared>> -> memref<40x128xf32, #tpu.memory_space<vmem_shared>>
      %dma_wait3A_127 = arith.constant 0 : i32
      %dma_wait3A_128 = tpu.memref_slice %arg17[%add3A_33, %dma_wait3A_127] : memref<10240x128xf32, #tpu.memory_space<vmem_shared>> -> memref<40x128xf32, #tpu.memory_space<vmem_shared>>
      tpu.wait_dma2 semaphore(%run_scoped3A_121 : memref<!tpu.dma_semaphore, #tpu.memory_space<semaphore_mem>>) src(%arg13 : memref<40x128xf32, #tpu.memory_space<vmem>>) dst(%dma_wait3A_128 : memref<40x128xf32, #tpu.memory_space<vmem_shared>>)
      tpu.yield
    }) : () -> ()
    %mul3A_34 = arith.constant 640 : i32
    %mul3A_35 = arith.muli %arg1, %mul3A_34 : i32
    %add3A_36 = arith.constant 280 : i32
    %add3A_37 = arith.addi %mul3A_35, %add3A_36 : i32
    "tpu.region"() ({
      %run_scoped3A_121 = tpu.sem_alloc : memref<!tpu.dma_semaphore, #tpu.memory_space<semaphore_mem>>
      %dma_start3A_122 = arith.constant 0 : i32
      %dma_start3A_123 = tpu.memref_slice %arg17[%add3A_37, %dma_start3A_122] : memref<10240x128xf32, #tpu.memory_space<vmem_shared>> -> memref<40x128xf32, #tpu.memory_space<vmem_shared>>
      %dma_start3A_124 = arith.constant 0 : i32
      %dma_start3A_125 = tpu.memref_slice %arg17[%add3A_37, %dma_start3A_124] : memref<10240x128xf32, #tpu.memory_space<vmem_shared>> -> memref<40x128xf32, #tpu.memory_space<vmem_shared>>
      tpu.enqueue_dma source(%arg13 : memref<40x128xf32, #tpu.memory_space<vmem>>) target(%dma_start3A_125 : memref<40x128xf32, #tpu.memory_space<vmem_shared>>) target_semaphore(%run_scoped3A_121 : memref<!tpu.dma_semaphore, #tpu.memory_space<semaphore_mem>>)
      %dma_wait3A = arith.constant 0 : i32
      %dma_wait3A_126 = tpu.memref_slice %arg17[%add3A_37, %dma_wait3A] : memref<10240x128xf32, #tpu.memory_space<vmem_shared>> -> memref<40x128xf32, #tpu.memory_space<vmem_shared>>
      %dma_wait3A_127 = arith.constant 0 : i32
      %dma_wait3A_128 = tpu.memref_slice %arg17[%add3A_37, %dma_wait3A_127] : memref<10240x128xf32, #tpu.memory_space<vmem_shared>> -> memref<40x128xf32, #tpu.memory_space<vmem_shared>>
      tpu.wait_dma2 semaphore(%run_scoped3A_121 : memref<!tpu.dma_semaphore, #tpu.memory_space<semaphore_mem>>) src(%arg13 : memref<40x128xf32, #tpu.memory_space<vmem>>) dst(%dma_wait3A_128 : memref<40x128xf32, #tpu.memory_space<vmem_shared>>)
      tpu.yield
    }) : () -> ()
    %mul3A_38 = arith.constant 640 : i32
    %mul3A_39 = arith.muli %arg1, %mul3A_38 : i32
    %add3A_40 = arith.constant 320 : i32
    %add3A_41 = arith.addi %mul3A_39, %add3A_40 : i32
    "tpu.region"() ({
      %run_scoped3A_121 = tpu.sem_alloc : memref<!tpu.dma_semaphore, #tpu.memory_space<semaphore_mem>>
      %dma_start3A_122 = arith.constant 0 : i32
      %dma_start3A_123 = tpu.memref_slice %arg17[%add3A_41, %dma_start3A_122] : memref<10240x128xf32, #tpu.memory_space<vmem_shared>> -> memref<40x128xf32, #tpu.memory_space<vmem_shared>>
      %dma_start3A_124 = arith.constant 0 : i32
      %dma_start3A_125 = tpu.memref_slice %arg17[%add3A_41, %dma_start3A_124] : memref<10240x128xf32, #tpu.memory_space<vmem_shared>> -> memref<40x128xf32, #tpu.memory_space<vmem_shared>>
      tpu.enqueue_dma source(%arg13 : memref<40x128xf32, #tpu.memory_space<vmem>>) target(%dma_start3A_125 : memref<40x128xf32, #tpu.memory_space<vmem_shared>>) target_semaphore(%run_scoped3A_121 : memref<!tpu.dma_semaphore, #tpu.memory_space<semaphore_mem>>)
      %dma_wait3A = arith.constant 0 : i32
      %dma_wait3A_126 = tpu.memref_slice %arg17[%add3A_41, %dma_wait3A] : memref<10240x128xf32, #tpu.memory_space<vmem_shared>> -> memref<40x128xf32, #tpu.memory_space<vmem_shared>>
      %dma_wait3A_127 = arith.constant 0 : i32
      %dma_wait3A_128 = tpu.memref_slice %arg17[%add3A_41, %dma_wait3A_127] : memref<10240x128xf32, #tpu.memory_space<vmem_shared>> -> memref<40x128xf32, #tpu.memory_space<vmem_shared>>
      tpu.wait_dma2 semaphore(%run_scoped3A_121 : memref<!tpu.dma_semaphore, #tpu.memory_space<semaphore_mem>>) src(%arg13 : memref<40x128xf32, #tpu.memory_space<vmem>>) dst(%dma_wait3A_128 : memref<40x128xf32, #tpu.memory_space<vmem_shared>>)
      tpu.yield
    }) : () -> ()
    %mul3A_42 = arith.constant 640 : i32
    %mul3A_43 = arith.muli %arg1, %mul3A_42 : i32
    %add3A_44 = arith.constant 360 : i32
    %add3A_45 = arith.addi %mul3A_43, %add3A_44 : i32
    "tpu.region"() ({
      %run_scoped3A_121 = tpu.sem_alloc : memref<!tpu.dma_semaphore, #tpu.memory_space<semaphore_mem>>
      %dma_start3A_122 = arith.constant 0 : i32
      %dma_start3A_123 = tpu.memref_slice %arg17[%add3A_45, %dma_start3A_122] : memref<10240x128xf32, #tpu.memory_space<vmem_shared>> -> memref<40x128xf32, #tpu.memory_space<vmem_shared>>
      %dma_start3A_124 = arith.constant 0 : i32
      %dma_start3A_125 = tpu.memref_slice %arg17[%add3A_45, %dma_start3A_124] : memref<10240x128xf32, #tpu.memory_space<vmem_shared>> -> memref<40x128xf32, #tpu.memory_space<vmem_shared>>
      tpu.enqueue_dma source(%arg13 : memref<40x128xf32, #tpu.memory_space<vmem>>) target(%dma_start3A_125 : memref<40x128xf32, #tpu.memory_space<vmem_shared>>) target_semaphore(%run_scoped3A_121 : memref<!tpu.dma_semaphore, #tpu.memory_space<semaphore_mem>>)
      %dma_wait3A = arith.constant 0 : i32
      %dma_wait3A_126 = tpu.memref_slice %arg17[%add3A_45, %dma_wait3A] : memref<10240x128xf32, #tpu.memory_space<vmem_shared>> -> memref<40x128xf32, #tpu.memory_space<vmem_shared>>
      %dma_wait3A_127 = arith.constant 0 : i32
      %dma_wait3A_128 = tpu.memref_slice %arg17[%add3A_45, %dma_wait3A_127] : memref<10240x128xf32, #tpu.memory_space<vmem_shared>> -> memref<40x128xf32, #tpu.memory_space<vmem_shared>>
      tpu.wait_dma2 semaphore(%run_scoped3A_121 : memref<!tpu.dma_semaphore, #tpu.memory_space<semaphore_mem>>) src(%arg13 : memref<40x128xf32, #tpu.memory_space<vmem>>) dst(%dma_wait3A_128 : memref<40x128xf32, #tpu.memory_space<vmem_shared>>)
      tpu.yield
    }) : () -> ()
    %mul3A_46 = arith.constant 640 : i32
    %mul3A_47 = arith.muli %arg1, %mul3A_46 : i32
    %add3A_48 = arith.constant 400 : i32
    %add3A_49 = arith.addi %mul3A_47, %add3A_48 : i32
    "tpu.region"() ({
      %run_scoped3A_121 = tpu.sem_alloc : memref<!tpu.dma_semaphore, #tpu.memory_space<semaphore_mem>>
      %dma_start3A_122 = arith.constant 0 : i32
      %dma_start3A_123 = tpu.memref_slice %arg17[%add3A_49, %dma_start3A_122] : memref<10240x128xf32, #tpu.memory_space<vmem_shared>> -> memref<40x128xf32, #tpu.memory_space<vmem_shared>>
      %dma_start3A_124 = arith.constant 0 : i32
      %dma_start3A_125 = tpu.memref_slice %arg17[%add3A_49, %dma_start3A_124] : memref<10240x128xf32, #tpu.memory_space<vmem_shared>> -> memref<40x128xf32, #tpu.memory_space<vmem_shared>>
      tpu.enqueue_dma source(%arg13 : memref<40x128xf32, #tpu.memory_space<vmem>>) target(%dma_start3A_125 : memref<40x128xf32, #tpu.memory_space<vmem_shared>>) target_semaphore(%run_scoped3A_121 : memref<!tpu.dma_semaphore, #tpu.memory_space<semaphore_mem>>)
      %dma_wait3A = arith.constant 0 : i32
      %dma_wait3A_126 = tpu.memref_slice %arg17[%add3A_49, %dma_wait3A] : memref<10240x128xf32, #tpu.memory_space<vmem_shared>> -> memref<40x128xf32, #tpu.memory_space<vmem_shared>>
      %dma_wait3A_127 = arith.constant 0 : i32
      %dma_wait3A_128 = tpu.memref_slice %arg17[%add3A_49, %dma_wait3A_127] : memref<10240x128xf32, #tpu.memory_space<vmem_shared>> -> memref<40x128xf32, #tpu.memory_space<vmem_shared>>
      tpu.wait_dma2 semaphore(%run_scoped3A_121 : memref<!tpu.dma_semaphore, #tpu.memory_space<semaphore_mem>>) src(%arg13 : memref<40x128xf32, #tpu.memory_space<vmem>>) dst(%dma_wait3A_128 : memref<40x128xf32, #tpu.memory_space<vmem_shared>>)
      tpu.yield
    }) : () -> ()
    %mul3A_50 = arith.constant 640 : i32
    %mul3A_51 = arith.muli %arg1, %mul3A_50 : i32
    %add3A_52 = arith.constant 440 : i32
    %add3A_53 = arith.addi %mul3A_51, %add3A_52 : i32
    "tpu.region"() ({
      %run_scoped3A_121 = tpu.sem_alloc : memref<!tpu.dma_semaphore, #tpu.memory_space<semaphore_mem>>
      %dma_start3A_122 = arith.constant 0 : i32
      %dma_start3A_123 = tpu.memref_slice %arg17[%add3A_53, %dma_start3A_122] : memref<10240x128xf32, #tpu.memory_space<vmem_shared>> -> memref<40x128xf32, #tpu.memory_space<vmem_shared>>
      %dma_start3A_124 = arith.constant 0 : i32
      %dma_start3A_125 = tpu.memref_slice %arg17[%add3A_53, %dma_start3A_124] : memref<10240x128xf32, #tpu.memory_space<vmem_shared>> -> memref<40x128xf32, #tpu.memory_space<vmem_shared>>
      tpu.enqueue_dma source(%arg13 : memref<40x128xf32, #tpu.memory_space<vmem>>) target(%dma_start3A_125 : memref<40x128xf32, #tpu.memory_space<vmem_shared>>) target_semaphore(%run_scoped3A_121 : memref<!tpu.dma_semaphore, #tpu.memory_space<semaphore_mem>>)
      %dma_wait3A = arith.constant 0 : i32
      %dma_wait3A_126 = tpu.memref_slice %arg17[%add3A_53, %dma_wait3A] : memref<10240x128xf32, #tpu.memory_space<vmem_shared>> -> memref<40x128xf32, #tpu.memory_space<vmem_shared>>
      %dma_wait3A_127 = arith.constant 0 : i32
      %dma_wait3A_128 = tpu.memref_slice %arg17[%add3A_53, %dma_wait3A_127] : memref<10240x128xf32, #tpu.memory_space<vmem_shared>> -> memref<40x128xf32, #tpu.memory_space<vmem_shared>>
      tpu.wait_dma2 semaphore(%run_scoped3A_121 : memref<!tpu.dma_semaphore, #tpu.memory_space<semaphore_mem>>) src(%arg13 : memref<40x128xf32, #tpu.memory_space<vmem>>) dst(%dma_wait3A_128 : memref<40x128xf32, #tpu.memory_space<vmem_shared>>)
      tpu.yield
    }) : () -> ()
    %mul3A_54 = arith.constant 640 : i32
    %mul3A_55 = arith.muli %arg1, %mul3A_54 : i32
    %add3A_56 = arith.constant 480 : i32
    %add3A_57 = arith.addi %mul3A_55, %add3A_56 : i32
    "tpu.region"() ({
      %run_scoped3A_121 = tpu.sem_alloc : memref<!tpu.dma_semaphore, #tpu.memory_space<semaphore_mem>>
      %dma_start3A_122 = arith.constant 0 : i32
      %dma_start3A_123 = tpu.memref_slice %arg17[%add3A_57, %dma_start3A_122] : memref<10240x128xf32, #tpu.memory_space<vmem_shared>> -> memref<40x128xf32, #tpu.memory_space<vmem_shared>>
      %dma_start3A_124 = arith.constant 0 : i32
      %dma_start3A_125 = tpu.memref_slice %arg17[%add3A_57, %dma_start3A_124] : memref<10240x128xf32, #tpu.memory_space<vmem_shared>> -> memref<40x128xf32, #tpu.memory_space<vmem_shared>>
      tpu.enqueue_dma source(%arg13 : memref<40x128xf32, #tpu.memory_space<vmem>>) target(%dma_start3A_125 : memref<40x128xf32, #tpu.memory_space<vmem_shared>>) target_semaphore(%run_scoped3A_121 : memref<!tpu.dma_semaphore, #tpu.memory_space<semaphore_mem>>)
      %dma_wait3A = arith.constant 0 : i32
      %dma_wait3A_126 = tpu.memref_slice %arg17[%add3A_57, %dma_wait3A] : memref<10240x128xf32, #tpu.memory_space<vmem_shared>> -> memref<40x128xf32, #tpu.memory_space<vmem_shared>>
      %dma_wait3A_127 = arith.constant 0 : i32
      %dma_wait3A_128 = tpu.memref_slice %arg17[%add3A_57, %dma_wait3A_127] : memref<10240x128xf32, #tpu.memory_space<vmem_shared>> -> memref<40x128xf32, #tpu.memory_space<vmem_shared>>
      tpu.wait_dma2 semaphore(%run_scoped3A_121 : memref<!tpu.dma_semaphore, #tpu.memory_space<semaphore_mem>>) src(%arg13 : memref<40x128xf32, #tpu.memory_space<vmem>>) dst(%dma_wait3A_128 : memref<40x128xf32, #tpu.memory_space<vmem_shared>>)
      tpu.yield
    }) : () -> ()
    %mul3A_58 = arith.constant 640 : i32
    %mul3A_59 = arith.muli %arg1, %mul3A_58 : i32
    %add3A_60 = arith.constant 520 : i32
    %add3A_61 = arith.addi %mul3A_59, %add3A_60 : i32
    "tpu.region"() ({
      %run_scoped3A_121 = tpu.sem_alloc : memref<!tpu.dma_semaphore, #tpu.memory_space<semaphore_mem>>
      %dma_start3A_122 = arith.constant 0 : i32
      %dma_start3A_123 = tpu.memref_slice %arg17[%add3A_61, %dma_start3A_122] : memref<10240x128xf32, #tpu.memory_space<vmem_shared>> -> memref<40x128xf32, #tpu.memory_space<vmem_shared>>
      %dma_start3A_124 = arith.constant 0 : i32
      %dma_start3A_125 = tpu.memref_slice %arg17[%add3A_61, %dma_start3A_124] : memref<10240x128xf32, #tpu.memory_space<vmem_shared>> -> memref<40x128xf32, #tpu.memory_space<vmem_shared>>
      tpu.enqueue_dma source(%arg13 : memref<40x128xf32, #tpu.memory_space<vmem>>) target(%dma_start3A_125 : memref<40x128xf32, #tpu.memory_space<vmem_shared>>) target_semaphore(%run_scoped3A_121 : memref<!tpu.dma_semaphore, #tpu.memory_space<semaphore_mem>>)
      %dma_wait3A = arith.constant 0 : i32
      %dma_wait3A_126 = tpu.memref_slice %arg17[%add3A_61, %dma_wait3A] : memref<10240x128xf32, #tpu.memory_space<vmem_shared>> -> memref<40x128xf32, #tpu.memory_space<vmem_shared>>
      %dma_wait3A_127 = arith.constant 0 : i32
      %dma_wait3A_128 = tpu.memref_slice %arg17[%add3A_61, %dma_wait3A_127] : memref<10240x128xf32, #tpu.memory_space<vmem_shared>> -> memref<40x128xf32, #tpu.memory_space<vmem_shared>>
      tpu.wait_dma2 semaphore(%run_scoped3A_121 : memref<!tpu.dma_semaphore, #tpu.memory_space<semaphore_mem>>) src(%arg13 : memref<40x128xf32, #tpu.memory_space<vmem>>) dst(%dma_wait3A_128 : memref<40x128xf32, #tpu.memory_space<vmem_shared>>)
      tpu.yield
    }) : () -> ()
    %mul3A_62 = arith.constant 640 : i32
    %mul3A_63 = arith.muli %arg1, %mul3A_62 : i32
    %add3A_64 = arith.constant 560 : i32
    %add3A_65 = arith.addi %mul3A_63, %add3A_64 : i32
    "tpu.region"() ({
      %run_scoped3A_121 = tpu.sem_alloc : memref<!tpu.dma_semaphore, #tpu.memory_space<semaphore_mem>>
      %dma_start3A_122 = arith.constant 0 : i32
      %dma_start3A_123 = tpu.memref_slice %arg17[%add3A_65, %dma_start3A_122] : memref<10240x128xf32, #tpu.memory_space<vmem_shared>> -> memref<40x128xf32, #tpu.memory_space<vmem_shared>>
      %dma_start3A_124 = arith.constant 0 : i32
      %dma_start3A_125 = tpu.memref_slice %arg17[%add3A_65, %dma_start3A_124] : memref<10240x128xf32, #tpu.memory_space<vmem_shared>> -> memref<40x128xf32, #tpu.memory_space<vmem_shared>>
      tpu.enqueue_dma source(%arg13 : memref<40x128xf32, #tpu.memory_space<vmem>>) target(%dma_start3A_125 : memref<40x128xf32, #tpu.memory_space<vmem_shared>>) target_semaphore(%run_scoped3A_121 : memref<!tpu.dma_semaphore, #tpu.memory_space<semaphore_mem>>)
      %dma_wait3A = arith.constant 0 : i32
      %dma_wait3A_126 = tpu.memref_slice %arg17[%add3A_65, %dma_wait3A] : memref<10240x128xf32, #tpu.memory_space<vmem_shared>> -> memref<40x128xf32, #tpu.memory_space<vmem_shared>>
      %dma_wait3A_127 = arith.constant 0 : i32
      %dma_wait3A_128 = tpu.memref_slice %arg17[%add3A_65, %dma_wait3A_127] : memref<10240x128xf32, #tpu.memory_space<vmem_shared>> -> memref<40x128xf32, #tpu.memory_space<vmem_shared>>
      tpu.wait_dma2 semaphore(%run_scoped3A_121 : memref<!tpu.dma_semaphore, #tpu.memory_space<semaphore_mem>>) src(%arg13 : memref<40x128xf32, #tpu.memory_space<vmem>>) dst(%dma_wait3A_128 : memref<40x128xf32, #tpu.memory_space<vmem_shared>>)
      tpu.yield
    }) : () -> ()
    %mul3A_66 = arith.constant 640 : i32
    %mul3A_67 = arith.muli %arg1, %mul3A_66 : i32
    %add3A_68 = arith.constant 600 : i32
    %add3A_69 = arith.addi %mul3A_67, %add3A_68 : i32
    "tpu.region"() ({
      %run_scoped3A_121 = tpu.sem_alloc : memref<!tpu.dma_semaphore, #tpu.memory_space<semaphore_mem>>
      %dma_start3A_122 = arith.constant 0 : i32
      %dma_start3A_123 = tpu.memref_slice %arg17[%add3A_69, %dma_start3A_122] : memref<10240x128xf32, #tpu.memory_space<vmem_shared>> -> memref<40x128xf32, #tpu.memory_space<vmem_shared>>
      %dma_start3A_124 = arith.constant 0 : i32
      %dma_start3A_125 = tpu.memref_slice %arg17[%add3A_69, %dma_start3A_124] : memref<10240x128xf32, #tpu.memory_space<vmem_shared>> -> memref<40x128xf32, #tpu.memory_space<vmem_shared>>
      tpu.enqueue_dma source(%arg13 : memref<40x128xf32, #tpu.memory_space<vmem>>) target(%dma_start3A_125 : memref<40x128xf32, #tpu.memory_space<vmem_shared>>) target_semaphore(%run_scoped3A_121 : memref<!tpu.dma_semaphore, #tpu.memory_space<semaphore_mem>>)
      %dma_wait3A = arith.constant 0 : i32
      %dma_wait3A_126 = tpu.memref_slice %arg17[%add3A_69, %dma_wait3A] : memref<10240x128xf32, #tpu.memory_space<vmem_shared>> -> memref<40x128xf32, #tpu.memory_space<vmem_shared>>
      %dma_wait3A_127 = arith.constant 0 : i32
      %dma_wait3A_128 = tpu.memref_slice %arg17[%add3A_69, %dma_wait3A_127] : memref<10240x128xf32, #tpu.memory_space<vmem_shared>> -> memref<40x128xf32, #tpu.memory_space<vmem_shared>>
      tpu.wait_dma2 semaphore(%run_scoped3A_121 : memref<!tpu.dma_semaphore, #tpu.memory_space<semaphore_mem>>) src(%arg13 : memref<40x128xf32, #tpu.memory_space<vmem>>) dst(%dma_wait3A_128 : memref<40x128xf32, #tpu.memory_space<vmem_shared>>)
      tpu.yield
    }) : () -> ()
    %barrier3A = arith.constant 0 : index
    tpu.barrier barrier_id(%barrier3A)
    %run_scoped3A = arith.constant 0 : i32
    "tpu.region"() ({
      %run_scoped3A_121 = tpu.sem_alloc : memref<!tpu.dma_semaphore, #tpu.memory_space<semaphore_mem>>
      %dma_start3A_122 = arith.constant 0 : i32
      %dma_start3A_123 = tpu.memref_slice %arg4[%add3A, %run_scoped3A, %dma_start3A_122] : memref<32x250x40xi32, #tpu.memory_space<hbm>> -> memref<1x1x40xi32, #tpu.memory_space<hbm>>
      %dma_start3A_124 = tpu.memref_squeeze %dma_start3A_123 : memref<1x1x40xi32, #tpu.memory_space<hbm>> -> memref<40xi32, #tpu.memory_space<hbm>>
      %dma_start3A_125 = arith.constant 0 : i32
      %dma_start3A_126 = tpu.memref_slice %arg4[%add3A, %run_scoped3A, %dma_start3A_125] : memref<32x250x40xi32, #tpu.memory_space<hbm>> -> memref<1x1x40xi32, #tpu.memory_space<hbm>>
      %dma_start3A_127 = tpu.memref_squeeze %dma_start3A_126 : memref<1x1x40xi32, #tpu.memory_space<hbm>> -> memref<40xi32, #tpu.memory_space<hbm>>
      tpu.enqueue_dma source(%dma_start3A_127 : memref<40xi32, #tpu.memory_space<hbm>>) target(%arg7 : memref<40xi32, #tpu.memory_space<vmem>>) target_semaphore(%run_scoped3A_121 : memref<!tpu.dma_semaphore, #tpu.memory_space<semaphore_mem>>)
      %dma_wait3A = arith.constant 0 : i32
      %dma_wait3A_128 = tpu.memref_slice %arg4[%add3A, %run_scoped3A, %dma_wait3A] : memref<32x250x40xi32, #tpu.memory_space<hbm>> -> memref<1x1x40xi32, #tpu.memory_space<hbm>>
      %dma_wait3A_129 = tpu.memref_squeeze %dma_wait3A_128 : memref<1x1x40xi32, #tpu.memory_space<hbm>> -> memref<40xi32, #tpu.memory_space<hbm>>
      %dma_wait3A_130 = arith.constant 0 : i32
      %dma_wait3A_131 = tpu.memref_slice %arg4[%add3A, %run_scoped3A, %dma_wait3A_130] : memref<32x250x40xi32, #tpu.memory_space<hbm>> -> memref<1x1x40xi32, #tpu.memory_space<hbm>>
      %dma_wait3A_132 = tpu.memref_squeeze %dma_wait3A_131 : memref<1x1x40xi32, #tpu.memory_space<hbm>> -> memref<40xi32, #tpu.memory_space<hbm>>
      tpu.wait_dma2 semaphore(%run_scoped3A_121 : memref<!tpu.dma_semaphore, #tpu.memory_space<semaphore_mem>>) src(%dma_wait3A_132 : memref<40xi32, #tpu.memory_space<hbm>>) dst(%arg7 : memref<40xi32, #tpu.memory_space<vmem>>)
      tpu.yield
    }) : () -> ()
    %run_scoped3A_70 = arith.constant 0 : i32
    "tpu.region"() ({
      %run_scoped3A_121 = tpu.sem_alloc : memref<!tpu.dma_semaphore, #tpu.memory_space<semaphore_mem>>
      %dma_start3A_122 = arith.constant 0 : i32
      %dma_start3A_123 = tpu.memref_slice %arg5[%add3A, %run_scoped3A_70, %dma_start3A_122] : memref<32x250x40xi32, #tpu.memory_space<hbm>> -> memref<1x1x40xi32, #tpu.memory_space<hbm>>
      %dma_start3A_124 = tpu.memref_squeeze %dma_start3A_123 : memref<1x1x40xi32, #tpu.memory_space<hbm>> -> memref<40xi32, #tpu.memory_space<hbm>>
      %dma_start3A_125 = arith.constant 0 : i32
      %dma_start3A_126 = tpu.memref_slice %arg5[%add3A, %run_scoped3A_70, %dma_start3A_125] : memref<32x250x40xi32, #tpu.memory_space<hbm>> -> memref<1x1x40xi32, #tpu.memory_space<hbm>>
      %dma_start3A_127 = tpu.memref_squeeze %dma_start3A_126 : memref<1x1x40xi32, #tpu.memory_space<hbm>> -> memref<40xi32, #tpu.memory_space<hbm>>
      tpu.enqueue_dma source(%dma_start3A_127 : memref<40xi32, #tpu.memory_space<hbm>>) target(%arg8 : memref<40xi32, #tpu.memory_space<vmem>>) target_semaphore(%run_scoped3A_121 : memref<!tpu.dma_semaphore, #tpu.memory_space<semaphore_mem>>)
      %dma_wait3A = arith.constant 0 : i32
      %dma_wait3A_128 = tpu.memref_slice %arg5[%add3A, %run_scoped3A_70, %dma_wait3A] : memref<32x250x40xi32, #tpu.memory_space<hbm>> -> memref<1x1x40xi32, #tpu.memory_space<hbm>>
      %dma_wait3A_129 = tpu.memref_squeeze %dma_wait3A_128 : memref<1x1x40xi32, #tpu.memory_space<hbm>> -> memref<40xi32, #tpu.memory_space<hbm>>
      %dma_wait3A_130 = arith.constant 0 : i32
      %dma_wait3A_131 = tpu.memref_slice %arg5[%add3A, %run_scoped3A_70, %dma_wait3A_130] : memref<32x250x40xi32, #tpu.memory_space<hbm>> -> memref<1x1x40xi32, #tpu.memory_space<hbm>>
      %dma_wait3A_132 = tpu.memref_squeeze %dma_wait3A_131 : memref<1x1x40xi32, #tpu.memory_space<hbm>> -> memref<40xi32, #tpu.memory_space<hbm>>
      tpu.wait_dma2 semaphore(%run_scoped3A_121 : memref<!tpu.dma_semaphore, #tpu.memory_space<semaphore_mem>>) src(%dma_wait3A_132 : memref<40xi32, #tpu.memory_space<hbm>>) dst(%arg8 : memref<40xi32, #tpu.memory_space<vmem>>)
      tpu.yield
    }) : () -> ()
    %dma_start3A = arith.constant 0 : i32
    %dma_start3A_71 = arith.constant 0 : i32
    %dma_start3A_72 = tpu.memref_slice %arg2[%dma_start3A, %dma_start3A_71] : memref<10240x128xf32, #tpu.memory_space<hbm>> -> memref<10240x128xf32, #tpu.memory_space<hbm>>
    tpu.enqueue_indirect_dma source(%dma_start3A_72 : memref<10240x128xf32, #tpu.memory_space<hbm>>) target(%arg11 : memref<40x128xf32, #tpu.memory_space<vmem>>) offsets(%arg7 : memref<40xi32, #tpu.memory_space<vmem>>) semaphore(%arg18 : memref<!tpu.dma_semaphore, #tpu.memory_space<semaphore_mem>>)
    %mul3A_73 = arith.constant 10000 : i32
    %mul3A_74 = arith.muli %add3A, %mul3A_73 : i32
    %jit3A = arith.constant 2 : i32
    %div3A = arith.divsi %mul3A_74, %jit3A : i32
    %sign3A = arith.constant 0 : i32
    %sign3A_75 = arith.cmpi sgt, %mul3A_74, %sign3A : i32
    %sign3A_76 = arith.extui %sign3A_75 : i1 to i32
    %sign3A_77 = arith.constant 0 : i32
    %sign3A_78 = arith.cmpi slt, %mul3A_74, %sign3A_77 : i32
    %sign3A_79 = arith.extui %sign3A_78 : i1 to i32
    %sign3A_80 = arith.subi %sign3A_76, %sign3A_79 : i32
    %sign3A_81 = arith.constant 0 : i32
    %sign3A_82 = arith.cmpi sgt, %jit3A, %sign3A_81 : i32
    %sign3A_83 = arith.extui %sign3A_82 : i1 to i32
    %sign3A_84 = arith.constant 0 : i32
    %sign3A_85 = arith.cmpi slt, %jit3A, %sign3A_84 : i32
    %sign3A_86 = arith.extui %sign3A_85 : i1 to i32
    %sign3A_87 = arith.subi %sign3A_83, %sign3A_86 : i32
    %ne3A = arith.cmpi ne, %sign3A_80, %sign3A_87 : i32
    %rem3A = arith.remsi %mul3A_74, %jit3A : i32
    %ne3A_88 = arith.constant 0 : i32
    %ne3A_89 = arith.cmpi ne, %rem3A, %ne3A_88 : i32
    %and3A = arith.andi %ne3A, %ne3A_89 : i1
    %sub3A = arith.constant 1 : i32
    %sub3A_90 = arith.subi %div3A, %sub3A : i32
    %select_n3A = arith.select %and3A, %sub3A_90, %div3A : i32
    %dma_start3A_91 = arith.constant 0 : i32
    %dma_start3A_92 = arith.constant 0 : i32
    %dma_start3A_93 = tpu.memref_slice %arg3[%select_n3A, %dma_start3A_91, %dma_start3A_92] : memref<160000x2x128xbf16, #tpu.memory_space<hbm>> -> memref<20x2x128xbf16, #tpu.memory_space<hbm>>
    %dma_start3A_94 = arith.constant 0 : i32
    %dma_start3A_95 = arith.constant 0 : i32
    %dma_start3A_96 = tpu.memref_slice %arg3[%select_n3A, %dma_start3A_94, %dma_start3A_95] : memref<160000x2x128xbf16, #tpu.memory_space<hbm>> -> memref<20x2x128xbf16, #tpu.memory_space<hbm>>
    tpu.enqueue_dma source(%dma_start3A_96 : memref<20x2x128xbf16, #tpu.memory_space<hbm>>) target(%arg12 : memref<20x2x128xbf16, #tpu.memory_space<vmem>>) target_semaphore(%arg19 : memref<!tpu.dma_semaphore, #tpu.memory_space<semaphore_mem>>)
    %dma_start3A_97 = arith.constant 1 : i32
    %dma_start3A_98 = arith.constant 0 : i32
    %dma_start3A_99 = tpu.memref_slice %arg4[%add3A, %dma_start3A_97, %dma_start3A_98] : memref<32x250x40xi32, #tpu.memory_space<hbm>> -> memref<1x1x40xi32, #tpu.memory_space<hbm>>
    %dma_start3A_100 = tpu.memref_squeeze %dma_start3A_99 : memref<1x1x40xi32, #tpu.memory_space<hbm>> -> memref<40xi32, #tpu.memory_space<hbm>>
    %dma_start3A_101 = arith.constant 0 : i32
    %dma_start3A_102 = tpu.memref_slice %arg4[%add3A, %dma_start3A_97, %dma_start3A_101] : memref<32x250x40xi32, #tpu.memory_space<hbm>> -> memref<1x1x40xi32, #tpu.memory_space<hbm>>
    %dma_start3A_103 = tpu.memref_squeeze %dma_start3A_102 : memref<1x1x40xi32, #tpu.memory_space<hbm>> -> memref<40xi32, #tpu.memory_space<hbm>>
    tpu.enqueue_dma source(%dma_start3A_103 : memref<40xi32, #tpu.memory_space<hbm>>) target(%arg9 : memref<40xi32, #tpu.memory_space<vmem>>) target_semaphore(%arg23 : memref<!tpu.dma_semaphore, #tpu.memory_space<semaphore_mem>>)
    %dma_start3A_104 = arith.constant 1 : i32
    %dma_start3A_105 = arith.constant 0 : i32
    %dma_start3A_106 = tpu.memref_slice %arg5[%add3A, %dma_start3A_104, %dma_start3A_105] : memref<32x250x40xi32, #tpu.memory_space<hbm>> -> memref<1x1x40xi32, #tpu.memory_space<hbm>>
    %dma_start3A_107 = tpu.memref_squeeze %dma_start3A_106 : memref<1x1x40xi32, #tpu.memory_space<hbm>> -> memref<40xi32, #tpu.memory_space<hbm>>
    %dma_start3A_108 = arith.constant 0 : i32
    %dma_start3A_109 = tpu.memref_slice %arg5[%add3A, %dma_start3A_104, %dma_start3A_108] : memref<32x250x40xi32, #tpu.memory_space<hbm>> -> memref<1x1x40xi32, #tpu.memory_space<hbm>>
    %dma_start3A_110 = tpu.memref_squeeze %dma_start3A_109 : memref<1x1x40xi32, #tpu.memory_space<hbm>> -> memref<40xi32, #tpu.memory_space<hbm>>
    tpu.enqueue_dma source(%dma_start3A_110 : memref<40xi32, #tpu.memory_space<hbm>>) target(%arg10 : memref<40xi32, #tpu.memory_space<vmem>>) target_semaphore(%arg23 : memref<!tpu.dma_semaphore, #tpu.memory_space<semaphore_mem>>)
    %scan3A_111 = arith.constant 0 : i32
    %scan3A_112 = arith.constant 125 : i32
    %scan3A_113 = arith.addi %scan3A_111, %scan3A_112 : i32
    %scan3A_114 = arith.constant 1 : i32
    scf.for %scan3A_121 = %scan3A_111 to %scan3A_113 step %scan3A_114  : i32 {
      %mul3A_122 = arith.constant 1 : i32
      %mul3A_123 = arith.muli %scan3A_121, %mul3A_122 : i32
      %add3A_124 = arith.constant 0 : i32
      %add3A_125 = arith.addi %add3A_124, %mul3A_123 : i32
      %mul3A_126 = arith.constant 2 : i32
      %mul3A_127 = arith.muli %mul3A_126, %add3A_125 : i32
      %add3A_128 = arith.constant 0 : i32
      %add3A_129 = arith.addi %mul3A_127, %add3A_128 : i32
      %dma_wait3A = arith.constant 0 : i32
      %dma_wait3A_130 = arith.constant 0 : i32
      %dma_wait3A_131 = tpu.memref_slice %arg2[%dma_wait3A, %dma_wait3A_130] : memref<10240x128xf32, #tpu.memory_space<hbm>> -> memref<10240x128xf32, #tpu.memory_space<hbm>>
      tpu.wait_indirect_dma semaphore(%arg18 : memref<!tpu.dma_semaphore, #tpu.memory_space<semaphore_mem>>) src(%dma_wait3A_131 : memref<10240x128xf32, #tpu.memory_space<hbm>>) dst(%arg11 : memref<40x128xf32, #tpu.memory_space<vmem>>)
      %dma_wait3A_132 = arith.constant 0 : i32
      %dma_wait3A_133 = arith.constant 0 : i32
      %dma_wait3A_134 = arith.constant 0 : i32
      %dma_wait3A_135 = tpu.memref_slice %arg3[%dma_wait3A_132, %dma_wait3A_133, %dma_wait3A_134] : memref<160000x2x128xbf16, #tpu.memory_space<hbm>> -> memref<20x2x128xbf16, #tpu.memory_space<hbm>>
      %dma_wait3A_136 = arith.constant 0 : i32
      %dma_wait3A_137 = arith.constant 0 : i32
      %dma_wait3A_138 = arith.constant 0 : i32
      %dma_wait3A_139 = tpu.memref_slice %arg3[%dma_wait3A_136, %dma_wait3A_137, %dma_wait3A_138] : memref<160000x2x128xbf16, #tpu.memory_space<hbm>> -> memref<20x2x128xbf16, #tpu.memory_space<hbm>>
      tpu.wait_dma2 semaphore(%arg19 : memref<!tpu.dma_semaphore, #tpu.memory_space<semaphore_mem>>) src(%dma_wait3A_139 : memref<20x2x128xbf16, #tpu.memory_space<hbm>>) dst(%arg12 : memref<20x2x128xbf16, #tpu.memory_space<vmem>>)
      %add3A_140 = arith.constant 1 : i32
      %add3A_141 = arith.addi %add3A_129, %add3A_140 : i32
      %lt3A = arith.constant 250 : i32
      %lt3A_142 = arith.cmpi slt, %add3A_141, %lt3A : i32
      %convert_element_type3A = arith.extui %lt3A_142 : i1 to i32
      %cond3A = arith.constant 0 : i32
      %cond3A_143 = arith.cmpi ne, %convert_element_type3A, %cond3A : i32
      scf.if %cond3A_143 {
        %dma_wait3A_190 = arith.constant 0 : i32
        %dma_wait3A_191 = arith.constant 0 : i32
        %dma_wait3A_192 = tpu.memref_slice %arg4[%add3A, %dma_wait3A_190, %dma_wait3A_191] : memref<32x250x40xi32, #tpu.memory_space<hbm>> -> memref<1x1x40xi32, #tpu.memory_space<hbm>>
        %dma_wait3A_193 = tpu.memref_squeeze %dma_wait3A_192 : memref<1x1x40xi32, #tpu.memory_space<hbm>> -> memref<40xi32, #tpu.memory_space<hbm>>
        %dma_wait3A_194 = arith.constant 0 : i32
        %dma_wait3A_195 = tpu.memref_slice %arg4[%add3A, %dma_wait3A_190, %dma_wait3A_194] : memref<32x250x40xi32, #tpu.memory_space<hbm>> -> memref<1x1x40xi32, #tpu.memory_space<hbm>>
        %dma_wait3A_196 = tpu.memref_squeeze %dma_wait3A_195 : memref<1x1x40xi32, #tpu.memory_space<hbm>> -> memref<40xi32, #tpu.memory_space<hbm>>
        tpu.wait_dma2 semaphore(%arg23 : memref<!tpu.dma_semaphore, #tpu.memory_space<semaphore_mem>>) src(%dma_wait3A_196 : memref<40xi32, #tpu.memory_space<hbm>>) dst(%arg9 : memref<40xi32, #tpu.memory_space<vmem>>)
        %dma_wait3A_197 = arith.constant 0 : i32
        %dma_wait3A_198 = arith.constant 0 : i32
        %dma_wait3A_199 = tpu.memref_slice %arg5[%add3A, %dma_wait3A_197, %dma_wait3A_198] : memref<32x250x40xi32, #tpu.memory_space<hbm>> -> memref<1x1x40xi32, #tpu.memory_space<hbm>>
        %dma_wait3A_200 = tpu.memref_squeeze %dma_wait3A_199 : memref<1x1x40xi32, #tpu.memory_space<hbm>> -> memref<40xi32, #tpu.memory_space<hbm>>
        %dma_wait3A_201 = arith.constant 0 : i32
        %dma_wait3A_202 = tpu.memref_slice %arg5[%add3A, %dma_wait3A_197, %dma_wait3A_201] : memref<32x250x40xi32, #tpu.memory_space<hbm>> -> memref<1x1x40xi32, #tpu.memory_space<hbm>>
        %dma_wait3A_203 = tpu.memref_squeeze %dma_wait3A_202 : memref<1x1x40xi32, #tpu.memory_space<hbm>> -> memref<40xi32, #tpu.memory_space<hbm>>
        tpu.wait_dma2 semaphore(%arg23 : memref<!tpu.dma_semaphore, #tpu.memory_space<semaphore_mem>>) src(%dma_wait3A_203 : memref<40xi32, #tpu.memory_space<hbm>>) dst(%arg10 : memref<40xi32, #tpu.memory_space<vmem>>)
        %dma_start3A_204 = arith.constant 0 : i32
        %dma_start3A_205 = arith.constant 0 : i32
        %dma_start3A_206 = tpu.memref_slice %arg2[%dma_start3A_204, %dma_start3A_205] : memref<10240x128xf32, #tpu.memory_space<hbm>> -> memref<10240x128xf32, #tpu.memory_space<hbm>>
        tpu.enqueue_indirect_dma source(%dma_start3A_206 : memref<10240x128xf32, #tpu.memory_space<hbm>>) target(%arg14 : memref<40x128xf32, #tpu.memory_space<vmem>>) offsets(%arg9 : memref<40xi32, #tpu.memory_space<vmem>>) semaphore(%arg21 : memref<!tpu.dma_semaphore, #tpu.memory_space<semaphore_mem>>)
        %mul3A_207 = arith.constant 10000 : i32
        %mul3A_208 = arith.muli %add3A, %mul3A_207 : i32
        %add3A_209 = arith.constant 1 : i32
        %add3A_210 = arith.addi %add3A_129, %add3A_209 : i32
        %mul3A_211 = arith.constant 40 : i32
        %mul3A_212 = arith.muli %add3A_210, %mul3A_211 : i32
        %add3A_213 = arith.addi %mul3A_208, %mul3A_212 : i32
        %jit3A_214 = arith.constant 2 : i32
        %div3A_215 = arith.divsi %add3A_213, %jit3A_214 : i32
        %sign3A_216 = arith.constant 0 : i32
        %sign3A_217 = arith.cmpi sgt, %add3A_213, %sign3A_216 : i32
        %sign3A_218 = arith.extui %sign3A_217 : i1 to i32
        %sign3A_219 = arith.constant 0 : i32
        %sign3A_220 = arith.cmpi slt, %add3A_213, %sign3A_219 : i32
        %sign3A_221 = arith.extui %sign3A_220 : i1 to i32
        %sign3A_222 = arith.subi %sign3A_218, %sign3A_221 : i32
        %sign3A_223 = arith.constant 0 : i32
        %sign3A_224 = arith.cmpi sgt, %jit3A_214, %sign3A_223 : i32
        %sign3A_225 = arith.extui %sign3A_224 : i1 to i32
        %sign3A_226 = arith.constant 0 : i32
        %sign3A_227 = arith.cmpi slt, %jit3A_214, %sign3A_226 : i32
        %sign3A_228 = arith.extui %sign3A_227 : i1 to i32
        %sign3A_229 = arith.subi %sign3A_225, %sign3A_228 : i32
        %ne3A_230 = arith.cmpi ne, %sign3A_222, %sign3A_229 : i32
        %rem3A_231 = arith.remsi %add3A_213, %jit3A_214 : i32
        %ne3A_232 = arith.constant 0 : i32
        %ne3A_233 = arith.cmpi ne, %rem3A_231, %ne3A_232 : i32
        %and3A_234 = arith.andi %ne3A_230, %ne3A_233 : i1
        %sub3A_235 = arith.constant 1 : i32
        %sub3A_236 = arith.subi %div3A_215, %sub3A_235 : i32
        %select_n3A_237 = arith.select %and3A_234, %sub3A_236, %div3A_215 : i32
        %dma_start3A_238 = arith.constant 0 : i32
        %dma_start3A_239 = arith.constant 0 : i32
        %dma_start3A_240 = tpu.memref_slice %arg3[%select_n3A_237, %dma_start3A_238, %dma_start3A_239] : memref<160000x2x128xbf16, #tpu.memory_space<hbm>> -> memref<20x2x128xbf16, #tpu.memory_space<hbm>>
        %dma_start3A_241 = arith.constant 0 : i32
        %dma_start3A_242 = arith.constant 0 : i32
        %dma_start3A_243 = tpu.memref_slice %arg3[%select_n3A_237, %dma_start3A_241, %dma_start3A_242] : memref<160000x2x128xbf16, #tpu.memory_space<hbm>> -> memref<20x2x128xbf16, #tpu.memory_space<hbm>>
        tpu.enqueue_dma source(%dma_start3A_243 : memref<20x2x128xbf16, #tpu.memory_space<hbm>>) target(%arg15 : memref<20x2x128xbf16, #tpu.memory_space<vmem>>) target_semaphore(%arg22 : memref<!tpu.dma_semaphore, #tpu.memory_space<semaphore_mem>>)
      } else {
      }
      %scan3A_144 = arith.constant 0 : i32
      %scan3A_145 = arith.constant 20 : i32
      %scan3A_146 = arith.addi %scan3A_144, %scan3A_145 : i32
      %scan3A_147 = arith.constant 1 : i32
      scf.for %scan3A_190 = %scan3A_144 to %scan3A_146 step %scan3A_147  : i32 {
        %mul3A_191 = arith.constant 1 : i32
        %mul3A_192 = arith.muli %scan3A_190, %mul3A_191 : i32
        %add3A_193 = arith.constant 0 : i32
        %add3A_194 = arith.addi %add3A_193, %mul3A_192 : i32
        %get3A = arith.constant 0 : i32
        %get3A_195 = arith.index_cast %add3A_194 : i32 to index
        %get3A_196 = arith.index_cast %get3A : i32 to index
        %get3A_197 = arith.constant 0 : index
        %get3A_198 = tpu.vector_load %arg12[%get3A_195, %get3A_196, %get3A_197] {strides = array<i32>} : memref<20x2x128xbf16, #tpu.memory_space<vmem>>, vector<1x1x32xbf16>,
        %get3A_199 = vector.shape_cast %get3A_198 : vector<1x1x32xbf16> to vector<32xbf16>
        %convert_element_type3A_200 = arith.extf %get3A_199 : vector<32xbf16> to vector<32xf32>
        %mul3A_201 = arith.constant 2 : i32
        %mul3A_202 = arith.muli %mul3A_201, %add3A_194 : i32
        %add3A_203 = arith.constant 0 : i32
        %add3A_204 = arith.addi %mul3A_202, %add3A_203 : i32
        %get3A_205 = arith.index_cast %add3A_204 : i32 to index
        %get3A_206 = arith.constant 0 : index
        %get3A_207 = tpu.vector_load %arg11[%get3A_205, %get3A_206] {strides = array<i32>} : memref<40x128xf32, #tpu.memory_space<vmem>>, vector<1x16xf32>,
        %get3A_208 = vector.shape_cast %get3A_207 : vector<1x16xf32> to vector<16xf32>
        %slice3A = vector.extract_strided_slice %convert_element_type3A_200 {offsets = [0], sizes = [16], strides = [1]} : vector<32xf32> to vector<16xf32>
        %add3A_209 = arith.addf %get3A_208, %slice3A : vector<16xf32>
        %max3A = arith.constant 0.000000e+00 : f32
        %max3A_210 = vector.broadcast %max3A : f32 to vector<16xf32>
        %max3A_211 = arith.maximumf %add3A_209, %max3A_210 : vector<16xf32>
        %swap3A = arith.index_cast %add3A_204 : i32 to index
        %swap3A_212 = arith.constant 0 : index
        %swap3A_213 = tpu.vector_load %arg13[%swap3A, %swap3A_212] {strides = array<i32>} : memref<40x128xf32, #tpu.memory_space<vmem>>, vector<1x16xf32>,
        %swap3A_214 = vector.shape_cast %swap3A_213 : vector<1x16xf32> to vector<16xf32>
        %swap3A_215 = vector.shape_cast %max3A_211 : vector<16xf32> to vector<1x16xf32>
        tpu.vector_store %arg13[%swap3A, %swap3A_212], %swap3A_215 {strides = array<i32>} : memref<40x128xf32, #tpu.memory_space<vmem>>, vector<1x16xf32>,
        %get3A_216 = arith.index_cast %add3A_204 : i32 to index
        %get3A_217 = arith.constant 16 : index
        %get3A_218 = tpu.vector_load %arg11[%get3A_216, %get3A_217] {strides = array<i32>} : memref<40x128xf32, #tpu.memory_space<vmem>>, vector<1x16xf32>,
        %get3A_219 = vector.shape_cast %get3A_218 : vector<1x16xf32> to vector<16xf32>
        %slice3A_220 = vector.extract_strided_slice %convert_element_type3A_200 {offsets = [16], sizes = [16], strides = [1]} : vector<32xf32> to vector<16xf32>
        %add3A_221 = arith.addf %get3A_219, %slice3A_220 : vector<16xf32>
        %max3A_222 = arith.constant 0.000000e+00 : f32
        %max3A_223 = vector.broadcast %max3A_222 : f32 to vector<16xf32>
        %max3A_224 = arith.maximumf %add3A_221, %max3A_223 : vector<16xf32>
        %swap3A_225 = arith.index_cast %add3A_204 : i32 to index
        %swap3A_226 = arith.constant 16 : index
        %swap3A_227 = tpu.vector_load %arg13[%swap3A_225, %swap3A_226] {strides = array<i32>} : memref<40x128xf32, #tpu.memory_space<vmem>>, vector<1x16xf32>,
        %swap3A_228 = vector.shape_cast %swap3A_227 : vector<1x16xf32> to vector<16xf32>
        %swap3A_229 = vector.shape_cast %max3A_224 : vector<16xf32> to vector<1x16xf32>
        tpu.vector_store %arg13[%swap3A_225, %swap3A_226], %swap3A_229 {strides = array<i32>} : memref<40x128xf32, #tpu.memory_space<vmem>>, vector<1x16xf32>,
        %get3A_230 = arith.constant 0 : i32
        %get3A_231 = arith.index_cast %add3A_194 : i32 to index
        %get3A_232 = arith.index_cast %get3A_230 : i32 to index
        %get3A_233 = arith.constant 32 : index
        %get3A_234 = tpu.vector_load %arg12[%get3A_231, %get3A_232, %get3A_233] {strides = array<i32>} : memref<20x2x128xbf16, #tpu.memory_space<vmem>>, vector<1x1x32xbf16>,
        %get3A_235 = vector.shape_cast %get3A_234 : vector<1x1x32xbf16> to vector<32xbf16>
        %convert_element_type3A_236 = arith.extf %get3A_235 : vector<32xbf16> to vector<32xf32>
        %mul3A_237 = arith.constant 2 : i32
        %mul3A_238 = arith.muli %mul3A_237, %add3A_194 : i32
        %add3A_239 = arith.constant 0 : i32
        %add3A_240 = arith.addi %mul3A_238, %add3A_239 : i32
        %get3A_241 = arith.index_cast %add3A_240 : i32 to index
        %get3A_242 = arith.constant 32 : index
        %get3A_243 = tpu.vector_load %arg11[%get3A_241, %get3A_242] {strides = array<i32>} : memref<40x128xf32, #tpu.memory_space<vmem>>, vector<1x16xf32>,
        %get3A_244 = vector.shape_cast %get3A_243 : vector<1x16xf32> to vector<16xf32>
        %slice3A_245 = vector.extract_strided_slice %convert_element_type3A_236 {offsets = [0], sizes = [16], strides = [1]} : vector<32xf32> to vector<16xf32>
        %add3A_246 = arith.addf %get3A_244, %slice3A_245 : vector<16xf32>
        %max3A_247 = arith.constant 0.000000e+00 : f32
        %max3A_248 = vector.broadcast %max3A_247 : f32 to vector<16xf32>
        %max3A_249 = arith.maximumf %add3A_246, %max3A_248 : vector<16xf32>
        %swap3A_250 = arith.index_cast %add3A_240 : i32 to index
        %swap3A_251 = arith.constant 32 : index
        %swap3A_252 = tpu.vector_load %arg13[%swap3A_250, %swap3A_251] {strides = array<i32>} : memref<40x128xf32, #tpu.memory_space<vmem>>, vector<1x16xf32>,
        %swap3A_253 = vector.shape_cast %swap3A_252 : vector<1x16xf32> to vector<16xf32>
        %swap3A_254 = vector.shape_cast %max3A_249 : vector<16xf32> to vector<1x16xf32>
        tpu.vector_store %arg13[%swap3A_250, %swap3A_251], %swap3A_254 {strides = array<i32>} : memref<40x128xf32, #tpu.memory_space<vmem>>, vector<1x16xf32>,
        %get3A_255 = arith.index_cast %add3A_240 : i32 to index
        %get3A_256 = arith.constant 48 : index
        %get3A_257 = tpu.vector_load %arg11[%get3A_255, %get3A_256] {strides = array<i32>} : memref<40x128xf32, #tpu.memory_space<vmem>>, vector<1x16xf32>,
        %get3A_258 = vector.shape_cast %get3A_257 : vector<1x16xf32> to vector<16xf32>
        %slice3A_259 = vector.extract_strided_slice %convert_element_type3A_236 {offsets = [16], sizes = [16], strides = [1]} : vector<32xf32> to vector<16xf32>
        %add3A_260 = arith.addf %get3A_258, %slice3A_259 : vector<16xf32>
        %max3A_261 = arith.constant 0.000000e+00 : f32
        %max3A_262 = vector.broadcast %max3A_261 : f32 to vector<16xf32>
        %max3A_263 = arith.maximumf %add3A_260, %max3A_262 : vector<16xf32>
        %swap3A_264 = arith.index_cast %add3A_240 : i32 to index
        %swap3A_265 = arith.constant 48 : index
        %swap3A_266 = tpu.vector_load %arg13[%swap3A_264, %swap3A_265] {strides = array<i32>} : memref<40x128xf32, #tpu.memory_space<vmem>>, vector<1x16xf32>,
        %swap3A_267 = vector.shape_cast %swap3A_266 : vector<1x16xf32> to vector<16xf32>
        %swap3A_268 = vector.shape_cast %max3A_263 : vector<16xf32> to vector<1x16xf32>
        tpu.vector_store %arg13[%swap3A_264, %swap3A_265], %swap3A_268 {strides = array<i32>} : memref<40x128xf32, #tpu.memory_space<vmem>>, vector<1x16xf32>,
        %get3A_269 = arith.constant 0 : i32
        %get3A_270 = arith.index_cast %add3A_194 : i32 to index
        %get3A_271 = arith.index_cast %get3A_269 : i32 to index
        %get3A_272 = arith.constant 64 : index
        %get3A_273 = tpu.vector_load %arg12[%get3A_270, %get3A_271, %get3A_272] {strides = array<i32>} : memref<20x2x128xbf16, #tpu.memory_space<vmem>>, vector<1x1x32xbf16>,
        %get3A_274 = vector.shape_cast %get3A_273 : vector<1x1x32xbf16> to vector<32xbf16>
        %convert_element_type3A_275 = arith.extf %get3A_274 : vector<32xbf16> to vector<32xf32>
        %mul3A_276 = arith.constant 2 : i32
        %mul3A_277 = arith.muli %mul3A_276, %add3A_194 : i32
        %add3A_278 = arith.constant 0 : i32
        %add3A_279 = arith.addi %mul3A_277, %add3A_278 : i32
        %get3A_280 = arith.index_cast %add3A_279 : i32 to index
        %get3A_281 = arith.constant 64 : index
        %get3A_282 = tpu.vector_load %arg11[%get3A_280, %get3A_281] {strides = array<i32>} : memref<40x128xf32, #tpu.memory_space<vmem>>, vector<1x16xf32>,
        %get3A_283 = vector.shape_cast %get3A_282 : vector<1x16xf32> to vector<16xf32>
        %slice3A_284 = vector.extract_strided_slice %convert_element_type3A_275 {offsets = [0], sizes = [16], strides = [1]} : vector<32xf32> to vector<16xf32>
        %add3A_285 = arith.addf %get3A_283, %slice3A_284 : vector<16xf32>
        %max3A_286 = arith.constant 0.000000e+00 : f32
        %max3A_287 = vector.broadcast %max3A_286 : f32 to vector<16xf32>
        %max3A_288 = arith.maximumf %add3A_285, %max3A_287 : vector<16xf32>
        %swap3A_289 = arith.index_cast %add3A_279 : i32 to index
        %swap3A_290 = arith.constant 64 : index
        %swap3A_291 = tpu.vector_load %arg13[%swap3A_289, %swap3A_290] {strides = array<i32>} : memref<40x128xf32, #tpu.memory_space<vmem>>, vector<1x16xf32>,
        %swap3A_292 = vector.shape_cast %swap3A_291 : vector<1x16xf32> to vector<16xf32>
        %swap3A_293 = vector.shape_cast %max3A_288 : vector<16xf32> to vector<1x16xf32>
        tpu.vector_store %arg13[%swap3A_289, %swap3A_290], %swap3A_293 {strides = array<i32>} : memref<40x128xf32, #tpu.memory_space<vmem>>, vector<1x16xf32>,
        %get3A_294 = arith.index_cast %add3A_279 : i32 to index
        %get3A_295 = arith.constant 80 : index
        %get3A_296 = tpu.vector_load %arg11[%get3A_294, %get3A_295] {strides = array<i32>} : memref<40x128xf32, #tpu.memory_space<vmem>>, vector<1x16xf32>,
        %get3A_297 = vector.shape_cast %get3A_296 : vector<1x16xf32> to vector<16xf32>
        %slice3A_298 = vector.extract_strided_slice %convert_element_type3A_275 {offsets = [16], sizes = [16], strides = [1]} : vector<32xf32> to vector<16xf32>
        %add3A_299 = arith.addf %get3A_297, %slice3A_298 : vector<16xf32>
        %max3A_300 = arith.constant 0.000000e+00 : f32
        %max3A_301 = vector.broadcast %max3A_300 : f32 to vector<16xf32>
        %max3A_302 = arith.maximumf %add3A_299, %max3A_301 : vector<16xf32>
        %swap3A_303 = arith.index_cast %add3A_279 : i32 to index
        %swap3A_304 = arith.constant 80 : index
        %swap3A_305 = tpu.vector_load %arg13[%swap3A_303, %swap3A_304] {strides = array<i32>} : memref<40x128xf32, #tpu.memory_space<vmem>>, vector<1x16xf32>,
        %swap3A_306 = vector.shape_cast %swap3A_305 : vector<1x16xf32> to vector<16xf32>
        %swap3A_307 = vector.shape_cast %max3A_302 : vector<16xf32> to vector<1x16xf32>
        tpu.vector_store %arg13[%swap3A_303, %swap3A_304], %swap3A_307 {strides = array<i32>} : memref<40x128xf32, #tpu.memory_space<vmem>>, vector<1x16xf32>,
        %get3A_308 = arith.constant 0 : i32
        %get3A_309 = arith.index_cast %add3A_194 : i32 to index
        %get3A_310 = arith.index_cast %get3A_308 : i32 to index
        %get3A_311 = arith.constant 96 : index
        %get3A_312 = tpu.vector_load %arg12[%get3A_309, %get3A_310, %get3A_311] {strides = array<i32>} : memref<20x2x128xbf16, #tpu.memory_space<vmem>>, vector<1x1x32xbf16>,
        %get3A_313 = vector.shape_cast %get3A_312 : vector<1x1x32xbf16> to vector<32xbf16>
        %convert_element_type3A_314 = arith.extf %get3A_313 : vector<32xbf16> to vector<32xf32>
        %mul3A_315 = arith.constant 2 : i32
        %mul3A_316 = arith.muli %mul3A_315, %add3A_194 : i32
        %add3A_317 = arith.constant 0 : i32
        %add3A_318 = arith.addi %mul3A_316, %add3A_317 : i32
        %get3A_319 = arith.index_cast %add3A_318 : i32 to index
        %get3A_320 = arith.constant 96 : index
        %get3A_321 = tpu.vector_load %arg11[%get3A_319, %get3A_320] {strides = array<i32>} : memref<40x128xf32, #tpu.memory_space<vmem>>, vector<1x16xf32>,
        %get3A_322 = vector.shape_cast %get3A_321 : vector<1x16xf32> to vector<16xf32>
        %slice3A_323 = vector.extract_strided_slice %convert_element_type3A_314 {offsets = [0], sizes = [16], strides = [1]} : vector<32xf32> to vector<16xf32>
        %add3A_324 = arith.addf %get3A_322, %slice3A_323 : vector<16xf32>
        %max3A_325 = arith.constant 0.000000e+00 : f32
        %max3A_326 = vector.broadcast %max3A_325 : f32 to vector<16xf32>
        %max3A_327 = arith.maximumf %add3A_324, %max3A_326 : vector<16xf32>
        %swap3A_328 = arith.index_cast %add3A_318 : i32 to index
        %swap3A_329 = arith.constant 96 : index
        %swap3A_330 = tpu.vector_load %arg13[%swap3A_328, %swap3A_329] {strides = array<i32>} : memref<40x128xf32, #tpu.memory_space<vmem>>, vector<1x16xf32>,
        %swap3A_331 = vector.shape_cast %swap3A_330 : vector<1x16xf32> to vector<16xf32>
        %swap3A_332 = vector.shape_cast %max3A_327 : vector<16xf32> to vector<1x16xf32>
        tpu.vector_store %arg13[%swap3A_328, %swap3A_329], %swap3A_332 {strides = array<i32>} : memref<40x128xf32, #tpu.memory_space<vmem>>, vector<1x16xf32>,
        %get3A_333 = arith.index_cast %add3A_318 : i32 to index
        %get3A_334 = arith.constant 112 : index
        %get3A_335 = tpu.vector_load %arg11[%get3A_333, %get3A_334] {strides = array<i32>} : memref<40x128xf32, #tpu.memory_space<vmem>>, vector<1x16xf32>,
        %get3A_336 = vector.shape_cast %get3A_335 : vector<1x16xf32> to vector<16xf32>
        %slice3A_337 = vector.extract_strided_slice %convert_element_type3A_314 {offsets = [16], sizes = [16], strides = [1]} : vector<32xf32> to vector<16xf32>
        %add3A_338 = arith.addf %get3A_336, %slice3A_337 : vector<16xf32>
        %max3A_339 = arith.constant 0.000000e+00 : f32
        %max3A_340 = vector.broadcast %max3A_339 : f32 to vector<16xf32>
        %max3A_341 = arith.maximumf %add3A_338, %max3A_340 : vector<16xf32>
        %swap3A_342 = arith.index_cast %add3A_318 : i32 to index
        %swap3A_343 = arith.constant 112 : index
        %swap3A_344 = tpu.vector_load %arg13[%swap3A_342, %swap3A_343] {strides = array<i32>} : memref<40x128xf32, #tpu.memory_space<vmem>>, vector<1x16xf32>,
        %swap3A_345 = vector.shape_cast %swap3A_344 : vector<1x16xf32> to vector<16xf32>
        %swap3A_346 = vector.shape_cast %max3A_341 : vector<16xf32> to vector<1x16xf32>
        tpu.vector_store %arg13[%swap3A_342, %swap3A_343], %swap3A_346 {strides = array<i32>} : memref<40x128xf32, #tpu.memory_space<vmem>>, vector<1x16xf32>,
        %get3A_347 = arith.constant 1 : i32
        %get3A_348 = arith.index_cast %add3A_194 : i32 to index
        %get3A_349 = arith.index_cast %get3A_347 : i32 to index
        %get3A_350 = arith.constant 0 : index
        %get3A_351 = tpu.vector_load %arg12[%get3A_348, %get3A_349, %get3A_350] {strides = array<i32>} : memref<20x2x128xbf16, #tpu.memory_space<vmem>>, vector<1x1x32xbf16>,
        %get3A_352 = vector.shape_cast %get3A_351 : vector<1x1x32xbf16> to vector<32xbf16>
        %convert_element_type3A_353 = arith.extf %get3A_352 : vector<32xbf16> to vector<32xf32>
        %mul3A_354 = arith.constant 2 : i32
        %mul3A_355 = arith.muli %mul3A_354, %add3A_194 : i32
        %add3A_356 = arith.constant 1 : i32
        %add3A_357 = arith.addi %mul3A_355, %add3A_356 : i32
        %get3A_358 = arith.index_cast %add3A_357 : i32 to index
        %get3A_359 = arith.constant 0 : index
        %get3A_360 = tpu.vector_load %arg11[%get3A_358, %get3A_359] {strides = array<i32>} : memref<40x128xf32, #tpu.memory_space<vmem>>, vector<1x16xf32>,
        %get3A_361 = vector.shape_cast %get3A_360 : vector<1x16xf32> to vector<16xf32>
        %slice3A_362 = vector.extract_strided_slice %convert_element_type3A_353 {offsets = [0], sizes = [16], strides = [1]} : vector<32xf32> to vector<16xf32>
        %add3A_363 = arith.addf %get3A_361, %slice3A_362 : vector<16xf32>
        %max3A_364 = arith.constant 0.000000e+00 : f32
        %max3A_365 = vector.broadcast %max3A_364 : f32 to vector<16xf32>
        %max3A_366 = arith.maximumf %add3A_363, %max3A_365 : vector<16xf32>
        %swap3A_367 = arith.index_cast %add3A_357 : i32 to index
        %swap3A_368 = arith.constant 0 : index
        %swap3A_369 = tpu.vector_load %arg13[%swap3A_367, %swap3A_368] {strides = array<i32>} : memref<40x128xf32, #tpu.memory_space<vmem>>, vector<1x16xf32>,
        %swap3A_370 = vector.shape_cast %swap3A_369 : vector<1x16xf32> to vector<16xf32>
        %swap3A_371 = vector.shape_cast %max3A_366 : vector<16xf32> to vector<1x16xf32>
        tpu.vector_store %arg13[%swap3A_367, %swap3A_368], %swap3A_371 {strides = array<i32>} : memref<40x128xf32, #tpu.memory_space<vmem>>, vector<1x16xf32>,
        %get3A_372 = arith.index_cast %add3A_357 : i32 to index
        %get3A_373 = arith.constant 16 : index
        %get3A_374 = tpu.vector_load %arg11[%get3A_372, %get3A_373] {strides = array<i32>} : memref<40x128xf32, #tpu.memory_space<vmem>>, vector<1x16xf32>,
        %get3A_375 = vector.shape_cast %get3A_374 : vector<1x16xf32> to vector<16xf32>
        %slice3A_376 = vector.extract_strided_slice %convert_element_type3A_353 {offsets = [16], sizes = [16], strides = [1]} : vector<32xf32> to vector<16xf32>
        %add3A_377 = arith.addf %get3A_375, %slice3A_376 : vector<16xf32>
        %max3A_378 = arith.constant 0.000000e+00 : f32
        %max3A_379 = vector.broadcast %max3A_378 : f32 to vector<16xf32>
        %max3A_380 = arith.maximumf %add3A_377, %max3A_379 : vector<16xf32>
        %swap3A_381 = arith.index_cast %add3A_357 : i32 to index
        %swap3A_382 = arith.constant 16 : index
        %swap3A_383 = tpu.vector_load %arg13[%swap3A_381, %swap3A_382] {strides = array<i32>} : memref<40x128xf32, #tpu.memory_space<vmem>>, vector<1x16xf32>,
        %swap3A_384 = vector.shape_cast %swap3A_383 : vector<1x16xf32> to vector<16xf32>
        %swap3A_385 = vector.shape_cast %max3A_380 : vector<16xf32> to vector<1x16xf32>
        tpu.vector_store %arg13[%swap3A_381, %swap3A_382], %swap3A_385 {strides = array<i32>} : memref<40x128xf32, #tpu.memory_space<vmem>>, vector<1x16xf32>,
        %get3A_386 = arith.constant 1 : i32
        %get3A_387 = arith.index_cast %add3A_194 : i32 to index
        %get3A_388 = arith.index_cast %get3A_386 : i32 to index
        %get3A_389 = arith.constant 32 : index
        %get3A_390 = tpu.vector_load %arg12[%get3A_387, %get3A_388, %get3A_389] {strides = array<i32>} : memref<20x2x128xbf16, #tpu.memory_space<vmem>>, vector<1x1x32xbf16>,
        %get3A_391 = vector.shape_cast %get3A_390 : vector<1x1x32xbf16> to vector<32xbf16>
        %convert_element_type3A_392 = arith.extf %get3A_391 : vector<32xbf16> to vector<32xf32>
        %mul3A_393 = arith.constant 2 : i32
        %mul3A_394 = arith.muli %mul3A_393, %add3A_194 : i32
        %add3A_395 = arith.constant 1 : i32
        %add3A_396 = arith.addi %mul3A_394, %add3A_395 : i32
        %get3A_397 = arith.index_cast %add3A_396 : i32 to index
        %get3A_398 = arith.constant 32 : index
        %get3A_399 = tpu.vector_load %arg11[%get3A_397, %get3A_398] {strides = array<i32>} : memref<40x128xf32, #tpu.memory_space<vmem>>, vector<1x16xf32>,
        %get3A_400 = vector.shape_cast %get3A_399 : vector<1x16xf32> to vector<16xf32>
        %slice3A_401 = vector.extract_strided_slice %convert_element_type3A_392 {offsets = [0], sizes = [16], strides = [1]} : vector<32xf32> to vector<16xf32>
        %add3A_402 = arith.addf %get3A_400, %slice3A_401 : vector<16xf32>
        %max3A_403 = arith.constant 0.000000e+00 : f32
        %max3A_404 = vector.broadcast %max3A_403 : f32 to vector<16xf32>
        %max3A_405 = arith.maximumf %add3A_402, %max3A_404 : vector<16xf32>
        %swap3A_406 = arith.index_cast %add3A_396 : i32 to index
        %swap3A_407 = arith.constant 32 : index
        %swap3A_408 = tpu.vector_load %arg13[%swap3A_406, %swap3A_407] {strides = array<i32>} : memref<40x128xf32, #tpu.memory_space<vmem>>, vector<1x16xf32>,
        %swap3A_409 = vector.shape_cast %swap3A_408 : vector<1x16xf32> to vector<16xf32>
        %swap3A_410 = vector.shape_cast %max3A_405 : vector<16xf32> to vector<1x16xf32>
        tpu.vector_store %arg13[%swap3A_406, %swap3A_407], %swap3A_410 {strides = array<i32>} : memref<40x128xf32, #tpu.memory_space<vmem>>, vector<1x16xf32>,
        %get3A_411 = arith.index_cast %add3A_396 : i32 to index
        %get3A_412 = arith.constant 48 : index
        %get3A_413 = tpu.vector_load %arg11[%get3A_411, %get3A_412] {strides = array<i32>} : memref<40x128xf32, #tpu.memory_space<vmem>>, vector<1x16xf32>,
        %get3A_414 = vector.shape_cast %get3A_413 : vector<1x16xf32> to vector<16xf32>
        %slice3A_415 = vector.extract_strided_slice %convert_element_type3A_392 {offsets = [16], sizes = [16], strides = [1]} : vector<32xf32> to vector<16xf32>
        %add3A_416 = arith.addf %get3A_414, %slice3A_415 : vector<16xf32>
        %max3A_417 = arith.constant 0.000000e+00 : f32
        %max3A_418 = vector.broadcast %max3A_417 : f32 to vector<16xf32>
        %max3A_419 = arith.maximumf %add3A_416, %max3A_418 : vector<16xf32>
        %swap3A_420 = arith.index_cast %add3A_396 : i32 to index
        %swap3A_421 = arith.constant 48 : index
        %swap3A_422 = tpu.vector_load %arg13[%swap3A_420, %swap3A_421] {strides = array<i32>} : memref<40x128xf32, #tpu.memory_space<vmem>>, vector<1x16xf32>,
        %swap3A_423 = vector.shape_cast %swap3A_422 : vector<1x16xf32> to vector<16xf32>
        %swap3A_424 = vector.shape_cast %max3A_419 : vector<16xf32> to vector<1x16xf32>
        tpu.vector_store %arg13[%swap3A_420, %swap3A_421], %swap3A_424 {strides = array<i32>} : memref<40x128xf32, #tpu.memory_space<vmem>>, vector<1x16xf32>,
        %get3A_425 = arith.constant 1 : i32
        %get3A_426 = arith.index_cast %add3A_194 : i32 to index
        %get3A_427 = arith.index_cast %get3A_425 : i32 to index
        %get3A_428 = arith.constant 64 : index
        %get3A_429 = tpu.vector_load %arg12[%get3A_426, %get3A_427, %get3A_428] {strides = array<i32>} : memref<20x2x128xbf16, #tpu.memory_space<vmem>>, vector<1x1x32xbf16>,
        %get3A_430 = vector.shape_cast %get3A_429 : vector<1x1x32xbf16> to vector<32xbf16>
        %convert_element_type3A_431 = arith.extf %get3A_430 : vector<32xbf16> to vector<32xf32>
        %mul3A_432 = arith.constant 2 : i32
        %mul3A_433 = arith.muli %mul3A_432, %add3A_194 : i32
        %add3A_434 = arith.constant 1 : i32
        %add3A_435 = arith.addi %mul3A_433, %add3A_434 : i32
        %get3A_436 = arith.index_cast %add3A_435 : i32 to index
        %get3A_437 = arith.constant 64 : index
        %get3A_438 = tpu.vector_load %arg11[%get3A_436, %get3A_437] {strides = array<i32>} : memref<40x128xf32, #tpu.memory_space<vmem>>, vector<1x16xf32>,
        %get3A_439 = vector.shape_cast %get3A_438 : vector<1x16xf32> to vector<16xf32>
        %slice3A_440 = vector.extract_strided_slice %convert_element_type3A_431 {offsets = [0], sizes = [16], strides = [1]} : vector<32xf32> to vector<16xf32>
        %add3A_441 = arith.addf %get3A_439, %slice3A_440 : vector<16xf32>
        %max3A_442 = arith.constant 0.000000e+00 : f32
        %max3A_443 = vector.broadcast %max3A_442 : f32 to vector<16xf32>
        %max3A_444 = arith.maximumf %add3A_441, %max3A_443 : vector<16xf32>
        %swap3A_445 = arith.index_cast %add3A_435 : i32 to index
        %swap3A_446 = arith.constant 64 : index
        %swap3A_447 = tpu.vector_load %arg13[%swap3A_445, %swap3A_446] {strides = array<i32>} : memref<40x128xf32, #tpu.memory_space<vmem>>, vector<1x16xf32>,
        %swap3A_448 = vector.shape_cast %swap3A_447 : vector<1x16xf32> to vector<16xf32>
        %swap3A_449 = vector.shape_cast %max3A_444 : vector<16xf32> to vector<1x16xf32>
        tpu.vector_store %arg13[%swap3A_445, %swap3A_446], %swap3A_449 {strides = array<i32>} : memref<40x128xf32, #tpu.memory_space<vmem>>, vector<1x16xf32>,
        %get3A_450 = arith.index_cast %add3A_435 : i32 to index
        %get3A_451 = arith.constant 80 : index
        %get3A_452 = tpu.vector_load %arg11[%get3A_450, %get3A_451] {strides = array<i32>} : memref<40x128xf32, #tpu.memory_space<vmem>>, vector<1x16xf32>,
        %get3A_453 = vector.shape_cast %get3A_452 : vector<1x16xf32> to vector<16xf32>
        %slice3A_454 = vector.extract_strided_slice %convert_element_type3A_431 {offsets = [16], sizes = [16], strides = [1]} : vector<32xf32> to vector<16xf32>
        %add3A_455 = arith.addf %get3A_453, %slice3A_454 : vector<16xf32>
        %max3A_456 = arith.constant 0.000000e+00 : f32
        %max3A_457 = vector.broadcast %max3A_456 : f32 to vector<16xf32>
        %max3A_458 = arith.maximumf %add3A_455, %max3A_457 : vector<16xf32>
        %swap3A_459 = arith.index_cast %add3A_435 : i32 to index
        %swap3A_460 = arith.constant 80 : index
        %swap3A_461 = tpu.vector_load %arg13[%swap3A_459, %swap3A_460] {strides = array<i32>} : memref<40x128xf32, #tpu.memory_space<vmem>>, vector<1x16xf32>,
        %swap3A_462 = vector.shape_cast %swap3A_461 : vector<1x16xf32> to vector<16xf32>
        %swap3A_463 = vector.shape_cast %max3A_458 : vector<16xf32> to vector<1x16xf32>
        tpu.vector_store %arg13[%swap3A_459, %swap3A_460], %swap3A_463 {strides = array<i32>} : memref<40x128xf32, #tpu.memory_space<vmem>>, vector<1x16xf32>,
        %get3A_464 = arith.constant 1 : i32
        %get3A_465 = arith.index_cast %add3A_194 : i32 to index
        %get3A_466 = arith.index_cast %get3A_464 : i32 to index
        %get3A_467 = arith.constant 96 : index
        %get3A_468 = tpu.vector_load %arg12[%get3A_465, %get3A_466, %get3A_467] {strides = array<i32>} : memref<20x2x128xbf16, #tpu.memory_space<vmem>>, vector<1x1x32xbf16>,
        %get3A_469 = vector.shape_cast %get3A_468 : vector<1x1x32xbf16> to vector<32xbf16>
        %convert_element_type3A_470 = arith.extf %get3A_469 : vector<32xbf16> to vector<32xf32>
        %mul3A_471 = arith.constant 2 : i32
        %mul3A_472 = arith.muli %mul3A_471, %add3A_194 : i32
        %add3A_473 = arith.constant 1 : i32
        %add3A_474 = arith.addi %mul3A_472, %add3A_473 : i32
        %get3A_475 = arith.index_cast %add3A_474 : i32 to index
        %get3A_476 = arith.constant 96 : index
        %get3A_477 = tpu.vector_load %arg11[%get3A_475, %get3A_476] {strides = array<i32>} : memref<40x128xf32, #tpu.memory_space<vmem>>, vector<1x16xf32>,
        %get3A_478 = vector.shape_cast %get3A_477 : vector<1x16xf32> to vector<16xf32>
        %slice3A_479 = vector.extract_strided_slice %convert_element_type3A_470 {offsets = [0], sizes = [16], strides = [1]} : vector<32xf32> to vector<16xf32>
        %add3A_480 = arith.addf %get3A_478, %slice3A_479 : vector<16xf32>
        %max3A_481 = arith.constant 0.000000e+00 : f32
        %max3A_482 = vector.broadcast %max3A_481 : f32 to vector<16xf32>
        %max3A_483 = arith.maximumf %add3A_480, %max3A_482 : vector<16xf32>
        %swap3A_484 = arith.index_cast %add3A_474 : i32 to index
        %swap3A_485 = arith.constant 96 : index
        %swap3A_486 = tpu.vector_load %arg13[%swap3A_484, %swap3A_485] {strides = array<i32>} : memref<40x128xf32, #tpu.memory_space<vmem>>, vector<1x16xf32>,
        %swap3A_487 = vector.shape_cast %swap3A_486 : vector<1x16xf32> to vector<16xf32>
        %swap3A_488 = vector.shape_cast %max3A_483 : vector<16xf32> to vector<1x16xf32>
        tpu.vector_store %arg13[%swap3A_484, %swap3A_485], %swap3A_488 {strides = array<i32>} : memref<40x128xf32, #tpu.memory_space<vmem>>, vector<1x16xf32>,
        %get3A_489 = arith.index_cast %add3A_474 : i32 to index
        %get3A_490 = arith.constant 112 : index
        %get3A_491 = tpu.vector_load %arg11[%get3A_489, %get3A_490] {strides = array<i32>} : memref<40x128xf32, #tpu.memory_space<vmem>>, vector<1x16xf32>,
        %get3A_492 = vector.shape_cast %get3A_491 : vector<1x16xf32> to vector<16xf32>
        %slice3A_493 = vector.extract_strided_slice %convert_element_type3A_470 {offsets = [16], sizes = [16], strides = [1]} : vector<32xf32> to vector<16xf32>
        %add3A_494 = arith.addf %get3A_492, %slice3A_493 : vector<16xf32>
        %max3A_495 = arith.constant 0.000000e+00 : f32
        %max3A_496 = vector.broadcast %max3A_495 : f32 to vector<16xf32>
        %max3A_497 = arith.maximumf %add3A_494, %max3A_496 : vector<16xf32>
        %swap3A_498 = arith.index_cast %add3A_474 : i32 to index
        %swap3A_499 = arith.constant 112 : index
        %swap3A_500 = tpu.vector_load %arg13[%swap3A_498, %swap3A_499] {strides = array<i32>} : memref<40x128xf32, #tpu.memory_space<vmem>>, vector<1x16xf32>,
        %swap3A_501 = vector.shape_cast %swap3A_500 : vector<1x16xf32> to vector<16xf32>
        %swap3A_502 = vector.shape_cast %max3A_497 : vector<16xf32> to vector<1x16xf32>
        tpu.vector_store %arg13[%swap3A_498, %swap3A_499], %swap3A_502 {strides = array<i32>} : memref<40x128xf32, #tpu.memory_space<vmem>>, vector<1x16xf32>,
      }
      %scan3A_148 = arith.constant 20 : i32
      "tpu.region"() ({
        %run_scoped3A_190 = tpu.sem_alloc : memref<!tpu.dma_semaphore, #tpu.memory_space<semaphore_mem>>
        %dma_start3A_191 = arith.constant 0 : i32
        %dma_start3A_192 = arith.constant 0 : i32
        %dma_start3A_193 = tpu.memref_slice %arg17[%dma_start3A_191, %dma_start3A_192] : memref<10240x128xf32, #tpu.memory_space<vmem_shared>> -> memref<10240x128xf32, #tpu.memory_space<vmem_shared>>
        tpu.enqueue_indirect_dma source(%arg13 : memref<40x128xf32, #tpu.memory_space<vmem>>) target(%dma_start3A_193 : memref<10240x128xf32, #tpu.memory_space<vmem_shared>>) offsets(%arg8 : memref<40xi32, #tpu.memory_space<vmem>>) semaphore(%run_scoped3A_190 : memref<!tpu.dma_semaphore, #tpu.memory_space<semaphore_mem>>) {add = true}
        %dma_wait3A_194 = arith.constant 0 : i32
        %dma_wait3A_195 = arith.constant 0 : i32
        %dma_wait3A_196 = tpu.memref_slice %arg17[%dma_wait3A_194, %dma_wait3A_195] : memref<10240x128xf32, #tpu.memory_space<vmem_shared>> -> memref<10240x128xf32, #tpu.memory_space<vmem_shared>>
        tpu.wait_indirect_dma semaphore(%run_scoped3A_190 : memref<!tpu.dma_semaphore, #tpu.memory_space<semaphore_mem>>) src(%arg13 : memref<40x128xf32, #tpu.memory_space<vmem>>) dst(%dma_wait3A_196 : memref<10240x128xf32, #tpu.memory_space<vmem_shared>>)
        tpu.yield
      }) : () -> ()
      %add3A_149 = arith.constant 2 : i32
      %add3A_150 = arith.addi %add3A_129, %add3A_149 : i32
      %lt3A_151 = arith.constant 250 : i32
      %lt3A_152 = arith.cmpi slt, %add3A_150, %lt3A_151 : i32
      %convert_element_type3A_153 = arith.extui %lt3A_152 : i1 to i32
      %cond3A_154 = arith.constant 0 : i32
      %cond3A_155 = arith.cmpi ne, %convert_element_type3A_153, %cond3A_154 : i32
      scf.if %cond3A_155 {
        %add3A_190 = arith.constant 2 : i32
        %add3A_191 = arith.addi %add3A_129, %add3A_190 : i32
        %dma_start3A_192 = arith.constant 0 : i32
        %dma_start3A_193 = tpu.memref_slice %arg4[%add3A, %add3A_191, %dma_start3A_192] : memref<32x250x40xi32, #tpu.memory_space<hbm>> -> memref<1x1x40xi32, #tpu.memory_space<hbm>>
        %dma_start3A_194 = tpu.memref_squeeze %dma_start3A_193 : memref<1x1x40xi32, #tpu.memory_space<hbm>> -> memref<40xi32, #tpu.memory_space<hbm>>
        %dma_start3A_195 = arith.constant 0 : i32
        %dma_start3A_196 = tpu.memref_slice %arg4[%add3A, %add3A_191, %dma_start3A_195] : memref<32x250x40xi32, #tpu.memory_space<hbm>> -> memref<1x1x40xi32, #tpu.memory_space<hbm>>
        %dma_start3A_197 = tpu.memref_squeeze %dma_start3A_196 : memref<1x1x40xi32, #tpu.memory_space<hbm>> -> memref<40xi32, #tpu.memory_space<hbm>>
        tpu.enqueue_dma source(%dma_start3A_197 : memref<40xi32, #tpu.memory_space<hbm>>) target(%arg7 : memref<40xi32, #tpu.memory_space<vmem>>) target_semaphore(%arg20 : memref<!tpu.dma_semaphore, #tpu.memory_space<semaphore_mem>>)
        %add3A_198 = arith.constant 2 : i32
        %add3A_199 = arith.addi %add3A_129, %add3A_198 : i32
        %dma_start3A_200 = arith.constant 0 : i32
        %dma_start3A_201 = tpu.memref_slice %arg5[%add3A, %add3A_199, %dma_start3A_200] : memref<32x250x40xi32, #tpu.memory_space<hbm>> -> memref<1x1x40xi32, #tpu.memory_space<hbm>>
        %dma_start3A_202 = tpu.memref_squeeze %dma_start3A_201 : memref<1x1x40xi32, #tpu.memory_space<hbm>> -> memref<40xi32, #tpu.memory_space<hbm>>
        %dma_start3A_203 = arith.constant 0 : i32
        %dma_start3A_204 = tpu.memref_slice %arg5[%add3A, %add3A_199, %dma_start3A_203] : memref<32x250x40xi32, #tpu.memory_space<hbm>> -> memref<1x1x40xi32, #tpu.memory_space<hbm>>
        %dma_start3A_205 = tpu.memref_squeeze %dma_start3A_204 : memref<1x1x40xi32, #tpu.memory_space<hbm>> -> memref<40xi32, #tpu.memory_space<hbm>>
        tpu.enqueue_dma source(%dma_start3A_205 : memref<40xi32, #tpu.memory_space<hbm>>) target(%arg8 : memref<40xi32, #tpu.memory_space<vmem>>) target_semaphore(%arg20 : memref<!tpu.dma_semaphore, #tpu.memory_space<semaphore_mem>>)
      } else {
      }
      %mul3A_156 = arith.constant 2 : i32
      %mul3A_157 = arith.muli %mul3A_156, %add3A_125 : i32
      %add3A_158 = arith.constant 1 : i32
      %add3A_159 = arith.addi %mul3A_157, %add3A_158 : i32
      %dma_wait3A_160 = arith.constant 0 : i32
      %dma_wait3A_161 = arith.constant 0 : i32
      %dma_wait3A_162 = tpu.memref_slice %arg2[%dma_wait3A_160, %dma_wait3A_161] : memref<10240x128xf32, #tpu.memory_space<hbm>> -> memref<10240x128xf32, #tpu.memory_space<hbm>>
      tpu.wait_indirect_dma semaphore(%arg21 : memref<!tpu.dma_semaphore, #tpu.memory_space<semaphore_mem>>) src(%dma_wait3A_162 : memref<10240x128xf32, #tpu.memory_space<hbm>>) dst(%arg14 : memref<40x128xf32, #tpu.memory_space<vmem>>)
      %dma_wait3A_163 = arith.constant 0 : i32
      %dma_wait3A_164 = arith.constant 0 : i32
      %dma_wait3A_165 = arith.constant 0 : i32
      %dma_wait3A_166 = tpu.memref_slice %arg3[%dma_wait3A_163, %dma_wait3A_164, %dma_wait3A_165] : memref<160000x2x128xbf16, #tpu.memory_space<hbm>> -> memref<20x2x128xbf16, #tpu.memory_space<hbm>>
      %dma_wait3A_167 = arith.constant 0 : i32
      %dma_wait3A_168 = arith.constant 0 : i32
      %dma_wait3A_169 = arith.constant 0 : i32
      %dma_wait3A_170 = tpu.memref_slice %arg3[%dma_wait3A_167, %dma_wait3A_168, %dma_wait3A_169] : memref<160000x2x128xbf16, #tpu.memory_space<hbm>> -> memref<20x2x128xbf16, #tpu.memory_space<hbm>>
      tpu.wait_dma2 semaphore(%arg22 : memref<!tpu.dma_semaphore, #tpu.memory_space<semaphore_mem>>) src(%dma_wait3A_170 : memref<20x2x128xbf16, #tpu.memory_space<hbm>>) dst(%arg15 : memref<20x2x128xbf16, #tpu.memory_space<vmem>>)
      %add3A_171 = arith.constant 1 : i32
      %add3A_172 = arith.addi %add3A_159, %add3A_171 : i32
      %lt3A_173 = arith.constant 250 : i32
      %lt3A_174 = arith.cmpi slt, %add3A_172, %lt3A_173 : i32
      %convert_element_type3A_175 = arith.extui %lt3A_174 : i1 to i32
      %cond3A_176 = arith.constant 0 : i32
      %cond3A_177 = arith.cmpi ne, %convert_element_type3A_175, %cond3A_176 : i32
      scf.if %cond3A_177 {
        %dma_wait3A_190 = arith.constant 0 : i32
        %dma_wait3A_191 = arith.constant 0 : i32
        %dma_wait3A_192 = tpu.memref_slice %arg4[%add3A, %dma_wait3A_190, %dma_wait3A_191] : memref<32x250x40xi32, #tpu.memory_space<hbm>> -> memref<1x1x40xi32, #tpu.memory_space<hbm>>
        %dma_wait3A_193 = tpu.memref_squeeze %dma_wait3A_192 : memref<1x1x40xi32, #tpu.memory_space<hbm>> -> memref<40xi32, #tpu.memory_space<hbm>>
        %dma_wait3A_194 = arith.constant 0 : i32
        %dma_wait3A_195 = tpu.memref_slice %arg4[%add3A, %dma_wait3A_190, %dma_wait3A_194] : memref<32x250x40xi32, #tpu.memory_space<hbm>> -> memref<1x1x40xi32, #tpu.memory_space<hbm>>
        %dma_wait3A_196 = tpu.memref_squeeze %dma_wait3A_195 : memref<1x1x40xi32, #tpu.memory_space<hbm>> -> memref<40xi32, #tpu.memory_space<hbm>>
        tpu.wait_dma2 semaphore(%arg20 : memref<!tpu.dma_semaphore, #tpu.memory_space<semaphore_mem>>) src(%dma_wait3A_196 : memref<40xi32, #tpu.memory_space<hbm>>) dst(%arg7 : memref<40xi32, #tpu.memory_space<vmem>>)
        %dma_wait3A_197 = arith.constant 0 : i32
        %dma_wait3A_198 = arith.constant 0 : i32
        %dma_wait3A_199 = tpu.memref_slice %arg5[%add3A, %dma_wait3A_197, %dma_wait3A_198] : memref<32x250x40xi32, #tpu.memory_space<hbm>> -> memref<1x1x40xi32, #tpu.memory_space<hbm>>
        %dma_wait3A_200 = tpu.memref_squeeze %dma_wait3A_199 : memref<1x1x40xi32, #tpu.memory_space<hbm>> -> memref<40xi32, #tpu.memory_space<hbm>>
        %dma_wait3A_201 = arith.constant 0 : i32
        %dma_wait3A_202 = tpu.memref_slice %arg5[%add3A, %dma_wait3A_197, %dma_wait3A_201] : memref<32x250x40xi32, #tpu.memory_space<hbm>> -> memref<1x1x40xi32, #tpu.memory_space<hbm>>
        %dma_wait3A_203 = tpu.memref_squeeze %dma_wait3A_202 : memref<1x1x40xi32, #tpu.memory_space<hbm>> -> memref<40xi32, #tpu.memory_space<hbm>>
        tpu.wait_dma2 semaphore(%arg20 : memref<!tpu.dma_semaphore, #tpu.memory_space<semaphore_mem>>) src(%dma_wait3A_203 : memref<40xi32, #tpu.memory_space<hbm>>) dst(%arg8 : memref<40xi32, #tpu.memory_space<vmem>>)
        %dma_start3A_204 = arith.constant 0 : i32
        %dma_start3A_205 = arith.constant 0 : i32
        %dma_start3A_206 = tpu.memref_slice %arg2[%dma_start3A_204, %dma_start3A_205] : memref<10240x128xf32, #tpu.memory_space<hbm>> -> memref<10240x128xf32, #tpu.memory_space<hbm>>
        tpu.enqueue_indirect_dma source(%dma_start3A_206 : memref<10240x128xf32, #tpu.memory_space<hbm>>) target(%arg11 : memref<40x128xf32, #tpu.memory_space<vmem>>) offsets(%arg7 : memref<40xi32, #tpu.memory_space<vmem>>) semaphore(%arg18 : memref<!tpu.dma_semaphore, #tpu.memory_space<semaphore_mem>>)
        %mul3A_207 = arith.constant 10000 : i32
        %mul3A_208 = arith.muli %add3A, %mul3A_207 : i32
        %add3A_209 = arith.constant 1 : i32
        %add3A_210 = arith.addi %add3A_159, %add3A_209 : i32
        %mul3A_211 = arith.constant 40 : i32
        %mul3A_212 = arith.muli %add3A_210, %mul3A_211 : i32
        %add3A_213 = arith.addi %mul3A_208, %mul3A_212 : i32
        %jit3A_214 = arith.constant 2 : i32
        %div3A_215 = arith.divsi %add3A_213, %jit3A_214 : i32
        %sign3A_216 = arith.constant 0 : i32
        %sign3A_217 = arith.cmpi sgt, %add3A_213, %sign3A_216 : i32
        %sign3A_218 = arith.extui %sign3A_217 : i1 to i32
        %sign3A_219 = arith.constant 0 : i32
        %sign3A_220 = arith.cmpi slt, %add3A_213, %sign3A_219 : i32
        %sign3A_221 = arith.extui %sign3A_220 : i1 to i32
        %sign3A_222 = arith.subi %sign3A_218, %sign3A_221 : i32
        %sign3A_223 = arith.constant 0 : i32
        %sign3A_224 = arith.cmpi sgt, %jit3A_214, %sign3A_223 : i32
        %sign3A_225 = arith.extui %sign3A_224 : i1 to i32
        %sign3A_226 = arith.constant 0 : i32
        %sign3A_227 = arith.cmpi slt, %jit3A_214, %sign3A_226 : i32
        %sign3A_228 = arith.extui %sign3A_227 : i1 to i32
        %sign3A_229 = arith.subi %sign3A_225, %sign3A_228 : i32
        %ne3A_230 = arith.cmpi ne, %sign3A_222, %sign3A_229 : i32
        %rem3A_231 = arith.remsi %add3A_213, %jit3A_214 : i32
        %ne3A_232 = arith.constant 0 : i32
        %ne3A_233 = arith.cmpi ne, %rem3A_231, %ne3A_232 : i32
        %and3A_234 = arith.andi %ne3A_230, %ne3A_233 : i1
        %sub3A_235 = arith.constant 1 : i32
        %sub3A_236 = arith.subi %div3A_215, %sub3A_235 : i32
        %select_n3A_237 = arith.select %and3A_234, %sub3A_236, %div3A_215 : i32
        %dma_start3A_238 = arith.constant 0 : i32
        %dma_start3A_239 = arith.constant 0 : i32
        %dma_start3A_240 = tpu.memref_slice %arg3[%select_n3A_237, %dma_start3A_238, %dma_start3A_239] : memref<160000x2x128xbf16, #tpu.memory_space<hbm>> -> memref<20x2x128xbf16, #tpu.memory_space<hbm>>
        %dma_start3A_241 = arith.constant 0 : i32
        %dma_start3A_242 = arith.constant 0 : i32
        %dma_start3A_243 = tpu.memref_slice %arg3[%select_n3A_237, %dma_start3A_241, %dma_start3A_242] : memref<160000x2x128xbf16, #tpu.memory_space<hbm>> -> memref<20x2x128xbf16, #tpu.memory_space<hbm>>
        tpu.enqueue_dma source(%dma_start3A_243 : memref<20x2x128xbf16, #tpu.memory_space<hbm>>) target(%arg12 : memref<20x2x128xbf16, #tpu.memory_space<vmem>>) target_semaphore(%arg19 : memref<!tpu.dma_semaphore, #tpu.memory_space<semaphore_mem>>)
      } else {
      }
      %scan3A_178 = arith.constant 0 : i32
      %scan3A_179 = arith.constant 20 : i32
      %scan3A_180 = arith.addi %scan3A_178, %scan3A_179 : i32
      %scan3A_181 = arith.constant 1 : i32
      scf.for %scan3A_190 = %scan3A_178 to %scan3A_180 step %scan3A_181  : i32 {
        %mul3A_191 = arith.constant 1 : i32
        %mul3A_192 = arith.muli %scan3A_190, %mul3A_191 : i32
        %add3A_193 = arith.constant 0 : i32
        %add3A_194 = arith.addi %add3A_193, %mul3A_192 : i32
        %get3A = arith.constant 0 : i32
        %get3A_195 = arith.index_cast %add3A_194 : i32 to index
        %get3A_196 = arith.index_cast %get3A : i32 to index
        %get3A_197 = arith.constant 0 : index
        %get3A_198 = tpu.vector_load %arg15[%get3A_195, %get3A_196, %get3A_197] {strides = array<i32>} : memref<20x2x128xbf16, #tpu.memory_space<vmem>>, vector<1x1x32xbf16>,
        %get3A_199 = vector.shape_cast %get3A_198 : vector<1x1x32xbf16> to vector<32xbf16>
        %convert_element_type3A_200 = arith.extf %get3A_199 : vector<32xbf16> to vector<32xf32>
        %mul3A_201 = arith.constant 2 : i32
        %mul3A_202 = arith.muli %mul3A_201, %add3A_194 : i32
        %add3A_203 = arith.constant 0 : i32
        %add3A_204 = arith.addi %mul3A_202, %add3A_203 : i32
        %get3A_205 = arith.index_cast %add3A_204 : i32 to index
        %get3A_206 = arith.constant 0 : index
        %get3A_207 = tpu.vector_load %arg14[%get3A_205, %get3A_206] {strides = array<i32>} : memref<40x128xf32, #tpu.memory_space<vmem>>, vector<1x16xf32>,
        %get3A_208 = vector.shape_cast %get3A_207 : vector<1x16xf32> to vector<16xf32>
        %slice3A = vector.extract_strided_slice %convert_element_type3A_200 {offsets = [0], sizes = [16], strides = [1]} : vector<32xf32> to vector<16xf32>
        %add3A_209 = arith.addf %get3A_208, %slice3A : vector<16xf32>
        %max3A = arith.constant 0.000000e+00 : f32
        %max3A_210 = vector.broadcast %max3A : f32 to vector<16xf32>
        %max3A_211 = arith.maximumf %add3A_209, %max3A_210 : vector<16xf32>
        %swap3A = arith.index_cast %add3A_204 : i32 to index
        %swap3A_212 = arith.constant 0 : index
        %swap3A_213 = tpu.vector_load %arg16[%swap3A, %swap3A_212] {strides = array<i32>} : memref<40x128xf32, #tpu.memory_space<vmem>>, vector<1x16xf32>,
        %swap3A_214 = vector.shape_cast %swap3A_213 : vector<1x16xf32> to vector<16xf32>
        %swap3A_215 = vector.shape_cast %max3A_211 : vector<16xf32> to vector<1x16xf32>
        tpu.vector_store %arg16[%swap3A, %swap3A_212], %swap3A_215 {strides = array<i32>} : memref<40x128xf32, #tpu.memory_space<vmem>>, vector<1x16xf32>,
        %get3A_216 = arith.index_cast %add3A_204 : i32 to index
        %get3A_217 = arith.constant 16 : index
        %get3A_218 = tpu.vector_load %arg14[%get3A_216, %get3A_217] {strides = array<i32>} : memref<40x128xf32, #tpu.memory_space<vmem>>, vector<1x16xf32>,
        %get3A_219 = vector.shape_cast %get3A_218 : vector<1x16xf32> to vector<16xf32>
        %slice3A_220 = vector.extract_strided_slice %convert_element_type3A_200 {offsets = [16], sizes = [16], strides = [1]} : vector<32xf32> to vector<16xf32>
        %add3A_221 = arith.addf %get3A_219, %slice3A_220 : vector<16xf32>
        %max3A_222 = arith.constant 0.000000e+00 : f32
        %max3A_223 = vector.broadcast %max3A_222 : f32 to vector<16xf32>
        %max3A_224 = arith.maximumf %add3A_221, %max3A_223 : vector<16xf32>
        %swap3A_225 = arith.index_cast %add3A_204 : i32 to index
        %swap3A_226 = arith.constant 16 : index
        %swap3A_227 = tpu.vector_load %arg16[%swap3A_225, %swap3A_226] {strides = array<i32>} : memref<40x128xf32, #tpu.memory_space<vmem>>, vector<1x16xf32>,
        %swap3A_228 = vector.shape_cast %swap3A_227 : vector<1x16xf32> to vector<16xf32>
        %swap3A_229 = vector.shape_cast %max3A_224 : vector<16xf32> to vector<1x16xf32>
        tpu.vector_store %arg16[%swap3A_225, %swap3A_226], %swap3A_229 {strides = array<i32>} : memref<40x128xf32, #tpu.memory_space<vmem>>, vector<1x16xf32>,
        %get3A_230 = arith.constant 0 : i32
        %get3A_231 = arith.index_cast %add3A_194 : i32 to index
        %get3A_232 = arith.index_cast %get3A_230 : i32 to index
        %get3A_233 = arith.constant 32 : index
        %get3A_234 = tpu.vector_load %arg15[%get3A_231, %get3A_232, %get3A_233] {strides = array<i32>} : memref<20x2x128xbf16, #tpu.memory_space<vmem>>, vector<1x1x32xbf16>,
        %get3A_235 = vector.shape_cast %get3A_234 : vector<1x1x32xbf16> to vector<32xbf16>
        %convert_element_type3A_236 = arith.extf %get3A_235 : vector<32xbf16> to vector<32xf32>
        %mul3A_237 = arith.constant 2 : i32
        %mul3A_238 = arith.muli %mul3A_237, %add3A_194 : i32
        %add3A_239 = arith.constant 0 : i32
        %add3A_240 = arith.addi %mul3A_238, %add3A_239 : i32
        %get3A_241 = arith.index_cast %add3A_240 : i32 to index
        %get3A_242 = arith.constant 32 : index
        %get3A_243 = tpu.vector_load %arg14[%get3A_241, %get3A_242] {strides = array<i32>} : memref<40x128xf32, #tpu.memory_space<vmem>>, vector<1x16xf32>,
        %get3A_244 = vector.shape_cast %get3A_243 : vector<1x16xf32> to vector<16xf32>
        %slice3A_245 = vector.extract_strided_slice %convert_element_type3A_236 {offsets = [0], sizes = [16], strides = [1]} : vector<32xf32> to vector<16xf32>
        %add3A_246 = arith.addf %get3A_244, %slice3A_245 : vector<16xf32>
        %max3A_247 = arith.constant 0.000000e+00 : f32
        %max3A_248 = vector.broadcast %max3A_247 : f32 to vector<16xf32>
        %max3A_249 = arith.maximumf %add3A_246, %max3A_248 : vector<16xf32>
        %swap3A_250 = arith.index_cast %add3A_240 : i32 to index
        %swap3A_251 = arith.constant 32 : index
        %swap3A_252 = tpu.vector_load %arg16[%swap3A_250, %swap3A_251] {strides = array<i32>} : memref<40x128xf32, #tpu.memory_space<vmem>>, vector<1x16xf32>,
        %swap3A_253 = vector.shape_cast %swap3A_252 : vector<1x16xf32> to vector<16xf32>
        %swap3A_254 = vector.shape_cast %max3A_249 : vector<16xf32> to vector<1x16xf32>
        tpu.vector_store %arg16[%swap3A_250, %swap3A_251], %swap3A_254 {strides = array<i32>} : memref<40x128xf32, #tpu.memory_space<vmem>>, vector<1x16xf32>,
        %get3A_255 = arith.index_cast %add3A_240 : i32 to index
        %get3A_256 = arith.constant 48 : index
        %get3A_257 = tpu.vector_load %arg14[%get3A_255, %get3A_256] {strides = array<i32>} : memref<40x128xf32, #tpu.memory_space<vmem>>, vector<1x16xf32>,
        %get3A_258 = vector.shape_cast %get3A_257 : vector<1x16xf32> to vector<16xf32>
        %slice3A_259 = vector.extract_strided_slice %convert_element_type3A_236 {offsets = [16], sizes = [16], strides = [1]} : vector<32xf32> to vector<16xf32>
        %add3A_260 = arith.addf %get3A_258, %slice3A_259 : vector<16xf32>
        %max3A_261 = arith.constant 0.000000e+00 : f32
        %max3A_262 = vector.broadcast %max3A_261 : f32 to vector<16xf32>
        %max3A_263 = arith.maximumf %add3A_260, %max3A_262 : vector<16xf32>
        %swap3A_264 = arith.index_cast %add3A_240 : i32 to index
        %swap3A_265 = arith.constant 48 : index
        %swap3A_266 = tpu.vector_load %arg16[%swap3A_264, %swap3A_265] {strides = array<i32>} : memref<40x128xf32, #tpu.memory_space<vmem>>, vector<1x16xf32>,
        %swap3A_267 = vector.shape_cast %swap3A_266 : vector<1x16xf32> to vector<16xf32>
        %swap3A_268 = vector.shape_cast %max3A_263 : vector<16xf32> to vector<1x16xf32>
        tpu.vector_store %arg16[%swap3A_264, %swap3A_265], %swap3A_268 {strides = array<i32>} : memref<40x128xf32, #tpu.memory_space<vmem>>, vector<1x16xf32>,
        %get3A_269 = arith.constant 0 : i32
        %get3A_270 = arith.index_cast %add3A_194 : i32 to index
        %get3A_271 = arith.index_cast %get3A_269 : i32 to index
        %get3A_272 = arith.constant 64 : index
        %get3A_273 = tpu.vector_load %arg15[%get3A_270, %get3A_271, %get3A_272] {strides = array<i32>} : memref<20x2x128xbf16, #tpu.memory_space<vmem>>, vector<1x1x32xbf16>,
        %get3A_274 = vector.shape_cast %get3A_273 : vector<1x1x32xbf16> to vector<32xbf16>
        %convert_element_type3A_275 = arith.extf %get3A_274 : vector<32xbf16> to vector<32xf32>
        %mul3A_276 = arith.constant 2 : i32
        %mul3A_277 = arith.muli %mul3A_276, %add3A_194 : i32
        %add3A_278 = arith.constant 0 : i32
        %add3A_279 = arith.addi %mul3A_277, %add3A_278 : i32
        %get3A_280 = arith.index_cast %add3A_279 : i32 to index
        %get3A_281 = arith.constant 64 : index
        %get3A_282 = tpu.vector_load %arg14[%get3A_280, %get3A_281] {strides = array<i32>} : memref<40x128xf32, #tpu.memory_space<vmem>>, vector<1x16xf32>,
        %get3A_283 = vector.shape_cast %get3A_282 : vector<1x16xf32> to vector<16xf32>
        %slice3A_284 = vector.extract_strided_slice %convert_element_type3A_275 {offsets = [0], sizes = [16], strides = [1]} : vector<32xf32> to vector<16xf32>
        %add3A_285 = arith.addf %get3A_283, %slice3A_284 : vector<16xf32>
        %max3A_286 = arith.constant 0.000000e+00 : f32
        %max3A_287 = vector.broadcast %max3A_286 : f32 to vector<16xf32>
        %max3A_288 = arith.maximumf %add3A_285, %max3A_287 : vector<16xf32>
        %swap3A_289 = arith.index_cast %add3A_279 : i32 to index
        %swap3A_290 = arith.constant 64 : index
        %swap3A_291 = tpu.vector_load %arg16[%swap3A_289, %swap3A_290] {strides = array<i32>} : memref<40x128xf32, #tpu.memory_space<vmem>>, vector<1x16xf32>,
        %swap3A_292 = vector.shape_cast %swap3A_291 : vector<1x16xf32> to vector<16xf32>
        %swap3A_293 = vector.shape_cast %max3A_288 : vector<16xf32> to vector<1x16xf32>
        tpu.vector_store %arg16[%swap3A_289, %swap3A_290], %swap3A_293 {strides = array<i32>} : memref<40x128xf32, #tpu.memory_space<vmem>>, vector<1x16xf32>,
        %get3A_294 = arith.index_cast %add3A_279 : i32 to index
        %get3A_295 = arith.constant 80 : index
        %get3A_296 = tpu.vector_load %arg14[%get3A_294, %get3A_295] {strides = array<i32>} : memref<40x128xf32, #tpu.memory_space<vmem>>, vector<1x16xf32>,
        %get3A_297 = vector.shape_cast %get3A_296 : vector<1x16xf32> to vector<16xf32>
        %slice3A_298 = vector.extract_strided_slice %convert_element_type3A_275 {offsets = [16], sizes = [16], strides = [1]} : vector<32xf32> to vector<16xf32>
        %add3A_299 = arith.addf %get3A_297, %slice3A_298 : vector<16xf32>
        %max3A_300 = arith.constant 0.000000e+00 : f32
        %max3A_301 = vector.broadcast %max3A_300 : f32 to vector<16xf32>
        %max3A_302 = arith.maximumf %add3A_299, %max3A_301 : vector<16xf32>
        %swap3A_303 = arith.index_cast %add3A_279 : i32 to index
        %swap3A_304 = arith.constant 80 : index
        %swap3A_305 = tpu.vector_load %arg16[%swap3A_303, %swap3A_304] {strides = array<i32>} : memref<40x128xf32, #tpu.memory_space<vmem>>, vector<1x16xf32>,
        %swap3A_306 = vector.shape_cast %swap3A_305 : vector<1x16xf32> to vector<16xf32>
        %swap3A_307 = vector.shape_cast %max3A_302 : vector<16xf32> to vector<1x16xf32>
        tpu.vector_store %arg16[%swap3A_303, %swap3A_304], %swap3A_307 {strides = array<i32>} : memref<40x128xf32, #tpu.memory_space<vmem>>, vector<1x16xf32>,
        %get3A_308 = arith.constant 0 : i32
        %get3A_309 = arith.index_cast %add3A_194 : i32 to index
        %get3A_310 = arith.index_cast %get3A_308 : i32 to index
        %get3A_311 = arith.constant 96 : index
        %get3A_312 = tpu.vector_load %arg15[%get3A_309, %get3A_310, %get3A_311] {strides = array<i32>} : memref<20x2x128xbf16, #tpu.memory_space<vmem>>, vector<1x1x32xbf16>,
        %get3A_313 = vector.shape_cast %get3A_312 : vector<1x1x32xbf16> to vector<32xbf16>
        %convert_element_type3A_314 = arith.extf %get3A_313 : vector<32xbf16> to vector<32xf32>
        %mul3A_315 = arith.constant 2 : i32
        %mul3A_316 = arith.muli %mul3A_315, %add3A_194 : i32
        %add3A_317 = arith.constant 0 : i32
        %add3A_318 = arith.addi %mul3A_316, %add3A_317 : i32
        %get3A_319 = arith.index_cast %add3A_318 : i32 to index
        %get3A_320 = arith.constant 96 : index
        %get3A_321 = tpu.vector_load %arg14[%get3A_319, %get3A_320] {strides = array<i32>} : memref<40x128xf32, #tpu.memory_space<vmem>>, vector<1x16xf32>,
        %get3A_322 = vector.shape_cast %get3A_321 : vector<1x16xf32> to vector<16xf32>
        %slice3A_323 = vector.extract_strided_slice %convert_element_type3A_314 {offsets = [0], sizes = [16], strides = [1]} : vector<32xf32> to vector<16xf32>
        %add3A_324 = arith.addf %get3A_322, %slice3A_323 : vector<16xf32>
        %max3A_325 = arith.constant 0.000000e+00 : f32
        %max3A_326 = vector.broadcast %max3A_325 : f32 to vector<16xf32>
        %max3A_327 = arith.maximumf %add3A_324, %max3A_326 : vector<16xf32>
        %swap3A_328 = arith.index_cast %add3A_318 : i32 to index
        %swap3A_329 = arith.constant 96 : index
        %swap3A_330 = tpu.vector_load %arg16[%swap3A_328, %swap3A_329] {strides = array<i32>} : memref<40x128xf32, #tpu.memory_space<vmem>>, vector<1x16xf32>,
        %swap3A_331 = vector.shape_cast %swap3A_330 : vector<1x16xf32> to vector<16xf32>
        %swap3A_332 = vector.shape_cast %max3A_327 : vector<16xf32> to vector<1x16xf32>
        tpu.vector_store %arg16[%swap3A_328, %swap3A_329], %swap3A_332 {strides = array<i32>} : memref<40x128xf32, #tpu.memory_space<vmem>>, vector<1x16xf32>,
        %get3A_333 = arith.index_cast %add3A_318 : i32 to index
        %get3A_334 = arith.constant 112 : index
        %get3A_335 = tpu.vector_load %arg14[%get3A_333, %get3A_334] {strides = array<i32>} : memref<40x128xf32, #tpu.memory_space<vmem>>, vector<1x16xf32>,
        %get3A_336 = vector.shape_cast %get3A_335 : vector<1x16xf32> to vector<16xf32>
        %slice3A_337 = vector.extract_strided_slice %convert_element_type3A_314 {offsets = [16], sizes = [16], strides = [1]} : vector<32xf32> to vector<16xf32>
        %add3A_338 = arith.addf %get3A_336, %slice3A_337 : vector<16xf32>
        %max3A_339 = arith.constant 0.000000e+00 : f32
        %max3A_340 = vector.broadcast %max3A_339 : f32 to vector<16xf32>
        %max3A_341 = arith.maximumf %add3A_338, %max3A_340 : vector<16xf32>
        %swap3A_342 = arith.index_cast %add3A_318 : i32 to index
        %swap3A_343 = arith.constant 112 : index
        %swap3A_344 = tpu.vector_load %arg16[%swap3A_342, %swap3A_343] {strides = array<i32>} : memref<40x128xf32, #tpu.memory_space<vmem>>, vector<1x16xf32>,
        %swap3A_345 = vector.shape_cast %swap3A_344 : vector<1x16xf32> to vector<16xf32>
        %swap3A_346 = vector.shape_cast %max3A_341 : vector<16xf32> to vector<1x16xf32>
        tpu.vector_store %arg16[%swap3A_342, %swap3A_343], %swap3A_346 {strides = array<i32>} : memref<40x128xf32, #tpu.memory_space<vmem>>, vector<1x16xf32>,
        %get3A_347 = arith.constant 1 : i32
        %get3A_348 = arith.index_cast %add3A_194 : i32 to index
        %get3A_349 = arith.index_cast %get3A_347 : i32 to index
        %get3A_350 = arith.constant 0 : index
        %get3A_351 = tpu.vector_load %arg15[%get3A_348, %get3A_349, %get3A_350] {strides = array<i32>} : memref<20x2x128xbf16, #tpu.memory_space<vmem>>, vector<1x1x32xbf16>,
        %get3A_352 = vector.shape_cast %get3A_351 : vector<1x1x32xbf16> to vector<32xbf16>
        %convert_element_type3A_353 = arith.extf %get3A_352 : vector<32xbf16> to vector<32xf32>
        %mul3A_354 = arith.constant 2 : i32
        %mul3A_355 = arith.muli %mul3A_354, %add3A_194 : i32
        %add3A_356 = arith.constant 1 : i32
        %add3A_357 = arith.addi %mul3A_355, %add3A_356 : i32
        %get3A_358 = arith.index_cast %add3A_357 : i32 to index
        %get3A_359 = arith.constant 0 : index
        %get3A_360 = tpu.vector_load %arg14[%get3A_358, %get3A_359] {strides = array<i32>} : memref<40x128xf32, #tpu.memory_space<vmem>>, vector<1x16xf32>,
        %get3A_361 = vector.shape_cast %get3A_360 : vector<1x16xf32> to vector<16xf32>
        %slice3A_362 = vector.extract_strided_slice %convert_element_type3A_353 {offsets = [0], sizes = [16], strides = [1]} : vector<32xf32> to vector<16xf32>
        %add3A_363 = arith.addf %get3A_361, %slice3A_362 : vector<16xf32>
        %max3A_364 = arith.constant 0.000000e+00 : f32
        %max3A_365 = vector.broadcast %max3A_364 : f32 to vector<16xf32>
        %max3A_366 = arith.maximumf %add3A_363, %max3A_365 : vector<16xf32>
        %swap3A_367 = arith.index_cast %add3A_357 : i32 to index
        %swap3A_368 = arith.constant 0 : index
        %swap3A_369 = tpu.vector_load %arg16[%swap3A_367, %swap3A_368] {strides = array<i32>} : memref<40x128xf32, #tpu.memory_space<vmem>>, vector<1x16xf32>,
        %swap3A_370 = vector.shape_cast %swap3A_369 : vector<1x16xf32> to vector<16xf32>
        %swap3A_371 = vector.shape_cast %max3A_366 : vector<16xf32> to vector<1x16xf32>
        tpu.vector_store %arg16[%swap3A_367, %swap3A_368], %swap3A_371 {strides = array<i32>} : memref<40x128xf32, #tpu.memory_space<vmem>>, vector<1x16xf32>,
        %get3A_372 = arith.index_cast %add3A_357 : i32 to index
        %get3A_373 = arith.constant 16 : index
        %get3A_374 = tpu.vector_load %arg14[%get3A_372, %get3A_373] {strides = array<i32>} : memref<40x128xf32, #tpu.memory_space<vmem>>, vector<1x16xf32>,
        %get3A_375 = vector.shape_cast %get3A_374 : vector<1x16xf32> to vector<16xf32>
        %slice3A_376 = vector.extract_strided_slice %convert_element_type3A_353 {offsets = [16], sizes = [16], strides = [1]} : vector<32xf32> to vector<16xf32>
        %add3A_377 = arith.addf %get3A_375, %slice3A_376 : vector<16xf32>
        %max3A_378 = arith.constant 0.000000e+00 : f32
        %max3A_379 = vector.broadcast %max3A_378 : f32 to vector<16xf32>
        %max3A_380 = arith.maximumf %add3A_377, %max3A_379 : vector<16xf32>
        %swap3A_381 = arith.index_cast %add3A_357 : i32 to index
        %swap3A_382 = arith.constant 16 : index
        %swap3A_383 = tpu.vector_load %arg16[%swap3A_381, %swap3A_382] {strides = array<i32>} : memref<40x128xf32, #tpu.memory_space<vmem>>, vector<1x16xf32>,
        %swap3A_384 = vector.shape_cast %swap3A_383 : vector<1x16xf32> to vector<16xf32>
        %swap3A_385 = vector.shape_cast %max3A_380 : vector<16xf32> to vector<1x16xf32>
        tpu.vector_store %arg16[%swap3A_381, %swap3A_382], %swap3A_385 {strides = array<i32>} : memref<40x128xf32, #tpu.memory_space<vmem>>, vector<1x16xf32>,
        %get3A_386 = arith.constant 1 : i32
        %get3A_387 = arith.index_cast %add3A_194 : i32 to index
        %get3A_388 = arith.index_cast %get3A_386 : i32 to index
        %get3A_389 = arith.constant 32 : index
        %get3A_390 = tpu.vector_load %arg15[%get3A_387, %get3A_388, %get3A_389] {strides = array<i32>} : memref<20x2x128xbf16, #tpu.memory_space<vmem>>, vector<1x1x32xbf16>,
        %get3A_391 = vector.shape_cast %get3A_390 : vector<1x1x32xbf16> to vector<32xbf16>
        %convert_element_type3A_392 = arith.extf %get3A_391 : vector<32xbf16> to vector<32xf32>
        %mul3A_393 = arith.constant 2 : i32
        %mul3A_394 = arith.muli %mul3A_393, %add3A_194 : i32
        %add3A_395 = arith.constant 1 : i32
        %add3A_396 = arith.addi %mul3A_394, %add3A_395 : i32
        %get3A_397 = arith.index_cast %add3A_396 : i32 to index
        %get3A_398 = arith.constant 32 : index
        %get3A_399 = tpu.vector_load %arg14[%get3A_397, %get3A_398] {strides = array<i32>} : memref<40x128xf32, #tpu.memory_space<vmem>>, vector<1x16xf32>,
        %get3A_400 = vector.shape_cast %get3A_399 : vector<1x16xf32> to vector<16xf32>
        %slice3A_401 = vector.extract_strided_slice %convert_element_type3A_392 {offsets = [0], sizes = [16], strides = [1]} : vector<32xf32> to vector<16xf32>
        %add3A_402 = arith.addf %get3A_400, %slice3A_401 : vector<16xf32>
        %max3A_403 = arith.constant 0.000000e+00 : f32
        %max3A_404 = vector.broadcast %max3A_403 : f32 to vector<16xf32>
        %max3A_405 = arith.maximumf %add3A_402, %max3A_404 : vector<16xf32>
        %swap3A_406 = arith.index_cast %add3A_396 : i32 to index
        %swap3A_407 = arith.constant 32 : index
        %swap3A_408 = tpu.vector_load %arg16[%swap3A_406, %swap3A_407] {strides = array<i32>} : memref<40x128xf32, #tpu.memory_space<vmem>>, vector<1x16xf32>,
        %swap3A_409 = vector.shape_cast %swap3A_408 : vector<1x16xf32> to vector<16xf32>
        %swap3A_410 = vector.shape_cast %max3A_405 : vector<16xf32> to vector<1x16xf32>
        tpu.vector_store %arg16[%swap3A_406, %swap3A_407], %swap3A_410 {strides = array<i32>} : memref<40x128xf32, #tpu.memory_space<vmem>>, vector<1x16xf32>,
        %get3A_411 = arith.index_cast %add3A_396 : i32 to index
        %get3A_412 = arith.constant 48 : index
        %get3A_413 = tpu.vector_load %arg14[%get3A_411, %get3A_412] {strides = array<i32>} : memref<40x128xf32, #tpu.memory_space<vmem>>, vector<1x16xf32>,
        %get3A_414 = vector.shape_cast %get3A_413 : vector<1x16xf32> to vector<16xf32>
        %slice3A_415 = vector.extract_strided_slice %convert_element_type3A_392 {offsets = [16], sizes = [16], strides = [1]} : vector<32xf32> to vector<16xf32>
        %add3A_416 = arith.addf %get3A_414, %slice3A_415 : vector<16xf32>
        %max3A_417 = arith.constant 0.000000e+00 : f32
        %max3A_418 = vector.broadcast %max3A_417 : f32 to vector<16xf32>
        %max3A_419 = arith.maximumf %add3A_416, %max3A_418 : vector<16xf32>
        %swap3A_420 = arith.index_cast %add3A_396 : i32 to index
        %swap3A_421 = arith.constant 48 : index
        %swap3A_422 = tpu.vector_load %arg16[%swap3A_420, %swap3A_421] {strides = array<i32>} : memref<40x128xf32, #tpu.memory_space<vmem>>, vector<1x16xf32>,
        %swap3A_423 = vector.shape_cast %swap3A_422 : vector<1x16xf32> to vector<16xf32>
        %swap3A_424 = vector.shape_cast %max3A_419 : vector<16xf32> to vector<1x16xf32>
        tpu.vector_store %arg16[%swap3A_420, %swap3A_421], %swap3A_424 {strides = array<i32>} : memref<40x128xf32, #tpu.memory_space<vmem>>, vector<1x16xf32>,
        %get3A_425 = arith.constant 1 : i32
        %get3A_426 = arith.index_cast %add3A_194 : i32 to index
        %get3A_427 = arith.index_cast %get3A_425 : i32 to index
        %get3A_428 = arith.constant 64 : index
        %get3A_429 = tpu.vector_load %arg15[%get3A_426, %get3A_427, %get3A_428] {strides = array<i32>} : memref<20x2x128xbf16, #tpu.memory_space<vmem>>, vector<1x1x32xbf16>,
        %get3A_430 = vector.shape_cast %get3A_429 : vector<1x1x32xbf16> to vector<32xbf16>
        %convert_element_type3A_431 = arith.extf %get3A_430 : vector<32xbf16> to vector<32xf32>
        %mul3A_432 = arith.constant 2 : i32
        %mul3A_433 = arith.muli %mul3A_432, %add3A_194 : i32
        %add3A_434 = arith.constant 1 : i32
        %add3A_435 = arith.addi %mul3A_433, %add3A_434 : i32
        %get3A_436 = arith.index_cast %add3A_435 : i32 to index
        %get3A_437 = arith.constant 64 : index
        %get3A_438 = tpu.vector_load %arg14[%get3A_436, %get3A_437] {strides = array<i32>} : memref<40x128xf32, #tpu.memory_space<vmem>>, vector<1x16xf32>,
        %get3A_439 = vector.shape_cast %get3A_438 : vector<1x16xf32> to vector<16xf32>
        %slice3A_440 = vector.extract_strided_slice %convert_element_type3A_431 {offsets = [0], sizes = [16], strides = [1]} : vector<32xf32> to vector<16xf32>
        %add3A_441 = arith.addf %get3A_439, %slice3A_440 : vector<16xf32>
        %max3A_442 = arith.constant 0.000000e+00 : f32
        %max3A_443 = vector.broadcast %max3A_442 : f32 to vector<16xf32>
        %max3A_444 = arith.maximumf %add3A_441, %max3A_443 : vector<16xf32>
        %swap3A_445 = arith.index_cast %add3A_435 : i32 to index
        %swap3A_446 = arith.constant 64 : index
        %swap3A_447 = tpu.vector_load %arg16[%swap3A_445, %swap3A_446] {strides = array<i32>} : memref<40x128xf32, #tpu.memory_space<vmem>>, vector<1x16xf32>,
        %swap3A_448 = vector.shape_cast %swap3A_447 : vector<1x16xf32> to vector<16xf32>
        %swap3A_449 = vector.shape_cast %max3A_444 : vector<16xf32> to vector<1x16xf32>
        tpu.vector_store %arg16[%swap3A_445, %swap3A_446], %swap3A_449 {strides = array<i32>} : memref<40x128xf32, #tpu.memory_space<vmem>>, vector<1x16xf32>,
        %get3A_450 = arith.index_cast %add3A_435 : i32 to index
        %get3A_451 = arith.constant 80 : index
        %get3A_452 = tpu.vector_load %arg14[%get3A_450, %get3A_451] {strides = array<i32>} : memref<40x128xf32, #tpu.memory_space<vmem>>, vector<1x16xf32>,
        %get3A_453 = vector.shape_cast %get3A_452 : vector<1x16xf32> to vector<16xf32>
        %slice3A_454 = vector.extract_strided_slice %convert_element_type3A_431 {offsets = [16], sizes = [16], strides = [1]} : vector<32xf32> to vector<16xf32>
        %add3A_455 = arith.addf %get3A_453, %slice3A_454 : vector<16xf32>
        %max3A_456 = arith.constant 0.000000e+00 : f32
        %max3A_457 = vector.broadcast %max3A_456 : f32 to vector<16xf32>
        %max3A_458 = arith.maximumf %add3A_455, %max3A_457 : vector<16xf32>
        %swap3A_459 = arith.index_cast %add3A_435 : i32 to index
        %swap3A_460 = arith.constant 80 : index
        %swap3A_461 = tpu.vector_load %arg16[%swap3A_459, %swap3A_460] {strides = array<i32>} : memref<40x128xf32, #tpu.memory_space<vmem>>, vector<1x16xf32>,
        %swap3A_462 = vector.shape_cast %swap3A_461 : vector<1x16xf32> to vector<16xf32>
        %swap3A_463 = vector.shape_cast %max3A_458 : vector<16xf32> to vector<1x16xf32>
        tpu.vector_store %arg16[%swap3A_459, %swap3A_460], %swap3A_463 {strides = array<i32>} : memref<40x128xf32, #tpu.memory_space<vmem>>, vector<1x16xf32>,
        %get3A_464 = arith.constant 1 : i32
        %get3A_465 = arith.index_cast %add3A_194 : i32 to index
        %get3A_466 = arith.index_cast %get3A_464 : i32 to index
        %get3A_467 = arith.constant 96 : index
        %get3A_468 = tpu.vector_load %arg15[%get3A_465, %get3A_466, %get3A_467] {strides = array<i32>} : memref<20x2x128xbf16, #tpu.memory_space<vmem>>, vector<1x1x32xbf16>,
        %get3A_469 = vector.shape_cast %get3A_468 : vector<1x1x32xbf16> to vector<32xbf16>
        %convert_element_type3A_470 = arith.extf %get3A_469 : vector<32xbf16> to vector<32xf32>
        %mul3A_471 = arith.constant 2 : i32
        %mul3A_472 = arith.muli %mul3A_471, %add3A_194 : i32
        %add3A_473 = arith.constant 1 : i32
        %add3A_474 = arith.addi %mul3A_472, %add3A_473 : i32
        %get3A_475 = arith.index_cast %add3A_474 : i32 to index
        %get3A_476 = arith.constant 96 : index
        %get3A_477 = tpu.vector_load %arg14[%get3A_475, %get3A_476] {strides = array<i32>} : memref<40x128xf32, #tpu.memory_space<vmem>>, vector<1x16xf32>,
        %get3A_478 = vector.shape_cast %get3A_477 : vector<1x16xf32> to vector<16xf32>
        %slice3A_479 = vector.extract_strided_slice %convert_element_type3A_470 {offsets = [0], sizes = [16], strides = [1]} : vector<32xf32> to vector<16xf32>
        %add3A_480 = arith.addf %get3A_478, %slice3A_479 : vector<16xf32>
        %max3A_481 = arith.constant 0.000000e+00 : f32
        %max3A_482 = vector.broadcast %max3A_481 : f32 to vector<16xf32>
        %max3A_483 = arith.maximumf %add3A_480, %max3A_482 : vector<16xf32>
        %swap3A_484 = arith.index_cast %add3A_474 : i32 to index
        %swap3A_485 = arith.constant 96 : index
        %swap3A_486 = tpu.vector_load %arg16[%swap3A_484, %swap3A_485] {strides = array<i32>} : memref<40x128xf32, #tpu.memory_space<vmem>>, vector<1x16xf32>,
        %swap3A_487 = vector.shape_cast %swap3A_486 : vector<1x16xf32> to vector<16xf32>
        %swap3A_488 = vector.shape_cast %max3A_483 : vector<16xf32> to vector<1x16xf32>
        tpu.vector_store %arg16[%swap3A_484, %swap3A_485], %swap3A_488 {strides = array<i32>} : memref<40x128xf32, #tpu.memory_space<vmem>>, vector<1x16xf32>,
        %get3A_489 = arith.index_cast %add3A_474 : i32 to index
        %get3A_490 = arith.constant 112 : index
        %get3A_491 = tpu.vector_load %arg14[%get3A_489, %get3A_490] {strides = array<i32>} : memref<40x128xf32, #tpu.memory_space<vmem>>, vector<1x16xf32>,
        %get3A_492 = vector.shape_cast %get3A_491 : vector<1x16xf32> to vector<16xf32>
        %slice3A_493 = vector.extract_strided_slice %convert_element_type3A_470 {offsets = [16], sizes = [16], strides = [1]} : vector<32xf32> to vector<16xf32>
        %add3A_494 = arith.addf %get3A_492, %slice3A_493 : vector<16xf32>
        %max3A_495 = arith.constant 0.000000e+00 : f32
        %max3A_496 = vector.broadcast %max3A_495 : f32 to vector<16xf32>
        %max3A_497 = arith.maximumf %add3A_494, %max3A_496 : vector<16xf32>
        %swap3A_498 = arith.index_cast %add3A_474 : i32 to index
        %swap3A_499 = arith.constant 112 : index
        %swap3A_500 = tpu.vector_load %arg16[%swap3A_498, %swap3A_499] {strides = array<i32>} : memref<40x128xf32, #tpu.memory_space<vmem>>, vector<1x16xf32>,
        %swap3A_501 = vector.shape_cast %swap3A_500 : vector<1x16xf32> to vector<16xf32>
        %swap3A_502 = vector.shape_cast %max3A_497 : vector<16xf32> to vector<1x16xf32>
        tpu.vector_store %arg16[%swap3A_498, %swap3A_499], %swap3A_502 {strides = array<i32>} : memref<40x128xf32, #tpu.memory_space<vmem>>, vector<1x16xf32>,
      }
      %scan3A_182 = arith.constant 20 : i32
      "tpu.region"() ({
        %run_scoped3A_190 = tpu.sem_alloc : memref<!tpu.dma_semaphore, #tpu.memory_space<semaphore_mem>>
        %dma_start3A_191 = arith.constant 0 : i32
        %dma_start3A_192 = arith.constant 0 : i32
        %dma_start3A_193 = tpu.memref_slice %arg17[%dma_start3A_191, %dma_start3A_192] : memref<10240x128xf32, #tpu.memory_space<vmem_shared>> -> memref<10240x128xf32, #tpu.memory_space<vmem_shared>>
        tpu.enqueue_indirect_dma source(%arg16 : memref<40x128xf32, #tpu.memory_space<vmem>>) target(%dma_start3A_193 : memref<10240x128xf32, #tpu.memory_space<vmem_shared>>) offsets(%arg10 : memref<40xi32, #tpu.memory_space<vmem>>) semaphore(%run_scoped3A_190 : memref<!tpu.dma_semaphore, #tpu.memory_space<semaphore_mem>>) {add = true}
        %dma_wait3A_194 = arith.constant 0 : i32
        %dma_wait3A_195 = arith.constant 0 : i32
        %dma_wait3A_196 = tpu.memref_slice %arg17[%dma_wait3A_194, %dma_wait3A_195] : memref<10240x128xf32, #tpu.memory_space<vmem_shared>> -> memref<10240x128xf32, #tpu.memory_space<vmem_shared>>
        tpu.wait_indirect_dma semaphore(%run_scoped3A_190 : memref<!tpu.dma_semaphore, #tpu.memory_space<semaphore_mem>>) src(%arg16 : memref<40x128xf32, #tpu.memory_space<vmem>>) dst(%dma_wait3A_196 : memref<10240x128xf32, #tpu.memory_space<vmem_shared>>)
        tpu.yield
      }) : () -> ()
      %add3A_183 = arith.constant 2 : i32
      %add3A_184 = arith.addi %add3A_159, %add3A_183 : i32
      %lt3A_185 = arith.constant 250 : i32
      %lt3A_186 = arith.cmpi slt, %add3A_184, %lt3A_185 : i32
      %convert_element_type3A_187 = arith.extui %lt3A_186 : i1 to i32
      %cond3A_188 = arith.constant 0 : i32
      %cond3A_189 = arith.cmpi ne, %convert_element_type3A_187, %cond3A_188 : i32
      scf.if %cond3A_189 {
        %add3A_190 = arith.constant 2 : i32
        %add3A_191 = arith.addi %add3A_159, %add3A_190 : i32
        %dma_start3A_192 = arith.constant 0 : i32
        %dma_start3A_193 = tpu.memref_slice %arg4[%add3A, %add3A_191, %dma_start3A_192] : memref<32x250x40xi32, #tpu.memory_space<hbm>> -> memref<1x1x40xi32, #tpu.memory_space<hbm>>
        %dma_start3A_194 = tpu.memref_squeeze %dma_start3A_193 : memref<1x1x40xi32, #tpu.memory_space<hbm>> -> memref<40xi32, #tpu.memory_space<hbm>>
        %dma_start3A_195 = arith.constant 0 : i32
        %dma_start3A_196 = tpu.memref_slice %arg4[%add3A, %add3A_191, %dma_start3A_195] : memref<32x250x40xi32, #tpu.memory_space<hbm>> -> memref<1x1x40xi32, #tpu.memory_space<hbm>>
        %dma_start3A_197 = tpu.memref_squeeze %dma_start3A_196 : memref<1x1x40xi32, #tpu.memory_space<hbm>> -> memref<40xi32, #tpu.memory_space<hbm>>
        tpu.enqueue_dma source(%dma_start3A_197 : memref<40xi32, #tpu.memory_space<hbm>>) target(%arg9 : memref<40xi32, #tpu.memory_space<vmem>>) target_semaphore(%arg23 : memref<!tpu.dma_semaphore, #tpu.memory_space<semaphore_mem>>)
        %add3A_198 = arith.constant 2 : i32
        %add3A_199 = arith.addi %add3A_159, %add3A_198 : i32
        %dma_start3A_200 = arith.constant 0 : i32
        %dma_start3A_201 = tpu.memref_slice %arg5[%add3A, %add3A_199, %dma_start3A_200] : memref<32x250x40xi32, #tpu.memory_space<hbm>> -> memref<1x1x40xi32, #tpu.memory_space<hbm>>
        %dma_start3A_202 = tpu.memref_squeeze %dma_start3A_201 : memref<1x1x40xi32, #tpu.memory_space<hbm>> -> memref<40xi32, #tpu.memory_space<hbm>>
        %dma_start3A_203 = arith.constant 0 : i32
        %dma_start3A_204 = tpu.memref_slice %arg5[%add3A, %add3A_199, %dma_start3A_203] : memref<32x250x40xi32, #tpu.memory_space<hbm>> -> memref<1x1x40xi32, #tpu.memory_space<hbm>>
        %dma_start3A_205 = tpu.memref_squeeze %dma_start3A_204 : memref<1x1x40xi32, #tpu.memory_space<hbm>> -> memref<40xi32, #tpu.memory_space<hbm>>
        tpu.enqueue_dma source(%dma_start3A_205 : memref<40xi32, #tpu.memory_space<hbm>>) target(%arg10 : memref<40xi32, #tpu.memory_space<vmem>>) target_semaphore(%arg23 : memref<!tpu.dma_semaphore, #tpu.memory_space<semaphore_mem>>)
      } else {
      }
    }
    %scan3A_115 = arith.constant 125 : i32
    %barrier3A_116 = arith.constant 0 : index
    tpu.barrier barrier_id(%barrier3A_116)
    %mul3A_117 = arith.constant 640 : i32
    %mul3A_118 = arith.muli %arg1, %mul3A_117 : i32
    %mul3A_119 = arith.constant 640 : i32
    %mul3A_120 = arith.muli %arg1, %mul3A_119 : i32
    "tpu.region"() ({
      %run_scoped3A_121 = tpu.sem_alloc : memref<!tpu.dma_semaphore, #tpu.memory_space<semaphore_mem>>
      %dma_start3A_122 = arith.constant 0 : i32
      %dma_start3A_123 = tpu.memref_slice %arg6[%arg0, %mul3A_120, %dma_start3A_122] : memref<2x10240x128xf32, #tpu.memory_space<hbm>> -> memref<1x640x128xf32, #tpu.memory_space<hbm>>
      %dma_start3A_124 = tpu.memref_squeeze %dma_start3A_123 : memref<1x640x128xf32, #tpu.memory_space<hbm>> -> memref<640x128xf32, #tpu.memory_space<hbm>>
      %dma_start3A_125 = arith.constant 0 : i32
      %dma_start3A_126 = tpu.memref_slice %arg17[%mul3A_118, %dma_start3A_125] : memref<10240x128xf32, #tpu.memory_space<vmem_shared>> -> memref<640x128xf32, #tpu.memory_space<vmem_shared>>
      tpu.enqueue_dma source(%dma_start3A_126 : memref<640x128xf32, #tpu.memory_space<vmem_shared>>) target(%dma_start3A_124 : memref<640x128xf32, #tpu.memory_space<hbm>>) target_semaphore(%run_scoped3A_121 : memref<!tpu.dma_semaphore, #tpu.memory_space<semaphore_mem>>)
      %dma_wait3A = arith.constant 0 : i32
      %dma_wait3A_127 = tpu.memref_slice %arg6[%arg0, %mul3A_120, %dma_wait3A] : memref<2x10240x128xf32, #tpu.memory_space<hbm>> -> memref<1x640x128xf32, #tpu.memory_space<hbm>>
      %dma_wait3A_128 = tpu.memref_squeeze %dma_wait3A_127 : memref<1x640x128xf32, #tpu.memory_space<hbm>> -> memref<640x128xf32, #tpu.memory_space<hbm>>
      %dma_wait3A_129 = arith.constant 0 : i32
      %dma_wait3A_130 = tpu.memref_slice %arg17[%mul3A_118, %dma_wait3A_129] : memref<10240x128xf32, #tpu.memory_space<vmem_shared>> -> memref<640x128xf32, #tpu.memory_space<vmem_shared>>
      tpu.wait_dma2 semaphore(%run_scoped3A_121 : memref<!tpu.dma_semaphore, #tpu.memory_space<semaphore_mem>>) src(%dma_wait3A_130 : memref<640x128xf32, #tpu.memory_space<vmem_shared>>) dst(%dma_wait3A_128 : memref<640x128xf32, #tpu.memory_space<hbm>>)
      tpu.yield
    }) : () -> ()
    return
  }
}

module attributes {stable_mosaic.version = 14 : i64} {
  func.func @_eemb_body(%arg0: i32, %arg1: memref<2000x128xf32, #tpu.memory_space<vmem>>, %arg2: memref<128x1024xf32, #tpu.memory_space<vmem>>, %arg3: memref<1x1024xf32, #tpu.memory_space<vmem>>, %arg4: memref<2000x1024xbf16, #tpu.memory_space<vmem>>) attributes {dimension_semantics = [#tpu.dimension_semantics<arbitrary>], iteration_bounds = array<i64: 20>, scalar_prefetch = 0 : i64, scratch_operands = 0 : i64, tpu.core_type = #tpu.core_type<tc>, window_params = [{transform_indices = @transform_0, window_bounds = array<i64: 2000, 128>}, {pipeline_mode = #tpu.pipeline_mode<synchronous>, transform_indices = @transform_1, window_bounds = array<i64: 128, 1024>}, {pipeline_mode = #tpu.pipeline_mode<synchronous>, transform_indices = @transform_2, window_bounds = array<i64: 1, 1024>}, {transform_indices = @transform_3, window_bounds = array<i64: 2000, 1024>}]} {
    %get3A = arith.constant 0 : index
    %get3A_0 = arith.constant 0 : index
    %get3A_1 = vector.load %arg1[%get3A, %get3A_0] : memref<2000x128xf32, #tpu.memory_space<vmem>>, vector<2000x128xf32>
    %get3A_2 = arith.constant 0 : index
    %get3A_3 = arith.constant 0 : index
    %get3A_4 = vector.load %arg2[%get3A_2, %get3A_3] : memref<128x1024xf32, #tpu.memory_space<vmem>>, vector<128x1024xf32>
    %dot_general3A = arith.constant dense<0.000000e+00> : vector<2000x1024xf32>
    %dot_general3A_5 = tpu.matmul %get3A_1, %get3A_4, %dot_general3A {dimension_numbers = #tpu.dot_dimension_numbers<[1], [0], [0], [1], [0, 0, 1, 1], [], []>, transpose_lhs_hint = false} : vector<2000x128xf32>, vector<128x1024xf32>, vector<2000x1024xf32> -> vector<2000x1024xf32>
    %get3A_6 = arith.constant 0 : index
    %get3A_7 = arith.constant 0 : index
    %get3A_8 = vector.load %arg3[%get3A_6, %get3A_7] : memref<1x1024xf32, #tpu.memory_space<vmem>>, vector<1x1024xf32>
    %add3A = vector.broadcast %get3A_8 : vector<1x1024xf32> to vector<2000x1024xf32>
    %add3A_9 = arith.addf %dot_general3A_5, %add3A : vector<2000x1024xf32>
    %convert_element_type3A = arith.truncf %add3A_9 : vector<2000x1024xf32> to vector<2000x1024xbf16>
    %swap3A = arith.constant 0 : index
    %swap3A_10 = arith.constant 0 : index
    %swap3A_11 = vector.load %arg4[%swap3A, %swap3A_10] : memref<2000x1024xbf16, #tpu.memory_space<vmem>>, vector<2000x1024xbf16>
    tpu.vector_store %arg4[%swap3A, %swap3A_10], %convert_element_type3A {strides = array<i32>} : memref<2000x1024xbf16, #tpu.memory_space<vmem>>, vector<2000x1024xbf16>,
    return
  }
  func.func @transform_0(%arg0: i32) -> (i32, i32) {
    %c0_i32 = arith.constant 0 : i32
    %c0_i32_0 = arith.constant 0 : i32
    return %arg0, %c0_i32 : i32, i32
  }
  func.func @transform_1(%arg0: i32) -> (i32, i32) {
    %c0_i32 = arith.constant 0 : i32
    %c0_i32_0 = arith.constant 0 : i32
    %c0_i32_1 = arith.constant 0 : i32
    return %c0_i32, %c0_i32_0 : i32, i32
  }
  func.func @transform_2(%arg0: i32) -> (i32, i32) {
    %c0_i32 = arith.constant 0 : i32
    %c0_i32_0 = arith.constant 0 : i32
    %c0_i32_1 = arith.constant 0 : i32
    return %c0_i32, %c0_i32_0 : i32, i32
  }
  func.func @transform_3(%arg0: i32) -> (i32, i32) {
    %c0_i32 = arith.constant 0 : i32
    %c0_i32_0 = arith.constant 0 : i32
    return %arg0, %c0_i32 : i32, i32
  }
}

module attributes {stable_mosaic.version = 14 : i64} {
  func.func @_embed_body(%arg0: i32, %arg1: memref<1x1x1024xi32, #tpu.memory_space<vmem>>, %arg2: memref<1x1x1024xi32, #tpu.memory_space<vmem>>, %arg3: memref<128x64xf32, #tpu.memory_space<vmem>>, %arg4: memref<128x64xf32, #tpu.memory_space<vmem>>, %arg5: memref<128x128xf32, #tpu.memory_space<vmem>>, %arg6: memref<1x128xf32, #tpu.memory_space<vmem>>, %arg7: memref<1024x128xf32, #tpu.memory_space<vmem>>) attributes {dimension_semantics = [#tpu.dimension_semantics<arbitrary>], iteration_bounds = array<i64: 10>, scalar_prefetch = 0 : i64, scratch_operands = 0 : i64, tpu.core_type = #tpu.core_type<tc>, window_params = [{transform_indices = @transform_0, window_bounds = array<i64: 1, 1, 1024>}, {transform_indices = @transform_1, window_bounds = array<i64: 1, 1, 1024>}, {pipeline_mode = #tpu.pipeline_mode<synchronous>, transform_indices = @transform_2, window_bounds = array<i64: 128, 64>}, {pipeline_mode = #tpu.pipeline_mode<synchronous>, transform_indices = @transform_3, window_bounds = array<i64: 128, 64>}, {pipeline_mode = #tpu.pipeline_mode<synchronous>, transform_indices = @transform_4, window_bounds = array<i64: 128, 128>}, {pipeline_mode = #tpu.pipeline_mode<synchronous>, transform_indices = @transform_5, window_bounds = array<i64: 1, 128>}, {transform_indices = @transform_6, window_bounds = array<i64: 1024, 128>}]} {
    %get3A = arith.constant 0 : index
    %get3A_0 = arith.constant 0 : index
    %get3A_1 = arith.constant 0 : index
    %get3A_2 = vector.load %arg1[%get3A, %get3A_0, %get3A_1] : memref<1x1x1024xi32, #tpu.memory_space<vmem>>, vector<1x1x1024xi32>
    %get3A_3 = vector.shape_cast %get3A_2 : vector<1x1x1024xi32> to vector<1024xi32>
    %get3A_4 = arith.constant 0 : index
    %get3A_5 = arith.constant 0 : index
    %get3A_6 = arith.constant 0 : index
    %get3A_7 = vector.load %arg2[%get3A_4, %get3A_5, %get3A_6] : memref<1x1x1024xi32, #tpu.memory_space<vmem>>, vector<1x1x1024xi32>
    %get3A_8 = vector.shape_cast %get3A_7 : vector<1x1x1024xi32> to vector<1024xi32>
    %iota3A = tpu.iota {dimensions = array<i32: 1>} : vector<1024x128xi32>
    %broadcast_in_dim3A = vector.shape_cast %get3A_3 : vector<1024xi32> to vector<1024x1xi32>
    %eq3A = vector.broadcast %broadcast_in_dim3A : vector<1024x1xi32> to vector<1024x128xi32>
    %eq3A_9 = arith.cmpi eq, %eq3A, %iota3A : vector<1024x128xi32>
    %convert_element_type3A = arith.extui %eq3A_9 : vector<1024x128xi1> to vector<1024x128xi32>
    %convert_element_type3A_10 = arith.sitofp %convert_element_type3A : vector<1024x128xi32> to vector<1024x128xf32>
    %broadcast_in_dim3A_11 = vector.shape_cast %get3A_8 : vector<1024xi32> to vector<1024x1xi32>
    %eq3A_12 = vector.broadcast %broadcast_in_dim3A_11 : vector<1024x1xi32> to vector<1024x128xi32>
    %eq3A_13 = arith.cmpi eq, %eq3A_12, %iota3A : vector<1024x128xi32>
    %convert_element_type3A_14 = arith.extui %eq3A_13 : vector<1024x128xi1> to vector<1024x128xi32>
    %convert_element_type3A_15 = arith.sitofp %convert_element_type3A_14 : vector<1024x128xi32> to vector<1024x128xf32>
    %get3A_16 = arith.constant 0 : index
    %get3A_17 = arith.constant 0 : index
    %get3A_18 = vector.load %arg3[%get3A_16, %get3A_17] : memref<128x64xf32, #tpu.memory_space<vmem>>, vector<128x64xf32>
    %dot_general3A = arith.constant dense<0.000000e+00> : vector<1024x64xf32>
    %dot_general3A_19 = tpu.matmul %convert_element_type3A_10, %get3A_18, %dot_general3A {dimension_numbers = #tpu.dot_dimension_numbers<[1], [0], [0], [1], [0, 0, 1, 1], [], []>, transpose_lhs_hint = false} : vector<1024x128xf32>, vector<128x64xf32>, vector<1024x64xf32> -> vector<1024x64xf32>
    %get3A_20 = arith.constant 0 : index
    %get3A_21 = arith.constant 0 : index
    %get3A_22 = vector.load %arg4[%get3A_20, %get3A_21] : memref<128x64xf32, #tpu.memory_space<vmem>>, vector<128x64xf32>
    %dot_general3A_23 = arith.constant dense<0.000000e+00> : vector<1024x64xf32>
    %dot_general3A_24 = tpu.matmul %convert_element_type3A_15, %get3A_22, %dot_general3A_23 {dimension_numbers = #tpu.dot_dimension_numbers<[1], [0], [0], [1], [0, 0, 1, 1], [], []>, transpose_lhs_hint = false} : vector<1024x128xf32>, vector<128x64xf32>, vector<1024x64xf32> -> vector<1024x64xf32>
    %get3A_25 = arith.constant 0 : index
    %get3A_26 = arith.constant 0 : index
    %get3A_27 = vector.load %arg5[%get3A_25, %get3A_26] : memref<128x128xf32, #tpu.memory_space<vmem>>, vector<64x128xf32>
    %dot_general3A_28 = arith.constant dense<0.000000e+00> : vector<1024x128xf32>
    %dot_general3A_29 = tpu.matmul %dot_general3A_19, %get3A_27, %dot_general3A_28 {dimension_numbers = #tpu.dot_dimension_numbers<[1], [0], [0], [1], [0, 0, 1, 1], [], []>, transpose_lhs_hint = false} : vector<1024x64xf32>, vector<64x128xf32>, vector<1024x128xf32> -> vector<1024x128xf32>
    %get3A_30 = arith.constant 64 : index
    %get3A_31 = arith.constant 0 : index
    %get3A_32 = vector.load %arg5[%get3A_30, %get3A_31] : memref<128x128xf32, #tpu.memory_space<vmem>>, vector<64x128xf32>
    %dot_general3A_33 = arith.constant dense<0.000000e+00> : vector<1024x128xf32>
    %dot_general3A_34 = tpu.matmul %dot_general3A_24, %get3A_32, %dot_general3A_33 {dimension_numbers = #tpu.dot_dimension_numbers<[1], [0], [0], [1], [0, 0, 1, 1], [], []>, transpose_lhs_hint = false} : vector<1024x64xf32>, vector<64x128xf32>, vector<1024x128xf32> -> vector<1024x128xf32>
    %add3A = arith.addf %dot_general3A_29, %dot_general3A_34 : vector<1024x128xf32>
    %get3A_35 = arith.constant 0 : index
    %get3A_36 = arith.constant 0 : index
    %get3A_37 = vector.load %arg6[%get3A_35, %get3A_36] : memref<1x128xf32, #tpu.memory_space<vmem>>, vector<1x128xf32>
    %add3A_38 = vector.broadcast %get3A_37 : vector<1x128xf32> to vector<1024x128xf32>
    %add3A_39 = arith.addf %add3A, %add3A_38 : vector<1024x128xf32>
    %swap3A = arith.constant 0 : index
    %swap3A_40 = arith.constant 0 : index
    %swap3A_41 = vector.load %arg7[%swap3A, %swap3A_40] : memref<1024x128xf32, #tpu.memory_space<vmem>>, vector<1024x128xf32>
    tpu.vector_store %arg7[%swap3A, %swap3A_40], %add3A_39 {strides = array<i32>} : memref<1024x128xf32, #tpu.memory_space<vmem>>, vector<1024x128xf32>,
    return
  }
  func.func @transform_0(%arg0: i32) -> (i32, i32, i32) {
    %c0_i32 = arith.constant 0 : i32
    %c0_i32_0 = arith.constant 0 : i32
    %c0_i32_1 = arith.constant 0 : i32
    return %arg0, %c0_i32, %c0_i32_0 : i32, i32, i32
  }
  func.func @transform_1(%arg0: i32) -> (i32, i32, i32) {
    %c0_i32 = arith.constant 0 : i32
    %c0_i32_0 = arith.constant 0 : i32
    %c0_i32_1 = arith.constant 0 : i32
    return %arg0, %c0_i32, %c0_i32_0 : i32, i32, i32
  }
  func.func @transform_2(%arg0: i32) -> (i32, i32) {
    %c0_i32 = arith.constant 0 : i32
    %c0_i32_0 = arith.constant 0 : i32
    %c0_i32_1 = arith.constant 0 : i32
    return %c0_i32, %c0_i32_0 : i32, i32
  }
  func.func @transform_3(%arg0: i32) -> (i32, i32) {
    %c0_i32 = arith.constant 0 : i32
    %c0_i32_0 = arith.constant 0 : i32
    %c0_i32_1 = arith.constant 0 : i32
    return %c0_i32, %c0_i32_0 : i32, i32
  }
  func.func @transform_4(%arg0: i32) -> (i32, i32) {
    %c0_i32 = arith.constant 0 : i32
    %c0_i32_0 = arith.constant 0 : i32
    %c0_i32_1 = arith.constant 0 : i32
    return %c0_i32, %c0_i32_0 : i32, i32
  }
  func.func @transform_5(%arg0: i32) -> (i32, i32) {
    %c0_i32 = arith.constant 0 : i32
    %c0_i32_0 = arith.constant 0 : i32
    %c0_i32_1 = arith.constant 0 : i32
    return %c0_i32, %c0_i32_0 : i32, i32
  }
  func.func @transform_6(%arg0: i32) -> (i32, i32) {
    %c0_i32 = arith.constant 0 : i32
    %c0_i32_0 = arith.constant 0 : i32
    return %arg0, %c0_i32 : i32, i32
  }
}

module attributes {stable_mosaic.version = 14 : i64} {
  func.func @_mlp_body(%arg0: i32, %arg1: memref<1024x128xf32, #tpu.memory_space<vmem>>, %arg2: memref<1x1024x128xf32, #tpu.memory_space<vmem>>, %arg3: memref<1x1024x128xf32, #tpu.memory_space<vmem>>, %arg4: memref<128x128xf32, #tpu.memory_space<vmem>>, %arg5: memref<1x128xf32, #tpu.memory_space<vmem>>, %arg6: memref<128x128xf32, #tpu.memory_space<vmem>>, %arg7: memref<1x128xf32, #tpu.memory_space<vmem>>, %arg8: memref<1024x128xf32, #tpu.memory_space<vmem>>) attributes {dimension_semantics = [#tpu.dimension_semantics<arbitrary>], iteration_bounds = array<i64: 10>, scalar_prefetch = 0 : i64, scratch_operands = 0 : i64, tpu.core_type = #tpu.core_type<tc>, window_params = [{transform_indices = @transform_0, window_bounds = array<i64: 1024, 128>}, {transform_indices = @transform_1, window_bounds = array<i64: 1, 1024, 128>}, {transform_indices = @transform_2, window_bounds = array<i64: 1, 1024, 128>}, {pipeline_mode = #tpu.pipeline_mode<synchronous>, transform_indices = @transform_3, window_bounds = array<i64: 128, 128>}, {pipeline_mode = #tpu.pipeline_mode<synchronous>, transform_indices = @transform_4, window_bounds = array<i64: 1, 128>}, {pipeline_mode = #tpu.pipeline_mode<synchronous>, transform_indices = @transform_5, window_bounds = array<i64: 128, 128>}, {pipeline_mode = #tpu.pipeline_mode<synchronous>, transform_indices = @transform_6, window_bounds = array<i64: 1, 128>}, {transform_indices = @transform_7, window_bounds = array<i64: 1024, 128>}]} {
    %get3A = arith.constant 0 : index
    %get3A_0 = arith.constant 0 : index
    %get3A_1 = vector.load %arg1[%get3A, %get3A_0] : memref<1024x128xf32, #tpu.memory_space<vmem>>, vector<1024x128xf32>
    %get3A_2 = arith.constant 0 : index
    %get3A_3 = arith.constant 0 : index
    %get3A_4 = arith.constant 0 : index
    %get3A_5 = vector.load %arg2[%get3A_2, %get3A_3, %get3A_4] : memref<1x1024x128xf32, #tpu.memory_space<vmem>>, vector<1x1024x128xf32>
    %get3A_6 = vector.shape_cast %get3A_5 : vector<1x1024x128xf32> to vector<1024x128xf32>
    %add3A = arith.addf %get3A_1, %get3A_6 : vector<1024x128xf32>
    %get3A_7 = arith.constant 0 : index
    %get3A_8 = arith.constant 0 : index
    %get3A_9 = arith.constant 0 : index
    %get3A_10 = vector.load %arg3[%get3A_7, %get3A_8, %get3A_9] : memref<1x1024x128xf32, #tpu.memory_space<vmem>>, vector<1x1024x128xf32>
    %get3A_11 = vector.shape_cast %get3A_10 : vector<1x1024x128xf32> to vector<1024x128xf32>
    %add3A_12 = arith.addf %add3A, %get3A_11 : vector<1024x128xf32>
    %get3A_13 = arith.constant 0 : index
    %get3A_14 = arith.constant 0 : index
    %get3A_15 = vector.load %arg4[%get3A_13, %get3A_14] : memref<128x128xf32, #tpu.memory_space<vmem>>, vector<128x128xf32>
    %dot_general3A = arith.constant dense<0.000000e+00> : vector<1024x128xf32>
    %dot_general3A_16 = tpu.matmul %add3A_12, %get3A_15, %dot_general3A {dimension_numbers = #tpu.dot_dimension_numbers<[1], [0], [0], [1], [0, 0, 1, 1], [], []>, transpose_lhs_hint = false} : vector<1024x128xf32>, vector<128x128xf32>, vector<1024x128xf32> -> vector<1024x128xf32>
    %get3A_17 = arith.constant 0 : index
    %get3A_18 = arith.constant 0 : index
    %get3A_19 = vector.load %arg5[%get3A_17, %get3A_18] : memref<1x128xf32, #tpu.memory_space<vmem>>, vector<1x128xf32>
    %add3A_20 = vector.broadcast %get3A_19 : vector<1x128xf32> to vector<1024x128xf32>
    %add3A_21 = arith.addf %dot_general3A_16, %add3A_20 : vector<1024x128xf32>
    %max3A = arith.constant 0.000000e+00 : f32
    %max3A_22 = vector.broadcast %max3A : f32 to vector<1024x128xf32>
    %max3A_23 = arith.maximumf %add3A_21, %max3A_22 : vector<1024x128xf32>
    %get3A_24 = arith.constant 0 : index
    %get3A_25 = arith.constant 0 : index
    %get3A_26 = vector.load %arg6[%get3A_24, %get3A_25] : memref<128x128xf32, #tpu.memory_space<vmem>>, vector<128x128xf32>
    %dot_general3A_27 = arith.constant dense<0.000000e+00> : vector<1024x128xf32>
    %dot_general3A_28 = tpu.matmul %max3A_23, %get3A_26, %dot_general3A_27 {dimension_numbers = #tpu.dot_dimension_numbers<[1], [0], [0], [1], [0, 0, 1, 1], [], []>, transpose_lhs_hint = false} : vector<1024x128xf32>, vector<128x128xf32>, vector<1024x128xf32> -> vector<1024x128xf32>
    %get3A_29 = arith.constant 0 : index
    %get3A_30 = arith.constant 0 : index
    %get3A_31 = vector.load %arg7[%get3A_29, %get3A_30] : memref<1x128xf32, #tpu.memory_space<vmem>>, vector<1x128xf32>
    %add3A_32 = vector.broadcast %get3A_31 : vector<1x128xf32> to vector<1024x128xf32>
    %add3A_33 = arith.addf %dot_general3A_28, %add3A_32 : vector<1024x128xf32>
    %max3A_34 = arith.constant 0.000000e+00 : f32
    %max3A_35 = vector.broadcast %max3A_34 : f32 to vector<1024x128xf32>
    %max3A_36 = arith.maximumf %add3A_33, %max3A_35 : vector<1024x128xf32>
    %swap3A = arith.constant 0 : index
    %swap3A_37 = arith.constant 0 : index
    %swap3A_38 = vector.load %arg8[%swap3A, %swap3A_37] : memref<1024x128xf32, #tpu.memory_space<vmem>>, vector<1024x128xf32>
    tpu.vector_store %arg8[%swap3A, %swap3A_37], %max3A_36 {strides = array<i32>} : memref<1024x128xf32, #tpu.memory_space<vmem>>, vector<1024x128xf32>,
    return
  }
  func.func @transform_0(%arg0: i32) -> (i32, i32) {
    %c0_i32 = arith.constant 0 : i32
    %c0_i32_0 = arith.constant 0 : i32
    return %arg0, %c0_i32 : i32, i32
  }
  func.func @transform_1(%arg0: i32) -> (i32, i32, i32) {
    %c0_i32 = arith.constant 0 : i32
    %c0_i32_0 = arith.constant 0 : i32
    %c0_i32_1 = arith.constant 0 : i32
    return %c0_i32, %arg0, %c0_i32_0 : i32, i32, i32
  }
  func.func @transform_2(%arg0: i32) -> (i32, i32, i32) {
    %c1_i32 = arith.constant 1 : i32
    %c0_i32 = arith.constant 0 : i32
    %c0_i32_0 = arith.constant 0 : i32
    return %c1_i32, %arg0, %c0_i32 : i32, i32, i32
  }
  func.func @transform_3(%arg0: i32) -> (i32, i32) {
    %c0_i32 = arith.constant 0 : i32
    %c0_i32_0 = arith.constant 0 : i32
    %c0_i32_1 = arith.constant 0 : i32
    return %c0_i32, %c0_i32_0 : i32, i32
  }
  func.func @transform_4(%arg0: i32) -> (i32, i32) {
    %c0_i32 = arith.constant 0 : i32
    %c0_i32_0 = arith.constant 0 : i32
    %c0_i32_1 = arith.constant 0 : i32
    return %c0_i32, %c0_i32_0 : i32, i32
  }
  func.func @transform_5(%arg0: i32) -> (i32, i32) {
    %c0_i32 = arith.constant 0 : i32
    %c0_i32_0 = arith.constant 0 : i32
    %c0_i32_1 = arith.constant 0 : i32
    return %c0_i32, %c0_i32_0 : i32, i32
  }
  func.func @transform_6(%arg0: i32) -> (i32, i32) {
    %c0_i32 = arith.constant 0 : i32
    %c0_i32_0 = arith.constant 0 : i32
    %c0_i32_1 = arith.constant 0 : i32
    return %c0_i32, %c0_i32_0 : i32, i32
  }
  func.func @transform_7(%arg0: i32) -> (i32, i32) {
    %c0_i32 = arith.constant 0 : i32
    %c0_i32_0 = arith.constant 0 : i32
    return %arg0, %c0_i32 : i32, i32
  }
}

module attributes {stable_mosaic.version = 14 : i64} {
  func.func @_pool_body(%arg0: i32, %arg1: memref<1024x128xf32, #tpu.memory_space<vmem>>, %arg2: memref<1x1x1024xi32, #tpu.memory_space<vmem>>, %arg3: memref<64x128xf32, #tpu.memory_space<vmem>>, %arg4: memref<64x128xf32, #tpu.memory_space<vmem>>, %arg5: memref<64x128xf32, #tpu.memory_space<vmem>>) attributes {dimension_semantics = [#tpu.dimension_semantics<arbitrary>], iteration_bounds = array<i64: 10>, scalar_prefetch = 0 : i64, scratch_operands = 2 : i64, tpu.core_type = #tpu.core_type<tc>, window_params = [{transform_indices = @transform_0, window_bounds = array<i64: 1024, 128>}, {transform_indices = @transform_1, window_bounds = array<i64: 1, 1, 1024>}, {pipeline_mode = #tpu.pipeline_mode<synchronous>, transform_indices = @transform_2, window_bounds = array<i64: 64, 128>}]} {
    %eq3A = arith.constant 0 : i32
    %eq3A_0 = arith.cmpi eq, %arg0, %eq3A : i32
    %convert_element_type3A = arith.extui %eq3A_0 : i1 to i32
    %cond3A = arith.constant 0 : i32
    %cond3A_1 = arith.cmpi ne, %convert_element_type3A, %cond3A : i32
    scf.if %cond3A_1 {
      %broadcast_in_dim3A_35 = arith.constant 0.000000e+00 : f32
      %broadcast_in_dim3A_36 = vector.broadcast %broadcast_in_dim3A_35 : f32 to vector<64x128xf32>
      %swap3A_37 = arith.constant 0 : index
      %swap3A_38 = arith.constant 0 : index
      %swap3A_39 = vector.load %arg4[%swap3A_37, %swap3A_38] : memref<64x128xf32, #tpu.memory_space<vmem>>, vector<64x128xf32>
      tpu.vector_store %arg4[%swap3A_37, %swap3A_38], %broadcast_in_dim3A_36 {strides = array<i32>} : memref<64x128xf32, #tpu.memory_space<vmem>>, vector<64x128xf32>,
      %broadcast_in_dim3A_40 = arith.constant 0.000000e+00 : f32
      %broadcast_in_dim3A_41 = vector.broadcast %broadcast_in_dim3A_40 : f32 to vector<64x128xf32>
      %swap3A_42 = arith.constant 0 : index
      %swap3A_43 = arith.constant 0 : index
      %swap3A_44 = vector.load %arg5[%swap3A_42, %swap3A_43] : memref<64x128xf32, #tpu.memory_space<vmem>>, vector<64x128xf32>
      tpu.vector_store %arg5[%swap3A_42, %swap3A_43], %broadcast_in_dim3A_41 {strides = array<i32>} : memref<64x128xf32, #tpu.memory_space<vmem>>, vector<64x128xf32>,
    } else {
    }
    %get3A = arith.constant 0 : index
    %get3A_2 = arith.constant 0 : index
    %get3A_3 = arith.constant 0 : index
    %get3A_4 = vector.load %arg2[%get3A, %get3A_2, %get3A_3] : memref<1x1x1024xi32, #tpu.memory_space<vmem>>, vector<1x1x1024xi32>
    %get3A_5 = vector.shape_cast %get3A_4 : vector<1x1x1024xi32> to vector<1024xi32>
    %iota3A = tpu.iota {dimensions = array<i32: 0>} : vector<64x1024xi32>
    %broadcast_in_dim3A = vector.shape_cast %get3A_5 : vector<1024xi32> to vector<1x1024xi32>
    %eq3A_6 = vector.broadcast %broadcast_in_dim3A : vector<1x1024xi32> to vector<64x1024xi32>
    %eq3A_7 = arith.cmpi eq, %eq3A_6, %iota3A : vector<64x1024xi32>
    %convert_element_type3A_8 = arith.extui %eq3A_7 : vector<64x1024xi1> to vector<64x1024xi32>
    %convert_element_type3A_9 = arith.sitofp %convert_element_type3A_8 : vector<64x1024xi32> to vector<64x1024xf32>
    %get3A_10 = arith.constant 0 : index
    %get3A_11 = arith.constant 0 : index
    %get3A_12 = vector.load %arg4[%get3A_10, %get3A_11] : memref<64x128xf32, #tpu.memory_space<vmem>>, vector<64x128xf32>
    %get3A_13 = arith.constant 0 : index
    %get3A_14 = arith.constant 0 : index
    %get3A_15 = vector.load %arg1[%get3A_13, %get3A_14] : memref<1024x128xf32, #tpu.memory_space<vmem>>, vector<1024x128xf32>
    %dot_general3A = arith.constant dense<0.000000e+00> : vector<64x128xf32>
    %dot_general3A_16 = tpu.matmul %convert_element_type3A_9, %get3A_15, %dot_general3A {dimension_numbers = #tpu.dot_dimension_numbers<[1], [0], [0], [1], [0, 0, 1, 1], [], []>, transpose_lhs_hint = false} : vector<64x1024xf32>, vector<1024x128xf32>, vector<64x128xf32> -> vector<64x128xf32>
    %add3A = arith.addf %get3A_12, %dot_general3A_16 : vector<64x128xf32>
    %swap3A = arith.constant 0 : index
    %swap3A_17 = arith.constant 0 : index
    %swap3A_18 = vector.load %arg4[%swap3A, %swap3A_17] : memref<64x128xf32, #tpu.memory_space<vmem>>, vector<64x128xf32>
    tpu.vector_store %arg4[%swap3A, %swap3A_17], %add3A {strides = array<i32>} : memref<64x128xf32, #tpu.memory_space<vmem>>, vector<64x128xf32>,
    %get3A_19 = arith.constant 0 : index
    %get3A_20 = arith.constant 0 : index
    %get3A_21 = vector.load %arg5[%get3A_19, %get3A_20] : memref<64x128xf32, #tpu.memory_space<vmem>>, vector<64x128xf32>
    %reduce_sum3A = arith.constant dense<0.000000e+00> : vector<64xf32>
    %reduce_sum3A_22 = vector.multi_reduction <add>, %convert_element_type3A_9, %reduce_sum3A [1] : vector<64x1024xf32> to vector<64xf32>
    %broadcast_in_dim3A_23 = vector.shape_cast %reduce_sum3A_22 : vector<64xf32> to vector<64x1xf32>
    %broadcast_in_dim3A_24 = vector.shape_cast %broadcast_in_dim3A_23 : vector<64x1xf32> to vector<64x1xf32>
    %broadcast_in_dim3A_25 = vector.broadcast %broadcast_in_dim3A_24 : vector<64x1xf32> to vector<64x128xf32>
    %add3A_26 = arith.addf %get3A_21, %broadcast_in_dim3A_25 : vector<64x128xf32>
    %swap3A_27 = arith.constant 0 : index
    %swap3A_28 = arith.constant 0 : index
    %swap3A_29 = vector.load %arg5[%swap3A_27, %swap3A_28] : memref<64x128xf32, #tpu.memory_space<vmem>>, vector<64x128xf32>
    tpu.vector_store %arg5[%swap3A_27, %swap3A_28], %add3A_26 {strides = array<i32>} : memref<64x128xf32, #tpu.memory_space<vmem>>, vector<64x128xf32>,
    %eq3A_30 = arith.constant 9 : i32
    %eq3A_31 = arith.cmpi eq, %arg0, %eq3A_30 : i32
    %convert_element_type3A_32 = arith.extui %eq3A_31 : i1 to i32
    %cond3A_33 = arith.constant 0 : i32
    %cond3A_34 = arith.cmpi ne, %convert_element_type3A_32, %cond3A_33 : i32
    scf.if %cond3A_34 {
      %get3A_35 = arith.constant 0 : index
      %get3A_36 = arith.constant 0 : index
      %get3A_37 = vector.load %arg4[%get3A_35, %get3A_36] : memref<64x128xf32, #tpu.memory_space<vmem>>, vector<64x128xf32>
      %get3A_38 = arith.constant 0 : index
      %get3A_39 = arith.constant 0 : index
      %get3A_40 = vector.load %arg5[%get3A_38, %get3A_39] : memref<64x128xf32, #tpu.memory_space<vmem>>, vector<64x128xf32>
      %max3A = arith.constant 1.000000e+00 : f32
      %max3A_41 = vector.broadcast %max3A : f32 to vector<64x128xf32>
      %max3A_42 = arith.maximumf %get3A_40, %max3A_41 : vector<64x128xf32>
      %div3A = arith.divf %get3A_37, %max3A_42 : vector<64x128xf32>
      %swap3A_43 = arith.constant 0 : index
      %swap3A_44 = arith.constant 0 : index
      %swap3A_45 = vector.load %arg3[%swap3A_43, %swap3A_44] : memref<64x128xf32, #tpu.memory_space<vmem>>, vector<64x128xf32>
      tpu.vector_store %arg3[%swap3A_43, %swap3A_44], %div3A {strides = array<i32>} : memref<64x128xf32, #tpu.memory_space<vmem>>, vector<64x128xf32>,
    } else {
    }
    return
  }
  func.func @transform_0(%arg0: i32) -> (i32, i32) {
    %c0_i32 = arith.constant 0 : i32
    %c0_i32_0 = arith.constant 0 : i32
    return %arg0, %c0_i32 : i32, i32
  }
  func.func @transform_1(%arg0: i32) -> (i32, i32, i32) {
    %c0_i32 = arith.constant 0 : i32
    %c0_i32_0 = arith.constant 0 : i32
    %c0_i32_1 = arith.constant 0 : i32
    return %arg0, %c0_i32, %c0_i32_0 : i32, i32, i32
  }
  func.func @transform_2(%arg0: i32) -> (i32, i32) {
    %c0_i32 = arith.constant 0 : i32
    %c0_i32_0 = arith.constant 0 : i32
    %c0_i32_1 = arith.constant 0 : i32
    return %c0_i32, %c0_i32_0 : i32, i32
  }
}

</mosaic_0001>

<sc_bundles>
// kernel: kernel.10.cloned.1.call-start
scs
__scs_entry_jumppad:
0x0: {  	(pc) =	sbr.rel $0x88, $3  }
0x1: {  	(tag) =	ssettag $0x0;
	lr =	simm.s32 $0x1  }
0x2: {  	[smem:$0x3F91] =	sst lr;
	_ =	strace $0xD0000000  }
0x3: {  	_ = 	snop  }
0x4: {  	_ = 	snop  }
0x5: {  	_ = 	snop  }
0x6: {  	_ = 	snop  }
0x7: {  	_ = 	snop  }
__scs_overlays_trampoline_lowered:
0x8: {  	[smem:$0x3FA0] =	sst s0  }
0x9: {  	[smem:$0x3FA1] =	sst s1  }
0xa: {  	[smem:$0x3FA2] =	sst s2  }
0xb: {  	[smem:$0x3FA3] =	sst s3  }
0xc: {  	[smem:$0x3FA4] =	sst s4  }
0xd: {  	[smem:$0x3FA5] =	sst s5  }
0xe: {  	[smem:$0x3FA6] =	sst s6  }
0xf: {  	[smem:$0x3FA7] =	sst s7  }
0x10: {  	[smem:$0x3FA8] =	sst s8  }
0x11: {  	[smem:$0x3FA9] =	sst s9;
	s0 =	simm.s32 @!p0 $0x0  }
0x12: {  	s1 =	sld [smem:$0x3F8F];
	s0 =	simm.s32 @p0 $0x1  }
0x13: {  	[smem:$0x3FAA] =	sst s0;
	s0 =	simm.s32 @!p1 $0x0  }
0x14: {  	s2 =	sld [smem:$0x3F8E];
	s0 =	simm.s32 @p1 $0x1  }
0x15: {  	[smem:$0x3FAB] =	sst s0;
	s0 =	simm.s32 @!p2 $0x0  }
0x16: {  	s3 =	sld [smem:$0x3FDB];
	s0 =	simm.s32 @p2 $0x1  }
0x17: {  	s4 =	simm.s32 $0x1BF5;
	[smem:$0x3FAD] =	sst s0  }
0x18: {  	s0 =	sld [smem:$0x3F90];
	_ =	swait.ge [sflag:s4], $0x0  }
0x19: {  	s7 =	sld [smem:$0x3F91]  }
0x1a: {  	s8 =	sadd.s32 $0xFFFFE003, lr  }
0x1b: {  	s9 =	sadd.s32 $0xFFFFFEF7, lr;
	s5 =	simm.s32 $0xFFFFFFFF;
	p2 =	slt.u32 s8, $0xFFFFF086  }
0x1c: {  	p1 =	slt.u32 s9, $0xF7A;
	s5 =	simm.s32 @!p2 $0x0  }
0x1d: {  	s5 =	simm.s32 @p1 $0x1;
	p0 =	seq.s32 s7, s2  }
0x1e: {  	s7 =	smul.u32 @!p0 $0xF7A, s2;
	p2 =	seq.s32 @!p0 s5, $0x0  }
0x1f: {  	s9 =	smul.u32 $0xF7A, s1;
	s8 =	simm.s32 @!p0 $0x1BF5;
	p2 =	por !p2, p0  }
0x20: {  	[sflag:s8] =	ssyncset.s32 @!p0 $0xFFFFF086;
	s6 =	sadd.s32 @!p0 s3, s7;
	s7 =	simm.s32 @!p0 $0x108  }
0x21: {  	s3 =	sadd.s32 s3, s9;
	s6 =	sadd.s32 @!p0 $0x88, s6;
	s7 =	simm.s32 @p2 $0x1082  }
0x22: {  	[simem:s7], [sflag:s8] =	dma.local @!p0 [hbm:s6], $0xF7A  }
0x23: {  	s9 =	sor.u32 $0xD0000000, s2;
	s6 =	simm.s32 $0x108;
	_ =	swait.ge @!p0 [sflag:s8], $0x0  }
0x24: {  	s3 =	sadd.s32 $0x88, s3;
	s6 =	simm.s32 @!p1 $0x1082;
	[sflag:s4] =	ssyncset.s32 $0xFFFFF086  }
0x25: {  	[simem:s6], [sflag:s4] =	dma.local [hbm:s3], $0xF7A  }
0x26: {  	[smem:$0x3F91] =	sst s1;
	(tag) =	ssettag s2;
	_ =	strace s9  }
0x27: {  	s1 =	sld [smem:$0x3FA1]  }
0x28: {  	s2 =	sld [smem:$0x3FA2]  }
0x29: {  	s4 =	sld [smem:$0x3FA4]  }
0x2a: {  	p0 =	seq.s32 s5, $0x0;
	s5 =	sld [smem:$0x3FA5]  }
0x2b: {  	s6 =	sld [smem:$0x3FA6]  }
0x2c: {  	s7 =	sld [smem:$0x3FA7]  }
0x2d: {  	s3 =	simm.s32 $0x108;
	s8 =	sld [smem:$0x3FA8]  }
0x2e: {  	s3 =	simm.s32 @!p0 $0x1082;
	s9 =	sld [smem:$0x3FA9]  }
0x2f: {  	lr =	sadd.s32 s0, s3;
	s0 =	sld [smem:$0x3FA0]  }
0x30: {  	s3 =	sld [smem:$0x3FA3]  }
0x31: {  	[smem:$0x3FAC] =	sst s10  }
0x32: {  	s10 =	sld [smem:$0x3FAA];
	_ =	sdelay $0x3  }
0x33: {  	p0 =	seq.s32 s10, $0x1;
	s10 =	sld [smem:$0x3FAC];
	_ =	sdelay $0x3  }
0x34: {  	[smem:$0x3FAC] =	sst s10  }
0x35: {  	s10 =	sld [smem:$0x3FAB];
	_ =	sdelay $0x3  }
0x36: {  	p1 =	seq.s32 s10, $0x1;
	s10 =	sld [smem:$0x3FAC];
	_ =	sdelay $0x3  }
0x37: {  	[smem:$0x3FAC] =	sst s10  }
0x38: {  	s10 =	sld [smem:$0x3FAD]  }
0x39: {  	_ = 	snop;
	(pc) =	sbr.ind lr, $3  }
0x3a: {  	_ = 	snop  }
0x3b: {  	_ = 	snop  }
0x3c: {  	p2 =	seq.s32 s10, $0x1;
	s10 =	sld [smem:$0x3FAC]  }
0x3d: {  	_ =	shalt  }
0x3e: {  	_ =	shalt  }
0x3f: {  	_ =	shalt  }
0x40: {  	_ =	shalt  }
0x41: {  	_ =	shalt  }
0x42: {  	_ =	shalt  }
0x43: {  	_ =	shalt  }
0x44: {  	_ =	shalt  }
0x45: {  	_ =	shalt  }
0x46: {  	_ =	shalt  }
0x47: {  	_ =	shalt  }
0x48: {  	_ =	shalt  }
0x49: {  	_ =	shalt  }
0x4a: {  	_ =	shalt  }
0x4b: {  	_ =	shalt  }
0x4c: {  	_ =	shalt  }
0x4d: {  	_ =	shalt  }
0x4e: {  	_ =	shalt  }
0x4f: {  	_ =	shalt  }
0x50: {  	_ =	shalt  }
0x51: {  	_ =	shalt  }
0x52: {  	_ =	shalt  }
0x53: {  	_ =	shalt  }
0x54: {  	_ =	shalt  }
0x55: {  	_ =	shalt  }
0x56: {  	_ =	shalt  }
0x57: {  	_ =	shalt  }
0x58: {  	_ =	shalt  }
0x59: {  	_ =	shalt  }
0x5a: {  	_ =	shalt  }
0x5b: {  	_ =	shalt  }
0x5c: {  	_ =	shalt  }
0x5d: {  	_ =	shalt  }
0x5e: {  	_ =	shalt  }
0x5f: {  	_ =	shalt  }
0x60: {  	_ =	shalt  }
0x61: {  	_ =	shalt  }
0x62: {  	_ =	shalt  }
0x63: {  	_ =	shalt  }
0x64: {  	_ =	shalt  }
0x65: {  	_ =	shalt  }
0x66: {  	_ =	shalt  }
0x67: {  	_ =	shalt  }
0x68: {  	_ =	shalt  }
0x69: {  	_ =	shalt  }
0x6a: {  	_ =	shalt  }
0x6b: {  	_ =	shalt  }
0x6c: {  	_ =	shalt  }
0x6d: {  	_ =	shalt  }
0x6e: {  	_ =	shalt  }
0x6f: {  	_ =	shalt  }
0x70: {  	_ =	shalt  }
0x71: {  	_ =	shalt  }
0x72: {  	_ =	shalt  }
0x73: {  	_ =	shalt  }
0x74: {  	_ =	shalt  }
0x75: {  	_ =	shalt  }
0x76: {  	_ =	shalt  }
0x77: {  	_ =	shalt  }
0x78: {  	_ =	shalt  }
0x79: {  	_ =	shalt  }
0x7a: {  	_ =	shalt  }
0x7b: {  	_ =	shalt  }
0x7c: {  	_ =	shalt  }
0x7d: {  	_ =	shalt  }
0x7e: {  	_ =	shalt  }
0x7f: {  	_ =	shalt  }
0x80: {  	_ =	shalt  }
0x81: {  	_ =	shalt  }
0x82: {  	_ =	shalt  }
0x83: {  	_ =	shalt  }
0x84: {  	_ =	shalt  }
0x85: {  	_ =	shalt  }
0x86: {  	_ =	shalt  }
0x87: {  	_ =	shalt  }
.Lfunc_end0:
.L_simem_size_0:
called_computation_lowered:
.L_overlay_start_0:
0x88: {  	s2 =	sld [smem:$0x3FD9]  }
0x89: {  	s3 =	sld [smem:$0x3FFE];
	_ =	sdelay $0x1  }
0x8a: {  	s1 =	srdreg.scid  }
0x8b: {  	s0 =	sand.u32 $0x1, s1  }
0x8c: {  	s16 =	sshll.u32 s0, $0xA;
	s2 =	sadd.s32 s3, s2  }
0x8d: {  	s2 =	sadd.s32 s2, s16  }
0x8e: {  	[smem:$0x3FB8] =	sst s2  }
0x8f: {  	_ = 	snop  }
0x90: {  	(tm) =	ssettm $0x1  }
0x91: {  	s17 =	sld [smem:$0x3FFB];
	_ =	sdelay $0x3  }
0x92: {  	_ =	strace s17  }
0x93: {  	s2 =	sld [smem:$0x3FFC];
	_ =	sdelay $0x3  }
0x94: {  	_ =	strace s2  }
0x95: {  	s2 =	sld [smem:$0x3FFD];
	_ =	sdelay $0x3  }
0x96: {  	_ =	strace s2  }
0x97: {  	_ =	strace $0x8FFFFFFF  }
0x98: {  	s18 =	sld [smem:$0x3FDB];
	_ =	sdelay $0x1  }
0x99: {  	s19 =	simm.s32 $_scs_section_size  }
0x9a: {  	s4 =	simm.s32 $_size__tile_overlayer_lowered;
	s5 =	simm.s32 $_tile_overlayer_lowered  }
0x9b: {  	s22 =	simm.s32 $0x1BFF;
	s21 =	sshll.u32 s5, $0x1;
	s2 =	sadd.s32 s19, s18  }
0x9c: {  	s6 =	simm.s32 $0x0;
	s20 =	sshll.u32 s4, $0x1;
	s4 =	sadd.s32 s21, s2  }
0x9d: {  	[timem:s6], [sflag:s22] =	dma.local [hbm:s4], s20  }
0x9e: {  	_ =	swait.ge [sflag:s22], s20  }
0x9f: {  	s3 =	ssub.s32 $0x0, s20;
	[sflag:s22] =	ssyncset.done $0x0  }
0xa0: {  	[sflag:s22] =	ssyncadd.s32 s3;
	_ =	sdelay $0x1  }
0xa1: {  	s23 =	simm.s32 $0x1B8B  }
0xa2: {  	_ =	swait.ge [sflag:s23], $0x1  }
0xa3: {  	[sflag:s23] =	ssyncset.done $0x0  }
0xa4: {  	s25 =	simm.s32 $0x1B8E;
	s24 =	sld [smem:$0x3FFE];
	[sflag:s23] =	ssyncadd.s32 $0xFFFFFFFF  }
0xa5: {  	s26 =	simm.s32 $execute0_lowered;
	[smem:$0x3FD2] =	sst s25  }
0xa6: {  	s4 =	sshll.u32 s26, $0x1;
	_ =	strace $0x80000046;
	[dreg:$0x1] =	wrdreg $0xFFFFFFFF  }
0xa7: {  	s28 =	simm.s32 $_size_execute0_lowered;
	s2 =	sadd.s32 s2, s4;
	[dreg:$0x0] =	wrdreg $0x0  }
0xa8: {  	s4 =	sshll.u32 s28, $0x1;
	[dreg:$0x2] =	wrdreg s2  }
0xa9: {  	[dreg:$0x3] =	wrdreg s4  }
0xaa: {  	[dreg:$0x4] =	wrdreg $0xC0  }
0xab: {  	_ =	task [dreg:s6], $0x5FFFF  }
0xac: {  	[dreg:$0x1] =	wrdreg $0xFFFFFFFF  }
0xad: {  	[dreg:$0x0] =	wrdreg $0x60  }
0xae: {  	[dreg:$0x2] =	wrdreg s24  }
0xaf: {  	[dreg:$0x3] =	wrdreg $0x66000  }
0xb0: {  	[dreg:$0x4] =	wrdreg $0x9  }
0xb1: {  	_ =	task.clear_ibuf [dreg:s6], $0x5FFFF;
	_ =	strace $0x90000046  }
0xb2: {  	s29 =	simm.s32 $0x9;
	_ =	strace $0x80000048  }
0xb3: {  	_ =	swait.ge [sflag:s29], $0x1  }
0xb4: {  	[sflag:s29] =	ssyncadd.s32 $0xFFFFFFFF  }
0xb5: {  	_ =	strace $0x90000048  }
0xb6: {  	_ =	sfence  }
0xb7: {  	s30 =	sld [smem:$0x0];
	_ =	sdelay $0x2  }
0xb8: {  	s31 =	sshll.u32 s1, $0xD;
	s1 =	sshrl.u32 s1, $0x2  }
0xb9: {  	s3 =	sand.u32 $0x4000, s31;
	s1 =	sadd.s32 s1, s30  }
0xba: {  	s0 =	sor.u32 s3, s0;
	s1 =	sshll.u32 s1, $0x11  }
0xbb: {  	s0 =	sor.u32 s1, s0  }
0xbc: {  	s0 =	sadd.s32 $0x8F2B, s0  }
0xbd: {  	[sflag:s0] =	ssyncadd.remote.s32 $0x1  }
0xbe: {  	_ =	sfence.sel $0xFFFF  }
0xbf: {  	[dreg:$0x0] =	wrdreg $0xFFFFFFFF;
	(pc) =	sbr.abs _section_cstart, $3  }
0xc0: {  	[dreg:$0x1] =	wrdreg $0xFFFFFFFF  }
0xc1: {  	_ =	task.clear_ibuf [dreg:s6], $0x2FFFF;
	_ =	strace $0x9FFFFFFF  }
0xc2: {  	(tm) =	ssettm $0x7FFFFFFF  }
0xc3: {  	_ =	shalt  }
tec
execute0_lowered:
.L_overlay_start_1:
0x0: {  	(tag) =	ssettag $0x1  }
0x1: {  	s0 =	rddreg [dreg:$0x0]  }
0x2: {  	s1 =	rddreg [dreg:$0x1]  }
0x3: {  	s2 =	srdreg.scid;
	s3 =	simm.s32 $0x0;
	s11 =	stileid.u32  }
0x4: {  	s2 =	sand.u32 $0x1, s2;
	[smem:$0x7FF] =	sst s3;
	s7 =	smul.u32 $0x14000, s11  }
0x5: {  	s4 =	sadd.s32 $0xE6200, s0;
	s5 =	sadd.s32 $0x317200, s0;
	s9 =	smul.u32 $0x50000, s11  }
0x6: {  	s6 =	smul.u32 $0x140000, s2;
	_ =	strace $0x80000047;
	s10 =	ssub.s32 $0x2, s2  }
0x7: {  	s2 =	sshll.u32 s2, $0x4;
	s30 =	sshrl.u32 s9, $0x2;
	s31 =	sshrl.u32 s10, $0x1  }
0x8: {  	s2 =	sor.u32 s11, s2;
	s8 =	sadd.s32 s7, s6;
	s6 =	sadd.s32 $0xA6200, s0  }
0x9: {  	s7 =	sadd.s32 $0xC6200, s0;
	s9 =	ssub.s32 s10, s31;
	s19 =	sshll.u32 s2, $0xC  }
0xa: {  	s8 =	sshrl.u32 s8, $0x3;
	s21 =	sadd.s32 s7, s19;
	s23 =	sor.u32 $0x10, s19  }
0xb: {  	s24 =	smax.u32 s9, $0x1;
	s0 =	sadd.s32 s8, s0;
	[dreg:$0xc] =	wrdreg s21  }
0xc: {  	s8 =	sadd.s32 s30, s1;
	s10 =	sadd.s32 s6, s23;
	[dreg:$0x11] =	wrdreg s24  }
0xd: {  	s11 =	sadd.s32 $0x1400, s8;
	[dreg:$0xe] =	wrdreg s10  }
0xe: {  	s12 =	sadd.s32 $0x2800, s8;
	[dreg:$0x3] =	wrdreg s11  }
0xf: {  	s13 =	sadd.s32 $0x3C00, s8;
	[dreg:$0x4] =	wrdreg s12  }
0x10: {  	s14 =	sadd.s32 $0x5000, s8;
	[dreg:$0x5] =	wrdreg s13  }
0x11: {  	s15 =	sadd.s32 $0x6400, s8;
	[dreg:$0x6] =	wrdreg s14  }
0x12: {  	s16 =	sadd.s32 $0x7800, s8;
	[dreg:$0x7] =	wrdreg s15  }
0x13: {  	s20 =	smul.u32 $0x2710, s2;
	s17 =	sadd.s32 $0x8C00, s8;
	[dreg:$0x8] =	wrdreg s16  }
0x14: {  	s18 =	sadd.s32 $0xA000, s8;
	[dreg:$0x9] =	wrdreg s17  }
0x15: {  	s9 =	sadd.s32 $0x28, s20;
	s0 =	sadd.s32 $0x10E200, s0;
	[dreg:$0xa] =	wrdreg s18  }
0x16: {  	s21 =	simm.s32 $0x3400;
	s25 =	sadd.s32 $0xB400, s8;
	[dreg:$0x10] =	wrdreg s0  }
0x17: {  	s24 =	simm.s32 $0x0;
	s26 =	sadd.s32 $0xC800, s8;
	[dreg:$0x12] =	wrdreg s25  }
0x18: {  	s28 =	sadd.s32 $0xDC00, s8;
	s29 =	sadd.s32 $0xF000, s8;
	[dreg:$0x13] =	wrdreg s26  }
0x19: {  	s30 =	sadd.s32 $0x10400, s8;
	s31 =	sadd.s32 $0x11800, s8;
	[dreg:$0x14] =	wrdreg s28  }
0x1a: {  	s10 =	simm.s32 $0x2000;
	s11 =	smul.u32 $0x13880, s2;
	[dreg:$0x15] =	wrdreg s29  }
0x1b: {  	s17 =	sshll.u32 s2, $0xF;
	s12 =	sadd.s32 s6, s19;
	[dreg:$0x16] =	wrdreg s30  }
0x1c: {  	s2 =	sadd.s32 s7, s23;
	[dreg:$0x17] =	wrdreg s31;
	s13 =	simm.s32 $0x28  }
.Ltmp0:
0x1d: {  	s14 =	simm.s32 $0x100;
	s15 =	simm.s32 $0x180;
	(pc) =	sbr.rel .LBB2_1-.Ltmp0, $4  }
0x1e: {  	s16 =	simm.s32 $0x1;
	s18 =	simm.s32 $0x2;
	[dreg:$0xb] =	wrdreg s12  }
0x1f: {  	s19 =	simm.s32 $0x6;
	s23 =	simm.s32 $0x5200;
	[dreg:$0xf] =	wrdreg s2  }
0x20: {  	s2 =	sadd.s32 $0x12C00, s8;
	s12 =	simm.s32 $0x80;
	s22 =	sadd.s32 s5, s11  }
0x21: {  	v0 =	vimm.f32 $0.0e+00;
	s11 =	simm.s32 $0x7;
	[dreg:$0xd] =	wrdreg s22;
	s22 =	simm.s32 $0x4800  }
.LBB2_10:
0x22: {  	s0 =	stileid.u32  }
0x23: {  	[bflag:$0x0] =	sbarrier.arrive $0xFFFF;
	s0 =	sshll.u32 s0, $0x6  }
0x24: {  	s25 =	sshrl.u32 s8, $0x3;
	s26 =	rddreg [dreg:$0x10];
	s0 =	sor.u32 $0x1C07, s0  }
0x25: {  	[hbm:s26], [sflag:s0] =	dma.local [spmem:s25], $0x2800  }
0x26: {  	_ =	swait.ge [sflag:s11], $0x2800  }
0x27: {  	s24 =	sadd.s32 $0x1, s24;
	s31 =	rddreg [dreg:$0x11]  }
0x28: {  	p0 =	sne.s32 s24, s31  }
.Ltmp1:
0x29: {  	_ = 	snop;
	(pc) =	sbr.rel @!p0 .LBB2_11-.Ltmp1, $3  }
0x2a: {  	_ =	sdelay $0x1  }
0x2b: {  	[sflag:s11] =	ssyncset.done $0x0  }
0x2c: {  	[sflag:s11] =	ssyncadd.s32 $0xFFFFD800  }
.LBB2_1:
0x2d: {  	s25 =	simm.s32 $0x0;
	s26 =	simm.s32 $0x200  }
.LBB2_2:
0x2e: {  	p0 =	sne.s32 s26, $0x4E00;
	[tilespmem:s25+$0x2070] =	vst v0  }
0x2f: {  	[tilespmem:s25+$0x2000] =	vst v0  }
0x30: {  	[tilespmem:s25+$0x2010] =	vst v0  }
.Ltmp2:
0x31: {  	[tilespmem:s25+$0x2020] =	vst v0;
	(pc) =	sbr.rel @p0 .LBB2_2-.Ltmp2, $4  }
0x32: {  	[tilespmem:s25+$0x2030] =	vst v0  }
0x33: {  	[tilespmem:s25+$0x2040] =	vst v0  }
0x34: {  	[tilespmem:s25+$0x2050] =	vst v0  }
0x35: {  	[tilespmem:s25+$0x2060] =	vst v0;
	s25 =	sshra.s32 s26, $0x2;
	s26 =	sadd.s32 $0x200, s26  }
0x36: {  	[tilespmem:s25+$0x2070] =	vst v0  }
0x37: {  	[tilespmem:s25+$0x2000] =	vst v0  }
0x38: {  	[tilespmem:s25+$0x2010] =	vst v0  }
0x39: {  	[tilespmem:s25+$0x2020] =	vst v0  }
0x3a: {  	[tilespmem:s25+$0x2030] =	vst v0  }
0x3b: {  	[tilespmem:s25+$0x2040] =	vst v0  }
0x3c: {  	[tilespmem:s25+$0x2050] =	vst v0  }
0x3d: {  	[tilespmem:s25+$0x2060] =	vst v0  }
0x3e: {  	[spmem:s8] =	stream.linear.scatter [tilespmem:s10], [sflag:$0x7], $0x1400, $0x38;
	[tilespmem:$0x1A600] =	vst v63  }
0x3f: {  	_ =	swait.ge [sflag:s11], $0x1400  }
0x40: {  	[sflag:s11] =	ssyncset.done $0x0  }
0x41: {  	s0 =	rddreg [dreg:$0x3];
	[sflag:s11] =	ssyncadd.s32 $0xFFFFEC00  }
0x42: {  	[spmem:s0] =	stream.linear.scatter [tilespmem:s10], [sflag:$0x7], $0x1400, $0x38;
	[tilespmem:$0x1A600] =	vst v63  }
0x43: {  	_ =	swait.ge [sflag:s11], $0x1400  }
0x44: {  	[sflag:s11] =	ssyncset.done $0x0  }
0x45: {  	s30 =	rddreg [dreg:$0x4];
	[sflag:s11] =	ssyncadd.s32 $0xFFFFEC00  }
0x46: {  	[spmem:s30] =	stream.linear.scatter [tilespmem:s10], [sflag:$0x7], $0x1400, $0x38;
	[tilespmem:$0x1A600] =	vst v63  }
0x47: {  	_ =	swait.ge [sflag:s11], $0x1400  }
0x48: {  	[sflag:s11] =	ssyncset.done $0x0  }
0x49: {  	s31 =	rddreg [dreg:$0x5];
	[sflag:s11] =	ssyncadd.s32 $0xFFFFEC00  }
0x4a: {  	[spmem:s31] =	stream.linear.scatter [tilespmem:s10], [sflag:$0x7], $0x1400, $0x38;
	[tilespmem:$0x1A600] =	vst v63  }
0x4b: {  	_ =	swait.ge [sflag:s11], $0x1400  }
0x4c: {  	[sflag:s11] =	ssyncset.done $0x0  }
0x4d: {  	s25 =	rddreg [dreg:$0x6];
	[sflag:s11] =	ssyncadd.s32 $0xFFFFEC00  }
0x4e: {  	[spmem:s25] =	stream.linear.scatter [tilespmem:s10], [sflag:$0x7], $0x1400, $0x38;
	[tilespmem:$0x1A600] =	vst v63  }
0x4f: {  	_ =	swait.ge [sflag:s11], $0x1400  }
0x50: {  	[sflag:s11] =	ssyncset.done $0x0  }
0x51: {  	s26 =	rddreg [dreg:$0x7];
	[sflag:s11] =	ssyncadd.s32 $0xFFFFEC00  }
0x52: {  	[spmem:s26] =	stream.linear.scatter [tilespmem:s10], [sflag:$0x7], $0x1400, $0x38;
	[tilespmem:$0x1A600] =	vst v63  }
0x53: {  	_ =	swait.ge [sflag:s11], $0x1400  }
0x54: {  	[sflag:s11] =	ssyncset.done $0x0  }
0x55: {  	s28 =	rddreg [dreg:$0x8];
	[sflag:s11] =	ssyncadd.s32 $0xFFFFEC00  }
0x56: {  	[spmem:s28] =	stream.linear.scatter [tilespmem:s10], [sflag:$0x7], $0x1400, $0x38;
	[tilespmem:$0x1A600] =	vst v63  }
0x57: {  	_ =	swait.ge [sflag:s11], $0x1400  }
0x58: {  	[sflag:s11] =	ssyncset.done $0x0  }
0x59: {  	s29 =	rddreg [dreg:$0x9];
	[sflag:s11] =	ssyncadd.s32 $0xFFFFEC00  }
0x5a: {  	[spmem:s29] =	stream.linear.scatter [tilespmem:s10], [sflag:$0x7], $0x1400, $0x38;
	[tilespmem:$0x1A600] =	vst v63  }
0x5b: {  	_ =	swait.ge [sflag:s11], $0x1400  }
0x5c: {  	[sflag:s11] =	ssyncset.done $0x0  }
0x5d: {  	s30 =	rddreg [dreg:$0xa];
	[sflag:s11] =	ssyncadd.s32 $0xFFFFEC00  }
0x5e: {  	[spmem:s30] =	stream.linear.scatter [tilespmem:s10], [sflag:$0x7], $0x1400, $0x38;
	[tilespmem:$0x1A600] =	vst v63  }
0x5f: {  	_ =	swait.ge [sflag:s11], $0x1400  }
0x60: {  	[sflag:s11] =	ssyncset.done $0x0  }
0x61: {  	s31 =	rddreg [dreg:$0x12];
	[sflag:s11] =	ssyncadd.s32 $0xFFFFEC00  }
0x62: {  	[spmem:s31] =	stream.linear.scatter [tilespmem:s10], [sflag:$0x7], $0x1400, $0x38;
	[tilespmem:$0x1A600] =	vst v63  }
0x63: {  	_ =	swait.ge [sflag:s11], $0x1400  }
0x64: {  	[sflag:s11] =	ssyncset.done $0x0  }
0x65: {  	s25 =	rddreg [dreg:$0x13];
	[sflag:s11] =	ssyncadd.s32 $0xFFFFEC00  }
0x66: {  	[spmem:s25] =	stream.linear.scatter [tilespmem:s10], [sflag:$0x7], $0x1400, $0x38;
	[tilespmem:$0x1A600] =	vst v63  }
0x67: {  	_ =	swait.ge [sflag:s11], $0x1400  }
0x68: {  	[sflag:s11] =	ssyncset.done $0x0  }
0x69: {  	s26 =	rddreg [dreg:$0x14];
	[sflag:s11] =	ssyncadd.s32 $0xFFFFEC00  }
0x6a: {  	[spmem:s26] =	stream.linear.scatter [tilespmem:s10], [sflag:$0x7], $0x1400, $0x38;
	[tilespmem:$0x1A600] =	vst v63  }
0x6b: {  	_ =	swait.ge [sflag:s11], $0x1400  }
0x6c: {  	[sflag:s11] =	ssyncset.done $0x0  }
0x6d: {  	s28 =	rddreg [dreg:$0x15];
	[sflag:s11] =	ssyncadd.s32 $0xFFFFEC00  }
0x6e: {  	[spmem:s28] =	stream.linear.scatter [tilespmem:s10], [sflag:$0x7], $0x1400, $0x38;
	[tilespmem:$0x1A600] =	vst v63  }
0x6f: {  	_ =	swait.ge [sflag:s11], $0x1400  }
0x70: {  	[sflag:s11] =	ssyncset.done $0x0  }
0x71: {  	s29 =	rddreg [dreg:$0x16];
	[sflag:s11] =	ssyncadd.s32 $0xFFFFEC00  }
0x72: {  	[spmem:s29] =	stream.linear.scatter [tilespmem:s10], [sflag:$0x7], $0x1400, $0x38;
	[tilespmem:$0x1A600] =	vst v63  }
0x73: {  	_ =	swait.ge [sflag:s11], $0x1400  }
0x74: {  	[sflag:s11] =	ssyncset.done $0x0  }
0x75: {  	s30 =	rddreg [dreg:$0x17];
	[sflag:s11] =	ssyncadd.s32 $0xFFFFEC00  }
0x76: {  	[spmem:s30] =	stream.linear.scatter [tilespmem:s10], [sflag:$0x7], $0x1400, $0x38;
	[tilespmem:$0x1A600] =	vst v63  }
0x77: {  	_ =	swait.ge [sflag:s11], $0x1400  }
0x78: {  	[sflag:s11] =	ssyncset.done $0x0  }
0x79: {  	[sflag:s11] =	ssyncadd.s32 $0xFFFFEC00  }
0x7a: {  	[spmem:s2] =	stream.linear.scatter [tilespmem:s10], [sflag:$0x7], $0x1400, $0x38;
	[tilespmem:$0x1A600] =	vst v63  }
0x7b: {  	_ =	swait.ge [sflag:s11], $0x1400  }
0x7c: {  	[sflag:s11] =	ssyncset.done $0x0  }
0x7d: {  	[sflag:s11] =	ssyncadd.s32 $0xFFFFEC00  }
0x7e: {  	[bflag:$0x0] =	sbarrier.arrive $0xFFFF  }
0x7f: {  	s25 =	simm.s32 $0x0;
	s31 =	rddreg [dreg:$0xb]  }
0x80: {  	[tilespmem:s25], [sflag:$0x7] =	stream.linear.gather [hbm4b:s31+s25], $0x80, $0x38;
	[tilespmem:$0x1A600] =	vst v63  }
0x81: {  	_ =	swait.ge [sflag:s11], $0x80  }
0x82: {  	[sflag:s11] =	ssyncset.done $0x0  }
0x83: {  	s26 =	rddreg [dreg:$0xc];
	[sflag:s11] =	ssyncadd.s32 $0xFFFFFF80  }
0x84: {  	[tilespmem:s12], [sflag:$0x7] =	stream.linear.gather [hbm4b:s26+s25], $0x80, $0x38;
	[tilespmem:$0x1A600] =	vst v63  }
0x85: {  	_ =	swait.ge [sflag:s11], $0x80  }
0x86: {  	[sflag:s11] =	ssyncset.done $0x0  }
0x87: {  	s28 =	simm.s32 $0x200;
	[sflag:s11] =	ssyncadd.s32 $0xFFFFFF80  }
0x88: {  	[tilespmem:s28], [sflag:$0x1] =	stream.indirect.gather [hbm4b:s4+s13], $0x80, s25, s13, $0xb8;
	[tilespmem:$0x1A600] =	vst v63  }
0x89: {  	s26 =	simm.s32 $0x1600;
	s29 =	rddreg [dreg:$0xd]  }
0x8a: {  	[tilespmem:s26], [sflag:$0x2] =	stream.linear.gather [hbm4b:s29+s25], $0xA00, $0x38;
	[tilespmem:$0x1A600] =	vst v63  }
0x8b: {  	s30 =	rddreg [dreg:$0xe]  }
0x8c: {  	[tilespmem:s14], [sflag:$0x6] =	stream.linear.gather [hbm4b:s30+s25], $0x80, $0x38;
	[tilespmem:$0x1A600] =	vst v63  }
0x8d: {  	s31 =	rddreg [dreg:$0xf];
	s26 =	simm.s32 $0x0  }
0x8e: {  	[tilespmem:s15], [sflag:$0x6] =	stream.linear.gather [hbm4b:s31+s25], $0x80, $0x38;
	[tilespmem:$0x1A600] =	vst v63  }
.LBB2_4:
0x8f: {  	_ =	swait.ge [sflag:s16], $0x1400  }
0x90: {  	[sflag:s16] =	ssyncset.done $0x0  }
0x91: {  	[sflag:s16] =	ssyncadd.s32 $0xFFFFEC00  }
0x92: {  	_ =	swait.ge [sflag:s18], $0xA00  }
0x93: {  	[sflag:s18] =	ssyncset.done $0x0  }
0x94: {  	[sflag:s18] =	ssyncadd.s32 $0xFFFFF600  }
0x95: {  	_ =	swait.ge [sflag:s19], $0x80  }
0x96: {  	s28 =	smul.u32 $0x50, s26;
	[sflag:s19] =	ssyncset.done $0x0  }
0x97: {  	[sflag:s19] =	ssyncadd.s32 $0xFFFFFF80  }
0x98: {  	s28 =	sadd.s32 s28, s9;
	_ =	swait.ge [sflag:s19], $0x80  }
0x99: {  	s28 =	sshll.u32 s28, $0x3;
	[sflag:s19] =	ssyncset.done $0x0  }
0x9a: {  	s28 =	sand.u32 $0xFFFFFC0, s28;
	[sflag:s19] =	ssyncadd.s32 $0xFFFFFF80  }
0x9b: {  	[tilespmem:s21], [sflag:$0x4] =	stream.indirect.gather [hbm4b:s4+s13], $0x80, s14, s13, $0xb8;
	[tilespmem:$0x1A600] =	vst v63  }
0x9c: {  	s29 =	simm.s32 $0x1640;
	s28 =	sadd.s32 s5, s28  }
0x9d: {  	[tilespmem:s22], [sflag:$0x5] =	stream.linear.gather [hbm4b:s28+s25], $0xA00, $0x38;
	[tilespmem:$0x1A600] =	vst v63  }
0x9e: {  	v1 =	vld [tilespmem:s29+$0xFFFFFFD0]  }
0x9f: {  	v2 =	vld [tilespmem:s29+$0xFFFFFFC0];
	_ =	sdelay $0x4  }
0xa0: {  	s28 =	simm.s32 $0x0;
	v1 =	vperm.xlane.i2c.b16 v1;
	v2 =	vperm.xlane.i2c.b16 v2  }
0xa1: {  	v3 =	vld [tilespmem:s28+$0x200]  }
0xa2: {  	v4 =	vld [tilespmem:s28+$0x210];
	v1 =	vcombine.low v2, v1;
	_ =	sdelay $0x1  }
0xa3: {  	v2 =	vunpack.c.l.bf16.f32 v1  }
0xa4: {  	v1 =	vunpack.c.u.bf16.f32 v1  }
0xa5: {  	v2 =	vadd.f32 v3, v2  }
0xa6: {  	v1 =	vadd.f32 v4, v1  }
0xa7: {  	v2 =	vmax.f32 v2, $0.0e+00  }
0xa8: {  	v1 =	vmax.f32 v1, $0.0e+00;
	[tilespmem:s28+$0x2000] =	vst v2  }
0xa9: {  	[tilespmem:s28+$0x2010] =	vst v1  }
0xaa: {  	v1 =	vld [tilespmem:s29+$0xFFFFFFE0]  }
0xab: {  	v2 =	vld [tilespmem:s29+$0xFFFFFFF0];
	_ =	sdelay $0x4  }
0xac: {  	v2 =	vperm.xlane.i2c.b16 v2;
	v1 =	vperm.xlane.i2c.b16 v1  }
0xad: {  	v3 =	vld [tilespmem:s28+$0x220]  }
0xae: {  	v58 =	vld [tilespmem:s28+$0x230];
	v1 =	vcombine.low v1, v2;
	_ =	sdelay $0x1  }
0xaf: {  	v2 =	vunpack.c.l.bf16.f32 v1  }
0xb0: {  	v1 =	vunpack.c.u.bf16.f32 v1  }
0xb1: {  	v2 =	vadd.f32 v3, v2  }
0xb2: {  	v1 =	vadd.f32 v58, v1  }
0xb3: {  	v2 =	vmax.f32 v2, $0.0e+00  }
0xb4: {  	v1 =	vmax.f32 v1, $0.0e+00;
	[tilespmem:s28+$0x2020] =	vst v2  }
0xb5: {  	[tilespmem:s28+$0x2030] =	vst v1  }
0xb6: {  	v1 =	vld [tilespmem:s29+$0x0]  }
0xb7: {  	v2 =	vld [tilespmem:s29+$0x10];
	_ =	sdelay $0x4  }
0xb8: {  	v1 =	vperm.xlane.i2c.b16 v1;
	v2 =	vperm.xlane.i2c.b16 v2  }
0xb9: {  	v3 =	vld [tilespmem:s28+$0x240]  }
0xba: {  	v59 =	vld [tilespmem:s28+$0x250];
	v1 =	vcombine.low v1, v2;
	_ =	sdelay $0x1  }
0xbb: {  	v2 =	vunpack.c.l.bf16.f32 v1  }
0xbc: {  	v1 =	vunpack.c.u.bf16.f32 v1  }
0xbd: {  	v2 =	vadd.f32 v3, v2  }
0xbe: {  	v1 =	vadd.f32 v59, v1  }
0xbf: {  	v2 =	vmax.f32 v2, $0.0e+00  }
0xc0: {  	v1 =	vmax.f32 v1, $0.0e+00;
	[tilespmem:s28+$0x2040] =	vst v2  }
0xc1: {  	[tilespmem:s28+$0x2050] =	vst v1  }
0xc2: {  	v1 =	vld [tilespmem:s29+$0x20]  }
0xc3: {  	v2 =	vld [tilespmem:s29+$0x30];
	_ =	sdelay $0x4  }
0xc4: {  	v1 =	vperm.xlane.i2c.b16 v1;
	v2 =	vperm.xlane.i2c.b16 v2  }
0xc5: {  	v3 =	vld [tilespmem:s28+$0x260]  }
0xc6: {  	v60 =	vld [tilespmem:s28+$0x270];
	v1 =	vcombine.low v1, v2;
	_ =	sdelay $0x1  }
0xc7: {  	v2 =	vunpack.c.l.bf16.f32 v1  }
0xc8: {  	v1 =	vunpack.c.u.bf16.f32 v1  }
0xc9: {  	v2 =	vadd.f32 v3, v2  }
0xca: {  	v1 =	vadd.f32 v60, v1  }
0xcb: {  	v2 =	vmax.f32 v2, $0.0e+00  }
0xcc: {  	v1 =	vmax.f32 v1, $0.0e+00;
	[tilespmem:s28+$0x2060] =	vst v2  }
0xcd: {  	[tilespmem:s28+$0x2070] =	vst v1  }
0xce: {  	v1 =	vld [tilespmem:s29+$0xFFFFFFC0]  }
0xcf: {  	v2 =	vld [tilespmem:s29+$0xFFFFFFD0];
	_ =	sdelay $0x4  }
0xd0: {  	v1 =	vperm.xlane.i2c.b16 v1;
	v2 =	vperm.xlane.i2c.b16 v2  }
0xd1: {  	v3 =	vld [tilespmem:s28+$0x280]  }
0xd2: {  	v61 =	vld [tilespmem:s28+$0x290];
	v1 =	vcombine.high v1, v2;
	_ =	sdelay $0x1  }
0xd3: {  	v2 =	vunpack.c.l.bf16.f32 v1  }
0xd4: {  	v1 =	vunpack.c.u.bf16.f32 v1  }
0xd5: {  	v2 =	vadd.f32 v3, v2  }
0xd6: {  	v1 =	vadd.f32 v61, v1  }
0xd7: {  	v2 =	vmax.f32 v2, $0.0e+00  }
0xd8: {  	v1 =	vmax.f32 v1, $0.0e+00;
	[tilespmem:s28+$0x2080] =	vst v2  }
0xd9: {  	[tilespmem:s28+$0x2090] =	vst v1  }
0xda: {  	v1 =	vld [tilespmem:s29+$0xFFFFFFE0]  }
0xdb: {  	v2 =	vld [tilespmem:s29+$0xFFFFFFF0];
	_ =	sdelay $0x4  }
0xdc: {  	v2 =	vperm.xlane.i2c.b16 v2;
	v1 =	vperm.xlane.i2c.b16 v1  }
0xdd: {  	v3 =	vld [tilespmem:s28+$0x2A0]  }
0xde: {  	v62 =	vld [tilespmem:s28+$0x2B0];
	v1 =	vcombine.high v1, v2;
	_ =	sdelay $0x1  }
0xdf: {  	v2 =	vunpack.c.l.bf16.f32 v1  }
0xe0: {  	v1 =	vunpack.c.u.bf16.f32 v1  }
0xe1: {  	v2 =	vadd.f32 v3, v2  }
0xe2: {  	v1 =	vadd.f32 v62, v1  }
0xe3: {  	v2 =	vmax.f32 v2, $0.0e+00  }
0xe4: {  	v1 =	vmax.f32 v1, $0.0e+00;
	[tilespmem:s28+$0x20A0] =	vst v2  }
0xe5: {  	[tilespmem:s28+$0x20B0] =	vst v1  }
0xe6: {  	v1 =	vld [tilespmem:s29+$0x0]  }
0xe7: {  	v2 =	vld [tilespmem:s29+$0x10];
	_ =	sdelay $0x4  }
0xe8: {  	v2 =	vperm.xlane.i2c.b16 v2;
	v1 =	vperm.xlane.i2c.b16 v1  }
0xe9: {  	v3 =	vld [tilespmem:s28+$0x2C0]  }
0xea: {  	v63 =	vld [tilespmem:s28+$0x2D0];
	v1 =	vcombine.high v1, v2;
	_ =	sdelay $0x1  }
0xeb: {  	v2 =	vunpack.c.l.bf16.f32 v1  }
0xec: {  	v1 =	vunpack.c.u.bf16.f32 v1  }
0xed: {  	v2 =	vadd.f32 v3, v2  }
0xee: {  	v1 =	vadd.f32 v63, v1  }
0xef: {  	v2 =	vmax.f32 v2, $0.0e+00  }
0xf0: {  	s30 =	simm.s32 $0x400;
	s31 =	simm.s32 $0x1640;
	v1 =	vmax.f32 v1, $0.0e+00;
	[tilespmem:s28+$0x20C0] =	vst v2  }
.LBB2_5:
0xf1: {  	p0 =	sne.s32 s30, $0x4C00  }
0xf2: {  	[tilespmem:s28+$0x20D0] =	vst v1;
	s29 =	sadd.s32 $0x80, s29;
	s0 =	smov.u32 s30;
	s30 =	sadd.s32 $0x400, s30  }
0xf3: {  	v1 =	vld [tilespmem:s31+$0x20]  }
0xf4: {  	v2 =	vld [tilespmem:s31+$0x30];
	s31 =	smov.u32 s29;
	_ =	sdelay $0x4  }
0xf5: {  	v1 =	vperm.xlane.i2c.b16 v1;
	v2 =	vperm.xlane.i2c.b16 v2;
	v3 =	vld [tilespmem:s28+$0x2F0]  }
0xf6: {  	v4 =	vld [tilespmem:s28+$0x2E0]  }
0xf7: {  	v1 =	vcombine.high v1, v2;
	_ =	sdelay $0x1  }
0xf8: {  	v2 =	vunpack.c.u.bf16.f32 v1;
	v1 =	vunpack.c.l.bf16.f32 v1;
	_ =	sdelay $0x1  }
0xf9: {  	v1 =	vadd.f32 v4, v1;
	v2 =	vadd.f32 v3, v2;
	_ =	sdelay $0x1  }
0xfa: {  	v1 =	vmax.f32 v1, $0.0e+00;
	v2 =	vmax.f32 v2, $0.0e+00  }
0xfb: {  	[tilespmem:s28+$0x20E0] =	vst v1  }
0xfc: {  	[tilespmem:s28+$0x20F0] =	vst v2  }
0xfd: {  	v1 =	vld [tilespmem:s29+$0xFFFFFFD0]  }
0xfe: {  	v2 =	vld [tilespmem:s29+$0xFFFFFFC0];
	_ =	sdelay $0x2  }
0xff: {  	s28 =	sshra.s32 s0, $0x2  }
0x100: {  	v3 =	vld [tilespmem:s28+$0x200]  }
0x101: {  	v1 =	vperm.xlane.i2c.b16 v1;
	v2 =	vperm.xlane.i2c.b16 v2;
	v4 =	vld [tilespmem:s28+$0x210];
	_ =	sdelay $0x1  }
0x102: {  	v1 =	vcombine.low v2, v1;
	_ =	sdelay $0x1  }
0x103: {  	v2 =	vunpack.c.u.bf16.f32 v1;
	v1 =	vunpack.c.l.bf16.f32 v1;
	_ =	sdelay $0x1  }
0x104: {  	v1 =	vadd.f32 v3, v1;
	v2 =	vadd.f32 v4, v2;
	_ =	sdelay $0x1  }
0x105: {  	v1 =	vmax.f32 v1, $0.0e+00;
	v2 =	vmax.f32 v2, $0.0e+00  }
0x106: {  	[tilespmem:s28+$0x2000] =	vst v1  }
0x107: {  	[tilespmem:s28+$0x2010] =	vst v2  }
0x108: {  	v1 =	vld [tilespmem:s29+$0xFFFFFFE0]  }
0x109: {  	v2 =	vld [tilespmem:s29+$0xFFFFFFF0];
	_ =	sdelay $0x4  }
0x10a: {  	v1 =	vperm.xlane.i2c.b16 v1;
	v2 =	vperm.xlane.i2c.b16 v2;
	v3 =	vld [tilespmem:s28+$0x230]  }
0x10b: {  	v4 =	vld [tilespmem:s28+$0x220]  }
0x10c: {  	v1 =	vcombine.low v1, v2;
	_ =	sdelay $0x1  }
0x10d: {  	v2 =	vunpack.c.u.bf16.f32 v1;
	v1 =	vunpack.c.l.bf16.f32 v1;
	_ =	sdelay $0x1  }
0x10e: {  	v1 =	vadd.f32 v4, v1;
	v2 =	vadd.f32 v3, v2;
	_ =	sdelay $0x1  }
0x10f: {  	v1 =	vmax.f32 v1, $0.0e+00;
	v2 =	vmax.f32 v2, $0.0e+00  }
0x110: {  	[tilespmem:s28+$0x2020] =	vst v1  }
0x111: {  	[tilespmem:s28+$0x2030] =	vst v2  }
0x112: {  	v1 =	vld [tilespmem:s29+$0x0]  }
0x113: {  	v2 =	vld [tilespmem:s29+$0x10];
	_ =	sdelay $0x3  }
0x114: {  	v1 =	vperm.xlane.i2c.b16 v1  }
0x115: {  	v2 =	vperm.xlane.i2c.b16 v2;
	v3 =	vld [tilespmem:s28+$0x250]  }
0x116: {  	v4 =	vld [tilespmem:s28+$0x240]  }
0x117: {  	v1 =	vcombine.low v1, v2;
	_ =	sdelay $0x1  }
0x118: {  	v2 =	vunpack.c.u.bf16.f32 v1;
	v1 =	vunpack.c.l.bf16.f32 v1;
	_ =	sdelay $0x1  }
0x119: {  	v1 =	vadd.f32 v4, v1;
	v2 =	vadd.f32 v3, v2;
	_ =	sdelay $0x1  }
0x11a: {  	v1 =	vmax.f32 v1, $0.0e+00;
	v2 =	vmax.f32 v2, $0.0e+00  }
0x11b: {  	[tilespmem:s28+$0x2040] =	vst v1  }
0x11c: {  	[tilespmem:s28+$0x2050] =	vst v2  }
0x11d: {  	v1 =	vld [tilespmem:s29+$0x20]  }
0x11e: {  	v2 =	vld [tilespmem:s29+$0x30];
	_ =	sdelay $0x3  }
0x11f: {  	v1 =	vperm.xlane.i2c.b16 v1  }
0x120: {  	v2 =	vperm.xlane.i2c.b16 v2;
	v3 =	vld [tilespmem:s28+$0x270]  }
0x121: {  	v4 =	vld [tilespmem:s28+$0x260]  }
0x122: {  	v1 =	vcombine.low v1, v2;
	_ =	sdelay $0x1  }
0x123: {  	v2 =	vunpack.c.u.bf16.f32 v1;
	v1 =	vunpack.c.l.bf16.f32 v1;
	_ =	sdelay $0x1  }
0x124: {  	v1 =	vadd.f32 v4, v1;
	v2 =	vadd.f32 v3, v2;
	_ =	sdelay $0x1  }
0x125: {  	v1 =	vmax.f32 v1, $0.0e+00;
	v2 =	vmax.f32 v2, $0.0e+00  }
0x126: {  	[tilespmem:s28+$0x2060] =	vst v1  }
0x127: {  	[tilespmem:s28+$0x2070] =	vst v2  }
0x128: {  	v1 =	vld [tilespmem:s29+$0xFFFFFFC0]  }
0x129: {  	v2 =	vld [tilespmem:s29+$0xFFFFFFD0];
	_ =	sdelay $0x3  }
0x12a: {  	v1 =	vperm.xlane.i2c.b16 v1  }
0x12b: {  	v2 =	vperm.xlane.i2c.b16 v2;
	v3 =	vld [tilespmem:s28+$0x290]  }
0x12c: {  	v4 =	vld [tilespmem:s28+$0x280]  }
0x12d: {  	v1 =	vcombine.high v1, v2;
	_ =	sdelay $0x1  }
0x12e: {  	v2 =	vunpack.c.u.bf16.f32 v1;
	v1 =	vunpack.c.l.bf16.f32 v1;
	_ =	sdelay $0x1  }
0x12f: {  	v1 =	vadd.f32 v4, v1;
	v2 =	vadd.f32 v3, v2;
	_ =	sdelay $0x1  }
0x130: {  	v1 =	vmax.f32 v1, $0.0e+00;
	v2 =	vmax.f32 v2, $0.0e+00  }
0x131: {  	[tilespmem:s28+$0x2080] =	vst v1  }
0x132: {  	[tilespmem:s28+$0x2090] =	vst v2  }
0x133: {  	v1 =	vld [tilespmem:s29+$0xFFFFFFE0]  }
0x134: {  	v2 =	vld [tilespmem:s29+$0xFFFFFFF0];
	_ =	sdelay $0x4  }
0x135: {  	v1 =	vperm.xlane.i2c.b16 v1;
	v2 =	vperm.xlane.i2c.b16 v2;
	v3 =	vld [tilespmem:s28+$0x2B0]  }
0x136: {  	v4 =	vld [tilespmem:s28+$0x2A0]  }
0x137: {  	v1 =	vcombine.high v1, v2;
	_ =	sdelay $0x1  }
0x138: {  	v2 =	vunpack.c.u.bf16.f32 v1;
	v1 =	vunpack.c.l.bf16.f32 v1;
	_ =	sdelay $0x1  }
0x139: {  	v1 =	vadd.f32 v4, v1;
	v2 =	vadd.f32 v3, v2;
	_ =	sdelay $0x1  }
0x13a: {  	v1 =	vmax.f32 v1, $0.0e+00;
	v2 =	vmax.f32 v2, $0.0e+00  }
0x13b: {  	[tilespmem:s28+$0x20A0] =	vst v1  }
0x13c: {  	[tilespmem:s28+$0x20B0] =	vst v2  }
0x13d: {  	v1 =	vld [tilespmem:s29+$0x0]  }
0x13e: {  	v2 =	vld [tilespmem:s29+$0x10];
	_ =	sdelay $0x4  }
0x13f: {  	v1 =	vperm.xlane.i2c.b16 v1;
	v2 =	vperm.xlane.i2c.b16 v2;
	v3 =	vld [tilespmem:s28+$0x2D0]  }
0x140: {  	v4 =	vld [tilespmem:s28+$0x2C0]  }
0x141: {  	v1 =	vcombine.high v1, v2;
	_ =	sdelay $0x1  }
0x142: {  	v2 =	vunpack.c.u.bf16.f32 v1;
	v1 =	vunpack.c.l.bf16.f32 v1  }
.Ltmp3:
0x143: {  	(pc) =	sbr.rel @p0 .LBB2_5-.Ltmp3, $3  }
0x144: {  	v1 =	vadd.f32 v4, v1;
	v2 =	vadd.f32 v3, v2;
	_ =	sdelay $0x1  }
0x145: {  	v3 =	vmax.f32 v1, $0.0e+00;
	v1 =	vmax.f32 v2, $0.0e+00  }
0x146: {  	[tilespmem:s28+$0x20C0] =	vst v3  }
0x147: {  	[tilespmem:s28+$0x20D0] =	vst v1  }
0x148: {  	v1 =	vld [tilespmem:s31+$0x20]  }
0x149: {  	v2 =	vld [tilespmem:s31+$0x30];
	_ =	sdelay $0x4  }
0x14a: {  	v2 =	vperm.xlane.i2c.b16 v2;
	v1 =	vperm.xlane.i2c.b16 v1  }
0x14b: {  	v3 =	vld [tilespmem:s28+$0x2E0]  }
0x14c: {  	v4 =	vld [tilespmem:s28+$0x2F0];
	v1 =	vcombine.high v1, v2;
	_ =	sdelay $0x1  }
0x14d: {  	v2 =	vunpack.c.l.bf16.f32 v1  }
0x14e: {  	v1 =	vunpack.c.u.bf16.f32 v1  }
0x14f: {  	v2 =	vadd.f32 v3, v2  }
0x150: {  	v1 =	vadd.f32 v4, v1  }
0x151: {  	v2 =	vmax.f32 v2, $0.0e+00  }
0x152: {  	v1 =	vmax.f32 v1, $0.0e+00;
	[tilespmem:s28+$0x20E0] =	vst v2  }
0x153: {  	[tilespmem:s28+$0x20F0] =	vst v1  }
0x154: {  	[spmem:s1] =	stream.indirect.scatter.add.f32 [tilespmem:s10], [sflag:$0x7], $0x80, s12, s13, $0xb8;
	[tilespmem:$0x1A600] =	vst v63  }
0x155: {  	_ =	swait.ge [sflag:s11], $0x1400  }
0x156: {  	p0 =	seq.s32 s26, $0x7C;
	[sflag:s11] =	ssyncset.done $0x0  }
0x157: {  	s0 =	simm.s32 @p0 $0x4;
	s28 =	sshll.u32 @!p0 s26, $0x1;
	[sflag:s11] =	ssyncadd.s32 $0xFFFFEC00  }
0x158: {  	s28 =	sadd.s32 @!p0 $0x2, s28;
	_ =	swait.ge @p0 [sflag:s0], $0x1400  }
0x159: {  	s29 =	sshll.u32 @!p0 s28, $0x7;
	[sflag:s0] =	ssyncset.done @p0 $0x0  }
0x15a: {  	[sflag:s0] =	ssyncadd.s32 @p0 $0xFFFFEC00;
	s0 =	sand.u32 @!p0 $0xFC00, s29  }
0x15b: {  	s30 =	simm.s32 @p0 $0x5;
	s29 =	sand.u32 @!p0 $0x300, s29;
	s0 =	sadd.s32 @!p0 s17, s0  }
0x15c: {  	_ =	swait.ge @p0 [sflag:s30], $0xA00;
	s0 =	sor.u32 @!p0 s29, s0  }
0x15d: {  	[sflag:s30] =	ssyncset.done @p0 $0x0;
	s0 =	sshrl.u32 @!p0 s0, $0x3  }
0x15e: {  	[sflag:s30] =	ssyncadd.s32 @p0 $0xFFFFF600;
	s30 =	simm.s32 @!p0 $0x0;
	s29 =	sadd.s32 @!p0 s6, s0  }
0x15f: {  	[tilespmem:s30], [sflag:$0x3] =	stream.linear.gather @!p0 [hbm4b:s29+s30], $0x80, $0x38;
	[tilespmem:$0x1A600] =	vst v63  }
0x160: {  	s0 =	sadd.s32 @!p0 s7, s0;
	s29 =	simm.s32 @!p0 $0x80  }
0x161: {  	[tilespmem:s29], [sflag:$0x3] =	stream.linear.gather @!p0 [hbm4b:s0+s30], $0x80, $0x38;
	[tilespmem:$0x1A600] =	vst v63  }
0x162: {  	s0 =	simm.s32 @!p0 $0x4  }
0x163: {  	_ =	swait.ge @!p0 [sflag:s0], $0x1400  }
0x164: {  	[sflag:s0] =	ssyncset.done @!p0 $0x0  }
0x165: {  	[sflag:s0] =	ssyncadd.s32 @!p0 $0xFFFFEC00;
	s0 =	simm.s32 @!p0 $0x5  }
0x166: {  	_ =	swait.ge @!p0 [sflag:s0], $0xA00  }
0x167: {  	[sflag:s0] =	ssyncset.done @!p0 $0x0  }
0x168: {  	[sflag:s0] =	ssyncadd.s32 @!p0 $0xFFFFF600;
	s0 =	simm.s32 @!p0 $0x3  }
0x169: {  	_ =	swait.ge @!p0 [sflag:s0], $0x80  }
0x16a: {  	[sflag:s0] =	ssyncset.done @!p0 $0x0  }
0x16b: {  	[sflag:s0] =	ssyncadd.s32 @!p0 $0xFFFFFF80  }
0x16c: {  	_ =	swait.ge @!p0 [sflag:s0], $0x80  }
0x16d: {  	s28 =	smul.u32 @!p0 $0x28, s28;
	[sflag:s0] =	ssyncset.done @!p0 $0x0  }
0x16e: {  	s29 =	simm.s32 @!p0 $0x200;
	[sflag:s0] =	ssyncadd.s32 @!p0 $0xFFFFFF80;
	s0 =	simm.s32 @!p0 $0x28  }
0x16f: {  	[tilespmem:s29], [sflag:$0x1] =	stream.indirect.gather @!p0 [hbm4b:s4+s0], $0x80, s30, s0, $0xb8;
	[tilespmem:$0x1A600] =	vst v63  }
0x170: {  	s0 =	sadd.s32 @!p0 s20, s28  }
0x171: {  	s0 =	sshll.u32 @!p0 s0, $0x3  }
0x172: {  	s0 =	sand.u32 @!p0 $0xFFFFF80, s0  }
0x173: {  	s28 =	simm.s32 @!p0 $0x1600;
	s29 =	simm.s32 $0x4840;
	s0 =	sadd.s32 @!p0 s5, s0  }
0x174: {  	[tilespmem:s28], [sflag:$0x2] =	stream.linear.gather @!p0 [hbm4b:s0+s30], $0xA00, $0x38;
	[tilespmem:$0x1A600] =	vst v63  }
0x175: {  	v1 =	vld [tilespmem:s29+$0xFFFFFFD0]  }
0x176: {  	v2 =	vld [tilespmem:s29+$0xFFFFFFC0];
	_ =	sdelay $0x4  }
0x177: {  	s28 =	simm.s32 $0x0;
	v1 =	vperm.xlane.i2c.b16 v1;
	v2 =	vperm.xlane.i2c.b16 v2  }
0x178: {  	v3 =	vld [tilespmem:s28+$0x3400]  }
0x179: {  	v57 =	vld [tilespmem:s28+$0x3410];
	v1 =	vcombine.low v2, v1;
	_ =	sdelay $0x1  }
0x17a: {  	v2 =	vunpack.c.l.bf16.f32 v1  }
0x17b: {  	v1 =	vunpack.c.u.bf16.f32 v1  }
0x17c: {  	v2 =	vadd.f32 v3, v2  }
0x17d: {  	v1 =	vadd.f32 v57, v1  }
0x17e: {  	v2 =	vmax.f32 v2, $0.0e+00  }
0x17f: {  	v1 =	vmax.f32 v1, $0.0e+00;
	[tilespmem:s28+$0x5200] =	vst v2  }
0x180: {  	[tilespmem:s28+$0x5210] =	vst v1  }
0x181: {  	v1 =	vld [tilespmem:s29+$0xFFFFFFE0]  }
0x182: {  	v2 =	vld [tilespmem:s29+$0xFFFFFFF0];
	_ =	sdelay $0x4  }
0x183: {  	v2 =	vperm.xlane.i2c.b16 v2;
	v1 =	vperm.xlane.i2c.b16 v1  }
0x184: {  	v3 =	vld [tilespmem:s28+$0x3420]  }
0x185: {  	v58 =	vld [tilespmem:s28+$0x3430];
	v1 =	vcombine.low v1, v2;
	_ =	sdelay $0x1  }
0x186: {  	v2 =	vunpack.c.l.bf16.f32 v1  }
0x187: {  	v1 =	vunpack.c.u.bf16.f32 v1  }
0x188: {  	v2 =	vadd.f32 v3, v2  }
0x189: {  	v1 =	vadd.f32 v58, v1  }
0x18a: {  	v2 =	vmax.f32 v2, $0.0e+00  }
0x18b: {  	v1 =	vmax.f32 v1, $0.0e+00;
	[tilespmem:s28+$0x5220] =	vst v2  }
0x18c: {  	[tilespmem:s28+$0x5230] =	vst v1  }
0x18d: {  	v1 =	vld [tilespmem:s29+$0x0]  }
0x18e: {  	v2 =	vld [tilespmem:s29+$0x10];
	_ =	sdelay $0x4  }
0x18f: {  	v1 =	vperm.xlane.i2c.b16 v1;
	v2 =	vperm.xlane.i2c.b16 v2  }
0x190: {  	v3 =	vld [tilespmem:s28+$0x3440]  }
0x191: {  	v59 =	vld [tilespmem:s28+$0x3450];
	v1 =	vcombine.low v1, v2;
	_ =	sdelay $0x1  }
0x192: {  	v2 =	vunpack.c.l.bf16.f32 v1  }
0x193: {  	v1 =	vunpack.c.u.bf16.f32 v1  }
0x194: {  	v2 =	vadd.f32 v3, v2  }
0x195: {  	v1 =	vadd.f32 v59, v1  }
0x196: {  	v2 =	vmax.f32 v2, $0.0e+00  }
0x197: {  	v1 =	vmax.f32 v1, $0.0e+00;
	[tilespmem:s28+$0x5240] =	vst v2  }
0x198: {  	[tilespmem:s28+$0x5250] =	vst v1  }
0x199: {  	v1 =	vld [tilespmem:s29+$0x20]  }
0x19a: {  	v2 =	vld [tilespmem:s29+$0x30];
	_ =	sdelay $0x4  }
0x19b: {  	v1 =	vperm.xlane.i2c.b16 v1;
	v2 =	vperm.xlane.i2c.b16 v2  }
0x19c: {  	v3 =	vld [tilespmem:s28+$0x3460]  }
0x19d: {  	v60 =	vld [tilespmem:s28+$0x3470];
	v1 =	vcombine.low v1, v2;
	_ =	sdelay $0x1  }
0x19e: {  	v2 =	vunpack.c.l.bf16.f32 v1  }
0x19f: {  	v1 =	vunpack.c.u.bf16.f32 v1  }
0x1a0: {  	v2 =	vadd.f32 v3, v2  }
0x1a1: {  	v1 =	vadd.f32 v60, v1  }
0x1a2: {  	v2 =	vmax.f32 v2, $0.0e+00  }
0x1a3: {  	v1 =	vmax.f32 v1, $0.0e+00;
	[tilespmem:s28+$0x5260] =	vst v2  }
0x1a4: {  	[tilespmem:s28+$0x5270] =	vst v1  }
0x1a5: {  	v1 =	vld [tilespmem:s29+$0xFFFFFFC0]  }
0x1a6: {  	v2 =	vld [tilespmem:s29+$0xFFFFFFD0];
	_ =	sdelay $0x4  }
0x1a7: {  	v1 =	vperm.xlane.i2c.b16 v1;
	v2 =	vperm.xlane.i2c.b16 v2  }
0x1a8: {  	v3 =	vld [tilespmem:s28+$0x3480]  }
0x1a9: {  	v61 =	vld [tilespmem:s28+$0x3490];
	v1 =	vcombine.high v1, v2;
	_ =	sdelay $0x1  }
0x1aa: {  	v2 =	vunpack.c.l.bf16.f32 v1  }
0x1ab: {  	v1 =	vunpack.c.u.bf16.f32 v1  }
0x1ac: {  	v2 =	vadd.f32 v3, v2  }
0x1ad: {  	v1 =	vadd.f32 v61, v1  }
0x1ae: {  	v2 =	vmax.f32 v2, $0.0e+00  }
0x1af: {  	v1 =	vmax.f32 v1, $0.0e+00;
	[tilespmem:s28+$0x5280] =	vst v2  }
0x1b0: {  	[tilespmem:s28+$0x5290] =	vst v1  }
0x1b1: {  	v1 =	vld [tilespmem:s29+$0xFFFFFFE0]  }
0x1b2: {  	v2 =	vld [tilespmem:s29+$0xFFFFFFF0];
	_ =	sdelay $0x4  }
0x1b3: {  	v2 =	vperm.xlane.i2c.b16 v2;
	v1 =	vperm.xlane.i2c.b16 v1  }
0x1b4: {  	v3 =	vld [tilespmem:s28+$0x34A0]  }
0x1b5: {  	v62 =	vld [tilespmem:s28+$0x34B0];
	v1 =	vcombine.high v1, v2;
	_ =	sdelay $0x1  }
0x1b6: {  	v2 =	vunpack.c.l.bf16.f32 v1  }
0x1b7: {  	v1 =	vunpack.c.u.bf16.f32 v1  }
0x1b8: {  	v2 =	vadd.f32 v3, v2  }
0x1b9: {  	v1 =	vadd.f32 v62, v1  }
0x1ba: {  	v2 =	vmax.f32 v2, $0.0e+00  }
0x1bb: {  	v1 =	vmax.f32 v1, $0.0e+00;
	[tilespmem:s28+$0x52A0] =	vst v2  }
0x1bc: {  	[tilespmem:s28+$0x52B0] =	vst v1  }
0x1bd: {  	v1 =	vld [tilespmem:s29+$0x0]  }
0x1be: {  	v2 =	vld [tilespmem:s29+$0x10];
	_ =	sdelay $0x4  }
0x1bf: {  	v2 =	vperm.xlane.i2c.b16 v2;
	v1 =	vperm.xlane.i2c.b16 v1  }
0x1c0: {  	v3 =	vld [tilespmem:s28+$0x34C0]  }
0x1c1: {  	v63 =	vld [tilespmem:s28+$0x34D0];
	v1 =	vcombine.high v1, v2;
	_ =	sdelay $0x1  }
0x1c2: {  	v2 =	vunpack.c.l.bf16.f32 v1  }
0x1c3: {  	v1 =	vunpack.c.u.bf16.f32 v1  }
0x1c4: {  	v2 =	vadd.f32 v3, v2  }
0x1c5: {  	v1 =	vadd.f32 v63, v1  }
0x1c6: {  	v2 =	vmax.f32 v2, $0.0e+00  }
0x1c7: {  	s31 =	simm.s32 $0x4840;
	s30 =	simm.s32 $0x400;
	v1 =	vmax.f32 v1, $0.0e+00;
	[tilespmem:s28+$0x52C0] =	vst v2  }
.LBB2_7:
0x1c8: {  	p1 =	sne.s32 s30, $0x4C00  }
0x1c9: {  	[tilespmem:s28+$0x52D0] =	vst v1;
	s29 =	sadd.s32 $0x80, s29;
	s0 =	smov.u32 s30;
	s30 =	sadd.s32 $0x400, s30  }
0x1ca: {  	v1 =	vld [tilespmem:s31+$0x20]  }
0x1cb: {  	v2 =	vld [tilespmem:s31+$0x30];
	s31 =	smov.u32 s29;
	_ =	sdelay $0x4  }
0x1cc: {  	v1 =	vperm.xlane.i2c.b16 v1;
	v2 =	vperm.xlane.i2c.b16 v2;
	v3 =	vld [tilespmem:s28+$0x34F0]  }
0x1cd: {  	v4 =	vld [tilespmem:s28+$0x34E0]  }
0x1ce: {  	v1 =	vcombine.high v1, v2;
	_ =	sdelay $0x1  }
0x1cf: {  	v2 =	vunpack.c.u.bf16.f32 v1;
	v1 =	vunpack.c.l.bf16.f32 v1;
	_ =	sdelay $0x1  }
0x1d0: {  	v1 =	vadd.f32 v4, v1;
	v2 =	vadd.f32 v3, v2;
	_ =	sdelay $0x1  }
0x1d1: {  	v1 =	vmax.f32 v1, $0.0e+00;
	v2 =	vmax.f32 v2, $0.0e+00  }
0x1d2: {  	[tilespmem:s28+$0x52E0] =	vst v1  }
0x1d3: {  	[tilespmem:s28+$0x52F0] =	vst v2  }
0x1d4: {  	v1 =	vld [tilespmem:s29+$0xFFFFFFD0]  }
0x1d5: {  	v2 =	vld [tilespmem:s29+$0xFFFFFFC0];
	_ =	sdelay $0x2  }
0x1d6: {  	s28 =	sshra.s32 s0, $0x2  }
0x1d7: {  	v3 =	vld [tilespmem:s28+$0x3400]  }
0x1d8: {  	v1 =	vperm.xlane.i2c.b16 v1;
	v2 =	vperm.xlane.i2c.b16 v2;
	v4 =	vld [tilespmem:s28+$0x3410];
	_ =	sdelay $0x1  }
0x1d9: {  	v1 =	vcombine.low v2, v1;
	_ =	sdelay $0x1  }
0x1da: {  	v2 =	vunpack.c.u.bf16.f32 v1;
	v1 =	vunpack.c.l.bf16.f32 v1;
	_ =	sdelay $0x1  }
0x1db: {  	v1 =	vadd.f32 v3, v1;
	v2 =	vadd.f32 v4, v2;
	_ =	sdelay $0x1  }
0x1dc: {  	v1 =	vmax.f32 v1, $0.0e+00;
	v2 =	vmax.f32 v2, $0.0e+00  }
0x1dd: {  	[tilespmem:s28+$0x5200] =	vst v1  }
0x1de: {  	[tilespmem:s28+$0x5210] =	vst v2  }
0x1df: {  	v1 =	vld [tilespmem:s29+$0xFFFFFFE0]  }
0x1e0: {  	v2 =	vld [tilespmem:s29+$0xFFFFFFF0];
	_ =	sdelay $0x4  }
0x1e1: {  	v1 =	vperm.xlane.i2c.b16 v1;
	v2 =	vperm.xlane.i2c.b16 v2;
	v3 =	vld [tilespmem:s28+$0x3430]  }
0x1e2: {  	v4 =	vld [tilespmem:s28+$0x3420]  }
0x1e3: {  	v1 =	vcombine.low v1, v2;
	_ =	sdelay $0x1  }
0x1e4: {  	v2 =	vunpack.c.u.bf16.f32 v1;
	v1 =	vunpack.c.l.bf16.f32 v1;
	_ =	sdelay $0x1  }
0x1e5: {  	v1 =	vadd.f32 v4, v1;
	v2 =	vadd.f32 v3, v2;
	_ =	sdelay $0x1  }
0x1e6: {  	v1 =	vmax.f32 v1, $0.0e+00;
	v2 =	vmax.f32 v2, $0.0e+00  }
0x1e7: {  	[tilespmem:s28+$0x5220] =	vst v1  }
0x1e8: {  	[tilespmem:s28+$0x5230] =	vst v2  }
0x1e9: {  	v1 =	vld [tilespmem:s29+$0x0]  }
0x1ea: {  	v2 =	vld [tilespmem:s29+$0x10];
	_ =	sdelay $0x3  }
0x1eb: {  	v1 =	vperm.xlane.i2c.b16 v1  }
0x1ec: {  	v2 =	vperm.xlane.i2c.b16 v2;
	v3 =	vld [tilespmem:s28+$0x3450]  }
0x1ed: {  	v4 =	vld [tilespmem:s28+$0x3440]  }
0x1ee: {  	v1 =	vcombine.low v1, v2;
	_ =	sdelay $0x1  }
0x1ef: {  	v2 =	vunpack.c.u.bf16.f32 v1;
	v1 =	vunpack.c.l.bf16.f32 v1;
	_ =	sdelay $0x1  }
0x1f0: {  	v1 =	vadd.f32 v4, v1;
	v2 =	vadd.f32 v3, v2;
	_ =	sdelay $0x1  }
0x1f1: {  	v1 =	vmax.f32 v1, $0.0e+00;
	v2 =	vmax.f32 v2, $0.0e+00  }
0x1f2: {  	[tilespmem:s28+$0x5240] =	vst v1  }
0x1f3: {  	[tilespmem:s28+$0x5250] =	vst v2  }
0x1f4: {  	v1 =	vld [tilespmem:s29+$0x20]  }
0x1f5: {  	v2 =	vld [tilespmem:s29+$0x30];
	_ =	sdelay $0x3  }
0x1f6: {  	v1 =	vperm.xlane.i2c.b16 v1  }
0x1f7: {  	v2 =	vperm.xlane.i2c.b16 v2;
	v3 =	vld [tilespmem:s28+$0x3470]  }
0x1f8: {  	v4 =	vld [tilespmem:s28+$0x3460]  }
0x1f9: {  	v1 =	vcombine.low v1, v2;
	_ =	sdelay $0x1  }
0x1fa: {  	v2 =	vunpack.c.u.bf16.f32 v1;
	v1 =	vunpack.c.l.bf16.f32 v1;
	_ =	sdelay $0x1  }
0x1fb: {  	v1 =	vadd.f32 v4, v1;
	v2 =	vadd.f32 v3, v2;
	_ =	sdelay $0x1  }
0x1fc: {  	v1 =	vmax.f32 v1, $0.0e+00;
	v2 =	vmax.f32 v2, $0.0e+00  }
0x1fd: {  	[tilespmem:s28+$0x5260] =	vst v1  }
0x1fe: {  	[tilespmem:s28+$0x5270] =	vst v2  }
0x1ff: {  	v1 =	vld [tilespmem:s29+$0xFFFFFFC0]  }
0x200: {  	v2 =	vld [tilespmem:s29+$0xFFFFFFD0];
	_ =	sdelay $0x3  }
0x201: {  	v1 =	vperm.xlane.i2c.b16 v1  }
0x202: {  	v2 =	vperm.xlane.i2c.b16 v2;
	v3 =	vld [tilespmem:s28+$0x3490]  }
0x203: {  	v4 =	vld [tilespmem:s28+$0x3480]  }
0x204: {  	v1 =	vcombine.high v1, v2;
	_ =	sdelay $0x1  }
0x205: {  	v2 =	vunpack.c.u.bf16.f32 v1;
	v1 =	vunpack.c.l.bf16.f32 v1;
	_ =	sdelay $0x1  }
0x206: {  	v1 =	vadd.f32 v4, v1;
	v2 =	vadd.f32 v3, v2;
	_ =	sdelay $0x1  }
0x207: {  	v1 =	vmax.f32 v1, $0.0e+00;
	v2 =	vmax.f32 v2, $0.0e+00  }
0x208: {  	[tilespmem:s28+$0x5280] =	vst v1  }
0x209: {  	[tilespmem:s28+$0x5290] =	vst v2  }
0x20a: {  	v1 =	vld [tilespmem:s29+$0xFFFFFFE0]  }
0x20b: {  	v2 =	vld [tilespmem:s29+$0xFFFFFFF0];
	_ =	sdelay $0x4  }
0x20c: {  	v1 =	vperm.xlane.i2c.b16 v1;
	v2 =	vperm.xlane.i2c.b16 v2;
	v3 =	vld [tilespmem:s28+$0x34B0]  }
0x20d: {  	v4 =	vld [tilespmem:s28+$0x34A0]  }
0x20e: {  	v1 =	vcombine.high v1, v2;
	_ =	sdelay $0x1  }
0x20f: {  	v2 =	vunpack.c.u.bf16.f32 v1;
	v1 =	vunpack.c.l.bf16.f32 v1;
	_ =	sdelay $0x1  }
0x210: {  	v1 =	vadd.f32 v4, v1;
	v2 =	vadd.f32 v3, v2;
	_ =	sdelay $0x1  }
0x211: {  	v1 =	vmax.f32 v1, $0.0e+00;
	v2 =	vmax.f32 v2, $0.0e+00  }
0x212: {  	[tilespmem:s28+$0x52A0] =	vst v1  }
0x213: {  	[tilespmem:s28+$0x52B0] =	vst v2  }
0x214: {  	v1 =	vld [tilespmem:s29+$0x0]  }
0x215: {  	v2 =	vld [tilespmem:s29+$0x10];
	_ =	sdelay $0x4  }
0x216: {  	v1 =	vperm.xlane.i2c.b16 v1;
	v2 =	vperm.xlane.i2c.b16 v2;
	v3 =	vld [tilespmem:s28+$0x34D0]  }
0x217: {  	v4 =	vld [tilespmem:s28+$0x34C0]  }
0x218: {  	v1 =	vcombine.high v1, v2;
	_ =	sdelay $0x1  }
0x219: {  	v2 =	vunpack.c.u.bf16.f32 v1;
	v1 =	vunpack.c.l.bf16.f32 v1  }
.Ltmp4:
0x21a: {  	(pc) =	sbr.rel @p1 .LBB2_7-.Ltmp4, $3  }
0x21b: {  	v1 =	vadd.f32 v4, v1;
	v2 =	vadd.f32 v3, v2;
	_ =	sdelay $0x1  }
0x21c: {  	v3 =	vmax.f32 v1, $0.0e+00;
	v1 =	vmax.f32 v2, $0.0e+00  }
0x21d: {  	[tilespmem:s28+$0x52C0] =	vst v3  }
0x21e: {  	[tilespmem:s28+$0x52D0] =	vst v1  }
0x21f: {  	v1 =	vld [tilespmem:s31+$0x20]  }
0x220: {  	v2 =	vld [tilespmem:s31+$0x30];
	_ =	sdelay $0x4  }
0x221: {  	v2 =	vperm.xlane.i2c.b16 v2;
	v1 =	vperm.xlane.i2c.b16 v1  }
0x222: {  	v3 =	vld [tilespmem:s28+$0x34E0]  }
0x223: {  	v4 =	vld [tilespmem:s28+$0x34F0];
	v1 =	vcombine.high v1, v2;
	_ =	sdelay $0x1  }
0x224: {  	v2 =	vunpack.c.l.bf16.f32 v1  }
0x225: {  	v1 =	vunpack.c.u.bf16.f32 v1  }
0x226: {  	v2 =	vadd.f32 v3, v2  }
0x227: {  	v1 =	vadd.f32 v4, v1  }
0x228: {  	v2 =	vmax.f32 v2, $0.0e+00  }
0x229: {  	v1 =	vmax.f32 v1, $0.0e+00;
	[tilespmem:s28+$0x52E0] =	vst v2  }
.Ltmp5:
0x22a: {  	[tilespmem:s28+$0x52F0] =	vst v1;
	(pc) =	sbr.rel @p0 .LBB2_10-.Ltmp5, $4  }
0x22b: {  	[spmem:s1] =	stream.indirect.scatter.add.f32 [tilespmem:s23], [sflag:$0x7], $0x80, s15, s13, $0xb8;
	[tilespmem:$0x1A600] =	vst v63  }
0x22c: {  	_ =	swait.ge [sflag:s11], $0x1400  }
0x22d: {  	[sflag:s11] =	ssyncset.done $0x0  }
0x22e: {  	[sflag:s11] =	ssyncadd.s32 $0xFFFFEC00  }
0x22f: {  	s0 =	sshll.u32 s26, $0x8  }
0x230: {  	s0 =	sadd.s32 $0x180, s0  }
0x231: {  	s28 =	sand.u32 $0xFC00, s0  }
0x232: {  	s0 =	sand.u32 $0x380, s0;
	s28 =	sadd.s32 s17, s28  }
0x233: {  	s0 =	sor.u32 s0, s28  }
.Ltmp6:
0x234: {  	s0 =	sshrl.u32 s0, $0x3;
	(pc) =	sbr.rel .LBB2_4-.Ltmp6, $4  }
0x235: {  	s31 =	sadd.s32 s6, s0  }
0x236: {  	[tilespmem:s14], [sflag:$0x6] =	stream.linear.gather [hbm4b:s31+s3], $0x80, $0x38;
	[tilespmem:$0x1A600] =	vst v63  }
0x237: {  	s26 =	sadd.s32 $0x1, s26;
	s0 =	sadd.s32 s7, s0  }
0x238: {  	[tilespmem:s15], [sflag:$0x6] =	stream.linear.gather [hbm4b:s0+s3], $0x80, $0x38;
	[tilespmem:$0x1A600] =	vst v63  }
.LBB2_11:
0x239: {  	_ =	sfence.sel $0x180000  }
0x23a: {  	[bflag:$0x0] =	sbarrier.arrive $0xFFFF  }
0x23b: {  	_ =	strace $0x90000047  }
0x23c: {  	s0 =	stileid.u32;
	[bflag:$0x2] =	sbarrier.arrive $0xFFFF  }
0x23d: {  	p0 =	sne.s32 s0, $0x0;
	s0 =	rddreg [dreg:$0x2]  }
0x23e: {  	s0 =	sadd.s32 @!p0 $0x100000, s0  }
0x23f: {  	[sflag:s0] =	ssyncadd.tile.s32 @!p0 $0x1;
	_ =	shalt  }
.Lfunc_end2:
_tile_overlayer_lowered:
.L_overlay_start_2:
0x240: {  	(tag) =	ssettag $0x2  }
0x241: {  	s0 =	rddreg [dreg:$0x0];
	s2 =	stileid.u32  }
0x242: {  	s1 =	rddreg [dreg:$0x1];
	p0 =	sne.s32 s2, $0x0  }
0x243: {  	s3 =	rddreg [dreg:$0x2];
	[bflag:$0x3] =	sbarrier.arrive $0xFFFF;
	s2 =	simm.s32 @!p0 $0x1C07  }
0x244: {  	[timem:s3], [sflag:s2] =	dma.local @!p0 [hbm:s0], s1  }
0x245: {  	s0 =	simm.s32 @!p0 $0x7  }
0x246: {  	_ =	swait.ge @!p0 [sflag:s0], s1  }
0x247: {  	s1 =	ssub.s32 @!p0 $0x0, s1;
	[sflag:s0] =	ssyncset.done @!p0 $0x0  }
0x248: {  	[sflag:s0] =	ssyncadd.s32 @!p0 s1  }
0x249: {  	[bflag:$0x3] =	sbarrier.arrive $0xFFFF  }
0x24a: {  	_ =	shalt  }

// kernel: kernel.13.cloned.1.call-start
scs
__scs_entry_jumppad:
0x0: {  	(pc) =	sbr.rel $0x88, $3  }
0x1: {  	(tag) =	ssettag $0x0;
	lr =	simm.s32 $0x1  }
0x2: {  	[smem:$0x3F91] =	sst lr;
	_ =	strace $0xD0000000  }
0x3: {  	_ = 	snop  }
0x4: {  	_ = 	snop  }
0x5: {  	_ = 	snop  }
0x6: {  	_ = 	snop  }
0x7: {  	_ = 	snop  }
__scs_overlays_trampoline_lowered:
0x8: {  	[smem:$0x3FA0] =	sst s0  }
0x9: {  	[smem:$0x3FA1] =	sst s1  }
0xa: {  	[smem:$0x3FA2] =	sst s2  }
0xb: {  	[smem:$0x3FA3] =	sst s3  }
0xc: {  	[smem:$0x3FA4] =	sst s4  }
0xd: {  	[smem:$0x3FA5] =	sst s5  }
0xe: {  	[smem:$0x3FA6] =	sst s6  }
0xf: {  	[smem:$0x3FA7] =	sst s7  }
0x10: {  	[smem:$0x3FA8] =	sst s8  }
0x11: {  	[smem:$0x3FA9] =	sst s9;
	s0 =	simm.s32 @!p0 $0x0  }
0x12: {  	s1 =	sld [smem:$0x3F8F];
	s0 =	simm.s32 @p0 $0x1  }
0x13: {  	[smem:$0x3FAA] =	sst s0;
	s0 =	simm.s32 @!p1 $0x0  }
0x14: {  	s2 =	sld [smem:$0x3F8E];
	s0 =	simm.s32 @p1 $0x1  }
0x15: {  	[smem:$0x3FAB] =	sst s0;
	s0 =	simm.s32 @!p2 $0x0  }
0x16: {  	s3 =	sld [smem:$0x3FDB];
	s0 =	simm.s32 @p2 $0x1  }
0x17: {  	s4 =	simm.s32 $0x1BF5;
	[smem:$0x3FAD] =	sst s0  }
0x18: {  	s0 =	sld [smem:$0x3F90];
	_ =	swait.ge [sflag:s4], $0x0  }
0x19: {  	s7 =	sld [smem:$0x3F91]  }
0x1a: {  	s8 =	sadd.s32 $0xFFFFE003, lr  }
0x1b: {  	s9 =	sadd.s32 $0xFFFFFEF7, lr;
	s5 =	simm.s32 $0xFFFFFFFF;
	p2 =	slt.u32 s8, $0xFFFFF086  }
0x1c: {  	p1 =	slt.u32 s9, $0xF7A;
	s5 =	simm.s32 @!p2 $0x0  }
0x1d: {  	s5 =	simm.s32 @p1 $0x1;
	p0 =	seq.s32 s7, s2  }
0x1e: {  	s7 =	smul.u32 @!p0 $0xF7A, s2;
	p2 =	seq.s32 @!p0 s5, $0x0  }
0x1f: {  	s9 =	smul.u32 $0xF7A, s1;
	s8 =	simm.s32 @!p0 $0x1BF5;
	p2 =	por !p2, p0  }
0x20: {  	[sflag:s8] =	ssyncset.s32 @!p0 $0xFFFFF086;
	s6 =	sadd.s32 @!p0 s3, s7;
	s7 =	simm.s32 @!p0 $0x108  }
0x21: {  	s3 =	sadd.s32 s3, s9;
	s6 =	sadd.s32 @!p0 $0x88, s6;
	s7 =	simm.s32 @p2 $0x1082  }
0x22: {  	[simem:s7], [sflag:s8] =	dma.local @!p0 [hbm:s6], $0xF7A  }
0x23: {  	s9 =	sor.u32 $0xD0000000, s2;
	s6 =	simm.s32 $0x108;
	_ =	swait.ge @!p0 [sflag:s8], $0x0  }
0x24: {  	s3 =	sadd.s32 $0x88, s3;
	s6 =	simm.s32 @!p1 $0x1082;
	[sflag:s4] =	ssyncset.s32 $0xFFFFF086  }
0x25: {  	[simem:s6], [sflag:s4] =	dma.local [hbm:s3], $0xF7A  }
0x26: {  	[smem:$0x3F91] =	sst s1;
	(tag) =	ssettag s2;
	_ =	strace s9  }
0x27: {  	s1 =	sld [smem:$0x3FA1]  }
0x28: {  	s2 =	sld [smem:$0x3FA2]  }
0x29: {  	s4 =	sld [smem:$0x3FA4]  }
0x2a: {  	p0 =	seq.s32 s5, $0x0;
	s5 =	sld [smem:$0x3FA5]  }
0x2b: {  	s6 =	sld [smem:$0x3FA6]  }
0x2c: {  	s7 =	sld [smem:$0x3FA7]  }
0x2d: {  	s3 =	simm.s32 $0x108;
	s8 =	sld [smem:$0x3FA8]  }
0x2e: {  	s3 =	simm.s32 @!p0 $0x1082;
	s9 =	sld [smem:$0x3FA9]  }
0x2f: {  	lr =	sadd.s32 s0, s3;
	s0 =	sld [smem:$0x3FA0]  }
0x30: {  	s3 =	sld [smem:$0x3FA3]  }
0x31: {  	[smem:$0x3FAC] =	sst s10  }
0x32: {  	s10 =	sld [smem:$0x3FAA];
	_ =	sdelay $0x3  }
0x33: {  	p0 =	seq.s32 s10, $0x1;
	s10 =	sld [smem:$0x3FAC];
	_ =	sdelay $0x3  }
0x34: {  	[smem:$0x3FAC] =	sst s10  }
0x35: {  	s10 =	sld [smem:$0x3FAB];
	_ =	sdelay $0x3  }
0x36: {  	p1 =	seq.s32 s10, $0x1;
	s10 =	sld [smem:$0x3FAC];
	_ =	sdelay $0x3  }
0x37: {  	[smem:$0x3FAC] =	sst s10  }
0x38: {  	s10 =	sld [smem:$0x3FAD]  }
0x39: {  	_ = 	snop;
	(pc) =	sbr.ind lr, $3  }
0x3a: {  	_ = 	snop  }
0x3b: {  	_ = 	snop  }
0x3c: {  	p2 =	seq.s32 s10, $0x1;
	s10 =	sld [smem:$0x3FAC]  }
0x3d: {  	_ =	shalt  }
0x3e: {  	_ =	shalt  }
0x3f: {  	_ =	shalt  }
0x40: {  	_ =	shalt  }
0x41: {  	_ =	shalt  }
0x42: {  	_ =	shalt  }
0x43: {  	_ =	shalt  }
0x44: {  	_ =	shalt  }
0x45: {  	_ =	shalt  }
0x46: {  	_ =	shalt  }
0x47: {  	_ =	shalt  }
0x48: {  	_ =	shalt  }
0x49: {  	_ =	shalt  }
0x4a: {  	_ =	shalt  }
0x4b: {  	_ =	shalt  }
0x4c: {  	_ =	shalt  }
0x4d: {  	_ =	shalt  }
0x4e: {  	_ =	shalt  }
0x4f: {  	_ =	shalt  }
0x50: {  	_ =	shalt  }
0x51: {  	_ =	shalt  }
0x52: {  	_ =	shalt  }
0x53: {  	_ =	shalt  }
0x54: {  	_ =	shalt  }
0x55: {  	_ =	shalt  }
0x56: {  	_ =	shalt  }
0x57: {  	_ =	shalt  }
0x58: {  	_ =	shalt  }
0x59: {  	_ =	shalt  }
0x5a: {  	_ =	shalt  }
0x5b: {  	_ =	shalt  }
0x5c: {  	_ =	shalt  }
0x5d: {  	_ =	shalt  }
0x5e: {  	_ =	shalt  }
0x5f: {  	_ =	shalt  }
0x60: {  	_ =	shalt  }
0x61: {  	_ =	shalt  }
0x62: {  	_ =	shalt  }
0x63: {  	_ =	shalt  }
0x64: {  	_ =	shalt  }
0x65: {  	_ =	shalt  }
0x66: {  	_ =	shalt  }
0x67: {  	_ =	shalt  }
0x68: {  	_ =	shalt  }
0x69: {  	_ =	shalt  }
0x6a: {  	_ =	shalt  }
0x6b: {  	_ =	shalt  }
0x6c: {  	_ =	shalt  }
0x6d: {  	_ =	shalt  }
0x6e: {  	_ =	shalt  }
0x6f: {  	_ =	shalt  }
0x70: {  	_ =	shalt  }
0x71: {  	_ =	shalt  }
0x72: {  	_ =	shalt  }
0x73: {  	_ =	shalt  }
0x74: {  	_ =	shalt  }
0x75: {  	_ =	shalt  }
0x76: {  	_ =	shalt  }
0x77: {  	_ =	shalt  }
0x78: {  	_ =	shalt  }
0x79: {  	_ =	shalt  }
0x7a: {  	_ =	shalt  }
0x7b: {  	_ =	shalt  }
0x7c: {  	_ =	shalt  }
0x7d: {  	_ =	shalt  }
0x7e: {  	_ =	shalt  }
0x7f: {  	_ =	shalt  }
0x80: {  	_ =	shalt  }
0x81: {  	_ =	shalt  }
0x82: {  	_ =	shalt  }
0x83: {  	_ =	shalt  }
0x84: {  	_ =	shalt  }
0x85: {  	_ =	shalt  }
0x86: {  	_ =	shalt  }
0x87: {  	_ =	shalt  }
.Lfunc_end0:
.L_simem_size_0:
called_computation.1_lowered:
.L_overlay_start_0:
0x88: {  	s2 =	sld [smem:$0x3FD9]  }
0x89: {  	s3 =	sld [smem:$0x3FFE];
	_ =	sdelay $0x1  }
0x8a: {  	s1 =	srdreg.scid  }
0x8b: {  	s0 =	sand.u32 $0x1, s1  }
0x8c: {  	s16 =	sshll.u32 s0, $0xA;
	s2 =	sadd.s32 s3, s2  }
0x8d: {  	s2 =	sadd.s32 s2, s16  }
0x8e: {  	[smem:$0x3FB8] =	sst s2  }
0x8f: {  	_ = 	snop  }
0x90: {  	(tm) =	ssettm $0x1  }
0x91: {  	s17 =	sld [smem:$0x3FFB];
	_ =	sdelay $0x3  }
0x92: {  	_ =	strace s17  }
0x93: {  	s2 =	sld [smem:$0x3FFC];
	_ =	sdelay $0x3  }
0x94: {  	_ =	strace s2  }
0x95: {  	s2 =	sld [smem:$0x3FFD];
	_ =	sdelay $0x3  }
0x96: {  	_ =	strace s2  }
0x97: {  	_ =	strace $0x8FFFFFFF  }
0x98: {  	s18 =	sld [smem:$0x3FDB];
	_ =	sdelay $0x1  }
0x99: {  	s19 =	simm.s32 $_scs_section_size  }
0x9a: {  	s4 =	simm.s32 $_size__tile_overlayer_lowered;
	s5 =	simm.s32 $_tile_overlayer_lowered  }
0x9b: {  	s22 =	simm.s32 $0x1BFF;
	s21 =	sshll.u32 s5, $0x1;
	s2 =	sadd.s32 s19, s18  }
0x9c: {  	s6 =	simm.s32 $0x0;
	s20 =	sshll.u32 s4, $0x1;
	s4 =	sadd.s32 s21, s2  }
0x9d: {  	[timem:s6], [sflag:s22] =	dma.local [hbm:s4], s20  }
0x9e: {  	_ =	swait.ge [sflag:s22], s20  }
0x9f: {  	s3 =	ssub.s32 $0x0, s20;
	[sflag:s22] =	ssyncset.done $0x0  }
0xa0: {  	[sflag:s22] =	ssyncadd.s32 s3;
	_ =	sdelay $0x1  }
0xa1: {  	s23 =	simm.s32 $0x1B8B  }
0xa2: {  	_ =	swait.ge [sflag:s23], $0x1  }
0xa3: {  	[sflag:s23] =	ssyncset.done $0x0  }
0xa4: {  	s25 =	simm.s32 $0x1B8E;
	s24 =	sld [smem:$0x3FFE];
	[sflag:s23] =	ssyncadd.s32 $0xFFFFFFFF  }
0xa5: {  	s26 =	simm.s32 $execute0_lowered;
	[smem:$0x3FD2] =	sst s25  }
0xa6: {  	s4 =	sshll.u32 s26, $0x1;
	_ =	strace $0x80000049;
	[dreg:$0x1] =	wrdreg $0xFFFFFFFF  }
0xa7: {  	s28 =	simm.s32 $_size_execute0_lowered;
	s2 =	sadd.s32 s2, s4;
	[dreg:$0x0] =	wrdreg $0x0  }
0xa8: {  	s4 =	sshll.u32 s28, $0x1;
	[dreg:$0x2] =	wrdreg s2  }
0xa9: {  	[dreg:$0x3] =	wrdreg s4  }
0xaa: {  	[dreg:$0x4] =	wrdreg $0xC0  }
0xab: {  	_ =	task [dreg:s6], $0x5FFFF  }
0xac: {  	[dreg:$0x1] =	wrdreg $0xFFFFFFFF  }
0xad: {  	[dreg:$0x0] =	wrdreg $0x60  }
0xae: {  	[dreg:$0x2] =	wrdreg s24  }
0xaf: {  	[dreg:$0x3] =	wrdreg $0x66000  }
0xb0: {  	[dreg:$0x4] =	wrdreg $0x9  }
0xb1: {  	_ =	task.clear_ibuf [dreg:s6], $0x5FFFF;
	_ =	strace $0x90000049  }
0xb2: {  	s29 =	simm.s32 $0x9;
	_ =	strace $0x8000004B  }
0xb3: {  	_ =	swait.ge [sflag:s29], $0x1  }
0xb4: {  	[sflag:s29] =	ssyncadd.s32 $0xFFFFFFFF  }
0xb5: {  	_ =	strace $0x9000004B  }
0xb6: {  	_ =	sfence  }
0xb7: {  	s30 =	sld [smem:$0x0];
	_ =	sdelay $0x2  }
0xb8: {  	s31 =	sshll.u32 s1, $0xD;
	s1 =	sshrl.u32 s1, $0x2  }
0xb9: {  	s3 =	sand.u32 $0x4000, s31;
	s1 =	sadd.s32 s1, s30  }
0xba: {  	s0 =	sor.u32 s3, s0;
	s1 =	sshll.u32 s1, $0x11  }
0xbb: {  	s0 =	sor.u32 s1, s0  }
0xbc: {  	s0 =	sadd.s32 $0x8F2B, s0  }
0xbd: {  	[sflag:s0] =	ssyncadd.remote.s32 $0x1  }
0xbe: {  	_ =	sfence.sel $0xFFFF  }
0xbf: {  	[dreg:$0x0] =	wrdreg $0xFFFFFFFF;
	(pc) =	sbr.abs _section_cstart, $3  }
0xc0: {  	[dreg:$0x1] =	wrdreg $0xFFFFFFFF  }
0xc1: {  	_ =	task.clear_ibuf [dreg:s6], $0x2FFFF;
	_ =	strace $0x9FFFFFFF  }
0xc2: {  	(tm) =	ssettm $0x7FFFFFFF  }
0xc3: {  	_ =	shalt  }
tec
execute0_lowered:
.L_overlay_start_1:
0x0: {  	(tag) =	ssettag $0x1  }
0x1: {  	s0 =	rddreg [dreg:$0x0]  }
0x2: {  	s1 =	rddreg [dreg:$0x1]  }
0x3: {  	s2 =	srdreg.scid;
	s3 =	simm.s32 $0x0;
	s11 =	stileid.u32  }
0x4: {  	s2 =	sand.u32 $0x1, s2;
	[smem:$0x7FF] =	sst s3;
	s7 =	smul.u32 $0x14000, s11  }
0x5: {  	s4 =	sadd.s32 $0x4200, s0;
	s5 =	sadd.s32 $0x7F9200, s0;
	s9 =	smul.u32 $0x50000, s11  }
0x6: {  	s6 =	smul.u32 $0x140000, s2;
	_ =	strace $0x8000004A;
	s10 =	ssub.s32 $0x2, s2  }
0x7: {  	s2 =	sshll.u32 s2, $0x4;
	s30 =	sshrl.u32 s9, $0x2;
	s31 =	sshrl.u32 s10, $0x1  }
0x8: {  	s2 =	sor.u32 s11, s2;
	s8 =	sadd.s32 s7, s6;
	s6 =	sadd.s32 $0xA6200, s0  }
0x9: {  	s7 =	sadd.s32 $0xC6200, s0;
	s9 =	ssub.s32 s10, s31;
	s19 =	sshll.u32 s2, $0xC  }
0xa: {  	s8 =	sshrl.u32 s8, $0x3;
	s21 =	sadd.s32 s7, s19;
	s23 =	sor.u32 $0x10, s19  }
0xb: {  	s24 =	smax.u32 s9, $0x1;
	s0 =	sadd.s32 s8, s0;
	[dreg:$0xc] =	wrdreg s21  }
0xc: {  	s8 =	sadd.s32 s30, s1;
	s10 =	sadd.s32 s6, s23;
	[dreg:$0x11] =	wrdreg s24  }
0xd: {  	s11 =	sadd.s32 $0x1400, s8;
	[dreg:$0xe] =	wrdreg s10  }
0xe: {  	s12 =	sadd.s32 $0x2800, s8;
	[dreg:$0x3] =	wrdreg s11  }
0xf: {  	s13 =	sadd.s32 $0x3C00, s8;
	[dreg:$0x4] =	wrdreg s12  }
0x10: {  	s14 =	sadd.s32 $0x5000, s8;
	[dreg:$0x5] =	wrdreg s13  }
0x11: {  	s15 =	sadd.s32 $0x6400, s8;
	[dreg:$0x6] =	wrdreg s14  }
0x12: {  	s16 =	sadd.s32 $0x7800, s8;
	[dreg:$0x7] =	wrdreg s15  }
0x13: {  	s20 =	smul.u32 $0x2710, s2;
	s17 =	sadd.s32 $0x8C00, s8;
	[dreg:$0x8] =	wrdreg s16  }
0x14: {  	s18 =	sadd.s32 $0xA000, s8;
	[dreg:$0x9] =	wrdreg s17  }
0x15: {  	s9 =	sadd.s32 $0x28, s20;
	s0 =	sadd.s32 $0x2C200, s0;
	[dreg:$0xa] =	wrdreg s18  }
0x16: {  	s21 =	simm.s32 $0x3400;
	s25 =	sadd.s32 $0xB400, s8;
	[dreg:$0x10] =	wrdreg s0  }
0x17: {  	s24 =	simm.s32 $0x0;
	s26 =	sadd.s32 $0xC800, s8;
	[dreg:$0x12] =	wrdreg s25  }
0x18: {  	s28 =	sadd.s32 $0xDC00, s8;
	s29 =	sadd.s32 $0xF000, s8;
	[dreg:$0x13] =	wrdreg s26  }
0x19: {  	s30 =	sadd.s32 $0x10400, s8;
	s31 =	sadd.s32 $0x11800, s8;
	[dreg:$0x14] =	wrdreg s28  }
0x1a: {  	s10 =	simm.s32 $0x2000;
	s11 =	smul.u32 $0x13880, s2;
	[dreg:$0x15] =	wrdreg s29  }
0x1b: {  	s17 =	sshll.u32 s2, $0xF;
	s12 =	sadd.s32 s6, s19;
	[dreg:$0x16] =	wrdreg s30  }
0x1c: {  	s2 =	sadd.s32 s7, s23;
	[dreg:$0x17] =	wrdreg s31;
	s13 =	simm.s32 $0x28  }
.Ltmp0:
0x1d: {  	s14 =	simm.s32 $0x100;
	s15 =	simm.s32 $0x180;
	(pc) =	sbr.rel .LBB2_1-.Ltmp0, $4  }
0x1e: {  	s16 =	simm.s32 $0x1;
	s18 =	simm.s32 $0x2;
	[dreg:$0xb] =	wrdreg s12  }
0x1f: {  	s19 =	simm.s32 $0x6;
	s23 =	simm.s32 $0x5200;
	[dreg:$0xf] =	wrdreg s2  }
0x20: {  	s2 =	sadd.s32 $0x12C00, s8;
	s12 =	simm.s32 $0x80;
	s22 =	sadd.s32 s5, s11  }
0x21: {  	v0 =	vimm.f32 $0.0e+00;
	s11 =	simm.s32 $0x7;
	[dreg:$0xd] =	wrdreg s22;
	s22 =	simm.s32 $0x4800  }
.LBB2_10:
0x22: {  	s0 =	stileid.u32  }
0x23: {  	[bflag:$0x0] =	sbarrier.arrive $0xFFFF;
	s0 =	sshll.u32 s0, $0x6  }
0x24: {  	s25 =	sshrl.u32 s8, $0x3;
	s26 =	rddreg [dreg:$0x10];
	s0 =	sor.u32 $0x1C07, s0  }
0x25: {  	[hbm:s26], [sflag:s0] =	dma.local [spmem:s25], $0x2800  }
0x26: {  	_ =	swait.ge [sflag:s11], $0x2800  }
0x27: {  	s24 =	sadd.s32 $0x1, s24;
	s31 =	rddreg [dreg:$0x11]  }
0x28: {  	p0 =	sne.s32 s24, s31  }
.Ltmp1:
0x29: {  	_ = 	snop;
	(pc) =	sbr.rel @!p0 .LBB2_11-.Ltmp1, $3  }
0x2a: {  	_ =	sdelay $0x1  }
0x2b: {  	[sflag:s11] =	ssyncset.done $0x0  }
0x2c: {  	[sflag:s11] =	ssyncadd.s32 $0xFFFFD800  }
.LBB2_1:
0x2d: {  	s25 =	simm.s32 $0x0;
	s26 =	simm.s32 $0x200  }
.LBB2_2:
0x2e: {  	p0 =	sne.s32 s26, $0x4E00;
	[tilespmem:s25+$0x2070] =	vst v0  }
0x2f: {  	[tilespmem:s25+$0x2000] =	vst v0  }
0x30: {  	[tilespmem:s25+$0x2010] =	vst v0  }
.Ltmp2:
0x31: {  	[tilespmem:s25+$0x2020] =	vst v0;
	(pc) =	sbr.rel @p0 .LBB2_2-.Ltmp2, $4  }
0x32: {  	[tilespmem:s25+$0x2030] =	vst v0  }
0x33: {  	[tilespmem:s25+$0x2040] =	vst v0  }
0x34: {  	[tilespmem:s25+$0x2050] =	vst v0  }
0x35: {  	[tilespmem:s25+$0x2060] =	vst v0;
	s25 =	sshra.s32 s26, $0x2;
	s26 =	sadd.s32 $0x200, s26  }
0x36: {  	[tilespmem:s25+$0x2070] =	vst v0  }
0x37: {  	[tilespmem:s25+$0x2000] =	vst v0  }
0x38: {  	[tilespmem:s25+$0x2010] =	vst v0  }
0x39: {  	[tilespmem:s25+$0x2020] =	vst v0  }
0x3a: {  	[tilespmem:s25+$0x2030] =	vst v0  }
0x3b: {  	[tilespmem:s25+$0x2040] =	vst v0  }
0x3c: {  	[tilespmem:s25+$0x2050] =	vst v0  }
0x3d: {  	[tilespmem:s25+$0x2060] =	vst v0  }
0x3e: {  	[spmem:s8] =	stream.linear.scatter [tilespmem:s10], [sflag:$0x7], $0x1400, $0x38;
	[tilespmem:$0x1A600] =	vst v63  }
0x3f: {  	_ =	swait.ge [sflag:s11], $0x1400  }
0x40: {  	[sflag:s11] =	ssyncset.done $0x0  }
0x41: {  	s0 =	rddreg [dreg:$0x3];
	[sflag:s11] =	ssyncadd.s32 $0xFFFFEC00  }
0x42: {  	[spmem:s0] =	stream.linear.scatter [tilespmem:s10], [sflag:$0x7], $0x1400, $0x38;
	[tilespmem:$0x1A600] =	vst v63  }
0x43: {  	_ =	swait.ge [sflag:s11], $0x1400  }
0x44: {  	[sflag:s11] =	ssyncset.done $0x0  }
0x45: {  	s30 =	rddreg [dreg:$0x4];
	[sflag:s11] =	ssyncadd.s32 $0xFFFFEC00  }
0x46: {  	[spmem:s30] =	stream.linear.scatter [tilespmem:s10], [sflag:$0x7], $0x1400, $0x38;
	[tilespmem:$0x1A600] =	vst v63  }
0x47: {  	_ =	swait.ge [sflag:s11], $0x1400  }
0x48: {  	[sflag:s11] =	ssyncset.done $0x0  }
0x49: {  	s31 =	rddreg [dreg:$0x5];
	[sflag:s11] =	ssyncadd.s32 $0xFFFFEC00  }
0x4a: {  	[spmem:s31] =	stream.linear.scatter [tilespmem:s10], [sflag:$0x7], $0x1400, $0x38;
	[tilespmem:$0x1A600] =	vst v63  }
0x4b: {  	_ =	swait.ge [sflag:s11], $0x1400  }
0x4c: {  	[sflag:s11] =	ssyncset.done $0x0  }
0x4d: {  	s25 =	rddreg [dreg:$0x6];
	[sflag:s11] =	ssyncadd.s32 $0xFFFFEC00  }
0x4e: {  	[spmem:s25] =	stream.linear.scatter [tilespmem:s10], [sflag:$0x7], $0x1400, $0x38;
	[tilespmem:$0x1A600] =	vst v63  }
0x4f: {  	_ =	swait.ge [sflag:s11], $0x1400  }
0x50: {  	[sflag:s11] =	ssyncset.done $0x0  }
0x51: {  	s26 =	rddreg [dreg:$0x7];
	[sflag:s11] =	ssyncadd.s32 $0xFFFFEC00  }
0x52: {  	[spmem:s26] =	stream.linear.scatter [tilespmem:s10], [sflag:$0x7], $0x1400, $0x38;
	[tilespmem:$0x1A600] =	vst v63  }
0x53: {  	_ =	swait.ge [sflag:s11], $0x1400  }
0x54: {  	[sflag:s11] =	ssyncset.done $0x0  }
0x55: {  	s28 =	rddreg [dreg:$0x8];
	[sflag:s11] =	ssyncadd.s32 $0xFFFFEC00  }
0x56: {  	[spmem:s28] =	stream.linear.scatter [tilespmem:s10], [sflag:$0x7], $0x1400, $0x38;
	[tilespmem:$0x1A600] =	vst v63  }
0x57: {  	_ =	swait.ge [sflag:s11], $0x1400  }
0x58: {  	[sflag:s11] =	ssyncset.done $0x0  }
0x59: {  	s29 =	rddreg [dreg:$0x9];
	[sflag:s11] =	ssyncadd.s32 $0xFFFFEC00  }
0x5a: {  	[spmem:s29] =	stream.linear.scatter [tilespmem:s10], [sflag:$0x7], $0x1400, $0x38;
	[tilespmem:$0x1A600] =	vst v63  }
0x5b: {  	_ =	swait.ge [sflag:s11], $0x1400  }
0x5c: {  	[sflag:s11] =	ssyncset.done $0x0  }
0x5d: {  	s30 =	rddreg [dreg:$0xa];
	[sflag:s11] =	ssyncadd.s32 $0xFFFFEC00  }
0x5e: {  	[spmem:s30] =	stream.linear.scatter [tilespmem:s10], [sflag:$0x7], $0x1400, $0x38;
	[tilespmem:$0x1A600] =	vst v63  }
0x5f: {  	_ =	swait.ge [sflag:s11], $0x1400  }
0x60: {  	[sflag:s11] =	ssyncset.done $0x0  }
0x61: {  	s31 =	rddreg [dreg:$0x12];
	[sflag:s11] =	ssyncadd.s32 $0xFFFFEC00  }
0x62: {  	[spmem:s31] =	stream.linear.scatter [tilespmem:s10], [sflag:$0x7], $0x1400, $0x38;
	[tilespmem:$0x1A600] =	vst v63  }
0x63: {  	_ =	swait.ge [sflag:s11], $0x1400  }
0x64: {  	[sflag:s11] =	ssyncset.done $0x0  }
0x65: {  	s25 =	rddreg [dreg:$0x13];
	[sflag:s11] =	ssyncadd.s32 $0xFFFFEC00  }
0x66: {  	[spmem:s25] =	stream.linear.scatter [tilespmem:s10], [sflag:$0x7], $0x1400, $0x38;
	[tilespmem:$0x1A600] =	vst v63  }
0x67: {  	_ =	swait.ge [sflag:s11], $0x1400  }
0x68: {  	[sflag:s11] =	ssyncset.done $0x0  }
0x69: {  	s26 =	rddreg [dreg:$0x14];
	[sflag:s11] =	ssyncadd.s32 $0xFFFFEC00  }
0x6a: {  	[spmem:s26] =	stream.linear.scatter [tilespmem:s10], [sflag:$0x7], $0x1400, $0x38;
	[tilespmem:$0x1A600] =	vst v63  }
0x6b: {  	_ =	swait.ge [sflag:s11], $0x1400  }
0x6c: {  	[sflag:s11] =	ssyncset.done $0x0  }
0x6d: {  	s28 =	rddreg [dreg:$0x15];
	[sflag:s11] =	ssyncadd.s32 $0xFFFFEC00  }
0x6e: {  	[spmem:s28] =	stream.linear.scatter [tilespmem:s10], [sflag:$0x7], $0x1400, $0x38;
	[tilespmem:$0x1A600] =	vst v63  }
0x6f: {  	_ =	swait.ge [sflag:s11], $0x1400  }
0x70: {  	[sflag:s11] =	ssyncset.done $0x0  }
0x71: {  	s29 =	rddreg [dreg:$0x16];
	[sflag:s11] =	ssyncadd.s32 $0xFFFFEC00  }
0x72: {  	[spmem:s29] =	stream.linear.scatter [tilespmem:s10], [sflag:$0x7], $0x1400, $0x38;
	[tilespmem:$0x1A600] =	vst v63  }
0x73: {  	_ =	swait.ge [sflag:s11], $0x1400  }
0x74: {  	[sflag:s11] =	ssyncset.done $0x0  }
0x75: {  	s30 =	rddreg [dreg:$0x17];
	[sflag:s11] =	ssyncadd.s32 $0xFFFFEC00  }
0x76: {  	[spmem:s30] =	stream.linear.scatter [tilespmem:s10], [sflag:$0x7], $0x1400, $0x38;
	[tilespmem:$0x1A600] =	vst v63  }
0x77: {  	_ =	swait.ge [sflag:s11], $0x1400  }
0x78: {  	[sflag:s11] =	ssyncset.done $0x0  }
0x79: {  	[sflag:s11] =	ssyncadd.s32 $0xFFFFEC00  }
0x7a: {  	[spmem:s2] =	stream.linear.scatter [tilespmem:s10], [sflag:$0x7], $0x1400, $0x38;
	[tilespmem:$0x1A600] =	vst v63  }
0x7b: {  	_ =	swait.ge [sflag:s11], $0x1400  }
0x7c: {  	[sflag:s11] =	ssyncset.done $0x0  }
0x7d: {  	[sflag:s11] =	ssyncadd.s32 $0xFFFFEC00  }
0x7e: {  	[bflag:$0x0] =	sbarrier.arrive $0xFFFF  }
0x7f: {  	s25 =	simm.s32 $0x0;
	s31 =	rddreg [dreg:$0xb]  }
0x80: {  	[tilespmem:s25], [sflag:$0x7] =	stream.linear.gather [hbm4b:s31+s25], $0x80, $0x38;
	[tilespmem:$0x1A600] =	vst v63  }
0x81: {  	_ =	swait.ge [sflag:s11], $0x80  }
0x82: {  	[sflag:s11] =	ssyncset.done $0x0  }
0x83: {  	s26 =	rddreg [dreg:$0xc];
	[sflag:s11] =	ssyncadd.s32 $0xFFFFFF80  }
0x84: {  	[tilespmem:s12], [sflag:$0x7] =	stream.linear.gather [hbm4b:s26+s25], $0x80, $0x38;
	[tilespmem:$0x1A600] =	vst v63  }
0x85: {  	_ =	swait.ge [sflag:s11], $0x80  }
0x86: {  	[sflag:s11] =	ssyncset.done $0x0  }
0x87: {  	s28 =	simm.s32 $0x200;
	[sflag:s11] =	ssyncadd.s32 $0xFFFFFF80  }
0x88: {  	[tilespmem:s28], [sflag:$0x1] =	stream.indirect.gather [hbm4b:s4+s13], $0x80, s25, s13, $0xb8;
	[tilespmem:$0x1A600] =	vst v63  }
0x89: {  	s26 =	simm.s32 $0x1600;
	s29 =	rddreg [dreg:$0xd]  }
0x8a: {  	[tilespmem:s26], [sflag:$0x2] =	stream.linear.gather [hbm4b:s29+s25], $0xA00, $0x38;
	[tilespmem:$0x1A600] =	vst v63  }
0x8b: {  	s30 =	rddreg [dreg:$0xe]  }
0x8c: {  	[tilespmem:s14], [sflag:$0x6] =	stream.linear.gather [hbm4b:s30+s25], $0x80, $0x38;
	[tilespmem:$0x1A600] =	vst v63  }
0x8d: {  	s31 =	rddreg [dreg:$0xf];
	s26 =	simm.s32 $0x0  }
0x8e: {  	[tilespmem:s15], [sflag:$0x6] =	stream.linear.gather [hbm4b:s31+s25], $0x80, $0x38;
	[tilespmem:$0x1A600] =	vst v63  }
.LBB2_4:
0x8f: {  	_ =	swait.ge [sflag:s16], $0x1400  }
0x90: {  	[sflag:s16] =	ssyncset.done $0x0  }
0x91: {  	[sflag:s16] =	ssyncadd.s32 $0xFFFFEC00  }
0x92: {  	_ =	swait.ge [sflag:s18], $0xA00  }
0x93: {  	[sflag:s18] =	ssyncset.done $0x0  }
0x94: {  	[sflag:s18] =	ssyncadd.s32 $0xFFFFF600  }
0x95: {  	_ =	swait.ge [sflag:s19], $0x80  }
0x96: {  	s28 =	smul.u32 $0x50, s26;
	[sflag:s19] =	ssyncset.done $0x0  }
0x97: {  	[sflag:s19] =	ssyncadd.s32 $0xFFFFFF80  }
0x98: {  	s28 =	sadd.s32 s28, s9;
	_ =	swait.ge [sflag:s19], $0x80  }
0x99: {  	s28 =	sshll.u32 s28, $0x3;
	[sflag:s19] =	ssyncset.done $0x0  }
0x9a: {  	s28 =	sand.u32 $0xFFFFFC0, s28;
	[sflag:s19] =	ssyncadd.s32 $0xFFFFFF80  }
0x9b: {  	[tilespmem:s21], [sflag:$0x4] =	stream.indirect.gather [hbm4b:s4+s13], $0x80, s14, s13, $0xb8;
	[tilespmem:$0x1A600] =	vst v63  }
0x9c: {  	s29 =	simm.s32 $0x1640;
	s28 =	sadd.s32 s5, s28  }
0x9d: {  	[tilespmem:s22], [sflag:$0x5] =	stream.linear.gather [hbm4b:s28+s25], $0xA00, $0x38;
	[tilespmem:$0x1A600] =	vst v63  }
0x9e: {  	v1 =	vld [tilespmem:s29+$0xFFFFFFD0]  }
0x9f: {  	v2 =	vld [tilespmem:s29+$0xFFFFFFC0];
	_ =	sdelay $0x4  }
0xa0: {  	s28 =	simm.s32 $0x0;
	v1 =	vperm.xlane.i2c.b16 v1;
	v2 =	vperm.xlane.i2c.b16 v2  }
0xa1: {  	v3 =	vld [tilespmem:s28+$0x200]  }
0xa2: {  	v4 =	vld [tilespmem:s28+$0x210];
	v1 =	vcombine.low v2, v1;
	_ =	sdelay $0x1  }
0xa3: {  	v2 =	vunpack.c.l.bf16.f32 v1  }
0xa4: {  	v1 =	vunpack.c.u.bf16.f32 v1  }
0xa5: {  	v2 =	vadd.f32 v3, v2  }
0xa6: {  	v1 =	vadd.f32 v4, v1  }
0xa7: {  	v2 =	vmax.f32 v2, $0.0e+00  }
0xa8: {  	v1 =	vmax.f32 v1, $0.0e+00;
	[tilespmem:s28+$0x2000] =	vst v2  }
0xa9: {  	[tilespmem:s28+$0x2010] =	vst v1  }
0xaa: {  	v1 =	vld [tilespmem:s29+$0xFFFFFFE0]  }
0xab: {  	v2 =	vld [tilespmem:s29+$0xFFFFFFF0];
	_ =	sdelay $0x4  }
0xac: {  	v2 =	vperm.xlane.i2c.b16 v2;
	v1 =	vperm.xlane.i2c.b16 v1  }
0xad: {  	v3 =	vld [tilespmem:s28+$0x220]  }
0xae: {  	v58 =	vld [tilespmem:s28+$0x230];
	v1 =	vcombine.low v1, v2;
	_ =	sdelay $0x1  }
0xaf: {  	v2 =	vunpack.c.l.bf16.f32 v1  }
0xb0: {  	v1 =	vunpack.c.u.bf16.f32 v1  }
0xb1: {  	v2 =	vadd.f32 v3, v2  }
0xb2: {  	v1 =	vadd.f32 v58, v1  }
0xb3: {  	v2 =	vmax.f32 v2, $0.0e+00  }
0xb4: {  	v1 =	vmax.f32 v1, $0.0e+00;
	[tilespmem:s28+$0x2020] =	vst v2  }
0xb5: {  	[tilespmem:s28+$0x2030] =	vst v1  }
0xb6: {  	v1 =	vld [tilespmem:s29+$0x0]  }
0xb7: {  	v2 =	vld [tilespmem:s29+$0x10];
	_ =	sdelay $0x4  }
0xb8: {  	v1 =	vperm.xlane.i2c.b16 v1;
	v2 =	vperm.xlane.i2c.b16 v2  }
0xb9: {  	v3 =	vld [tilespmem:s28+$0x240]  }
0xba: {  	v59 =	vld [tilespmem:s28+$0x250];
	v1 =	vcombine.low v1, v2;
	_ =	sdelay $0x1  }
0xbb: {  	v2 =	vunpack.c.l.bf16.f32 v1  }
0xbc: {  	v1 =	vunpack.c.u.bf16.f32 v1  }
0xbd: {  	v2 =	vadd.f32 v3, v2  }
0xbe: {  	v1 =	vadd.f32 v59, v1  }
0xbf: {  	v2 =	vmax.f32 v2, $0.0e+00  }
0xc0: {  	v1 =	vmax.f32 v1, $0.0e+00;
	[tilespmem:s28+$0x2040] =	vst v2  }
0xc1: {  	[tilespmem:s28+$0x2050] =	vst v1  }
0xc2: {  	v1 =	vld [tilespmem:s29+$0x20]  }
0xc3: {  	v2 =	vld [tilespmem:s29+$0x30];
	_ =	sdelay $0x4  }
0xc4: {  	v1 =	vperm.xlane.i2c.b16 v1;
	v2 =	vperm.xlane.i2c.b16 v2  }
0xc5: {  	v3 =	vld [tilespmem:s28+$0x260]  }
0xc6: {  	v60 =	vld [tilespmem:s28+$0x270];
	v1 =	vcombine.low v1, v2;
	_ =	sdelay $0x1  }
0xc7: {  	v2 =	vunpack.c.l.bf16.f32 v1  }
0xc8: {  	v1 =	vunpack.c.u.bf16.f32 v1  }
0xc9: {  	v2 =	vadd.f32 v3, v2  }
0xca: {  	v1 =	vadd.f32 v60, v1  }
0xcb: {  	v2 =	vmax.f32 v2, $0.0e+00  }
0xcc: {  	v1 =	vmax.f32 v1, $0.0e+00;
	[tilespmem:s28+$0x2060] =	vst v2  }
0xcd: {  	[tilespmem:s28+$0x2070] =	vst v1  }
0xce: {  	v1 =	vld [tilespmem:s29+$0xFFFFFFC0]  }
0xcf: {  	v2 =	vld [tilespmem:s29+$0xFFFFFFD0];
	_ =	sdelay $0x4  }
0xd0: {  	v1 =	vperm.xlane.i2c.b16 v1;
	v2 =	vperm.xlane.i2c.b16 v2  }
0xd1: {  	v3 =	vld [tilespmem:s28+$0x280]  }
0xd2: {  	v61 =	vld [tilespmem:s28+$0x290];
	v1 =	vcombine.high v1, v2;
	_ =	sdelay $0x1  }
0xd3: {  	v2 =	vunpack.c.l.bf16.f32 v1  }
0xd4: {  	v1 =	vunpack.c.u.bf16.f32 v1  }
0xd5: {  	v2 =	vadd.f32 v3, v2  }
0xd6: {  	v1 =	vadd.f32 v61, v1  }
0xd7: {  	v2 =	vmax.f32 v2, $0.0e+00  }
0xd8: {  	v1 =	vmax.f32 v1, $0.0e+00;
	[tilespmem:s28+$0x2080] =	vst v2  }
0xd9: {  	[tilespmem:s28+$0x2090] =	vst v1  }
0xda: {  	v1 =	vld [tilespmem:s29+$0xFFFFFFE0]  }
0xdb: {  	v2 =	vld [tilespmem:s29+$0xFFFFFFF0];
	_ =	sdelay $0x4  }
0xdc: {  	v2 =	vperm.xlane.i2c.b16 v2;
	v1 =	vperm.xlane.i2c.b16 v1  }
0xdd: {  	v3 =	vld [tilespmem:s28+$0x2A0]  }
0xde: {  	v62 =	vld [tilespmem:s28+$0x2B0];
	v1 =	vcombine.high v1, v2;
	_ =	sdelay $0x1  }
0xdf: {  	v2 =	vunpack.c.l.bf16.f32 v1  }
0xe0: {  	v1 =	vunpack.c.u.bf16.f32 v1  }
0xe1: {  	v2 =	vadd.f32 v3, v2  }
0xe2: {  	v1 =	vadd.f32 v62, v1  }
0xe3: {  	v2 =	vmax.f32 v2, $0.0e+00  }
0xe4: {  	v1 =	vmax.f32 v1, $0.0e+00;
	[tilespmem:s28+$0x20A0] =	vst v2  }
0xe5: {  	[tilespmem:s28+$0x20B0] =	vst v1  }
0xe6: {  	v1 =	vld [tilespmem:s29+$0x0]  }
0xe7: {  	v2 =	vld [tilespmem:s29+$0x10];
	_ =	sdelay $0x4  }
0xe8: {  	v2 =	vperm.xlane.i2c.b16 v2;
	v1 =	vperm.xlane.i2c.b16 v1  }
0xe9: {  	v3 =	vld [tilespmem:s28+$0x2C0]  }
0xea: {  	v63 =	vld [tilespmem:s28+$0x2D0];
	v1 =	vcombine.high v1, v2;
	_ =	sdelay $0x1  }
0xeb: {  	v2 =	vunpack.c.l.bf16.f32 v1  }
0xec: {  	v1 =	vunpack.c.u.bf16.f32 v1  }
0xed: {  	v2 =	vadd.f32 v3, v2  }
0xee: {  	v1 =	vadd.f32 v63, v1  }
0xef: {  	v2 =	vmax.f32 v2, $0.0e+00  }
0xf0: {  	s30 =	simm.s32 $0x400;
	s31 =	simm.s32 $0x1640;
	v1 =	vmax.f32 v1, $0.0e+00;
	[tilespmem:s28+$0x20C0] =	vst v2  }
.LBB2_5:
0xf1: {  	p0 =	sne.s32 s30, $0x4C00  }
0xf2: {  	[tilespmem:s28+$0x20D0] =	vst v1;
	s29 =	sadd.s32 $0x80, s29;
	s0 =	smov.u32 s30;
	s30 =	sadd.s32 $0x400, s30  }
0xf3: {  	v1 =	vld [tilespmem:s31+$0x20]  }
0xf4: {  	v2 =	vld [tilespmem:s31+$0x30];
	s31 =	smov.u32 s29;
	_ =	sdelay $0x4  }
0xf5: {  	v1 =	vperm.xlane.i2c.b16 v1;
	v2 =	vperm.xlane.i2c.b16 v2;
	v3 =	vld [tilespmem:s28+$0x2F0]  }
0xf6: {  	v4 =	vld [tilespmem:s28+$0x2E0]  }
0xf7: {  	v1 =	vcombine.high v1, v2;
	_ =	sdelay $0x1  }
0xf8: {  	v2 =	vunpack.c.u.bf16.f32 v1;
	v1 =	vunpack.c.l.bf16.f32 v1;
	_ =	sdelay $0x1  }
0xf9: {  	v1 =	vadd.f32 v4, v1;
	v2 =	vadd.f32 v3, v2;
	_ =	sdelay $0x1  }
0xfa: {  	v1 =	vmax.f32 v1, $0.0e+00;
	v2 =	vmax.f32 v2, $0.0e+00  }
0xfb: {  	[tilespmem:s28+$0x20E0] =	vst v1  }
0xfc: {  	[tilespmem:s28+$0x20F0] =	vst v2  }
0xfd: {  	v1 =	vld [tilespmem:s29+$0xFFFFFFD0]  }
0xfe: {  	v2 =	vld [tilespmem:s29+$0xFFFFFFC0];
	_ =	sdelay $0x2  }
0xff: {  	s28 =	sshra.s32 s0, $0x2  }
0x100: {  	v3 =	vld [tilespmem:s28+$0x200]  }
0x101: {  	v1 =	vperm.xlane.i2c.b16 v1;
	v2 =	vperm.xlane.i2c.b16 v2;
	v4 =	vld [tilespmem:s28+$0x210];
	_ =	sdelay $0x1  }
0x102: {  	v1 =	vcombine.low v2, v1;
	_ =	sdelay $0x1  }
0x103: {  	v2 =	vunpack.c.u.bf16.f32 v1;
	v1 =	vunpack.c.l.bf16.f32 v1;
	_ =	sdelay $0x1  }
0x104: {  	v1 =	vadd.f32 v3, v1;
	v2 =	vadd.f32 v4, v2;
	_ =	sdelay $0x1  }
0x105: {  	v1 =	vmax.f32 v1, $0.0e+00;
	v2 =	vmax.f32 v2, $0.0e+00  }
0x106: {  	[tilespmem:s28+$0x2000] =	vst v1  }
0x107: {  	[tilespmem:s28+$0x2010] =	vst v2  }
0x108: {  	v1 =	vld [tilespmem:s29+$0xFFFFFFE0]  }
0x109: {  	v2 =	vld [tilespmem:s29+$0xFFFFFFF0];
	_ =	sdelay $0x4  }
0x10a: {  	v1 =	vperm.xlane.i2c.b16 v1;
	v2 =	vperm.xlane.i2c.b16 v2;
	v3 =	vld [tilespmem:s28+$0x230]  }
0x10b: {  	v4 =	vld [tilespmem:s28+$0x220]  }
0x10c: {  	v1 =	vcombine.low v1, v2;
	_ =	sdelay $0x1  }
0x10d: {  	v2 =	vunpack.c.u.bf16.f32 v1;
	v1 =	vunpack.c.l.bf16.f32 v1;
	_ =	sdelay $0x1  }
0x10e: {  	v1 =	vadd.f32 v4, v1;
	v2 =	vadd.f32 v3, v2;
	_ =	sdelay $0x1  }
0x10f: {  	v1 =	vmax.f32 v1, $0.0e+00;
	v2 =	vmax.f32 v2, $0.0e+00  }
0x110: {  	[tilespmem:s28+$0x2020] =	vst v1  }
0x111: {  	[tilespmem:s28+$0x2030] =	vst v2  }
0x112: {  	v1 =	vld [tilespmem:s29+$0x0]  }
0x113: {  	v2 =	vld [tilespmem:s29+$0x10];
	_ =	sdelay $0x3  }
0x114: {  	v1 =	vperm.xlane.i2c.b16 v1  }
0x115: {  	v2 =	vperm.xlane.i2c.b16 v2;
	v3 =	vld [tilespmem:s28+$0x250]  }
0x116: {  	v4 =	vld [tilespmem:s28+$0x240]  }
0x117: {  	v1 =	vcombine.low v1, v2;
	_ =	sdelay $0x1  }
0x118: {  	v2 =	vunpack.c.u.bf16.f32 v1;
	v1 =	vunpack.c.l.bf16.f32 v1;
	_ =	sdelay $0x1  }
0x119: {  	v1 =	vadd.f32 v4, v1;
	v2 =	vadd.f32 v3, v2;
	_ =	sdelay $0x1  }
0x11a: {  	v1 =	vmax.f32 v1, $0.0e+00;
	v2 =	vmax.f32 v2, $0.0e+00  }
0x11b: {  	[tilespmem:s28+$0x2040] =	vst v1  }
0x11c: {  	[tilespmem:s28+$0x2050] =	vst v2  }
0x11d: {  	v1 =	vld [tilespmem:s29+$0x20]  }
0x11e: {  	v2 =	vld [tilespmem:s29+$0x30];
	_ =	sdelay $0x3  }
0x11f: {  	v1 =	vperm.xlane.i2c.b16 v1  }
0x120: {  	v2 =	vperm.xlane.i2c.b16 v2;
	v3 =	vld [tilespmem:s28+$0x270]  }
0x121: {  	v4 =	vld [tilespmem:s28+$0x260]  }
0x122: {  	v1 =	vcombine.low v1, v2;
	_ =	sdelay $0x1  }
0x123: {  	v2 =	vunpack.c.u.bf16.f32 v1;
	v1 =	vunpack.c.l.bf16.f32 v1;
	_ =	sdelay $0x1  }
0x124: {  	v1 =	vadd.f32 v4, v1;
	v2 =	vadd.f32 v3, v2;
	_ =	sdelay $0x1  }
0x125: {  	v1 =	vmax.f32 v1, $0.0e+00;
	v2 =	vmax.f32 v2, $0.0e+00  }
0x126: {  	[tilespmem:s28+$0x2060] =	vst v1  }
0x127: {  	[tilespmem:s28+$0x2070] =	vst v2  }
0x128: {  	v1 =	vld [tilespmem:s29+$0xFFFFFFC0]  }
0x129: {  	v2 =	vld [tilespmem:s29+$0xFFFFFFD0];
	_ =	sdelay $0x3  }
0x12a: {  	v1 =	vperm.xlane.i2c.b16 v1  }
0x12b: {  	v2 =	vperm.xlane.i2c.b16 v2;
	v3 =	vld [tilespmem:s28+$0x290]  }
0x12c: {  	v4 =	vld [tilespmem:s28+$0x280]  }
0x12d: {  	v1 =	vcombine.high v1, v2;
	_ =	sdelay $0x1  }
0x12e: {  	v2 =	vunpack.c.u.bf16.f32 v1;
	v1 =	vunpack.c.l.bf16.f32 v1;
	_ =	sdelay $0x1  }
0x12f: {  	v1 =	vadd.f32 v4, v1;
	v2 =	vadd.f32 v3, v2;
	_ =	sdelay $0x1  }
0x130: {  	v1 =	vmax.f32 v1, $0.0e+00;
	v2 =	vmax.f32 v2, $0.0e+00  }
0x131: {  	[tilespmem:s28+$0x2080] =	vst v1  }
0x132: {  	[tilespmem:s28+$0x2090] =	vst v2  }
0x133: {  	v1 =	vld [tilespmem:s29+$0xFFFFFFE0]  }
0x134: {  	v2 =	vld [tilespmem:s29+$0xFFFFFFF0];
	_ =	sdelay $0x4  }
0x135: {  	v1 =	vperm.xlane.i2c.b16 v1;
	v2 =	vperm.xlane.i2c.b16 v2;
	v3 =	vld [tilespmem:s28+$0x2B0]  }
0x136: {  	v4 =	vld [tilespmem:s28+$0x2A0]  }
0x137: {  	v1 =	vcombine.high v1, v2;
	_ =	sdelay $0x1  }
0x138: {  	v2 =	vunpack.c.u.bf16.f32 v1;
	v1 =	vunpack.c.l.bf16.f32 v1;
	_ =	sdelay $0x1  }
0x139: {  	v1 =	vadd.f32 v4, v1;
	v2 =	vadd.f32 v3, v2;
	_ =	sdelay $0x1  }
0x13a: {  	v1 =	vmax.f32 v1, $0.0e+00;
	v2 =	vmax.f32 v2, $0.0e+00  }
0x13b: {  	[tilespmem:s28+$0x20A0] =	vst v1  }
0x13c: {  	[tilespmem:s28+$0x20B0] =	vst v2  }
0x13d: {  	v1 =	vld [tilespmem:s29+$0x0]  }
0x13e: {  	v2 =	vld [tilespmem:s29+$0x10];
	_ =	sdelay $0x4  }
0x13f: {  	v1 =	vperm.xlane.i2c.b16 v1;
	v2 =	vperm.xlane.i2c.b16 v2;
	v3 =	vld [tilespmem:s28+$0x2D0]  }
0x140: {  	v4 =	vld [tilespmem:s28+$0x2C0]  }
0x141: {  	v1 =	vcombine.high v1, v2;
	_ =	sdelay $0x1  }
0x142: {  	v2 =	vunpack.c.u.bf16.f32 v1;
	v1 =	vunpack.c.l.bf16.f32 v1  }
.Ltmp3:
0x143: {  	(pc) =	sbr.rel @p0 .LBB2_5-.Ltmp3, $3  }
0x144: {  	v1 =	vadd.f32 v4, v1;
	v2 =	vadd.f32 v3, v2;
	_ =	sdelay $0x1  }
0x145: {  	v3 =	vmax.f32 v1, $0.0e+00;
	v1 =	vmax.f32 v2, $0.0e+00  }
0x146: {  	[tilespmem:s28+$0x20C0] =	vst v3  }
0x147: {  	[tilespmem:s28+$0x20D0] =	vst v1  }
0x148: {  	v1 =	vld [tilespmem:s31+$0x20]  }
0x149: {  	v2 =	vld [tilespmem:s31+$0x30];
	_ =	sdelay $0x4  }
0x14a: {  	v2 =	vperm.xlane.i2c.b16 v2;
	v1 =	vperm.xlane.i2c.b16 v1  }
0x14b: {  	v3 =	vld [tilespmem:s28+$0x2E0]  }
0x14c: {  	v4 =	vld [tilespmem:s28+$0x2F0];
	v1 =	vcombine.high v1, v2;
	_ =	sdelay $0x1  }
0x14d: {  	v2 =	vunpack.c.l.bf16.f32 v1  }
0x14e: {  	v1 =	vunpack.c.u.bf16.f32 v1  }
0x14f: {  	v2 =	vadd.f32 v3, v2  }
0x150: {  	v1 =	vadd.f32 v4, v1  }
0x151: {  	v2 =	vmax.f32 v2, $0.0e+00  }
0x152: {  	v1 =	vmax.f32 v1, $0.0e+00;
	[tilespmem:s28+$0x20E0] =	vst v2  }
0x153: {  	[tilespmem:s28+$0x20F0] =	vst v1  }
0x154: {  	[spmem:s1] =	stream.indirect.scatter.add.f32 [tilespmem:s10], [sflag:$0x7], $0x80, s12, s13, $0xb8;
	[tilespmem:$0x1A600] =	vst v63  }
0x155: {  	_ =	swait.ge [sflag:s11], $0x1400  }
0x156: {  	p0 =	seq.s32 s26, $0x7C;
	[sflag:s11] =	ssyncset.done $0x0  }
0x157: {  	s0 =	simm.s32 @p0 $0x4;
	s28 =	sshll.u32 @!p0 s26, $0x1;
	[sflag:s11] =	ssyncadd.s32 $0xFFFFEC00  }
0x158: {  	s28 =	sadd.s32 @!p0 $0x2, s28;
	_ =	swait.ge @p0 [sflag:s0], $0x1400  }
0x159: {  	s29 =	sshll.u32 @!p0 s28, $0x7;
	[sflag:s0] =	ssyncset.done @p0 $0x0  }
0x15a: {  	[sflag:s0] =	ssyncadd.s32 @p0 $0xFFFFEC00;
	s0 =	sand.u32 @!p0 $0xFC00, s29  }
0x15b: {  	s30 =	simm.s32 @p0 $0x5;
	s29 =	sand.u32 @!p0 $0x300, s29;
	s0 =	sadd.s32 @!p0 s17, s0  }
0x15c: {  	_ =	swait.ge @p0 [sflag:s30], $0xA00;
	s0 =	sor.u32 @!p0 s29, s0  }
0x15d: {  	[sflag:s30] =	ssyncset.done @p0 $0x0;
	s0 =	sshrl.u32 @!p0 s0, $0x3  }
0x15e: {  	[sflag:s30] =	ssyncadd.s32 @p0 $0xFFFFF600;
	s30 =	simm.s32 @!p0 $0x0;
	s29 =	sadd.s32 @!p0 s6, s0  }
0x15f: {  	[tilespmem:s30], [sflag:$0x3] =	stream.linear.gather @!p0 [hbm4b:s29+s30], $0x80, $0x38;
	[tilespmem:$0x1A600] =	vst v63  }
0x160: {  	s0 =	sadd.s32 @!p0 s7, s0;
	s29 =	simm.s32 @!p0 $0x80  }
0x161: {  	[tilespmem:s29], [sflag:$0x3] =	stream.linear.gather @!p0 [hbm4b:s0+s30], $0x80, $0x38;
	[tilespmem:$0x1A600] =	vst v63  }
0x162: {  	s0 =	simm.s32 @!p0 $0x4  }
0x163: {  	_ =	swait.ge @!p0 [sflag:s0], $0x1400  }
0x164: {  	[sflag:s0] =	ssyncset.done @!p0 $0x0  }
0x165: {  	[sflag:s0] =	ssyncadd.s32 @!p0 $0xFFFFEC00;
	s0 =	simm.s32 @!p0 $0x5  }
0x166: {  	_ =	swait.ge @!p0 [sflag:s0], $0xA00  }
0x167: {  	[sflag:s0] =	ssyncset.done @!p0 $0x0  }
0x168: {  	[sflag:s0] =	ssyncadd.s32 @!p0 $0xFFFFF600;
	s0 =	simm.s32 @!p0 $0x3  }
0x169: {  	_ =	swait.ge @!p0 [sflag:s0], $0x80  }
0x16a: {  	[sflag:s0] =	ssyncset.done @!p0 $0x0  }
0x16b: {  	[sflag:s0] =	ssyncadd.s32 @!p0 $0xFFFFFF80  }
0x16c: {  	_ =	swait.ge @!p0 [sflag:s0], $0x80  }
0x16d: {  	s28 =	smul.u32 @!p0 $0x28, s28;
	[sflag:s0] =	ssyncset.done @!p0 $0x0  }
0x16e: {  	s29 =	simm.s32 @!p0 $0x200;
	[sflag:s0] =	ssyncadd.s32 @!p0 $0xFFFFFF80;
	s0 =	simm.s32 @!p0 $0x28  }
0x16f: {  	[tilespmem:s29], [sflag:$0x1] =	stream.indirect.gather @!p0 [hbm4b:s4+s0], $0x80, s30, s0, $0xb8;
	[tilespmem:$0x1A600] =	vst v63  }
0x170: {  	s0 =	sadd.s32 @!p0 s20, s28  }
0x171: {  	s0 =	sshll.u32 @!p0 s0, $0x3  }
0x172: {  	s0 =	sand.u32 @!p0 $0xFFFFF80, s0  }
0x173: {  	s28 =	simm.s32 @!p0 $0x1600;
	s29 =	simm.s32 $0x4840;
	s0 =	sadd.s32 @!p0 s5, s0  }
0x174: {  	[tilespmem:s28], [sflag:$0x2] =	stream.linear.gather @!p0 [hbm4b:s0+s30], $0xA00, $0x38;
	[tilespmem:$0x1A600] =	vst v63  }
0x175: {  	v1 =	vld [tilespmem:s29+$0xFFFFFFD0]  }
0x176: {  	v2 =	vld [tilespmem:s29+$0xFFFFFFC0];
	_ =	sdelay $0x4  }
0x177: {  	s28 =	simm.s32 $0x0;
	v1 =	vperm.xlane.i2c.b16 v1;
	v2 =	vperm.xlane.i2c.b16 v2  }
0x178: {  	v3 =	vld [tilespmem:s28+$0x3400]  }
0x179: {  	v57 =	vld [tilespmem:s28+$0x3410];
	v1 =	vcombine.low v2, v1;
	_ =	sdelay $0x1  }
0x17a: {  	v2 =	vunpack.c.l.bf16.f32 v1  }
0x17b: {  	v1 =	vunpack.c.u.bf16.f32 v1  }
0x17c: {  	v2 =	vadd.f32 v3, v2  }
0x17d: {  	v1 =	vadd.f32 v57, v1  }
0x17e: {  	v2 =	vmax.f32 v2, $0.0e+00  }
0x17f: {  	v1 =	vmax.f32 v1, $0.0e+00;
	[tilespmem:s28+$0x5200] =	vst v2  }
0x180: {  	[tilespmem:s28+$0x5210] =	vst v1  }
0x181: {  	v1 =	vld [tilespmem:s29+$0xFFFFFFE0]  }
0x182: {  	v2 =	vld [tilespmem:s29+$0xFFFFFFF0];
	_ =	sdelay $0x4  }
0x183: {  	v2 =	vperm.xlane.i2c.b16 v2;
	v1 =	vperm.xlane.i2c.b16 v1  }
0x184: {  	v3 =	vld [tilespmem:s28+$0x3420]  }
0x185: {  	v58 =	vld [tilespmem:s28+$0x3430];
	v1 =	vcombine.low v1, v2;
	_ =	sdelay $0x1  }
0x186: {  	v2 =	vunpack.c.l.bf16.f32 v1  }
0x187: {  	v1 =	vunpack.c.u.bf16.f32 v1  }
0x188: {  	v2 =	vadd.f32 v3, v2  }
0x189: {  	v1 =	vadd.f32 v58, v1  }
0x18a: {  	v2 =	vmax.f32 v2, $0.0e+00  }
0x18b: {  	v1 =	vmax.f32 v1, $0.0e+00;
	[tilespmem:s28+$0x5220] =	vst v2  }
0x18c: {  	[tilespmem:s28+$0x5230] =	vst v1  }
0x18d: {  	v1 =	vld [tilespmem:s29+$0x0]  }
0x18e: {  	v2 =	vld [tilespmem:s29+$0x10];
	_ =	sdelay $0x4  }
0x18f: {  	v1 =	vperm.xlane.i2c.b16 v1;
	v2 =	vperm.xlane.i2c.b16 v2  }
0x190: {  	v3 =	vld [tilespmem:s28+$0x3440]  }
0x191: {  	v59 =	vld [tilespmem:s28+$0x3450];
	v1 =	vcombine.low v1, v2;
	_ =	sdelay $0x1  }
0x192: {  	v2 =	vunpack.c.l.bf16.f32 v1  }
0x193: {  	v1 =	vunpack.c.u.bf16.f32 v1  }
0x194: {  	v2 =	vadd.f32 v3, v2  }
0x195: {  	v1 =	vadd.f32 v59, v1  }
0x196: {  	v2 =	vmax.f32 v2, $0.0e+00  }
0x197: {  	v1 =	vmax.f32 v1, $0.0e+00;
	[tilespmem:s28+$0x5240] =	vst v2  }
0x198: {  	[tilespmem:s28+$0x5250] =	vst v1  }
0x199: {  	v1 =	vld [tilespmem:s29+$0x20]  }
0x19a: {  	v2 =	vld [tilespmem:s29+$0x30];
	_ =	sdelay $0x4  }
0x19b: {  	v1 =	vperm.xlane.i2c.b16 v1;
	v2 =	vperm.xlane.i2c.b16 v2  }
0x19c: {  	v3 =	vld [tilespmem:s28+$0x3460]  }
0x19d: {  	v60 =	vld [tilespmem:s28+$0x3470];
	v1 =	vcombine.low v1, v2;
	_ =	sdelay $0x1  }
0x19e: {  	v2 =	vunpack.c.l.bf16.f32 v1  }
0x19f: {  	v1 =	vunpack.c.u.bf16.f32 v1  }
0x1a0: {  	v2 =	vadd.f32 v3, v2  }
0x1a1: {  	v1 =	vadd.f32 v60, v1  }
0x1a2: {  	v2 =	vmax.f32 v2, $0.0e+00  }
0x1a3: {  	v1 =	vmax.f32 v1, $0.0e+00;
	[tilespmem:s28+$0x5260] =	vst v2  }
0x1a4: {  	[tilespmem:s28+$0x5270] =	vst v1  }
0x1a5: {  	v1 =	vld [tilespmem:s29+$0xFFFFFFC0]  }
0x1a6: {  	v2 =	vld [tilespmem:s29+$0xFFFFFFD0];
	_ =	sdelay $0x4  }
0x1a7: {  	v1 =	vperm.xlane.i2c.b16 v1;
	v2 =	vperm.xlane.i2c.b16 v2  }
0x1a8: {  	v3 =	vld [tilespmem:s28+$0x3480]  }
0x1a9: {  	v61 =	vld [tilespmem:s28+$0x3490];
	v1 =	vcombine.high v1, v2;
	_ =	sdelay $0x1  }
0x1aa: {  	v2 =	vunpack.c.l.bf16.f32 v1  }
0x1ab: {  	v1 =	vunpack.c.u.bf16.f32 v1  }
0x1ac: {  	v2 =	vadd.f32 v3, v2  }
0x1ad: {  	v1 =	vadd.f32 v61, v1  }
0x1ae: {  	v2 =	vmax.f32 v2, $0.0e+00  }
0x1af: {  	v1 =	vmax.f32 v1, $0.0e+00;
	[tilespmem:s28+$0x5280] =	vst v2  }
0x1b0: {  	[tilespmem:s28+$0x5290] =	vst v1  }
0x1b1: {  	v1 =	vld [tilespmem:s29+$0xFFFFFFE0]  }
0x1b2: {  	v2 =	vld [tilespmem:s29+$0xFFFFFFF0];
	_ =	sdelay $0x4  }
0x1b3: {  	v2 =	vperm.xlane.i2c.b16 v2;
	v1 =	vperm.xlane.i2c.b16 v1  }
0x1b4: {  	v3 =	vld [tilespmem:s28+$0x34A0]  }
0x1b5: {  	v62 =	vld [tilespmem:s28+$0x34B0];
	v1 =	vcombine.high v1, v2;
	_ =	sdelay $0x1  }
0x1b6: {  	v2 =	vunpack.c.l.bf16.f32 v1  }
0x1b7: {  	v1 =	vunpack.c.u.bf16.f32 v1  }
0x1b8: {  	v2 =	vadd.f32 v3, v2  }
0x1b9: {  	v1 =	vadd.f32 v62, v1  }
0x1ba: {  	v2 =	vmax.f32 v2, $0.0e+00  }
0x1bb: {  	v1 =	vmax.f32 v1, $0.0e+00;
	[tilespmem:s28+$0x52A0] =	vst v2  }
0x1bc: {  	[tilespmem:s28+$0x52B0] =	vst v1  }
0x1bd: {  	v1 =	vld [tilespmem:s29+$0x0]  }
0x1be: {  	v2 =	vld [tilespmem:s29+$0x10];
	_ =	sdelay $0x4  }
0x1bf: {  	v2 =	vperm.xlane.i2c.b16 v2;
	v1 =	vperm.xlane.i2c.b16 v1  }
0x1c0: {  	v3 =	vld [tilespmem:s28+$0x34C0]  }
0x1c1: {  	v63 =	vld [tilespmem:s28+$0x34D0];
	v1 =	vcombine.high v1, v2;
	_ =	sdelay $0x1  }
0x1c2: {  	v2 =	vunpack.c.l.bf16.f32 v1  }
0x1c3: {  	v1 =	vunpack.c.u.bf16.f32 v1  }
0x1c4: {  	v2 =	vadd.f32 v3, v2  }
0x1c5: {  	v1 =	vadd.f32 v63, v1  }
0x1c6: {  	v2 =	vmax.f32 v2, $0.0e+00  }
0x1c7: {  	s31 =	simm.s32 $0x4840;
	s30 =	simm.s32 $0x400;
	v1 =	vmax.f32 v1, $0.0e+00;
	[tilespmem:s28+$0x52C0] =	vst v2  }
.LBB2_7:
0x1c8: {  	p1 =	sne.s32 s30, $0x4C00  }
0x1c9: {  	[tilespmem:s28+$0x52D0] =	vst v1;
	s29 =	sadd.s32 $0x80, s29;
	s0 =	smov.u32 s30;
	s30 =	sadd.s32 $0x400, s30  }
0x1ca: {  	v1 =	vld [tilespmem:s31+$0x20]  }
0x1cb: {  	v2 =	vld [tilespmem:s31+$0x30];
	s31 =	smov.u32 s29;
	_ =	sdelay $0x4  }
0x1cc: {  	v1 =	vperm.xlane.i2c.b16 v1;
	v2 =	vperm.xlane.i2c.b16 v2;
	v3 =	vld [tilespmem:s28+$0x34F0]  }
0x1cd: {  	v4 =	vld [tilespmem:s28+$0x34E0]  }
0x1ce: {  	v1 =	vcombine.high v1, v2;
	_ =	sdelay $0x1  }
0x1cf: {  	v2 =	vunpack.c.u.bf16.f32 v1;
	v1 =	vunpack.c.l.bf16.f32 v1;
	_ =	sdelay $0x1  }
0x1d0: {  	v1 =	vadd.f32 v4, v1;
	v2 =	vadd.f32 v3, v2;
	_ =	sdelay $0x1  }
0x1d1: {  	v1 =	vmax.f32 v1, $0.0e+00;
	v2 =	vmax.f32 v2, $0.0e+00  }
0x1d2: {  	[tilespmem:s28+$0x52E0] =	vst v1  }
0x1d3: {  	[tilespmem:s28+$0x52F0] =	vst v2  }
0x1d4: {  	v1 =	vld [tilespmem:s29+$0xFFFFFFD0]  }
0x1d5: {  	v2 =	vld [tilespmem:s29+$0xFFFFFFC0];
	_ =	sdelay $0x2  }
0x1d6: {  	s28 =	sshra.s32 s0, $0x2  }
0x1d7: {  	v3 =	vld [tilespmem:s28+$0x3400]  }
0x1d8: {  	v1 =	vperm.xlane.i2c.b16 v1;
	v2 =	vperm.xlane.i2c.b16 v2;
	v4 =	vld [tilespmem:s28+$0x3410];
	_ =	sdelay $0x1  }
0x1d9: {  	v1 =	vcombine.low v2, v1;
	_ =	sdelay $0x1  }
0x1da: {  	v2 =	vunpack.c.u.bf16.f32 v1;
	v1 =	vunpack.c.l.bf16.f32 v1;
	_ =	sdelay $0x1  }
0x1db: {  	v1 =	vadd.f32 v3, v1;
	v2 =	vadd.f32 v4, v2;
	_ =	sdelay $0x1  }
0x1dc: {  	v1 =	vmax.f32 v1, $0.0e+00;
	v2 =	vmax.f32 v2, $0.0e+00  }
0x1dd: {  	[tilespmem:s28+$0x5200] =	vst v1  }
0x1de: {  	[tilespmem:s28+$0x5210] =	vst v2  }
0x1df: {  	v1 =	vld [tilespmem:s29+$0xFFFFFFE0]  }
0x1e0: {  	v2 =	vld [tilespmem:s29+$0xFFFFFFF0];
	_ =	sdelay $0x4  }
0x1e1: {  	v1 =	vperm.xlane.i2c.b16 v1;
	v2 =	vperm.xlane.i2c.b16 v2;
	v3 =	vld [tilespmem:s28+$0x3430]  }
0x1e2: {  	v4 =	vld [tilespmem:s28+$0x3420]  }
0x1e3: {  	v1 =	vcombine.low v1, v2;
	_ =	sdelay $0x1  }
0x1e4: {  	v2 =	vunpack.c.u.bf16.f32 v1;
	v1 =	vunpack.c.l.bf16.f32 v1;
	_ =	sdelay $0x1  }
0x1e5: {  	v1 =	vadd.f32 v4, v1;
	v2 =	vadd.f32 v3, v2;
	_ =	sdelay $0x1  }
0x1e6: {  	v1 =	vmax.f32 v1, $0.0e+00;
	v2 =	vmax.f32 v2, $0.0e+00  }
0x1e7: {  	[tilespmem:s28+$0x5220] =	vst v1  }
0x1e8: {  	[tilespmem:s28+$0x5230] =	vst v2  }
0x1e9: {  	v1 =	vld [tilespmem:s29+$0x0]  }
0x1ea: {  	v2 =	vld [tilespmem:s29+$0x10];
	_ =	sdelay $0x3  }
0x1eb: {  	v1 =	vperm.xlane.i2c.b16 v1  }
0x1ec: {  	v2 =	vperm.xlane.i2c.b16 v2;
	v3 =	vld [tilespmem:s28+$0x3450]  }
0x1ed: {  	v4 =	vld [tilespmem:s28+$0x3440]  }
0x1ee: {  	v1 =	vcombine.low v1, v2;
	_ =	sdelay $0x1  }
0x1ef: {  	v2 =	vunpack.c.u.bf16.f32 v1;
	v1 =	vunpack.c.l.bf16.f32 v1;
	_ =	sdelay $0x1  }
0x1f0: {  	v1 =	vadd.f32 v4, v1;
	v2 =	vadd.f32 v3, v2;
	_ =	sdelay $0x1  }
0x1f1: {  	v1 =	vmax.f32 v1, $0.0e+00;
	v2 =	vmax.f32 v2, $0.0e+00  }
0x1f2: {  	[tilespmem:s28+$0x5240] =	vst v1  }
0x1f3: {  	[tilespmem:s28+$0x5250] =	vst v2  }
0x1f4: {  	v1 =	vld [tilespmem:s29+$0x20]  }
0x1f5: {  	v2 =	vld [tilespmem:s29+$0x30];
	_ =	sdelay $0x3  }
0x1f6: {  	v1 =	vperm.xlane.i2c.b16 v1  }
0x1f7: {  	v2 =	vperm.xlane.i2c.b16 v2;
	v3 =	vld [tilespmem:s28+$0x3470]  }
0x1f8: {  	v4 =	vld [tilespmem:s28+$0x3460]  }
0x1f9: {  	v1 =	vcombine.low v1, v2;
	_ =	sdelay $0x1  }
0x1fa: {  	v2 =	vunpack.c.u.bf16.f32 v1;
	v1 =	vunpack.c.l.bf16.f32 v1;
	_ =	sdelay $0x1  }
0x1fb: {  	v1 =	vadd.f32 v4, v1;
	v2 =	vadd.f32 v3, v2;
	_ =	sdelay $0x1  }
0x1fc: {  	v1 =	vmax.f32 v1, $0.0e+00;
	v2 =	vmax.f32 v2, $0.0e+00  }
0x1fd: {  	[tilespmem:s28+$0x5260] =	vst v1  }
0x1fe: {  	[tilespmem:s28+$0x5270] =	vst v2  }
0x1ff: {  	v1 =	vld [tilespmem:s29+$0xFFFFFFC0]  }
0x200: {  	v2 =	vld [tilespmem:s29+$0xFFFFFFD0];
	_ =	sdelay $0x3  }
0x201: {  	v1 =	vperm.xlane.i2c.b16 v1  }
0x202: {  	v2 =	vperm.xlane.i2c.b16 v2;
	v3 =	vld [tilespmem:s28+$0x3490]  }
0x203: {  	v4 =	vld [tilespmem:s28+$0x3480]  }
0x204: {  	v1 =	vcombine.high v1, v2;
	_ =	sdelay $0x1  }
0x205: {  	v2 =	vunpack.c.u.bf16.f32 v1;
	v1 =	vunpack.c.l.bf16.f32 v1;
	_ =	sdelay $0x1  }
0x206: {  	v1 =	vadd.f32 v4, v1;
	v2 =	vadd.f32 v3, v2;
	_ =	sdelay $0x1  }
0x207: {  	v1 =	vmax.f32 v1, $0.0e+00;
	v2 =	vmax.f32 v2, $0.0e+00  }
0x208: {  	[tilespmem:s28+$0x5280] =	vst v1  }
0x209: {  	[tilespmem:s28+$0x5290] =	vst v2  }
0x20a: {  	v1 =	vld [tilespmem:s29+$0xFFFFFFE0]  }
0x20b: {  	v2 =	vld [tilespmem:s29+$0xFFFFFFF0];
	_ =	sdelay $0x4  }
0x20c: {  	v1 =	vperm.xlane.i2c.b16 v1;
	v2 =	vperm.xlane.i2c.b16 v2;
	v3 =	vld [tilespmem:s28+$0x34B0]  }
0x20d: {  	v4 =	vld [tilespmem:s28+$0x34A0]  }
0x20e: {  	v1 =	vcombine.high v1, v2;
	_ =	sdelay $0x1  }
0x20f: {  	v2 =	vunpack.c.u.bf16.f32 v1;
	v1 =	vunpack.c.l.bf16.f32 v1;
	_ =	sdelay $0x1  }
0x210: {  	v1 =	vadd.f32 v4, v1;
	v2 =	vadd.f32 v3, v2;
	_ =	sdelay $0x1  }
0x211: {  	v1 =	vmax.f32 v1, $0.0e+00;
	v2 =	vmax.f32 v2, $0.0e+00  }
0x212: {  	[tilespmem:s28+$0x52A0] =	vst v1  }
0x213: {  	[tilespmem:s28+$0x52B0] =	vst v2  }
0x214: {  	v1 =	vld [tilespmem:s29+$0x0]  }
0x215: {  	v2 =	vld [tilespmem:s29+$0x10];
	_ =	sdelay $0x4  }
0x216: {  	v1 =	vperm.xlane.i2c.b16 v1;
	v2 =	vperm.xlane.i2c.b16 v2;
	v3 =	vld [tilespmem:s28+$0x34D0]  }
0x217: {  	v4 =	vld [tilespmem:s28+$0x34C0]  }
0x218: {  	v1 =	vcombine.high v1, v2;
	_ =	sdelay $0x1  }
0x219: {  	v2 =	vunpack.c.u.bf16.f32 v1;
	v1 =	vunpack.c.l.bf16.f32 v1  }
.Ltmp4:
0x21a: {  	(pc) =	sbr.rel @p1 .LBB2_7-.Ltmp4, $3  }
0x21b: {  	v1 =	vadd.f32 v4, v1;
	v2 =	vadd.f32 v3, v2;
	_ =	sdelay $0x1  }
0x21c: {  	v3 =	vmax.f32 v1, $0.0e+00;
	v1 =	vmax.f32 v2, $0.0e+00  }
0x21d: {  	[tilespmem:s28+$0x52C0] =	vst v3  }
0x21e: {  	[tilespmem:s28+$0x52D0] =	vst v1  }
0x21f: {  	v1 =	vld [tilespmem:s31+$0x20]  }
0x220: {  	v2 =	vld [tilespmem:s31+$0x30];
	_ =	sdelay $0x4  }
0x221: {  	v2 =	vperm.xlane.i2c.b16 v2;
	v1 =	vperm.xlane.i2c.b16 v1  }
0x222: {  	v3 =	vld [tilespmem:s28+$0x34E0]  }
0x223: {  	v4 =	vld [tilespmem:s28+$0x34F0];
	v1 =	vcombine.high v1, v2;
	_ =	sdelay $0x1  }
0x224: {  	v2 =	vunpack.c.l.bf16.f32 v1  }
0x225: {  	v1 =	vunpack.c.u.bf16.f32 v1  }
0x226: {  	v2 =	vadd.f32 v3, v2  }
0x227: {  	v1 =	vadd.f32 v4, v1  }
0x228: {  	v2 =	vmax.f32 v2, $0.0e+00  }
0x229: {  	v1 =	vmax.f32 v1, $0.0e+00;
	[tilespmem:s28+$0x52E0] =	vst v2  }
.Ltmp5:
0x22a: {  	[tilespmem:s28+$0x52F0] =	vst v1;
	(pc) =	sbr.rel @p0 .LBB2_10-.Ltmp5, $4  }
0x22b: {  	[spmem:s1] =	stream.indirect.scatter.add.f32 [tilespmem:s23], [sflag:$0x7], $0x80, s15, s13, $0xb8;
	[tilespmem:$0x1A600] =	vst v63  }
0x22c: {  	_ =	swait.ge [sflag:s11], $0x1400  }
0x22d: {  	[sflag:s11] =	ssyncset.done $0x0  }
0x22e: {  	[sflag:s11] =	ssyncadd.s32 $0xFFFFEC00  }
0x22f: {  	s0 =	sshll.u32 s26, $0x8  }
0x230: {  	s0 =	sadd.s32 $0x180, s0  }
0x231: {  	s28 =	sand.u32 $0xFC00, s0  }
0x232: {  	s0 =	sand.u32 $0x380, s0;
	s28 =	sadd.s32 s17, s28  }
0x233: {  	s0 =	sor.u32 s0, s28  }
.Ltmp6:
0x234: {  	s0 =	sshrl.u32 s0, $0x3;
	(pc) =	sbr.rel .LBB2_4-.Ltmp6, $4  }
0x235: {  	s31 =	sadd.s32 s6, s0  }
0x236: {  	[tilespmem:s14], [sflag:$0x6] =	stream.linear.gather [hbm4b:s31+s3], $0x80, $0x38;
	[tilespmem:$0x1A600] =	vst v63  }
0x237: {  	s26 =	sadd.s32 $0x1, s26;
	s0 =	sadd.s32 s7, s0  }
0x238: {  	[tilespmem:s15], [sflag:$0x6] =	stream.linear.gather [hbm4b:s0+s3], $0x80, $0x38;
	[tilespmem:$0x1A600] =	vst v63  }
.LBB2_11:
0x239: {  	_ =	sfence.sel $0x180000  }
0x23a: {  	[bflag:$0x0] =	sbarrier.arrive $0xFFFF  }
0x23b: {  	_ =	strace $0x9000004A  }
0x23c: {  	s0 =	stileid.u32;
	[bflag:$0x2] =	sbarrier.arrive $0xFFFF  }
0x23d: {  	p0 =	sne.s32 s0, $0x0;
	s0 =	rddreg [dreg:$0x2]  }
0x23e: {  	s0 =	sadd.s32 @!p0 $0x100000, s0  }
0x23f: {  	[sflag:s0] =	ssyncadd.tile.s32 @!p0 $0x1;
	_ =	shalt  }
.Lfunc_end2:
_tile_overlayer_lowered:
.L_overlay_start_2:
0x240: {  	(tag) =	ssettag $0x2  }
0x241: {  	s0 =	rddreg [dreg:$0x0];
	s2 =	stileid.u32  }
0x242: {  	s1 =	rddreg [dreg:$0x1];
	p0 =	sne.s32 s2, $0x0  }
0x243: {  	s3 =	rddreg [dreg:$0x2];
	[bflag:$0x3] =	sbarrier.arrive $0xFFFF;
	s2 =	simm.s32 @!p0 $0x1C07  }
0x244: {  	[timem:s3], [sflag:s2] =	dma.local @!p0 [hbm:s0], s1  }
0x245: {  	s0 =	simm.s32 @!p0 $0x7  }
0x246: {  	_ =	swait.ge @!p0 [sflag:s0], s1  }
0x247: {  	s1 =	ssub.s32 @!p0 $0x0, s1;
	[sflag:s0] =	ssyncset.done @!p0 $0x0  }
0x248: {  	[sflag:s0] =	ssyncadd.s32 @!p0 s1  }
0x249: {  	[bflag:$0x3] =	sbarrier.arrive $0xFFFF  }
0x24a: {  	_ =	shalt  }

</sc_bundles>
